<compile_context>
chip_gen: v7x
topology: tpu7x:2x2x1
jax: 0.10.2.dev20260603
libtpu: 0.0.44.dev20260713+nightly
codegen_flags: <defaults>
</compile_context>

<pallas_src>
import functools

import jax
import jax.numpy as jnp
from jax import lax
from jax.experimental import pallas as pl
from jax.experimental.pallas import tpu as pltpu
from jax.experimental.pallas import tpu_sc as plsc

NC = 2
NS = 16
NW = NC * NS
L = 16
CH = 128
MAXC = 8

_SC_PARAMS = pltpu.CompilerParams(use_tc_tiling_on_sc=False,
                                  needs_layout_passes=False)


def _wid():
  return lax.axis_index("s") * NC + lax.axis_index("c")


def _mesh():
  return plsc.VectorSubcoreMesh(core_axis_name="c", subcore_axis_name="s")


def _make_scan(N, B):
  rng = N // NW
  rngp = ((rng + L - 1) // L) * L
  wcap = ((rngp + 2 * CH + L - 1) // L) * L
  UNR = 8
  nvec_scan = B // (L * UNR)
  nvec_cmp = rngp // L

  @functools.partial(
      pl.kernel,
      out_type=(
          jax.ShapeDtypeStruct((NW, wcap), jnp.int32),
          jax.ShapeDtypeStruct((NW, wcap), jnp.int32),
      ),
      mesh=_mesh(),
      compiler_params=_SC_PARAMS,
      scratch_types=[
          pltpu.VMEM((B,), jnp.int32),
          pltpu.VMEM((rngp,), jnp.int32),
          pltpu.VMEM((wcap,), jnp.int32),
          pltpu.VMEM((wcap,), jnp.int32),
      ],
  )
  def scan_k(idx_hbm, winb_hbm, wini_hbm, idx_v, wloc, win_b, win_i):
    w = _wid()
    lo = w * rng
    iota = lax.broadcasted_iota(jnp.int32, (L,), 0)
    neg1 = jnp.full((L,), -1, jnp.int32)

    pltpu.sync_copy(idx_hbm, idx_v)

    def init_body(t, _):
      wloc[pl.ds(t * L, L)] = neg1
      return 0
    lax.fori_loop(0, nvec_cmp, init_body, 0)

    def init2_body(t, _):
      win_b[pl.ds(t * L, L)] = neg1
      return 0
    lax.fori_loop(0, wcap // L, init2_body, 0)

    def scan_body(t, _):
      a = [idx_v[pl.ds((t * UNR + u) * L, L)] for u in range(UNR)]
      rel = [x - lo for x in a]
      m = [(r >= 0) & (r < rng) for r in rel]
      relc = [jnp.clip(r, 0, rng - 1) for r in rel]
      b = [(t * UNR + u) * L + iota for u in range(UNR)]
      for u in range(UNR):
        plsc.store_scatter(wloc, [relc[u]], b[u], mask=m[u])
      cur = [plsc.load_gather(wloc, [relc[u]], mask=m[u]) for u in range(UNR)]
      for u in range(UNR):
        plsc.store_scatter(wloc, [relc[u]], b[u],
                           mask=m[u] & (b[u] > cur[u]))
      cur = [plsc.load_gather(wloc, [relc[u]], mask=m[u]) for u in range(UNR)]
      for u in range(UNR):
        plsc.store_scatter(wloc, [relc[u]], b[u],
                           mask=m[u] & (b[u] > cur[u]))
      return 0
    lax.fori_loop(0, nvec_scan, scan_body, 0)

    def cmp_body(t, n):
      wv = wloc[pl.ds(t * L, L)]
      m = wv >= 0
      iv = lo + t * L + iota
      plsc.store_compressed(win_b.at[pl.ds(n, L)], wv, mask=m)
      plsc.store_compressed(win_i.at[pl.ds(n, L)], iv, mask=m)
      return n + jnp.sum(m.astype(jnp.int32))
    n = lax.fori_loop(0, nvec_cmp, cmp_body, jnp.int32(0))

    zeros = jnp.zeros((L,), jnp.int32)
    pad_b = plsc.load_gather(win_b, [zeros])
    pad_i = plsc.load_gather(win_i, [zeros])
    for k in range(CH // L):
      win_b[pl.ds(n + k * L, L)] = pad_b
      win_i[pl.ds(n + k * L, L)] = pad_i
    npad = ((n + CH - 1) // CH) * CH
    for k in range(CH // L):
      win_b[pl.ds(npad + k * L, L)] = neg1

    pltpu.sync_copy(win_b, winb_hbm.at[w])
    pltpu.sync_copy(win_i, wini_hbm.at[w])

  return scan_k, wcap


def _make_gather(N, D, B):
  bpw = B // NW
  gch = bpw // CH

  @functools.partial(
      pl.kernel,
      out_type=jax.ShapeDtypeStruct((B, D), jnp.float32),
      mesh=_mesh(),
      compiler_params=_SC_PARAMS,
      scratch_types=[
          pltpu.VMEM((B,), jnp.int32),
          pltpu.VMEM((gch, CH), jnp.int32),
          pltpu.VMEM((bpw, D), jnp.float32),
          pltpu.SemaphoreType.DMA,
      ],
  )
  def gather_k(bank_hbm, idx_hbm, h_hbm, idx_v, idxg, rows_v, sem):
    w = _wid()
    pltpu.sync_copy(idx_hbm, idx_v)
    for j in range(gch):
      for k in range(CH // L):
        idxg[j, pl.ds(k * L, L)] = idx_v[pl.ds((w * gch + j) * CH + k * L, L)]
    cps = [
        pltpu.async_copy(bank_hbm.at[idxg.at[j]],
                         rows_v.at[pl.ds(j * CH, CH)], sem)
        for j in range(gch)
    ]
    for cp in cps:
      cp.wait()
    pltpu.sync_copy(rows_v, h_hbm.at[pl.ds(w * bpw, bpw)])

  return gather_k


def _gru_body(val_ref, h_ref, wi_ref, wh_ref, bi_ref, bh_ref, newh_ref):
  x = val_ref[...]
  h = h_ref[...]
  dn = (((1,), (1,)), ((), ()))
  gi = lax.dot_general(x, wi_ref[...], dn,
                       preferred_element_type=jnp.float32) + bi_ref[...]
  gh = lax.dot_general(h, wh_ref[...], dn,
                       preferred_element_type=jnp.float32) + bh_ref[...]
  Dd = x.shape[1]
  i_r, i_z, i_n = gi[:, :Dd], gi[:, Dd:2 * Dd], gi[:, 2 * Dd:]
  h_r, h_z, h_n = gh[:, :Dd], gh[:, Dd:2 * Dd], gh[:, 2 * Dd:]
  r = jax.nn.sigmoid(i_r + h_r)
  z = jax.nn.sigmoid(i_z + h_z)
  n = jnp.tanh(i_n + r * h_n)
  newh_ref[...] = (1.0 - z) * n + z * h


def _make_gru(N, D, B):
  G = 4
  bb = B // G
  return pl.pallas_call(
      _gru_body,
      grid=(G,),
      in_specs=[
          pl.BlockSpec((bb, D), lambda i: (i, 0)),
          pl.BlockSpec((bb, D), lambda i: (i, 0)),
          pl.BlockSpec((3 * D, D), lambda i: (0, 0)),
          pl.BlockSpec((3 * D, D), lambda i: (0, 0)),
          pl.BlockSpec((1, 3 * D), lambda i: (0, 0)),
          pl.BlockSpec((1, 3 * D), lambda i: (0, 0)),
      ],
      out_specs=pl.BlockSpec((bb, D), lambda i: (i, 0)),
      out_shape=jax.ShapeDtypeStruct((B, D), jnp.float32),
  )


def _make_scatter(N, D, B, wcap):
  @functools.partial(
      pl.kernel,
      out_type=(),
      mesh=_mesh(),
      compiler_params=_SC_PARAMS,
      scratch_types=[
          pltpu.VMEM((wcap,), jnp.int32),
          pltpu.VMEM((wcap,), jnp.int32),
          pltpu.VMEM((2 * MAXC, CH), jnp.int32),
          pltpu.VMEM((MAXC * CH, D), jnp.float32),
          pltpu.SemaphoreType.DMA,
          pltpu.SemaphoreType.DMA,
      ],
  )
  def scatter_k(winb_hbm, wini_hbm, newh_hbm, out_hbm, win_b, win_i,
                idx2, rows_v, gsem, ssem):
    w = _wid()
    pltpu.sync_copy(winb_hbm.at[w], win_b)
    pltpu.sync_copy(wini_hbm.at[w], win_i)

    def cnt_body(t, acc):
      return acc + (win_b[pl.ds(t * L, L)] >= 0).astype(jnp.int32)
    acc = lax.fori_loop(0, wcap // L, cnt_body,
                        jnp.zeros((L,), jnp.int32))
    npad = jnp.sum(acc)
    nch = npad // CH

    def sc_body(s, _):
      base_c = s * MAXC
      for j in range(MAXC):
        c = base_c + j

        @pl.when(c < nch)
        def _(j=j, c=c):
          for k in range(CH // L):
            idx2[2 * j, pl.ds(k * L, L)] = win_b[pl.ds(c * CH + k * L, L)]
            idx2[2 * j + 1, pl.ds(k * L, L)] = win_i[pl.ds(c * CH + k * L, L)]
          pltpu.async_copy(newh_hbm.at[idx2.at[2 * j]],
                           rows_v.at[pl.ds(j * CH, CH)], gsem)
      for j in range(MAXC):
        c = base_c + j

        @pl.when(c < nch)
        def _(j=j):
          pltpu.make_async_copy(newh_hbm.at[idx2.at[2 * j]],
                                rows_v.at[pl.ds(j * CH, CH)], gsem).wait()
      for j in range(MAXC):
        c = base_c + j

        @pl.when(c < nch)
        def _(j=j):
          pltpu.async_copy(rows_v.at[pl.ds(j * CH, CH)],
                           out_hbm.at[idx2.at[2 * j + 1]], ssem)
      for j in range(MAXC):
        c = base_c + j

        @pl.when(c < nch)
        def _(j=j):
          pltpu.make_async_copy(rows_v.at[pl.ds(j * CH, CH)],
                                out_hbm.at[idx2.at[2 * j + 1]], ssem).wait()
      return 0
    lax.fori_loop(0, (nch + MAXC - 1) // MAXC, sc_body, 0)

  return scatter_k


def kernel(mem, idx, val, W_ih, W_hh, b_ih, b_hh):
  N, D = mem.shape
  B = idx.shape[0]
  idx = idx.astype(jnp.int32)

  scan_k, wcap = _make_scan(N, B)
  win_b, win_i = scan_k(idx)
  out_ref = jax.new_ref(mem.reshape(-1).reshape(N, D))
  h = _make_gather(N, D, B)(out_ref, idx)
  new_h = _make_gru(N, D, B)(val, h, W_ih, W_hh,
                             b_ih.reshape(1, -1), b_hh.reshape(1, -1))
  _make_scatter(N, D, B, wcap)(win_b, win_i, new_h, out_ref)
  return out_ref[...]

# --- scband reference (transcript-rebuilt; emitter-appended) ---
"""Pipeline reference for scband-pop-group-82635170775549 (READ-ONLY COPY).

The authoritative reference and input builder live on the scoring server;
editing this copy changes nothing except your own understanding.
"""

import jax, jax.numpy as jnp
import numpy as np

N = 100000
D = 64
B = 16384

def setup_inputs(seed: int = 0) -> dict:
    key = jax.random.key(seed)
    k1, k2, k3, k4, k5, k6, k7 = jax.random.split(key, 7)
    mem = jax.random.normal(k1, (N, D), dtype=jnp.float32)
    val = jax.random.normal(k2, (B, D), dtype=jnp.float32)
    idx = jax.random.randint(k3, (B,), 0, N)
    s = 1.0 / np.sqrt(D)
    W_ih = jax.random.uniform(k4, (3 * D, D), minval=-s, maxval=s, dtype=jnp.float32)
    W_hh = jax.random.uniform(k5, (3 * D, D), minval=-s, maxval=s, dtype=jnp.float32)
    b_ih = jax.random.uniform(k6, (3 * D,), minval=-s, maxval=s, dtype=jnp.float32)
    b_hh = jax.random.uniform(k7, (3 * D,), minval=-s, maxval=s, dtype=jnp.float32)
    return {"mem": mem, "idx": idx, "val": val, "W_ih": W_ih, "W_hh": W_hh, "b_ih": b_ih, "b_hh": b_hh}

def reference(mem, idx, val, W_ih, W_hh, b_ih, b_hh):
    # Gather current memories for the batch of node ids (MemoryBank.get_memories)
    h = jnp.take(mem, idx, axis=0)
    # GRU-cell memory update (GRUMemoryUpdater.memory_updater(messages, memories))
    gi = val @ W_ih.T + b_ih
    gh = h @ W_hh.T + b_hh
    i_r, i_z, i_n = jnp.split(gi, 3, axis=1)
    h_r, h_z, h_n = jnp.split(gh, 3, axis=1)
    r = jax.nn.sigmoid(i_r + h_r)
    z = jax.nn.sigmoid(i_z + h_z)
    n = jnp.tanh(i_n + r * h_n)
    new_h = (1.0 - z) * n + z * h
    # Scatter-overwrite updated memories back into the bank (MemoryBank.set_memories)
    updated_mem = mem.at[idx].set(new_h)
    return updated_mem

if __name__ == "__main__":
    import jax
    _d = setup_inputs()
    print(jax.jit(kernel)(*tuple(_d.values())))

</pallas_src>

<mosaic_0001>
#map = affine_map<(d0, d1) -> (0)>
#map1 = affine_map<(d0, d1) -> (0, 0)>
module attributes {stable_mosaic.version = 14 : i64} {
  func.func @scan_k(%arg0: i32, %arg1: i32, %arg2: memref<16384xi32, #tpu.memory_space<hbm>>, %arg3: memref<32x3392xi32, #tpu.memory_space<hbm>>, %arg4: memref<32x3392xi32, #tpu.memory_space<hbm>>, %arg5: memref<16384xi32, #tpu.memory_space<vmem>>, %arg6: memref<3136xi32, #tpu.memory_space<vmem>>, %arg7: memref<3392xi32, #tpu.memory_space<vmem>>, %arg8: memref<3392xi32, #tpu.memory_space<vmem>>) attributes {dimension_semantics = [#tpu.dimension_semantics<core_parallel>, #tpu.dimension_semantics<subcore_parallel>], iteration_bounds = array<i64: 2, 16>, scalar_prefetch = 0 : i64, scratch_operands = 4 : i64, tpu.core_type = #tpu.core_type<sc_vector_subcore>, window_params = [{transform_indices = #map}, {transform_indices = #map1}, {transform_indices = #map1}]} {
    %mul3A = arith.constant 2 : i32
    %mul3A_0 = arith.muli %arg1, %mul3A : i32
    %add3A = arith.addi %mul3A_0, %arg0 : i32
    %mul3A_1 = arith.constant 3125 : i32
    %mul3A_2 = arith.muli %add3A, %mul3A_1 : i32
    %iota3A = tpu.iota {dimensions = array<i32: 0>} : vector<16xi32>
    %broadcast_in_dim3A = arith.constant -1 : i32
    %broadcast_in_dim3A_3 = vector.broadcast %broadcast_in_dim3A : i32 to vector<16xi32>
    "tpu.region"() ({
      %run_scoped3A = tpu.sem_alloc : memref<!tpu.dma_semaphore, #tpu.memory_space<semaphore_mem>>
      tpu.enqueue_dma source(%arg2 : memref<16384xi32, #tpu.memory_space<hbm>>) target(%arg5 : memref<16384xi32, #tpu.memory_space<vmem>>) target_semaphore(%run_scoped3A : memref<!tpu.dma_semaphore, #tpu.memory_space<semaphore_mem>>)
      tpu.wait_dma2 semaphore(%run_scoped3A : memref<!tpu.dma_semaphore, #tpu.memory_space<semaphore_mem>>) src(%arg2 : memref<16384xi32, #tpu.memory_space<hbm>>) dst(%arg5 : memref<16384xi32, #tpu.memory_space<vmem>>)
      tpu.yield
    }) : () -> ()
    %scan3A = arith.constant 0 : i32
    %scan3A_4 = arith.constant 0 : i32
    %scan3A_5 = arith.constant 196 : i32
    %scan3A_6 = arith.addi %scan3A_4, %scan3A_5 : i32
    %scan3A_7 = arith.constant 1 : i32
    %scan3A_8 = scf.for %scan3A_151 = %scan3A_4 to %scan3A_6 step %scan3A_7 iter_args(%scan3A_152 = %scan3A) -> (i32)  : i32 {
      %mul3A_153 = arith.constant 16 : i32
      %mul3A_154 = arith.muli %scan3A_151, %mul3A_153 : i32
      %swap3A_155 = arith.index_cast %mul3A_154 : i32 to index
      %swap3A_156 = tpu.vector_load %arg6[%swap3A_155] {strides = array<i32>} : memref<3136xi32, #tpu.memory_space<vmem>>, vector<16xi32>,
      tpu.vector_store %arg6[%swap3A_155], %broadcast_in_dim3A_3 {strides = array<i32>} : memref<3136xi32, #tpu.memory_space<vmem>>, vector<16xi32>,
      %scan3A_157 = arith.constant 0 : i32
      scf.yield %scan3A_157 : i32
    }
    %scan3A_9 = arith.constant 196 : i32
    %scan3A_10 = arith.constant 0 : i32
    %scan3A_11 = arith.constant 0 : i32
    %scan3A_12 = arith.constant 212 : i32
    %scan3A_13 = arith.addi %scan3A_11, %scan3A_12 : i32
    %scan3A_14 = arith.constant 1 : i32
    %scan3A_15 = scf.for %scan3A_151 = %scan3A_11 to %scan3A_13 step %scan3A_14 iter_args(%scan3A_152 = %scan3A_10) -> (i32)  : i32 {
      %mul3A_153 = arith.constant 16 : i32
      %mul3A_154 = arith.muli %scan3A_151, %mul3A_153 : i32
      %swap3A_155 = arith.index_cast %mul3A_154 : i32 to index
      %swap3A_156 = tpu.vector_load %arg7[%swap3A_155] {strides = array<i32>} : memref<3392xi32, #tpu.memory_space<vmem>>, vector<16xi32>,
      tpu.vector_store %arg7[%swap3A_155], %broadcast_in_dim3A_3 {strides = array<i32>} : memref<3392xi32, #tpu.memory_space<vmem>>, vector<16xi32>,
      %scan3A_157 = arith.constant 0 : i32
      scf.yield %scan3A_157 : i32
    }
    %scan3A_16 = arith.constant 212 : i32
    %scan3A_17 = arith.constant 0 : i32
    %scan3A_18 = arith.constant 0 : i32
    %scan3A_19 = arith.constant 128 : i32
    %scan3A_20 = arith.addi %scan3A_18, %scan3A_19 : i32
    %scan3A_21 = arith.constant 1 : i32
    %scan3A_22 = scf.for %scan3A_151 = %scan3A_18 to %scan3A_20 step %scan3A_21 iter_args(%scan3A_152 = %scan3A_17) -> (i32)  : i32 {
      %mul3A_153 = arith.constant 8 : i32
      %mul3A_154 = arith.muli %scan3A_151, %mul3A_153 : i32
      %add3A_155 = arith.constant 0 : i32
      %add3A_156 = arith.addi %mul3A_154, %add3A_155 : i32
      %mul3A_157 = arith.constant 16 : i32
      %mul3A_158 = arith.muli %add3A_156, %mul3A_157 : i32
      %get3A = arith.index_cast %mul3A_158 : i32 to index
      %get3A_159 = tpu.vector_load %arg5[%get3A] {strides = array<i32>} : memref<16384xi32, #tpu.memory_space<vmem>>, vector<16xi32>,
      %mul3A_160 = arith.constant 8 : i32
      %mul3A_161 = arith.muli %scan3A_151, %mul3A_160 : i32
      %add3A_162 = arith.constant 1 : i32
      %add3A_163 = arith.addi %mul3A_161, %add3A_162 : i32
      %mul3A_164 = arith.constant 16 : i32
      %mul3A_165 = arith.muli %add3A_163, %mul3A_164 : i32
      %get3A_166 = arith.index_cast %mul3A_165 : i32 to index
      %get3A_167 = tpu.vector_load %arg5[%get3A_166] {strides = array<i32>} : memref<16384xi32, #tpu.memory_space<vmem>>, vector<16xi32>,
      %mul3A_168 = arith.constant 8 : i32
      %mul3A_169 = arith.muli %scan3A_151, %mul3A_168 : i32
      %add3A_170 = arith.constant 2 : i32
      %add3A_171 = arith.addi %mul3A_169, %add3A_170 : i32
      %mul3A_172 = arith.constant 16 : i32
      %mul3A_173 = arith.muli %add3A_171, %mul3A_172 : i32
      %get3A_174 = arith.index_cast %mul3A_173 : i32 to index
      %get3A_175 = tpu.vector_load %arg5[%get3A_174] {strides = array<i32>} : memref<16384xi32, #tpu.memory_space<vmem>>, vector<16xi32>,
      %mul3A_176 = arith.constant 8 : i32
      %mul3A_177 = arith.muli %scan3A_151, %mul3A_176 : i32
      %add3A_178 = arith.constant 3 : i32
      %add3A_179 = arith.addi %mul3A_177, %add3A_178 : i32
      %mul3A_180 = arith.constant 16 : i32
      %mul3A_181 = arith.muli %add3A_179, %mul3A_180 : i32
      %get3A_182 = arith.index_cast %mul3A_181 : i32 to index
      %get3A_183 = tpu.vector_load %arg5[%get3A_182] {strides = array<i32>} : memref<16384xi32, #tpu.memory_space<vmem>>, vector<16xi32>,
      %mul3A_184 = arith.constant 8 : i32
      %mul3A_185 = arith.muli %scan3A_151, %mul3A_184 : i32
      %add3A_186 = arith.constant 4 : i32
      %add3A_187 = arith.addi %mul3A_185, %add3A_186 : i32
      %mul3A_188 = arith.constant 16 : i32
      %mul3A_189 = arith.muli %add3A_187, %mul3A_188 : i32
      %get3A_190 = arith.index_cast %mul3A_189 : i32 to index
      %get3A_191 = tpu.vector_load %arg5[%get3A_190] {strides = array<i32>} : memref<16384xi32, #tpu.memory_space<vmem>>, vector<16xi32>,
      %mul3A_192 = arith.constant 8 : i32
      %mul3A_193 = arith.muli %scan3A_151, %mul3A_192 : i32
      %add3A_194 = arith.constant 5 : i32
      %add3A_195 = arith.addi %mul3A_193, %add3A_194 : i32
      %mul3A_196 = arith.constant 16 : i32
      %mul3A_197 = arith.muli %add3A_195, %mul3A_196 : i32
      %get3A_198 = arith.index_cast %mul3A_197 : i32 to index
      %get3A_199 = tpu.vector_load %arg5[%get3A_198] {strides = array<i32>} : memref<16384xi32, #tpu.memory_space<vmem>>, vector<16xi32>,
      %mul3A_200 = arith.constant 8 : i32
      %mul3A_201 = arith.muli %scan3A_151, %mul3A_200 : i32
      %add3A_202 = arith.constant 6 : i32
      %add3A_203 = arith.addi %mul3A_201, %add3A_202 : i32
      %mul3A_204 = arith.constant 16 : i32
      %mul3A_205 = arith.muli %add3A_203, %mul3A_204 : i32
      %get3A_206 = arith.index_cast %mul3A_205 : i32 to index
      %get3A_207 = tpu.vector_load %arg5[%get3A_206] {strides = array<i32>} : memref<16384xi32, #tpu.memory_space<vmem>>, vector<16xi32>,
      %mul3A_208 = arith.constant 8 : i32
      %mul3A_209 = arith.muli %scan3A_151, %mul3A_208 : i32
      %add3A_210 = arith.constant 7 : i32
      %add3A_211 = arith.addi %mul3A_209, %add3A_210 : i32
      %mul3A_212 = arith.constant 16 : i32
      %mul3A_213 = arith.muli %add3A_211, %mul3A_212 : i32
      %get3A_214 = arith.index_cast %mul3A_213 : i32 to index
      %get3A_215 = tpu.vector_load %arg5[%get3A_214] {strides = array<i32>} : memref<16384xi32, #tpu.memory_space<vmem>>, vector<16xi32>,
      %sub3A_216 = vector.broadcast %mul3A_2 : i32 to vector<16xi32>
      %sub3A_217 = arith.subi %get3A_159, %sub3A_216 : vector<16xi32>
      %sub3A_218 = vector.broadcast %mul3A_2 : i32 to vector<16xi32>
      %sub3A_219 = arith.subi %get3A_167, %sub3A_218 : vector<16xi32>
      %sub3A_220 = vector.broadcast %mul3A_2 : i32 to vector<16xi32>
      %sub3A_221 = arith.subi %get3A_175, %sub3A_220 : vector<16xi32>
      %sub3A_222 = vector.broadcast %mul3A_2 : i32 to vector<16xi32>
      %sub3A_223 = arith.subi %get3A_183, %sub3A_222 : vector<16xi32>
      %sub3A_224 = vector.broadcast %mul3A_2 : i32 to vector<16xi32>
      %sub3A_225 = arith.subi %get3A_191, %sub3A_224 : vector<16xi32>
      %sub3A_226 = vector.broadcast %mul3A_2 : i32 to vector<16xi32>
      %sub3A_227 = arith.subi %get3A_199, %sub3A_226 : vector<16xi32>
      %sub3A_228 = vector.broadcast %mul3A_2 : i32 to vector<16xi32>
      %sub3A_229 = arith.subi %get3A_207, %sub3A_228 : vector<16xi32>
      %sub3A_230 = vector.broadcast %mul3A_2 : i32 to vector<16xi32>
      %sub3A_231 = arith.subi %get3A_215, %sub3A_230 : vector<16xi32>
      %ge3A = arith.constant 0 : i32
      %ge3A_232 = vector.broadcast %ge3A : i32 to vector<16xi32>
      %ge3A_233 = arith.cmpi sge, %sub3A_217, %ge3A_232 : vector<16xi32>
      %lt3A = arith.constant 3125 : i32
      %lt3A_234 = vector.broadcast %lt3A : i32 to vector<16xi32>
      %lt3A_235 = arith.cmpi slt, %sub3A_217, %lt3A_234 : vector<16xi32>
      %and3A_236 = arith.andi %ge3A_233, %lt3A_235 : vector<16xi1>
      %ge3A_237 = arith.constant 0 : i32
      %ge3A_238 = vector.broadcast %ge3A_237 : i32 to vector<16xi32>
      %ge3A_239 = arith.cmpi sge, %sub3A_219, %ge3A_238 : vector<16xi32>
      %lt3A_240 = arith.constant 3125 : i32
      %lt3A_241 = vector.broadcast %lt3A_240 : i32 to vector<16xi32>
      %lt3A_242 = arith.cmpi slt, %sub3A_219, %lt3A_241 : vector<16xi32>
      %and3A_243 = arith.andi %ge3A_239, %lt3A_242 : vector<16xi1>
      %ge3A_244 = arith.constant 0 : i32
      %ge3A_245 = vector.broadcast %ge3A_244 : i32 to vector<16xi32>
      %ge3A_246 = arith.cmpi sge, %sub3A_221, %ge3A_245 : vector<16xi32>
      %lt3A_247 = arith.constant 3125 : i32
      %lt3A_248 = vector.broadcast %lt3A_247 : i32 to vector<16xi32>
      %lt3A_249 = arith.cmpi slt, %sub3A_221, %lt3A_248 : vector<16xi32>
      %and3A_250 = arith.andi %ge3A_246, %lt3A_249 : vector<16xi1>
      %ge3A_251 = arith.constant 0 : i32
      %ge3A_252 = vector.broadcast %ge3A_251 : i32 to vector<16xi32>
      %ge3A_253 = arith.cmpi sge, %sub3A_223, %ge3A_252 : vector<16xi32>
      %lt3A_254 = arith.constant 3125 : i32
      %lt3A_255 = vector.broadcast %lt3A_254 : i32 to vector<16xi32>
      %lt3A_256 = arith.cmpi slt, %sub3A_223, %lt3A_255 : vector<16xi32>
      %and3A_257 = arith.andi %ge3A_253, %lt3A_256 : vector<16xi1>
      %ge3A_258 = arith.constant 0 : i32
      %ge3A_259 = vector.broadcast %ge3A_258 : i32 to vector<16xi32>
      %ge3A_260 = arith.cmpi sge, %sub3A_225, %ge3A_259 : vector<16xi32>
      %lt3A_261 = arith.constant 3125 : i32
      %lt3A_262 = vector.broadcast %lt3A_261 : i32 to vector<16xi32>
      %lt3A_263 = arith.cmpi slt, %sub3A_225, %lt3A_262 : vector<16xi32>
      %and3A_264 = arith.andi %ge3A_260, %lt3A_263 : vector<16xi1>
      %ge3A_265 = arith.constant 0 : i32
      %ge3A_266 = vector.broadcast %ge3A_265 : i32 to vector<16xi32>
      %ge3A_267 = arith.cmpi sge, %sub3A_227, %ge3A_266 : vector<16xi32>
      %lt3A_268 = arith.constant 3125 : i32
      %lt3A_269 = vector.broadcast %lt3A_268 : i32 to vector<16xi32>
      %lt3A_270 = arith.cmpi slt, %sub3A_227, %lt3A_269 : vector<16xi32>
      %and3A_271 = arith.andi %ge3A_267, %lt3A_270 : vector<16xi1>
      %ge3A_272 = arith.constant 0 : i32
      %ge3A_273 = vector.broadcast %ge3A_272 : i32 to vector<16xi32>
      %ge3A_274 = arith.cmpi sge, %sub3A_229, %ge3A_273 : vector<16xi32>
      %lt3A_275 = arith.constant 3125 : i32
      %lt3A_276 = vector.broadcast %lt3A_275 : i32 to vector<16xi32>
      %lt3A_277 = arith.cmpi slt, %sub3A_229, %lt3A_276 : vector<16xi32>
      %and3A_278 = arith.andi %ge3A_274, %lt3A_277 : vector<16xi1>
      %ge3A_279 = arith.constant 0 : i32
      %ge3A_280 = vector.broadcast %ge3A_279 : i32 to vector<16xi32>
      %ge3A_281 = arith.cmpi sge, %sub3A_231, %ge3A_280 : vector<16xi32>
      %lt3A_282 = arith.constant 3125 : i32
      %lt3A_283 = vector.broadcast %lt3A_282 : i32 to vector<16xi32>
      %lt3A_284 = arith.cmpi slt, %sub3A_231, %lt3A_283 : vector<16xi32>
      %and3A_285 = arith.andi %ge3A_281, %lt3A_284 : vector<16xi1>
      %jit3A_286 = arith.constant 0 : i32
      %jit3A_287 = arith.constant 3124 : i32
      %max3A = vector.broadcast %jit3A_286 : i32 to vector<16xi32>
      %max3A_288 = arith.maxsi %max3A, %sub3A_217 : vector<16xi32>
      %min3A = vector.broadcast %jit3A_287 : i32 to vector<16xi32>
      %min3A_289 = arith.minsi %min3A, %max3A_288 : vector<16xi32>
      %jit3A_290 = arith.constant 0 : i32
      %jit3A_291 = arith.constant 3124 : i32
      %max3A_292 = vector.broadcast %jit3A_290 : i32 to vector<16xi32>
      %max3A_293 = arith.maxsi %max3A_292, %sub3A_219 : vector<16xi32>
      %min3A_294 = vector.broadcast %jit3A_291 : i32 to vector<16xi32>
      %min3A_295 = arith.minsi %min3A_294, %max3A_293 : vector<16xi32>
      %jit3A_296 = arith.constant 0 : i32
      %jit3A_297 = arith.constant 3124 : i32
      %max3A_298 = vector.broadcast %jit3A_296 : i32 to vector<16xi32>
      %max3A_299 = arith.maxsi %max3A_298, %sub3A_221 : vector<16xi32>
      %min3A_300 = vector.broadcast %jit3A_297 : i32 to vector<16xi32>
      %min3A_301 = arith.minsi %min3A_300, %max3A_299 : vector<16xi32>
      %jit3A_302 = arith.constant 0 : i32
      %jit3A_303 = arith.constant 3124 : i32
      %max3A_304 = vector.broadcast %jit3A_302 : i32 to vector<16xi32>
      %max3A_305 = arith.maxsi %max3A_304, %sub3A_223 : vector<16xi32>
      %min3A_306 = vector.broadcast %jit3A_303 : i32 to vector<16xi32>
      %min3A_307 = arith.minsi %min3A_306, %max3A_305 : vector<16xi32>
      %jit3A_308 = arith.constant 0 : i32
      %jit3A_309 = arith.constant 3124 : i32
      %max3A_310 = vector.broadcast %jit3A_308 : i32 to vector<16xi32>
      %max3A_311 = arith.maxsi %max3A_310, %sub3A_225 : vector<16xi32>
      %min3A_312 = vector.broadcast %jit3A_309 : i32 to vector<16xi32>
      %min3A_313 = arith.minsi %min3A_312, %max3A_311 : vector<16xi32>
      %jit3A_314 = arith.constant 0 : i32
      %jit3A_315 = arith.constant 3124 : i32
      %max3A_316 = vector.broadcast %jit3A_314 : i32 to vector<16xi32>
      %max3A_317 = arith.maxsi %max3A_316, %sub3A_227 : vector<16xi32>
      %min3A_318 = vector.broadcast %jit3A_315 : i32 to vector<16xi32>
      %min3A_319 = arith.minsi %min3A_318, %max3A_317 : vector<16xi32>
      %jit3A_320 = arith.constant 0 : i32
      %jit3A_321 = arith.constant 3124 : i32
      %max3A_322 = vector.broadcast %jit3A_320 : i32 to vector<16xi32>
      %max3A_323 = arith.maxsi %max3A_322, %sub3A_229 : vector<16xi32>
      %min3A_324 = vector.broadcast %jit3A_321 : i32 to vector<16xi32>
      %min3A_325 = arith.minsi %min3A_324, %max3A_323 : vector<16xi32>
      %jit3A_326 = arith.constant 0 : i32
      %jit3A_327 = arith.constant 3124 : i32
      %max3A_328 = vector.broadcast %jit3A_326 : i32 to vector<16xi32>
      %max3A_329 = arith.maxsi %max3A_328, %sub3A_231 : vector<16xi32>
      %min3A_330 = vector.broadcast %jit3A_327 : i32 to vector<16xi32>
      %min3A_331 = arith.minsi %min3A_330, %max3A_329 : vector<16xi32>
      %mul3A_332 = arith.constant 8 : i32
      %mul3A_333 = arith.muli %scan3A_151, %mul3A_332 : i32
      %add3A_334 = arith.constant 0 : i32
      %add3A_335 = arith.addi %mul3A_333, %add3A_334 : i32
      %mul3A_336 = arith.constant 16 : i32
      %mul3A_337 = arith.muli %add3A_335, %mul3A_336 : i32
      %add3A_338 = vector.broadcast %mul3A_337 : i32 to vector<16xi32>
      %add3A_339 = arith.addi %add3A_338, %iota3A : vector<16xi32>
      %mul3A_340 = arith.constant 8 : i32
      %mul3A_341 = arith.muli %scan3A_151, %mul3A_340 : i32
      %add3A_342 = arith.constant 1 : i32
      %add3A_343 = arith.addi %mul3A_341, %add3A_342 : i32
      %mul3A_344 = arith.constant 16 : i32
      %mul3A_345 = arith.muli %add3A_343, %mul3A_344 : i32
      %add3A_346 = vector.broadcast %mul3A_345 : i32 to vector<16xi32>
      %add3A_347 = arith.addi %add3A_346, %iota3A : vector<16xi32>
      %mul3A_348 = arith.constant 8 : i32
      %mul3A_349 = arith.muli %scan3A_151, %mul3A_348 : i32
      %add3A_350 = arith.constant 2 : i32
      %add3A_351 = arith.addi %mul3A_349, %add3A_350 : i32
      %mul3A_352 = arith.constant 16 : i32
      %mul3A_353 = arith.muli %add3A_351, %mul3A_352 : i32
      %add3A_354 = vector.broadcast %mul3A_353 : i32 to vector<16xi32>
      %add3A_355 = arith.addi %add3A_354, %iota3A : vector<16xi32>
      %mul3A_356 = arith.constant 8 : i32
      %mul3A_357 = arith.muli %scan3A_151, %mul3A_356 : i32
      %add3A_358 = arith.constant 3 : i32
      %add3A_359 = arith.addi %mul3A_357, %add3A_358 : i32
      %mul3A_360 = arith.constant 16 : i32
      %mul3A_361 = arith.muli %add3A_359, %mul3A_360 : i32
      %add3A_362 = vector.broadcast %mul3A_361 : i32 to vector<16xi32>
      %add3A_363 = arith.addi %add3A_362, %iota3A : vector<16xi32>
      %mul3A_364 = arith.constant 8 : i32
      %mul3A_365 = arith.muli %scan3A_151, %mul3A_364 : i32
      %add3A_366 = arith.constant 4 : i32
      %add3A_367 = arith.addi %mul3A_365, %add3A_366 : i32
      %mul3A_368 = arith.constant 16 : i32
      %mul3A_369 = arith.muli %add3A_367, %mul3A_368 : i32
      %add3A_370 = vector.broadcast %mul3A_369 : i32 to vector<16xi32>
      %add3A_371 = arith.addi %add3A_370, %iota3A : vector<16xi32>
      %mul3A_372 = arith.constant 8 : i32
      %mul3A_373 = arith.muli %scan3A_151, %mul3A_372 : i32
      %add3A_374 = arith.constant 5 : i32
      %add3A_375 = arith.addi %mul3A_373, %add3A_374 : i32
      %mul3A_376 = arith.constant 16 : i32
      %mul3A_377 = arith.muli %add3A_375, %mul3A_376 : i32
      %add3A_378 = vector.broadcast %mul3A_377 : i32 to vector<16xi32>
      %add3A_379 = arith.addi %add3A_378, %iota3A : vector<16xi32>
      %mul3A_380 = arith.constant 8 : i32
      %mul3A_381 = arith.muli %scan3A_151, %mul3A_380 : i32
      %add3A_382 = arith.constant 6 : i32
      %add3A_383 = arith.addi %mul3A_381, %add3A_382 : i32
      %mul3A_384 = arith.constant 16 : i32
      %mul3A_385 = arith.muli %add3A_383, %mul3A_384 : i32
      %add3A_386 = vector.broadcast %mul3A_385 : i32 to vector<16xi32>
      %add3A_387 = arith.addi %add3A_386, %iota3A : vector<16xi32>
      %mul3A_388 = arith.constant 8 : i32
      %mul3A_389 = arith.muli %scan3A_151, %mul3A_388 : i32
      %add3A_390 = arith.constant 7 : i32
      %add3A_391 = arith.addi %mul3A_389, %add3A_390 : i32
      %mul3A_392 = arith.constant 16 : i32
      %mul3A_393 = arith.muli %add3A_391, %mul3A_392 : i32
      %add3A_394 = vector.broadcast %mul3A_393 : i32 to vector<16xi32>
      %add3A_395 = arith.addi %add3A_394, %iota3A : vector<16xi32>
      tpu.vector_store_idx %arg6[%min3A_289], %add3A_339 masked %and3A_236 : memref<3136xi32, #tpu.memory_space<vmem>>[vector<16xi32>], vector<16xi32>, vector<16xi1>
      tpu.vector_store_idx %arg6[%min3A_295], %add3A_347 masked %and3A_243 : memref<3136xi32, #tpu.memory_space<vmem>>[vector<16xi32>], vector<16xi32>, vector<16xi1>
      tpu.vector_store_idx %arg6[%min3A_301], %add3A_355 masked %and3A_250 : memref<3136xi32, #tpu.memory_space<vmem>>[vector<16xi32>], vector<16xi32>, vector<16xi1>
      tpu.vector_store_idx %arg6[%min3A_307], %add3A_363 masked %and3A_257 : memref<3136xi32, #tpu.memory_space<vmem>>[vector<16xi32>], vector<16xi32>, vector<16xi1>
      tpu.vector_store_idx %arg6[%min3A_313], %add3A_371 masked %and3A_264 : memref<3136xi32, #tpu.memory_space<vmem>>[vector<16xi32>], vector<16xi32>, vector<16xi1>
      tpu.vector_store_idx %arg6[%min3A_319], %add3A_379 masked %and3A_271 : memref<3136xi32, #tpu.memory_space<vmem>>[vector<16xi32>], vector<16xi32>, vector<16xi1>
      tpu.vector_store_idx %arg6[%min3A_325], %add3A_387 masked %and3A_278 : memref<3136xi32, #tpu.memory_space<vmem>>[vector<16xi32>], vector<16xi32>, vector<16xi1>
      tpu.vector_store_idx %arg6[%min3A_331], %add3A_395 masked %and3A_285 : memref<3136xi32, #tpu.memory_space<vmem>>[vector<16xi32>], vector<16xi32>, vector<16xi1>
      %gather3A_396 = tpu.vector_load_idx %arg6[%min3A_289] masked %and3A_236 : memref<3136xi32, #tpu.memory_space<vmem>>[vector<16xi32>], vector<16xi32>, vector<16xi1>
      %gather3A_397 = tpu.vector_load_idx %arg6[%min3A_295] masked %and3A_243 : memref<3136xi32, #tpu.memory_space<vmem>>[vector<16xi32>], vector<16xi32>, vector<16xi1>
      %gather3A_398 = tpu.vector_load_idx %arg6[%min3A_301] masked %and3A_250 : memref<3136xi32, #tpu.memory_space<vmem>>[vector<16xi32>], vector<16xi32>, vector<16xi1>
      %gather3A_399 = tpu.vector_load_idx %arg6[%min3A_307] masked %and3A_257 : memref<3136xi32, #tpu.memory_space<vmem>>[vector<16xi32>], vector<16xi32>, vector<16xi1>
      %gather3A_400 = tpu.vector_load_idx %arg6[%min3A_313] masked %and3A_264 : memref<3136xi32, #tpu.memory_space<vmem>>[vector<16xi32>], vector<16xi32>, vector<16xi1>
      %gather3A_401 = tpu.vector_load_idx %arg6[%min3A_319] masked %and3A_271 : memref<3136xi32, #tpu.memory_space<vmem>>[vector<16xi32>], vector<16xi32>, vector<16xi1>
      %gather3A_402 = tpu.vector_load_idx %arg6[%min3A_325] masked %and3A_278 : memref<3136xi32, #tpu.memory_space<vmem>>[vector<16xi32>], vector<16xi32>, vector<16xi1>
      %gather3A_403 = tpu.vector_load_idx %arg6[%min3A_331] masked %and3A_285 : memref<3136xi32, #tpu.memory_space<vmem>>[vector<16xi32>], vector<16xi32>, vector<16xi1>
      %gt3A = arith.cmpi sgt, %add3A_339, %gather3A_396 : vector<16xi32>
      %and3A_404 = arith.andi %and3A_236, %gt3A : vector<16xi1>
      tpu.vector_store_idx %arg6[%min3A_289], %add3A_339 masked %and3A_404 : memref<3136xi32, #tpu.memory_space<vmem>>[vector<16xi32>], vector<16xi32>, vector<16xi1>
      %gt3A_405 = arith.cmpi sgt, %add3A_347, %gather3A_397 : vector<16xi32>
      %and3A_406 = arith.andi %and3A_243, %gt3A_405 : vector<16xi1>
      tpu.vector_store_idx %arg6[%min3A_295], %add3A_347 masked %and3A_406 : memref<3136xi32, #tpu.memory_space<vmem>>[vector<16xi32>], vector<16xi32>, vector<16xi1>
      %gt3A_407 = arith.cmpi sgt, %add3A_355, %gather3A_398 : vector<16xi32>
      %and3A_408 = arith.andi %and3A_250, %gt3A_407 : vector<16xi1>
      tpu.vector_store_idx %arg6[%min3A_301], %add3A_355 masked %and3A_408 : memref<3136xi32, #tpu.memory_space<vmem>>[vector<16xi32>], vector<16xi32>, vector<16xi1>
      %gt3A_409 = arith.cmpi sgt, %add3A_363, %gather3A_399 : vector<16xi32>
      %and3A_410 = arith.andi %and3A_257, %gt3A_409 : vector<16xi1>
      tpu.vector_store_idx %arg6[%min3A_307], %add3A_363 masked %and3A_410 : memref<3136xi32, #tpu.memory_space<vmem>>[vector<16xi32>], vector<16xi32>, vector<16xi1>
      %gt3A_411 = arith.cmpi sgt, %add3A_371, %gather3A_400 : vector<16xi32>
      %and3A_412 = arith.andi %and3A_264, %gt3A_411 : vector<16xi1>
      tpu.vector_store_idx %arg6[%min3A_313], %add3A_371 masked %and3A_412 : memref<3136xi32, #tpu.memory_space<vmem>>[vector<16xi32>], vector<16xi32>, vector<16xi1>
      %gt3A_413 = arith.cmpi sgt, %add3A_379, %gather3A_401 : vector<16xi32>
      %and3A_414 = arith.andi %and3A_271, %gt3A_413 : vector<16xi1>
      tpu.vector_store_idx %arg6[%min3A_319], %add3A_379 masked %and3A_414 : memref<3136xi32, #tpu.memory_space<vmem>>[vector<16xi32>], vector<16xi32>, vector<16xi1>
      %gt3A_415 = arith.cmpi sgt, %add3A_387, %gather3A_402 : vector<16xi32>
      %and3A_416 = arith.andi %and3A_278, %gt3A_415 : vector<16xi1>
      tpu.vector_store_idx %arg6[%min3A_325], %add3A_387 masked %and3A_416 : memref<3136xi32, #tpu.memory_space<vmem>>[vector<16xi32>], vector<16xi32>, vector<16xi1>
      %gt3A_417 = arith.cmpi sgt, %add3A_395, %gather3A_403 : vector<16xi32>
      %and3A_418 = arith.andi %and3A_285, %gt3A_417 : vector<16xi1>
      tpu.vector_store_idx %arg6[%min3A_331], %add3A_395 masked %and3A_418 : memref<3136xi32, #tpu.memory_space<vmem>>[vector<16xi32>], vector<16xi32>, vector<16xi1>
      %gather3A_419 = tpu.vector_load_idx %arg6[%min3A_289] masked %and3A_236 : memref<3136xi32, #tpu.memory_space<vmem>>[vector<16xi32>], vector<16xi32>, vector<16xi1>
      %gather3A_420 = tpu.vector_load_idx %arg6[%min3A_295] masked %and3A_243 : memref<3136xi32, #tpu.memory_space<vmem>>[vector<16xi32>], vector<16xi32>, vector<16xi1>
      %gather3A_421 = tpu.vector_load_idx %arg6[%min3A_301] masked %and3A_250 : memref<3136xi32, #tpu.memory_space<vmem>>[vector<16xi32>], vector<16xi32>, vector<16xi1>
      %gather3A_422 = tpu.vector_load_idx %arg6[%min3A_307] masked %and3A_257 : memref<3136xi32, #tpu.memory_space<vmem>>[vector<16xi32>], vector<16xi32>, vector<16xi1>
      %gather3A_423 = tpu.vector_load_idx %arg6[%min3A_313] masked %and3A_264 : memref<3136xi32, #tpu.memory_space<vmem>>[vector<16xi32>], vector<16xi32>, vector<16xi1>
      %gather3A_424 = tpu.vector_load_idx %arg6[%min3A_319] masked %and3A_271 : memref<3136xi32, #tpu.memory_space<vmem>>[vector<16xi32>], vector<16xi32>, vector<16xi1>
      %gather3A_425 = tpu.vector_load_idx %arg6[%min3A_325] masked %and3A_278 : memref<3136xi32, #tpu.memory_space<vmem>>[vector<16xi32>], vector<16xi32>, vector<16xi1>
      %gather3A_426 = tpu.vector_load_idx %arg6[%min3A_331] masked %and3A_285 : memref<3136xi32, #tpu.memory_space<vmem>>[vector<16xi32>], vector<16xi32>, vector<16xi1>
      %gt3A_427 = arith.cmpi sgt, %add3A_339, %gather3A_419 : vector<16xi32>
      %and3A_428 = arith.andi %and3A_236, %gt3A_427 : vector<16xi1>
      tpu.vector_store_idx %arg6[%min3A_289], %add3A_339 masked %and3A_428 : memref<3136xi32, #tpu.memory_space<vmem>>[vector<16xi32>], vector<16xi32>, vector<16xi1>
      %gt3A_429 = arith.cmpi sgt, %add3A_347, %gather3A_420 : vector<16xi32>
      %and3A_430 = arith.andi %and3A_243, %gt3A_429 : vector<16xi1>
      tpu.vector_store_idx %arg6[%min3A_295], %add3A_347 masked %and3A_430 : memref<3136xi32, #tpu.memory_space<vmem>>[vector<16xi32>], vector<16xi32>, vector<16xi1>
      %gt3A_431 = arith.cmpi sgt, %add3A_355, %gather3A_421 : vector<16xi32>
      %and3A_432 = arith.andi %and3A_250, %gt3A_431 : vector<16xi1>
      tpu.vector_store_idx %arg6[%min3A_301], %add3A_355 masked %and3A_432 : memref<3136xi32, #tpu.memory_space<vmem>>[vector<16xi32>], vector<16xi32>, vector<16xi1>
      %gt3A_433 = arith.cmpi sgt, %add3A_363, %gather3A_422 : vector<16xi32>
      %and3A_434 = arith.andi %and3A_257, %gt3A_433 : vector<16xi1>
      tpu.vector_store_idx %arg6[%min3A_307], %add3A_363 masked %and3A_434 : memref<3136xi32, #tpu.memory_space<vmem>>[vector<16xi32>], vector<16xi32>, vector<16xi1>
      %gt3A_435 = arith.cmpi sgt, %add3A_371, %gather3A_423 : vector<16xi32>
      %and3A_436 = arith.andi %and3A_264, %gt3A_435 : vector<16xi1>
      tpu.vector_store_idx %arg6[%min3A_313], %add3A_371 masked %and3A_436 : memref<3136xi32, #tpu.memory_space<vmem>>[vector<16xi32>], vector<16xi32>, vector<16xi1>
      %gt3A_437 = arith.cmpi sgt, %add3A_379, %gather3A_424 : vector<16xi32>
      %and3A_438 = arith.andi %and3A_271, %gt3A_437 : vector<16xi1>
      tpu.vector_store_idx %arg6[%min3A_319], %add3A_379 masked %and3A_438 : memref<3136xi32, #tpu.memory_space<vmem>>[vector<16xi32>], vector<16xi32>, vector<16xi1>
      %gt3A_439 = arith.cmpi sgt, %add3A_387, %gather3A_425 : vector<16xi32>
      %and3A_440 = arith.andi %and3A_278, %gt3A_439 : vector<16xi1>
      tpu.vector_store_idx %arg6[%min3A_325], %add3A_387 masked %and3A_440 : memref<3136xi32, #tpu.memory_space<vmem>>[vector<16xi32>], vector<16xi32>, vector<16xi1>
      %gt3A_441 = arith.cmpi sgt, %add3A_395, %gather3A_426 : vector<16xi32>
      %and3A_442 = arith.andi %and3A_285, %gt3A_441 : vector<16xi1>
      tpu.vector_store_idx %arg6[%min3A_331], %add3A_395 masked %and3A_442 : memref<3136xi32, #tpu.memory_space<vmem>>[vector<16xi32>], vector<16xi32>, vector<16xi1>
      %scan3A_443 = arith.constant 0 : i32
      scf.yield %scan3A_443 : i32
    }
    %scan3A_23 = arith.constant 128 : i32
    %scan3A_24 = arith.constant 0 : i32
    %scan3A_25 = arith.constant 0 : i32
    %scan3A_26 = arith.constant 196 : i32
    %scan3A_27 = arith.addi %scan3A_25, %scan3A_26 : i32
    %scan3A_28 = arith.constant 1 : i32
    %scan3A_29 = scf.for %scan3A_151 = %scan3A_25 to %scan3A_27 step %scan3A_28 iter_args(%scan3A_152 = %scan3A_24) -> (i32)  : i32 {
      %mul3A_153 = arith.constant 16 : i32
      %mul3A_154 = arith.muli %scan3A_151, %mul3A_153 : i32
      %get3A = arith.index_cast %mul3A_154 : i32 to index
      %get3A_155 = tpu.vector_load %arg6[%get3A] {strides = array<i32>} : memref<3136xi32, #tpu.memory_space<vmem>>, vector<16xi32>,
      %ge3A = arith.constant 0 : i32
      %ge3A_156 = vector.broadcast %ge3A : i32 to vector<16xi32>
      %ge3A_157 = arith.cmpi sge, %get3A_155, %ge3A_156 : vector<16xi32>
      %mul3A_158 = arith.constant 16 : i32
      %mul3A_159 = arith.muli %scan3A_151, %mul3A_158 : i32
      %add3A_160 = arith.addi %mul3A_2, %mul3A_159 : i32
      %add3A_161 = vector.broadcast %add3A_160 : i32 to vector<16xi32>
      %add3A_162 = arith.addi %add3A_161, %iota3A : vector<16xi32>
      %swap3A_163 = arith.index_cast %scan3A_152 : i32 to index
      %swap3A_164 = tpu.vector_load %arg7[%swap3A_163] masked %ge3A_157 {strides = array<i32>} : memref<3392xi32, #tpu.memory_space<vmem>>, vector<16xi32>, vector<16xi1>
      tpu.vector_store %arg7[%swap3A_163], %get3A_155 masked %ge3A_157 {strides = array<i32>} : memref<3392xi32, #tpu.memory_space<vmem>>, vector<16xi32>, vector<16xi1>
      %swap3A_165 = arith.index_cast %scan3A_152 : i32 to index
      %swap3A_166 = tpu.vector_load %arg8[%swap3A_165] masked %ge3A_157 {strides = array<i32>} : memref<3392xi32, #tpu.memory_space<vmem>>, vector<16xi32>, vector<16xi1>
      tpu.vector_store %arg8[%swap3A_165], %add3A_162 masked %ge3A_157 {strides = array<i32>} : memref<3392xi32, #tpu.memory_space<vmem>>, vector<16xi32>, vector<16xi1>
      %convert_element_type3A = arith.extui %ge3A_157 : vector<16xi1> to vector<16xi32>
      %reduce_sum3A = arith.constant true
      %reduce_sum3A_167 = vector.broadcast %reduce_sum3A : i1 to vector<16xi1>
      %reduce_sum3A_168 = tpu.scan <sum>, %convert_element_type3A masked %reduce_sum3A_167 : vector<16xi32>, vector<16xi1> -> vector<16xi32>
      %reduce_sum3A_169 = vector.extract %reduce_sum3A_168[15] : i32 from vector<16xi32>
      %add3A_170 = arith.addi %scan3A_152, %reduce_sum3A_169 : i32
      scf.yield %add3A_170 : i32
    }
    %scan3A_30 = arith.constant 196 : i32
    %broadcast_in_dim3A_31 = arith.constant 0 : i32
    %broadcast_in_dim3A_32 = vector.broadcast %broadcast_in_dim3A_31 : i32 to vector<16xi32>
    %gather3A = tpu.vector_load_idx %arg7[%broadcast_in_dim3A_32] : memref<3392xi32, #tpu.memory_space<vmem>>[vector<16xi32>], vector<16xi32>,
    %gather3A_33 = tpu.vector_load_idx %arg8[%broadcast_in_dim3A_32] : memref<3392xi32, #tpu.memory_space<vmem>>[vector<16xi32>], vector<16xi32>,
    %add3A_34 = arith.constant 0 : i32
    %add3A_35 = arith.addi %scan3A_29, %add3A_34 : i32
    %swap3A = arith.index_cast %add3A_35 : i32 to index
    %swap3A_36 = tpu.vector_load %arg7[%swap3A] {strides = array<i32>} : memref<3392xi32, #tpu.memory_space<vmem>>, vector<16xi32>,
    tpu.vector_store %arg7[%swap3A], %gather3A {strides = array<i32>} : memref<3392xi32, #tpu.memory_space<vmem>>, vector<16xi32>,
    %add3A_37 = arith.constant 0 : i32
    %add3A_38 = arith.addi %scan3A_29, %add3A_37 : i32
    %swap3A_39 = arith.index_cast %add3A_38 : i32 to index
    %swap3A_40 = tpu.vector_load %arg8[%swap3A_39] {strides = array<i32>} : memref<3392xi32, #tpu.memory_space<vmem>>, vector<16xi32>,
    tpu.vector_store %arg8[%swap3A_39], %gather3A_33 {strides = array<i32>} : memref<3392xi32, #tpu.memory_space<vmem>>, vector<16xi32>,
    %add3A_41 = arith.constant 16 : i32
    %add3A_42 = arith.addi %scan3A_29, %add3A_41 : i32
    %swap3A_43 = arith.index_cast %add3A_42 : i32 to index
    %swap3A_44 = tpu.vector_load %arg7[%swap3A_43] {strides = array<i32>} : memref<3392xi32, #tpu.memory_space<vmem>>, vector<16xi32>,
    tpu.vector_store %arg7[%swap3A_43], %gather3A {strides = array<i32>} : memref<3392xi32, #tpu.memory_space<vmem>>, vector<16xi32>,
    %add3A_45 = arith.constant 16 : i32
    %add3A_46 = arith.addi %scan3A_29, %add3A_45 : i32
    %swap3A_47 = arith.index_cast %add3A_46 : i32 to index
    %swap3A_48 = tpu.vector_load %arg8[%swap3A_47] {strides = array<i32>} : memref<3392xi32, #tpu.memory_space<vmem>>, vector<16xi32>,
    tpu.vector_store %arg8[%swap3A_47], %gather3A_33 {strides = array<i32>} : memref<3392xi32, #tpu.memory_space<vmem>>, vector<16xi32>,
    %add3A_49 = arith.constant 32 : i32
    %add3A_50 = arith.addi %scan3A_29, %add3A_49 : i32
    %swap3A_51 = arith.index_cast %add3A_50 : i32 to index
    %swap3A_52 = tpu.vector_load %arg7[%swap3A_51] {strides = array<i32>} : memref<3392xi32, #tpu.memory_space<vmem>>, vector<16xi32>,
    tpu.vector_store %arg7[%swap3A_51], %gather3A {strides = array<i32>} : memref<3392xi32, #tpu.memory_space<vmem>>, vector<16xi32>,
    %add3A_53 = arith.constant 32 : i32
    %add3A_54 = arith.addi %scan3A_29, %add3A_53 : i32
    %swap3A_55 = arith.index_cast %add3A_54 : i32 to index
    %swap3A_56 = tpu.vector_load %arg8[%swap3A_55] {strides = array<i32>} : memref<3392xi32, #tpu.memory_space<vmem>>, vector<16xi32>,
    tpu.vector_store %arg8[%swap3A_55], %gather3A_33 {strides = array<i32>} : memref<3392xi32, #tpu.memory_space<vmem>>, vector<16xi32>,
    %add3A_57 = arith.constant 48 : i32
    %add3A_58 = arith.addi %scan3A_29, %add3A_57 : i32
    %swap3A_59 = arith.index_cast %add3A_58 : i32 to index
    %swap3A_60 = tpu.vector_load %arg7[%swap3A_59] {strides = array<i32>} : memref<3392xi32, #tpu.memory_space<vmem>>, vector<16xi32>,
    tpu.vector_store %arg7[%swap3A_59], %gather3A {strides = array<i32>} : memref<3392xi32, #tpu.memory_space<vmem>>, vector<16xi32>,
    %add3A_61 = arith.constant 48 : i32
    %add3A_62 = arith.addi %scan3A_29, %add3A_61 : i32
    %swap3A_63 = arith.index_cast %add3A_62 : i32 to index
    %swap3A_64 = tpu.vector_load %arg8[%swap3A_63] {strides = array<i32>} : memref<3392xi32, #tpu.memory_space<vmem>>, vector<16xi32>,
    tpu.vector_store %arg8[%swap3A_63], %gather3A_33 {strides = array<i32>} : memref<3392xi32, #tpu.memory_space<vmem>>, vector<16xi32>,
    %add3A_65 = arith.constant 64 : i32
    %add3A_66 = arith.addi %scan3A_29, %add3A_65 : i32
    %swap3A_67 = arith.index_cast %add3A_66 : i32 to index
    %swap3A_68 = tpu.vector_load %arg7[%swap3A_67] {strides = array<i32>} : memref<3392xi32, #tpu.memory_space<vmem>>, vector<16xi32>,
    tpu.vector_store %arg7[%swap3A_67], %gather3A {strides = array<i32>} : memref<3392xi32, #tpu.memory_space<vmem>>, vector<16xi32>,
    %add3A_69 = arith.constant 64 : i32
    %add3A_70 = arith.addi %scan3A_29, %add3A_69 : i32
    %swap3A_71 = arith.index_cast %add3A_70 : i32 to index
    %swap3A_72 = tpu.vector_load %arg8[%swap3A_71] {strides = array<i32>} : memref<3392xi32, #tpu.memory_space<vmem>>, vector<16xi32>,
    tpu.vector_store %arg8[%swap3A_71], %gather3A_33 {strides = array<i32>} : memref<3392xi32, #tpu.memory_space<vmem>>, vector<16xi32>,
    %add3A_73 = arith.constant 80 : i32
    %add3A_74 = arith.addi %scan3A_29, %add3A_73 : i32
    %swap3A_75 = arith.index_cast %add3A_74 : i32 to index
    %swap3A_76 = tpu.vector_load %arg7[%swap3A_75] {strides = array<i32>} : memref<3392xi32, #tpu.memory_space<vmem>>, vector<16xi32>,
    tpu.vector_store %arg7[%swap3A_75], %gather3A {strides = array<i32>} : memref<3392xi32, #tpu.memory_space<vmem>>, vector<16xi32>,
    %add3A_77 = arith.constant 80 : i32
    %add3A_78 = arith.addi %scan3A_29, %add3A_77 : i32
    %swap3A_79 = arith.index_cast %add3A_78 : i32 to index
    %swap3A_80 = tpu.vector_load %arg8[%swap3A_79] {strides = array<i32>} : memref<3392xi32, #tpu.memory_space<vmem>>, vector<16xi32>,
    tpu.vector_store %arg8[%swap3A_79], %gather3A_33 {strides = array<i32>} : memref<3392xi32, #tpu.memory_space<vmem>>, vector<16xi32>,
    %add3A_81 = arith.constant 96 : i32
    %add3A_82 = arith.addi %scan3A_29, %add3A_81 : i32
    %swap3A_83 = arith.index_cast %add3A_82 : i32 to index
    %swap3A_84 = tpu.vector_load %arg7[%swap3A_83] {strides = array<i32>} : memref<3392xi32, #tpu.memory_space<vmem>>, vector<16xi32>,
    tpu.vector_store %arg7[%swap3A_83], %gather3A {strides = array<i32>} : memref<3392xi32, #tpu.memory_space<vmem>>, vector<16xi32>,
    %add3A_85 = arith.constant 96 : i32
    %add3A_86 = arith.addi %scan3A_29, %add3A_85 : i32
    %swap3A_87 = arith.index_cast %add3A_86 : i32 to index
    %swap3A_88 = tpu.vector_load %arg8[%swap3A_87] {strides = array<i32>} : memref<3392xi32, #tpu.memory_space<vmem>>, vector<16xi32>,
    tpu.vector_store %arg8[%swap3A_87], %gather3A_33 {strides = array<i32>} : memref<3392xi32, #tpu.memory_space<vmem>>, vector<16xi32>,
    %add3A_89 = arith.constant 112 : i32
    %add3A_90 = arith.addi %scan3A_29, %add3A_89 : i32
    %swap3A_91 = arith.index_cast %add3A_90 : i32 to index
    %swap3A_92 = tpu.vector_load %arg7[%swap3A_91] {strides = array<i32>} : memref<3392xi32, #tpu.memory_space<vmem>>, vector<16xi32>,
    tpu.vector_store %arg7[%swap3A_91], %gather3A {strides = array<i32>} : memref<3392xi32, #tpu.memory_space<vmem>>, vector<16xi32>,
    %add3A_93 = arith.constant 112 : i32
    %add3A_94 = arith.addi %scan3A_29, %add3A_93 : i32
    %swap3A_95 = arith.index_cast %add3A_94 : i32 to index
    %swap3A_96 = tpu.vector_load %arg8[%swap3A_95] {strides = array<i32>} : memref<3392xi32, #tpu.memory_space<vmem>>, vector<16xi32>,
    tpu.vector_store %arg8[%swap3A_95], %gather3A_33 {strides = array<i32>} : memref<3392xi32, #tpu.memory_space<vmem>>, vector<16xi32>,
    %add3A_97 = arith.constant 128 : i32
    %add3A_98 = arith.addi %scan3A_29, %add3A_97 : i32
    %sub3A = arith.constant 1 : i32
    %sub3A_99 = arith.subi %add3A_98, %sub3A : i32
    %jit3A = arith.constant 128 : i32
    %div3A = arith.divsi %sub3A_99, %jit3A : i32
    %sign3A = arith.constant 0 : i32
    %sign3A_100 = arith.cmpi sgt, %sub3A_99, %sign3A : i32
    %sign3A_101 = arith.extui %sign3A_100 : i1 to i32
    %sign3A_102 = arith.constant 0 : i32
    %sign3A_103 = arith.cmpi slt, %sub3A_99, %sign3A_102 : i32
    %sign3A_104 = arith.extui %sign3A_103 : i1 to i32
    %sign3A_105 = arith.subi %sign3A_101, %sign3A_104 : i32
    %sign3A_106 = arith.constant 0 : i32
    %sign3A_107 = arith.cmpi sgt, %jit3A, %sign3A_106 : i32
    %sign3A_108 = arith.extui %sign3A_107 : i1 to i32
    %sign3A_109 = arith.constant 0 : i32
    %sign3A_110 = arith.cmpi slt, %jit3A, %sign3A_109 : i32
    %sign3A_111 = arith.extui %sign3A_110 : i1 to i32
    %sign3A_112 = arith.subi %sign3A_108, %sign3A_111 : i32
    %ne3A = arith.cmpi ne, %sign3A_105, %sign3A_112 : i32
    %rem3A = arith.remsi %sub3A_99, %jit3A : i32
    %ne3A_113 = arith.constant 0 : i32
    %ne3A_114 = arith.cmpi ne, %rem3A, %ne3A_113 : i32
    %and3A = arith.andi %ne3A, %ne3A_114 : i1
    %sub3A_115 = arith.constant 1 : i32
    %sub3A_116 = arith.subi %div3A, %sub3A_115 : i32
    %select_n3A = arith.select %and3A, %sub3A_116, %div3A : i32
    %mul3A_117 = arith.constant 128 : i32
    %mul3A_118 = arith.muli %select_n3A, %mul3A_117 : i32
    %add3A_119 = arith.constant 0 : i32
    %add3A_120 = arith.addi %mul3A_118, %add3A_119 : i32
    %swap3A_121 = arith.index_cast %add3A_120 : i32 to index
    %swap3A_122 = tpu.vector_load %arg7[%swap3A_121] {strides = array<i32>} : memref<3392xi32, #tpu.memory_space<vmem>>, vector<16xi32>,
    tpu.vector_store %arg7[%swap3A_121], %broadcast_in_dim3A_3 {strides = array<i32>} : memref<3392xi32, #tpu.memory_space<vmem>>, vector<16xi32>,
    %add3A_123 = arith.constant 16 : i32
    %add3A_124 = arith.addi %mul3A_118, %add3A_123 : i32
    %swap3A_125 = arith.index_cast %add3A_124 : i32 to index
    %swap3A_126 = tpu.vector_load %arg7[%swap3A_125] {strides = array<i32>} : memref<3392xi32, #tpu.memory_space<vmem>>, vector<16xi32>,
    tpu.vector_store %arg7[%swap3A_125], %broadcast_in_dim3A_3 {strides = array<i32>} : memref<3392xi32, #tpu.memory_space<vmem>>, vector<16xi32>,
    %add3A_127 = arith.constant 32 : i32
    %add3A_128 = arith.addi %mul3A_118, %add3A_127 : i32
    %swap3A_129 = arith.index_cast %add3A_128 : i32 to index
    %swap3A_130 = tpu.vector_load %arg7[%swap3A_129] {strides = array<i32>} : memref<3392xi32, #tpu.memory_space<vmem>>, vector<16xi32>,
    tpu.vector_store %arg7[%swap3A_129], %broadcast_in_dim3A_3 {strides = array<i32>} : memref<3392xi32, #tpu.memory_space<vmem>>, vector<16xi32>,
    %add3A_131 = arith.constant 48 : i32
    %add3A_132 = arith.addi %mul3A_118, %add3A_131 : i32
    %swap3A_133 = arith.index_cast %add3A_132 : i32 to index
    %swap3A_134 = tpu.vector_load %arg7[%swap3A_133] {strides = array<i32>} : memref<3392xi32, #tpu.memory_space<vmem>>, vector<16xi32>,
    tpu.vector_store %arg7[%swap3A_133], %broadcast_in_dim3A_3 {strides = array<i32>} : memref<3392xi32, #tpu.memory_space<vmem>>, vector<16xi32>,
    %add3A_135 = arith.constant 64 : i32
    %add3A_136 = arith.addi %mul3A_118, %add3A_135 : i32
    %swap3A_137 = arith.index_cast %add3A_136 : i32 to index
    %swap3A_138 = tpu.vector_load %arg7[%swap3A_137] {strides = array<i32>} : memref<3392xi32, #tpu.memory_space<vmem>>, vector<16xi32>,
    tpu.vector_store %arg7[%swap3A_137], %broadcast_in_dim3A_3 {strides = array<i32>} : memref<3392xi32, #tpu.memory_space<vmem>>, vector<16xi32>,
    %add3A_139 = arith.constant 80 : i32
    %add3A_140 = arith.addi %mul3A_118, %add3A_139 : i32
    %swap3A_141 = arith.index_cast %add3A_140 : i32 to index
    %swap3A_142 = tpu.vector_load %arg7[%swap3A_141] {strides = array<i32>} : memref<3392xi32, #tpu.memory_space<vmem>>, vector<16xi32>,
    tpu.vector_store %arg7[%swap3A_141], %broadcast_in_dim3A_3 {strides = array<i32>} : memref<3392xi32, #tpu.memory_space<vmem>>, vector<16xi32>,
    %add3A_143 = arith.constant 96 : i32
    %add3A_144 = arith.addi %mul3A_118, %add3A_143 : i32
    %swap3A_145 = arith.index_cast %add3A_144 : i32 to index
    %swap3A_146 = tpu.vector_load %arg7[%swap3A_145] {strides = array<i32>} : memref<3392xi32, #tpu.memory_space<vmem>>, vector<16xi32>,
    tpu.vector_store %arg7[%swap3A_145], %broadcast_in_dim3A_3 {strides = array<i32>} : memref<3392xi32, #tpu.memory_space<vmem>>, vector<16xi32>,
    %add3A_147 = arith.constant 112 : i32
    %add3A_148 = arith.addi %mul3A_118, %add3A_147 : i32
    %swap3A_149 = arith.index_cast %add3A_148 : i32 to index
    %swap3A_150 = tpu.vector_load %arg7[%swap3A_149] {strides = array<i32>} : memref<3392xi32, #tpu.memory_space<vmem>>, vector<16xi32>,
    tpu.vector_store %arg7[%swap3A_149], %broadcast_in_dim3A_3 {strides = array<i32>} : memref<3392xi32, #tpu.memory_space<vmem>>, vector<16xi32>,
    "tpu.region"() ({
      %run_scoped3A = tpu.sem_alloc : memref<!tpu.dma_semaphore, #tpu.memory_space<semaphore_mem>>
      %dma_start3A = arith.constant 0 : i32
      %dma_start3A_151 = tpu.memref_slice %arg3[%add3A, %dma_start3A] : memref<32x3392xi32, #tpu.memory_space<hbm>> -> memref<1x3392xi32, #tpu.memory_space<hbm>>
      %dma_start3A_152 = tpu.memref_squeeze %dma_start3A_151 : memref<1x3392xi32, #tpu.memory_space<hbm>> -> memref<3392xi32, #tpu.memory_space<hbm>>
      %dma_start3A_153 = arith.constant 0 : i32
      %dma_start3A_154 = tpu.memref_slice %arg3[%add3A, %dma_start3A_153] : memref<32x3392xi32, #tpu.memory_space<hbm>> -> memref<1x3392xi32, #tpu.memory_space<hbm>>
      %dma_start3A_155 = tpu.memref_squeeze %dma_start3A_154 : memref<1x3392xi32, #tpu.memory_space<hbm>> -> memref<3392xi32, #tpu.memory_space<hbm>>
      tpu.enqueue_dma source(%arg7 : memref<3392xi32, #tpu.memory_space<vmem>>) target(%dma_start3A_155 : memref<3392xi32, #tpu.memory_space<hbm>>) target_semaphore(%run_scoped3A : memref<!tpu.dma_semaphore, #tpu.memory_space<semaphore_mem>>)
      %dma_wait3A = arith.constant 0 : i32
      %dma_wait3A_156 = tpu.memref_slice %arg3[%add3A, %dma_wait3A] : memref<32x3392xi32, #tpu.memory_space<hbm>> -> memref<1x3392xi32, #tpu.memory_space<hbm>>
      %dma_wait3A_157 = tpu.memref_squeeze %dma_wait3A_156 : memref<1x3392xi32, #tpu.memory_space<hbm>> -> memref<3392xi32, #tpu.memory_space<hbm>>
      %dma_wait3A_158 = arith.constant 0 : i32
      %dma_wait3A_159 = tpu.memref_slice %arg3[%add3A, %dma_wait3A_158] : memref<32x3392xi32, #tpu.memory_space<hbm>> -> memref<1x3392xi32, #tpu.memory_space<hbm>>
      %dma_wait3A_160 = tpu.memref_squeeze %dma_wait3A_159 : memref<1x3392xi32, #tpu.memory_space<hbm>> -> memref<3392xi32, #tpu.memory_space<hbm>>
      tpu.wait_dma2 semaphore(%run_scoped3A : memref<!tpu.dma_semaphore, #tpu.memory_space<semaphore_mem>>) src(%arg7 : memref<3392xi32, #tpu.memory_space<vmem>>) dst(%dma_wait3A_160 : memref<3392xi32, #tpu.memory_space<hbm>>)
      tpu.yield
    }) : () -> ()
    "tpu.region"() ({
      %run_scoped3A = tpu.sem_alloc : memref<!tpu.dma_semaphore, #tpu.memory_space<semaphore_mem>>
      %dma_start3A = arith.constant 0 : i32
      %dma_start3A_151 = tpu.memref_slice %arg4[%add3A, %dma_start3A] : memref<32x3392xi32, #tpu.memory_space<hbm>> -> memref<1x3392xi32, #tpu.memory_space<hbm>>
      %dma_start3A_152 = tpu.memref_squeeze %dma_start3A_151 : memref<1x3392xi32, #tpu.memory_space<hbm>> -> memref<3392xi32, #tpu.memory_space<hbm>>
      %dma_start3A_153 = arith.constant 0 : i32
      %dma_start3A_154 = tpu.memref_slice %arg4[%add3A, %dma_start3A_153] : memref<32x3392xi32, #tpu.memory_space<hbm>> -> memref<1x3392xi32, #tpu.memory_space<hbm>>
      %dma_start3A_155 = tpu.memref_squeeze %dma_start3A_154 : memref<1x3392xi32, #tpu.memory_space<hbm>> -> memref<3392xi32, #tpu.memory_space<hbm>>
      tpu.enqueue_dma source(%arg8 : memref<3392xi32, #tpu.memory_space<vmem>>) target(%dma_start3A_155 : memref<3392xi32, #tpu.memory_space<hbm>>) target_semaphore(%run_scoped3A : memref<!tpu.dma_semaphore, #tpu.memory_space<semaphore_mem>>)
      %dma_wait3A = arith.constant 0 : i32
      %dma_wait3A_156 = tpu.memref_slice %arg4[%add3A, %dma_wait3A] : memref<32x3392xi32, #tpu.memory_space<hbm>> -> memref<1x3392xi32, #tpu.memory_space<hbm>>
      %dma_wait3A_157 = tpu.memref_squeeze %dma_wait3A_156 : memref<1x3392xi32, #tpu.memory_space<hbm>> -> memref<3392xi32, #tpu.memory_space<hbm>>
      %dma_wait3A_158 = arith.constant 0 : i32
      %dma_wait3A_159 = tpu.memref_slice %arg4[%add3A, %dma_wait3A_158] : memref<32x3392xi32, #tpu.memory_space<hbm>> -> memref<1x3392xi32, #tpu.memory_space<hbm>>
      %dma_wait3A_160 = tpu.memref_squeeze %dma_wait3A_159 : memref<1x3392xi32, #tpu.memory_space<hbm>> -> memref<3392xi32, #tpu.memory_space<hbm>>
      tpu.wait_dma2 semaphore(%run_scoped3A : memref<!tpu.dma_semaphore, #tpu.memory_space<semaphore_mem>>) src(%arg8 : memref<3392xi32, #tpu.memory_space<vmem>>) dst(%dma_wait3A_160 : memref<3392xi32, #tpu.memory_space<hbm>>)
      tpu.yield
    }) : () -> ()
    return
  }
}

#map = affine_map<(d0, d1) -> (0, 0)>
module attributes {stable_mosaic.version = 14 : i64} {
  func.func @new_body(%arg0: i32, %arg1: i32, %arg2: memref<32x3392xi32, #tpu.memory_space<hbm>>, %arg3: memref<32x3392xi32, #tpu.memory_space<hbm>>, %arg4: memref<16384x64xf32, #tpu.memory_space<hbm>>, %arg5: memref<100000x64xf32, #tpu.memory_space<hbm>>, %arg6: memref<100000x64xf32, #tpu.memory_space<hbm>>, %arg7: memref<3392xi32, #tpu.memory_space<vmem>>, %arg8: memref<3392xi32, #tpu.memory_space<vmem>>, %arg9: memref<16x128xi32, #tpu.memory_space<vmem>>, %arg10: memref<1024x64xf32, #tpu.memory_space<vmem>>, %arg11: memref<!tpu.dma_semaphore, #tpu.memory_space<semaphore_mem>>, %arg12: memref<!tpu.dma_semaphore, #tpu.memory_space<semaphore_mem>>) attributes {dimension_semantics = [#tpu.dimension_semantics<core_parallel>, #tpu.dimension_semantics<subcore_parallel>], iteration_bounds = array<i64: 2, 16>, scalar_prefetch = 0 : i64, scratch_operands = 6 : i64, tpu.core_type = #tpu.core_type<sc_vector_subcore>, window_params = [{transform_indices = #map}, {transform_indices = #map}, {transform_indices = #map}, {transform_indices = #map}, {transform_indices = #map}]} {
    %mul3A = arith.constant 2 : i32
    %mul3A_0 = arith.muli %arg1, %mul3A : i32
    %add3A = arith.addi %mul3A_0, %arg0 : i32
    "tpu.region"() ({
      %run_scoped3A = tpu.sem_alloc : memref<!tpu.dma_semaphore, #tpu.memory_space<semaphore_mem>>
      %dma_start3A = arith.constant 0 : i32
      %dma_start3A_65 = tpu.memref_slice %arg2[%add3A, %dma_start3A] : memref<32x3392xi32, #tpu.memory_space<hbm>> -> memref<1x3392xi32, #tpu.memory_space<hbm>>
      %dma_start3A_66 = tpu.memref_squeeze %dma_start3A_65 : memref<1x3392xi32, #tpu.memory_space<hbm>> -> memref<3392xi32, #tpu.memory_space<hbm>>
      %dma_start3A_67 = arith.constant 0 : i32
      %dma_start3A_68 = tpu.memref_slice %arg2[%add3A, %dma_start3A_67] : memref<32x3392xi32, #tpu.memory_space<hbm>> -> memref<1x3392xi32, #tpu.memory_space<hbm>>
      %dma_start3A_69 = tpu.memref_squeeze %dma_start3A_68 : memref<1x3392xi32, #tpu.memory_space<hbm>> -> memref<3392xi32, #tpu.memory_space<hbm>>
      tpu.enqueue_dma source(%dma_start3A_69 : memref<3392xi32, #tpu.memory_space<hbm>>) target(%arg7 : memref<3392xi32, #tpu.memory_space<vmem>>) target_semaphore(%run_scoped3A : memref<!tpu.dma_semaphore, #tpu.memory_space<semaphore_mem>>)
      %dma_wait3A = arith.constant 0 : i32
      %dma_wait3A_70 = tpu.memref_slice %arg2[%add3A, %dma_wait3A] : memref<32x3392xi32, #tpu.memory_space<hbm>> -> memref<1x3392xi32, #tpu.memory_space<hbm>>
      %dma_wait3A_71 = tpu.memref_squeeze %dma_wait3A_70 : memref<1x3392xi32, #tpu.memory_space<hbm>> -> memref<3392xi32, #tpu.memory_space<hbm>>
      %dma_wait3A_72 = arith.constant 0 : i32
      %dma_wait3A_73 = tpu.memref_slice %arg2[%add3A, %dma_wait3A_72] : memref<32x3392xi32, #tpu.memory_space<hbm>> -> memref<1x3392xi32, #tpu.memory_space<hbm>>
      %dma_wait3A_74 = tpu.memref_squeeze %dma_wait3A_73 : memref<1x3392xi32, #tpu.memory_space<hbm>> -> memref<3392xi32, #tpu.memory_space<hbm>>
      tpu.wait_dma2 semaphore(%run_scoped3A : memref<!tpu.dma_semaphore, #tpu.memory_space<semaphore_mem>>) src(%dma_wait3A_74 : memref<3392xi32, #tpu.memory_space<hbm>>) dst(%arg7 : memref<3392xi32, #tpu.memory_space<vmem>>)
      tpu.yield
    }) : () -> ()
    "tpu.region"() ({
      %run_scoped3A = tpu.sem_alloc : memref<!tpu.dma_semaphore, #tpu.memory_space<semaphore_mem>>
      %dma_start3A = arith.constant 0 : i32
      %dma_start3A_65 = tpu.memref_slice %arg3[%add3A, %dma_start3A] : memref<32x3392xi32, #tpu.memory_space<hbm>> -> memref<1x3392xi32, #tpu.memory_space<hbm>>
      %dma_start3A_66 = tpu.memref_squeeze %dma_start3A_65 : memref<1x3392xi32, #tpu.memory_space<hbm>> -> memref<3392xi32, #tpu.memory_space<hbm>>
      %dma_start3A_67 = arith.constant 0 : i32
      %dma_start3A_68 = tpu.memref_slice %arg3[%add3A, %dma_start3A_67] : memref<32x3392xi32, #tpu.memory_space<hbm>> -> memref<1x3392xi32, #tpu.memory_space<hbm>>
      %dma_start3A_69 = tpu.memref_squeeze %dma_start3A_68 : memref<1x3392xi32, #tpu.memory_space<hbm>> -> memref<3392xi32, #tpu.memory_space<hbm>>
      tpu.enqueue_dma source(%dma_start3A_69 : memref<3392xi32, #tpu.memory_space<hbm>>) target(%arg8 : memref<3392xi32, #tpu.memory_space<vmem>>) target_semaphore(%run_scoped3A : memref<!tpu.dma_semaphore, #tpu.memory_space<semaphore_mem>>)
      %dma_wait3A = arith.constant 0 : i32
      %dma_wait3A_70 = tpu.memref_slice %arg3[%add3A, %dma_wait3A] : memref<32x3392xi32, #tpu.memory_space<hbm>> -> memref<1x3392xi32, #tpu.memory_space<hbm>>
      %dma_wait3A_71 = tpu.memref_squeeze %dma_wait3A_70 : memref<1x3392xi32, #tpu.memory_space<hbm>> -> memref<3392xi32, #tpu.memory_space<hbm>>
      %dma_wait3A_72 = arith.constant 0 : i32
      %dma_wait3A_73 = tpu.memref_slice %arg3[%add3A, %dma_wait3A_72] : memref<32x3392xi32, #tpu.memory_space<hbm>> -> memref<1x3392xi32, #tpu.memory_space<hbm>>
      %dma_wait3A_74 = tpu.memref_squeeze %dma_wait3A_73 : memref<1x3392xi32, #tpu.memory_space<hbm>> -> memref<3392xi32, #tpu.memory_space<hbm>>
      tpu.wait_dma2 semaphore(%run_scoped3A : memref<!tpu.dma_semaphore, #tpu.memory_space<semaphore_mem>>) src(%dma_wait3A_74 : memref<3392xi32, #tpu.memory_space<hbm>>) dst(%arg8 : memref<3392xi32, #tpu.memory_space<vmem>>)
      tpu.yield
    }) : () -> ()
    %broadcast_in_dim3A = arith.constant 0 : i32
    %broadcast_in_dim3A_1 = vector.broadcast %broadcast_in_dim3A : i32 to vector<16xi32>
    %scan3A = arith.constant 0 : i32
    %scan3A_2 = arith.constant 212 : i32
    %scan3A_3 = arith.addi %scan3A, %scan3A_2 : i32
    %scan3A_4 = arith.constant 1 : i32
    %scan3A_5 = scf.for %scan3A_65 = %scan3A to %scan3A_3 step %scan3A_4 iter_args(%scan3A_66 = %broadcast_in_dim3A_1) -> (vector<16xi32>)  : i32 {
      %mul3A_67 = arith.constant 16 : i32
      %mul3A_68 = arith.muli %scan3A_65, %mul3A_67 : i32
      %get3A = arith.index_cast %mul3A_68 : i32 to index
      %get3A_69 = tpu.vector_load %arg7[%get3A] {strides = array<i32>} : memref<3392xi32, #tpu.memory_space<vmem>>, vector<16xi32>,
      %ge3A = arith.constant 0 : i32
      %ge3A_70 = vector.broadcast %ge3A : i32 to vector<16xi32>
      %ge3A_71 = arith.cmpi sge, %get3A_69, %ge3A_70 : vector<16xi32>
      %convert_element_type3A = arith.extui %ge3A_71 : vector<16xi1> to vector<16xi32>
      %add3A_72 = arith.addi %scan3A_66, %convert_element_type3A : vector<16xi32>
      scf.yield %add3A_72 : vector<16xi32>
    }
    %scan3A_6 = arith.constant 212 : i32
    %reduce_sum3A = arith.constant true
    %reduce_sum3A_7 = vector.broadcast %reduce_sum3A : i1 to vector<16xi1>
    %reduce_sum3A_8 = tpu.scan <sum>, %scan3A_5 masked %reduce_sum3A_7 : vector<16xi32>, vector<16xi1> -> vector<16xi32>
    %reduce_sum3A_9 = vector.extract %reduce_sum3A_8[15] : i32 from vector<16xi32>
    %jit3A = arith.constant 128 : i32
    %div3A = arith.divsi %reduce_sum3A_9, %jit3A : i32
    %sign3A = arith.constant 0 : i32
    %sign3A_10 = arith.cmpi sgt, %reduce_sum3A_9, %sign3A : i32
    %sign3A_11 = arith.extui %sign3A_10 : i1 to i32
    %sign3A_12 = arith.constant 0 : i32
    %sign3A_13 = arith.cmpi slt, %reduce_sum3A_9, %sign3A_12 : i32
    %sign3A_14 = arith.extui %sign3A_13 : i1 to i32
    %sign3A_15 = arith.subi %sign3A_11, %sign3A_14 : i32
    %sign3A_16 = arith.constant 0 : i32
    %sign3A_17 = arith.cmpi sgt, %jit3A, %sign3A_16 : i32
    %sign3A_18 = arith.extui %sign3A_17 : i1 to i32
    %sign3A_19 = arith.constant 0 : i32
    %sign3A_20 = arith.cmpi slt, %jit3A, %sign3A_19 : i32
    %sign3A_21 = arith.extui %sign3A_20 : i1 to i32
    %sign3A_22 = arith.subi %sign3A_18, %sign3A_21 : i32
    %ne3A = arith.cmpi ne, %sign3A_15, %sign3A_22 : i32
    %rem3A = arith.remsi %reduce_sum3A_9, %jit3A : i32
    %ne3A_23 = arith.constant 0 : i32
    %ne3A_24 = arith.cmpi ne, %rem3A, %ne3A_23 : i32
    %and3A = arith.andi %ne3A, %ne3A_24 : i1
    %sub3A = arith.constant 1 : i32
    %sub3A_25 = arith.subi %div3A, %sub3A : i32
    %select_n3A = arith.select %and3A, %sub3A_25, %div3A : i32
    %add3A_26 = arith.constant 8 : i32
    %add3A_27 = arith.addi %select_n3A, %add3A_26 : i32
    %sub3A_28 = arith.constant 1 : i32
    %sub3A_29 = arith.subi %add3A_27, %sub3A_28 : i32
    %jit3A_30 = arith.constant 8 : i32
    %div3A_31 = arith.divsi %sub3A_29, %jit3A_30 : i32
    %sign3A_32 = arith.constant 0 : i32
    %sign3A_33 = arith.cmpi sgt, %sub3A_29, %sign3A_32 : i32
    %sign3A_34 = arith.extui %sign3A_33 : i1 to i32
    %sign3A_35 = arith.constant 0 : i32
    %sign3A_36 = arith.cmpi slt, %sub3A_29, %sign3A_35 : i32
    %sign3A_37 = arith.extui %sign3A_36 : i1 to i32
    %sign3A_38 = arith.subi %sign3A_34, %sign3A_37 : i32
    %sign3A_39 = arith.constant 0 : i32
    %sign3A_40 = arith.cmpi sgt, %jit3A_30, %sign3A_39 : i32
    %sign3A_41 = arith.extui %sign3A_40 : i1 to i32
    %sign3A_42 = arith.constant 0 : i32
    %sign3A_43 = arith.cmpi slt, %jit3A_30, %sign3A_42 : i32
    %sign3A_44 = arith.extui %sign3A_43 : i1 to i32
    %sign3A_45 = arith.subi %sign3A_41, %sign3A_44 : i32
    %ne3A_46 = arith.cmpi ne, %sign3A_38, %sign3A_45 : i32
    %rem3A_47 = arith.remsi %sub3A_29, %jit3A_30 : i32
    %ne3A_48 = arith.constant 0 : i32
    %ne3A_49 = arith.cmpi ne, %rem3A_47, %ne3A_48 : i32
    %and3A_50 = arith.andi %ne3A_46, %ne3A_49 : i1
    %sub3A_51 = arith.constant 1 : i32
    %sub3A_52 = arith.subi %div3A_31, %sub3A_51 : i32
    %select_n3A_53 = arith.select %and3A_50, %sub3A_52, %div3A_31 : i32
    %while3A = arith.constant 0 : i32
    %while3A_54 = arith.constant 0 : i32
    %while3A_55 = arith.subi %select_n3A_53, %while3A : i32
    %while3A_56 = arith.addi %while3A, %while3A_55 : i32
    %while3A_57 = arith.constant 1 : i32
    %while3A_58 = arith.divsi %while3A_55, %while3A_57 : i32
    %while3A_59 = arith.muli %while3A_58, %while3A_57 : i32
    %while3A_60 = arith.addi %while3A, %while3A_59 : i32
    %while3A_61 = arith.constant 1 : i32
    %while3A_62 = scf.for %while3A_65 = %while3A to %while3A_60 step %while3A_61 iter_args(%while3A_66 = %while3A_54) -> (i32)  : i32 {
      %mul3A_67 = arith.constant 8 : i32
      %mul3A_68 = arith.muli %while3A_65, %mul3A_67 : i32
      %add3A_69 = arith.constant 0 : i32
      %add3A_70 = arith.addi %mul3A_68, %add3A_69 : i32
      %lt3A = arith.cmpi slt, %add3A_70, %select_n3A : i32
      %convert_element_type3A = arith.extui %lt3A : i1 to i32
      %cond3A = arith.constant 0 : i32
      %cond3A_71 = arith.cmpi ne, %convert_element_type3A, %cond3A : i32
      scf.if %cond3A_71 {
        %mul3A_259 = arith.constant 128 : i32
        %mul3A_260 = arith.muli %add3A_70, %mul3A_259 : i32
        %add3A_261 = arith.constant 0 : i32
        %add3A_262 = arith.addi %mul3A_260, %add3A_261 : i32
        %get3A = arith.index_cast %add3A_262 : i32 to index
        %get3A_263 = tpu.vector_load %arg7[%get3A] {strides = array<i32>} : memref<3392xi32, #tpu.memory_space<vmem>>, vector<16xi32>,
        %swap3A = arith.constant 0 : i32
        %swap3A_264 = arith.index_cast %swap3A : i32 to index
        %swap3A_265 = arith.constant 0 : index
        %swap3A_266 = tpu.vector_load %arg9[%swap3A_264, %swap3A_265] {strides = array<i32>} : memref<16x128xi32, #tpu.memory_space<vmem>>, vector<16xi32>,
        tpu.vector_store %arg9[%swap3A_264, %swap3A_265], %get3A_263 {strides = array<i32>} : memref<16x128xi32, #tpu.memory_space<vmem>>, vector<16xi32>,
        %mul3A_267 = arith.constant 128 : i32
        %mul3A_268 = arith.muli %add3A_70, %mul3A_267 : i32
        %add3A_269 = arith.constant 0 : i32
        %add3A_270 = arith.addi %mul3A_268, %add3A_269 : i32
        %get3A_271 = arith.index_cast %add3A_270 : i32 to index
        %get3A_272 = tpu.vector_load %arg8[%get3A_271] {strides = array<i32>} : memref<3392xi32, #tpu.memory_space<vmem>>, vector<16xi32>,
        %swap3A_273 = arith.constant 1 : i32
        %swap3A_274 = arith.index_cast %swap3A_273 : i32 to index
        %swap3A_275 = arith.constant 0 : index
        %swap3A_276 = tpu.vector_load %arg9[%swap3A_274, %swap3A_275] {strides = array<i32>} : memref<16x128xi32, #tpu.memory_space<vmem>>, vector<16xi32>,
        tpu.vector_store %arg9[%swap3A_274, %swap3A_275], %get3A_272 {strides = array<i32>} : memref<16x128xi32, #tpu.memory_space<vmem>>, vector<16xi32>,
        %mul3A_277 = arith.constant 128 : i32
        %mul3A_278 = arith.muli %add3A_70, %mul3A_277 : i32
        %add3A_279 = arith.constant 16 : i32
        %add3A_280 = arith.addi %mul3A_278, %add3A_279 : i32
        %get3A_281 = arith.index_cast %add3A_280 : i32 to index
        %get3A_282 = tpu.vector_load %arg7[%get3A_281] {strides = array<i32>} : memref<3392xi32, #tpu.memory_space<vmem>>, vector<16xi32>,
        %swap3A_283 = arith.constant 0 : i32
        %swap3A_284 = arith.index_cast %swap3A_283 : i32 to index
        %swap3A_285 = arith.constant 16 : index
        %swap3A_286 = tpu.vector_load %arg9[%swap3A_284, %swap3A_285] {strides = array<i32>} : memref<16x128xi32, #tpu.memory_space<vmem>>, vector<16xi32>,
        tpu.vector_store %arg9[%swap3A_284, %swap3A_285], %get3A_282 {strides = array<i32>} : memref<16x128xi32, #tpu.memory_space<vmem>>, vector<16xi32>,
        %mul3A_287 = arith.constant 128 : i32
        %mul3A_288 = arith.muli %add3A_70, %mul3A_287 : i32
        %add3A_289 = arith.constant 16 : i32
        %add3A_290 = arith.addi %mul3A_288, %add3A_289 : i32
        %get3A_291 = arith.index_cast %add3A_290 : i32 to index
        %get3A_292 = tpu.vector_load %arg8[%get3A_291] {strides = array<i32>} : memref<3392xi32, #tpu.memory_space<vmem>>, vector<16xi32>,
        %swap3A_293 = arith.constant 1 : i32
        %swap3A_294 = arith.index_cast %swap3A_293 : i32 to index
        %swap3A_295 = arith.constant 16 : index
        %swap3A_296 = tpu.vector_load %arg9[%swap3A_294, %swap3A_295] {strides = array<i32>} : memref<16x128xi32, #tpu.memory_space<vmem>>, vector<16xi32>,
        tpu.vector_store %arg9[%swap3A_294, %swap3A_295], %get3A_292 {strides = array<i32>} : memref<16x128xi32, #tpu.memory_space<vmem>>, vector<16xi32>,
        %mul3A_297 = arith.constant 128 : i32
        %mul3A_298 = arith.muli %add3A_70, %mul3A_297 : i32
        %add3A_299 = arith.constant 32 : i32
        %add3A_300 = arith.addi %mul3A_298, %add3A_299 : i32
        %get3A_301 = arith.index_cast %add3A_300 : i32 to index
        %get3A_302 = tpu.vector_load %arg7[%get3A_301] {strides = array<i32>} : memref<3392xi32, #tpu.memory_space<vmem>>, vector<16xi32>,
        %swap3A_303 = arith.constant 0 : i32
        %swap3A_304 = arith.index_cast %swap3A_303 : i32 to index
        %swap3A_305 = arith.constant 32 : index
        %swap3A_306 = tpu.vector_load %arg9[%swap3A_304, %swap3A_305] {strides = array<i32>} : memref<16x128xi32, #tpu.memory_space<vmem>>, vector<16xi32>,
        tpu.vector_store %arg9[%swap3A_304, %swap3A_305], %get3A_302 {strides = array<i32>} : memref<16x128xi32, #tpu.memory_space<vmem>>, vector<16xi32>,
        %mul3A_307 = arith.constant 128 : i32
        %mul3A_308 = arith.muli %add3A_70, %mul3A_307 : i32
        %add3A_309 = arith.constant 32 : i32
        %add3A_310 = arith.addi %mul3A_308, %add3A_309 : i32
        %get3A_311 = arith.index_cast %add3A_310 : i32 to index
        %get3A_312 = tpu.vector_load %arg8[%get3A_311] {strides = array<i32>} : memref<3392xi32, #tpu.memory_space<vmem>>, vector<16xi32>,
        %swap3A_313 = arith.constant 1 : i32
        %swap3A_314 = arith.index_cast %swap3A_313 : i32 to index
        %swap3A_315 = arith.constant 32 : index
        %swap3A_316 = tpu.vector_load %arg9[%swap3A_314, %swap3A_315] {strides = array<i32>} : memref<16x128xi32, #tpu.memory_space<vmem>>, vector<16xi32>,
        tpu.vector_store %arg9[%swap3A_314, %swap3A_315], %get3A_312 {strides = array<i32>} : memref<16x128xi32, #tpu.memory_space<vmem>>, vector<16xi32>,
        %mul3A_317 = arith.constant 128 : i32
        %mul3A_318 = arith.muli %add3A_70, %mul3A_317 : i32
        %add3A_319 = arith.constant 48 : i32
        %add3A_320 = arith.addi %mul3A_318, %add3A_319 : i32
        %get3A_321 = arith.index_cast %add3A_320 : i32 to index
        %get3A_322 = tpu.vector_load %arg7[%get3A_321] {strides = array<i32>} : memref<3392xi32, #tpu.memory_space<vmem>>, vector<16xi32>,
        %swap3A_323 = arith.constant 0 : i32
        %swap3A_324 = arith.index_cast %swap3A_323 : i32 to index
        %swap3A_325 = arith.constant 48 : index
        %swap3A_326 = tpu.vector_load %arg9[%swap3A_324, %swap3A_325] {strides = array<i32>} : memref<16x128xi32, #tpu.memory_space<vmem>>, vector<16xi32>,
        tpu.vector_store %arg9[%swap3A_324, %swap3A_325], %get3A_322 {strides = array<i32>} : memref<16x128xi32, #tpu.memory_space<vmem>>, vector<16xi32>,
        %mul3A_327 = arith.constant 128 : i32
        %mul3A_328 = arith.muli %add3A_70, %mul3A_327 : i32
        %add3A_329 = arith.constant 48 : i32
        %add3A_330 = arith.addi %mul3A_328, %add3A_329 : i32
        %get3A_331 = arith.index_cast %add3A_330 : i32 to index
        %get3A_332 = tpu.vector_load %arg8[%get3A_331] {strides = array<i32>} : memref<3392xi32, #tpu.memory_space<vmem>>, vector<16xi32>,
        %swap3A_333 = arith.constant 1 : i32
        %swap3A_334 = arith.index_cast %swap3A_333 : i32 to index
        %swap3A_335 = arith.constant 48 : index
        %swap3A_336 = tpu.vector_load %arg9[%swap3A_334, %swap3A_335] {strides = array<i32>} : memref<16x128xi32, #tpu.memory_space<vmem>>, vector<16xi32>,
        tpu.vector_store %arg9[%swap3A_334, %swap3A_335], %get3A_332 {strides = array<i32>} : memref<16x128xi32, #tpu.memory_space<vmem>>, vector<16xi32>,
        %mul3A_337 = arith.constant 128 : i32
        %mul3A_338 = arith.muli %add3A_70, %mul3A_337 : i32
        %add3A_339 = arith.constant 64 : i32
        %add3A_340 = arith.addi %mul3A_338, %add3A_339 : i32
        %get3A_341 = arith.index_cast %add3A_340 : i32 to index
        %get3A_342 = tpu.vector_load %arg7[%get3A_341] {strides = array<i32>} : memref<3392xi32, #tpu.memory_space<vmem>>, vector<16xi32>,
        %swap3A_343 = arith.constant 0 : i32
        %swap3A_344 = arith.index_cast %swap3A_343 : i32 to index
        %swap3A_345 = arith.constant 64 : index
        %swap3A_346 = tpu.vector_load %arg9[%swap3A_344, %swap3A_345] {strides = array<i32>} : memref<16x128xi32, #tpu.memory_space<vmem>>, vector<16xi32>,
        tpu.vector_store %arg9[%swap3A_344, %swap3A_345], %get3A_342 {strides = array<i32>} : memref<16x128xi32, #tpu.memory_space<vmem>>, vector<16xi32>,
        %mul3A_347 = arith.constant 128 : i32
        %mul3A_348 = arith.muli %add3A_70, %mul3A_347 : i32
        %add3A_349 = arith.constant 64 : i32
        %add3A_350 = arith.addi %mul3A_348, %add3A_349 : i32
        %get3A_351 = arith.index_cast %add3A_350 : i32 to index
        %get3A_352 = tpu.vector_load %arg8[%get3A_351] {strides = array<i32>} : memref<3392xi32, #tpu.memory_space<vmem>>, vector<16xi32>,
        %swap3A_353 = arith.constant 1 : i32
        %swap3A_354 = arith.index_cast %swap3A_353 : i32 to index
        %swap3A_355 = arith.constant 64 : index
        %swap3A_356 = tpu.vector_load %arg9[%swap3A_354, %swap3A_355] {strides = array<i32>} : memref<16x128xi32, #tpu.memory_space<vmem>>, vector<16xi32>,
        tpu.vector_store %arg9[%swap3A_354, %swap3A_355], %get3A_352 {strides = array<i32>} : memref<16x128xi32, #tpu.memory_space<vmem>>, vector<16xi32>,
        %mul3A_357 = arith.constant 128 : i32
        %mul3A_358 = arith.muli %add3A_70, %mul3A_357 : i32
        %add3A_359 = arith.constant 80 : i32
        %add3A_360 = arith.addi %mul3A_358, %add3A_359 : i32
        %get3A_361 = arith.index_cast %add3A_360 : i32 to index
        %get3A_362 = tpu.vector_load %arg7[%get3A_361] {strides = array<i32>} : memref<3392xi32, #tpu.memory_space<vmem>>, vector<16xi32>,
        %swap3A_363 = arith.constant 0 : i32
        %swap3A_364 = arith.index_cast %swap3A_363 : i32 to index
        %swap3A_365 = arith.constant 80 : index
        %swap3A_366 = tpu.vector_load %arg9[%swap3A_364, %swap3A_365] {strides = array<i32>} : memref<16x128xi32, #tpu.memory_space<vmem>>, vector<16xi32>,
        tpu.vector_store %arg9[%swap3A_364, %swap3A_365], %get3A_362 {strides = array<i32>} : memref<16x128xi32, #tpu.memory_space<vmem>>, vector<16xi32>,
        %mul3A_367 = arith.constant 128 : i32
        %mul3A_368 = arith.muli %add3A_70, %mul3A_367 : i32
        %add3A_369 = arith.constant 80 : i32
        %add3A_370 = arith.addi %mul3A_368, %add3A_369 : i32
        %get3A_371 = arith.index_cast %add3A_370 : i32 to index
        %get3A_372 = tpu.vector_load %arg8[%get3A_371] {strides = array<i32>} : memref<3392xi32, #tpu.memory_space<vmem>>, vector<16xi32>,
        %swap3A_373 = arith.constant 1 : i32
        %swap3A_374 = arith.index_cast %swap3A_373 : i32 to index
        %swap3A_375 = arith.constant 80 : index
        %swap3A_376 = tpu.vector_load %arg9[%swap3A_374, %swap3A_375] {strides = array<i32>} : memref<16x128xi32, #tpu.memory_space<vmem>>, vector<16xi32>,
        tpu.vector_store %arg9[%swap3A_374, %swap3A_375], %get3A_372 {strides = array<i32>} : memref<16x128xi32, #tpu.memory_space<vmem>>, vector<16xi32>,
        %mul3A_377 = arith.constant 128 : i32
        %mul3A_378 = arith.muli %add3A_70, %mul3A_377 : i32
        %add3A_379 = arith.constant 96 : i32
        %add3A_380 = arith.addi %mul3A_378, %add3A_379 : i32
        %get3A_381 = arith.index_cast %add3A_380 : i32 to index
        %get3A_382 = tpu.vector_load %arg7[%get3A_381] {strides = array<i32>} : memref<3392xi32, #tpu.memory_space<vmem>>, vector<16xi32>,
        %swap3A_383 = arith.constant 0 : i32
        %swap3A_384 = arith.index_cast %swap3A_383 : i32 to index
        %swap3A_385 = arith.constant 96 : index
        %swap3A_386 = tpu.vector_load %arg9[%swap3A_384, %swap3A_385] {strides = array<i32>} : memref<16x128xi32, #tpu.memory_space<vmem>>, vector<16xi32>,
        tpu.vector_store %arg9[%swap3A_384, %swap3A_385], %get3A_382 {strides = array<i32>} : memref<16x128xi32, #tpu.memory_space<vmem>>, vector<16xi32>,
        %mul3A_387 = arith.constant 128 : i32
        %mul3A_388 = arith.muli %add3A_70, %mul3A_387 : i32
        %add3A_389 = arith.constant 96 : i32
        %add3A_390 = arith.addi %mul3A_388, %add3A_389 : i32
        %get3A_391 = arith.index_cast %add3A_390 : i32 to index
        %get3A_392 = tpu.vector_load %arg8[%get3A_391] {strides = array<i32>} : memref<3392xi32, #tpu.memory_space<vmem>>, vector<16xi32>,
        %swap3A_393 = arith.constant 1 : i32
        %swap3A_394 = arith.index_cast %swap3A_393 : i32 to index
        %swap3A_395 = arith.constant 96 : index
        %swap3A_396 = tpu.vector_load %arg9[%swap3A_394, %swap3A_395] {strides = array<i32>} : memref<16x128xi32, #tpu.memory_space<vmem>>, vector<16xi32>,
        tpu.vector_store %arg9[%swap3A_394, %swap3A_395], %get3A_392 {strides = array<i32>} : memref<16x128xi32, #tpu.memory_space<vmem>>, vector<16xi32>,
        %mul3A_397 = arith.constant 128 : i32
        %mul3A_398 = arith.muli %add3A_70, %mul3A_397 : i32
        %add3A_399 = arith.constant 112 : i32
        %add3A_400 = arith.addi %mul3A_398, %add3A_399 : i32
        %get3A_401 = arith.index_cast %add3A_400 : i32 to index
        %get3A_402 = tpu.vector_load %arg7[%get3A_401] {strides = array<i32>} : memref<3392xi32, #tpu.memory_space<vmem>>, vector<16xi32>,
        %swap3A_403 = arith.constant 0 : i32
        %swap3A_404 = arith.index_cast %swap3A_403 : i32 to index
        %swap3A_405 = arith.constant 112 : index
        %swap3A_406 = tpu.vector_load %arg9[%swap3A_404, %swap3A_405] {strides = array<i32>} : memref<16x128xi32, #tpu.memory_space<vmem>>, vector<16xi32>,
        tpu.vector_store %arg9[%swap3A_404, %swap3A_405], %get3A_402 {strides = array<i32>} : memref<16x128xi32, #tpu.memory_space<vmem>>, vector<16xi32>,
        %mul3A_407 = arith.constant 128 : i32
        %mul3A_408 = arith.muli %add3A_70, %mul3A_407 : i32
        %add3A_409 = arith.constant 112 : i32
        %add3A_410 = arith.addi %mul3A_408, %add3A_409 : i32
        %get3A_411 = arith.index_cast %add3A_410 : i32 to index
        %get3A_412 = tpu.vector_load %arg8[%get3A_411] {strides = array<i32>} : memref<3392xi32, #tpu.memory_space<vmem>>, vector<16xi32>,
        %swap3A_413 = arith.constant 1 : i32
        %swap3A_414 = arith.index_cast %swap3A_413 : i32 to index
        %swap3A_415 = arith.constant 112 : index
        %swap3A_416 = tpu.vector_load %arg9[%swap3A_414, %swap3A_415] {strides = array<i32>} : memref<16x128xi32, #tpu.memory_space<vmem>>, vector<16xi32>,
        tpu.vector_store %arg9[%swap3A_414, %swap3A_415], %get3A_412 {strides = array<i32>} : memref<16x128xi32, #tpu.memory_space<vmem>>, vector<16xi32>,
        %dma_start3A = arith.constant 0 : i32
        %dma_start3A_417 = arith.constant 0 : i32
        %dma_start3A_418 = arith.constant 0 : i32
        %dma_start3A_419 = tpu.memref_slice %arg10[%dma_start3A_417, %dma_start3A_418] : memref<1024x64xf32, #tpu.memory_space<vmem>> -> memref<128x64xf32, #tpu.memory_space<vmem>>
        %dma_start3A_420 = arith.constant 0 : i32
        %dma_start3A_421 = tpu.memref_slice %arg9[%dma_start3A, %dma_start3A_420] : memref<16x128xi32, #tpu.memory_space<vmem>> -> memref<1x128xi32, #tpu.memory_space<vmem>>
        %dma_start3A_422 = tpu.memref_squeeze %dma_start3A_421 : memref<1x128xi32, #tpu.memory_space<vmem>> -> memref<128xi32, #tpu.memory_space<vmem>>
        %dma_start3A_423 = arith.constant 0 : i32
        %dma_start3A_424 = arith.constant 0 : i32
        %dma_start3A_425 = tpu.memref_slice %arg4[%dma_start3A_423, %dma_start3A_424] : memref<16384x64xf32, #tpu.memory_space<hbm>> -> memref<16384x64xf32, #tpu.memory_space<hbm>>
        tpu.enqueue_indirect_dma source(%dma_start3A_425 : memref<16384x64xf32, #tpu.memory_space<hbm>>) target(%dma_start3A_419 : memref<128x64xf32, #tpu.memory_space<vmem>>) offsets(%dma_start3A_422 : memref<128xi32, #tpu.memory_space<vmem>>) semaphore(%arg11 : memref<!tpu.dma_semaphore, #tpu.memory_space<semaphore_mem>>)
      } else {
      }
      %add3A_72 = arith.constant 1 : i32
      %add3A_73 = arith.addi %mul3A_68, %add3A_72 : i32
      %lt3A_74 = arith.cmpi slt, %add3A_73, %select_n3A : i32
      %convert_element_type3A_75 = arith.extui %lt3A_74 : i1 to i32
      %cond3A_76 = arith.constant 0 : i32
      %cond3A_77 = arith.cmpi ne, %convert_element_type3A_75, %cond3A_76 : i32
      scf.if %cond3A_77 {
        %mul3A_259 = arith.constant 128 : i32
        %mul3A_260 = arith.muli %add3A_73, %mul3A_259 : i32
        %add3A_261 = arith.constant 0 : i32
        %add3A_262 = arith.addi %mul3A_260, %add3A_261 : i32
        %get3A = arith.index_cast %add3A_262 : i32 to index
        %get3A_263 = tpu.vector_load %arg7[%get3A] {strides = array<i32>} : memref<3392xi32, #tpu.memory_space<vmem>>, vector<16xi32>,
        %swap3A = arith.constant 2 : i32
        %swap3A_264 = arith.index_cast %swap3A : i32 to index
        %swap3A_265 = arith.constant 0 : index
        %swap3A_266 = tpu.vector_load %arg9[%swap3A_264, %swap3A_265] {strides = array<i32>} : memref<16x128xi32, #tpu.memory_space<vmem>>, vector<16xi32>,
        tpu.vector_store %arg9[%swap3A_264, %swap3A_265], %get3A_263 {strides = array<i32>} : memref<16x128xi32, #tpu.memory_space<vmem>>, vector<16xi32>,
        %mul3A_267 = arith.constant 128 : i32
        %mul3A_268 = arith.muli %add3A_73, %mul3A_267 : i32
        %add3A_269 = arith.constant 0 : i32
        %add3A_270 = arith.addi %mul3A_268, %add3A_269 : i32
        %get3A_271 = arith.index_cast %add3A_270 : i32 to index
        %get3A_272 = tpu.vector_load %arg8[%get3A_271] {strides = array<i32>} : memref<3392xi32, #tpu.memory_space<vmem>>, vector<16xi32>,
        %swap3A_273 = arith.constant 3 : i32
        %swap3A_274 = arith.index_cast %swap3A_273 : i32 to index
        %swap3A_275 = arith.constant 0 : index
        %swap3A_276 = tpu.vector_load %arg9[%swap3A_274, %swap3A_275] {strides = array<i32>} : memref<16x128xi32, #tpu.memory_space<vmem>>, vector<16xi32>,
        tpu.vector_store %arg9[%swap3A_274, %swap3A_275], %get3A_272 {strides = array<i32>} : memref<16x128xi32, #tpu.memory_space<vmem>>, vector<16xi32>,
        %mul3A_277 = arith.constant 128 : i32
        %mul3A_278 = arith.muli %add3A_73, %mul3A_277 : i32
        %add3A_279 = arith.constant 16 : i32
        %add3A_280 = arith.addi %mul3A_278, %add3A_279 : i32
        %get3A_281 = arith.index_cast %add3A_280 : i32 to index
        %get3A_282 = tpu.vector_load %arg7[%get3A_281] {strides = array<i32>} : memref<3392xi32, #tpu.memory_space<vmem>>, vector<16xi32>,
        %swap3A_283 = arith.constant 2 : i32
        %swap3A_284 = arith.index_cast %swap3A_283 : i32 to index
        %swap3A_285 = arith.constant 16 : index
        %swap3A_286 = tpu.vector_load %arg9[%swap3A_284, %swap3A_285] {strides = array<i32>} : memref<16x128xi32, #tpu.memory_space<vmem>>, vector<16xi32>,
        tpu.vector_store %arg9[%swap3A_284, %swap3A_285], %get3A_282 {strides = array<i32>} : memref<16x128xi32, #tpu.memory_space<vmem>>, vector<16xi32>,
        %mul3A_287 = arith.constant 128 : i32
        %mul3A_288 = arith.muli %add3A_73, %mul3A_287 : i32
        %add3A_289 = arith.constant 16 : i32
        %add3A_290 = arith.addi %mul3A_288, %add3A_289 : i32
        %get3A_291 = arith.index_cast %add3A_290 : i32 to index
        %get3A_292 = tpu.vector_load %arg8[%get3A_291] {strides = array<i32>} : memref<3392xi32, #tpu.memory_space<vmem>>, vector<16xi32>,
        %swap3A_293 = arith.constant 3 : i32
        %swap3A_294 = arith.index_cast %swap3A_293 : i32 to index
        %swap3A_295 = arith.constant 16 : index
        %swap3A_296 = tpu.vector_load %arg9[%swap3A_294, %swap3A_295] {strides = array<i32>} : memref<16x128xi32, #tpu.memory_space<vmem>>, vector<16xi32>,
        tpu.vector_store %arg9[%swap3A_294, %swap3A_295], %get3A_292 {strides = array<i32>} : memref<16x128xi32, #tpu.memory_space<vmem>>, vector<16xi32>,
        %mul3A_297 = arith.constant 128 : i32
        %mul3A_298 = arith.muli %add3A_73, %mul3A_297 : i32
        %add3A_299 = arith.constant 32 : i32
        %add3A_300 = arith.addi %mul3A_298, %add3A_299 : i32
        %get3A_301 = arith.index_cast %add3A_300 : i32 to index
        %get3A_302 = tpu.vector_load %arg7[%get3A_301] {strides = array<i32>} : memref<3392xi32, #tpu.memory_space<vmem>>, vector<16xi32>,
        %swap3A_303 = arith.constant 2 : i32
        %swap3A_304 = arith.index_cast %swap3A_303 : i32 to index
        %swap3A_305 = arith.constant 32 : index
        %swap3A_306 = tpu.vector_load %arg9[%swap3A_304, %swap3A_305] {strides = array<i32>} : memref<16x128xi32, #tpu.memory_space<vmem>>, vector<16xi32>,
        tpu.vector_store %arg9[%swap3A_304, %swap3A_305], %get3A_302 {strides = array<i32>} : memref<16x128xi32, #tpu.memory_space<vmem>>, vector<16xi32>,
        %mul3A_307 = arith.constant 128 : i32
        %mul3A_308 = arith.muli %add3A_73, %mul3A_307 : i32
        %add3A_309 = arith.constant 32 : i32
        %add3A_310 = arith.addi %mul3A_308, %add3A_309 : i32
        %get3A_311 = arith.index_cast %add3A_310 : i32 to index
        %get3A_312 = tpu.vector_load %arg8[%get3A_311] {strides = array<i32>} : memref<3392xi32, #tpu.memory_space<vmem>>, vector<16xi32>,
        %swap3A_313 = arith.constant 3 : i32
        %swap3A_314 = arith.index_cast %swap3A_313 : i32 to index
        %swap3A_315 = arith.constant 32 : index
        %swap3A_316 = tpu.vector_load %arg9[%swap3A_314, %swap3A_315] {strides = array<i32>} : memref<16x128xi32, #tpu.memory_space<vmem>>, vector<16xi32>,
        tpu.vector_store %arg9[%swap3A_314, %swap3A_315], %get3A_312 {strides = array<i32>} : memref<16x128xi32, #tpu.memory_space<vmem>>, vector<16xi32>,
        %mul3A_317 = arith.constant 128 : i32
        %mul3A_318 = arith.muli %add3A_73, %mul3A_317 : i32
        %add3A_319 = arith.constant 48 : i32
        %add3A_320 = arith.addi %mul3A_318, %add3A_319 : i32
        %get3A_321 = arith.index_cast %add3A_320 : i32 to index
        %get3A_322 = tpu.vector_load %arg7[%get3A_321] {strides = array<i32>} : memref<3392xi32, #tpu.memory_space<vmem>>, vector<16xi32>,
        %swap3A_323 = arith.constant 2 : i32
        %swap3A_324 = arith.index_cast %swap3A_323 : i32 to index
        %swap3A_325 = arith.constant 48 : index
        %swap3A_326 = tpu.vector_load %arg9[%swap3A_324, %swap3A_325] {strides = array<i32>} : memref<16x128xi32, #tpu.memory_space<vmem>>, vector<16xi32>,
        tpu.vector_store %arg9[%swap3A_324, %swap3A_325], %get3A_322 {strides = array<i32>} : memref<16x128xi32, #tpu.memory_space<vmem>>, vector<16xi32>,
        %mul3A_327 = arith.constant 128 : i32
        %mul3A_328 = arith.muli %add3A_73, %mul3A_327 : i32
        %add3A_329 = arith.constant 48 : i32
        %add3A_330 = arith.addi %mul3A_328, %add3A_329 : i32
        %get3A_331 = arith.index_cast %add3A_330 : i32 to index
        %get3A_332 = tpu.vector_load %arg8[%get3A_331] {strides = array<i32>} : memref<3392xi32, #tpu.memory_space<vmem>>, vector<16xi32>,
        %swap3A_333 = arith.constant 3 : i32
        %swap3A_334 = arith.index_cast %swap3A_333 : i32 to index
        %swap3A_335 = arith.constant 48 : index
        %swap3A_336 = tpu.vector_load %arg9[%swap3A_334, %swap3A_335] {strides = array<i32>} : memref<16x128xi32, #tpu.memory_space<vmem>>, vector<16xi32>,
        tpu.vector_store %arg9[%swap3A_334, %swap3A_335], %get3A_332 {strides = array<i32>} : memref<16x128xi32, #tpu.memory_space<vmem>>, vector<16xi32>,
        %mul3A_337 = arith.constant 128 : i32
        %mul3A_338 = arith.muli %add3A_73, %mul3A_337 : i32
        %add3A_339 = arith.constant 64 : i32
        %add3A_340 = arith.addi %mul3A_338, %add3A_339 : i32
        %get3A_341 = arith.index_cast %add3A_340 : i32 to index
        %get3A_342 = tpu.vector_load %arg7[%get3A_341] {strides = array<i32>} : memref<3392xi32, #tpu.memory_space<vmem>>, vector<16xi32>,
        %swap3A_343 = arith.constant 2 : i32
        %swap3A_344 = arith.index_cast %swap3A_343 : i32 to index
        %swap3A_345 = arith.constant 64 : index
        %swap3A_346 = tpu.vector_load %arg9[%swap3A_344, %swap3A_345] {strides = array<i32>} : memref<16x128xi32, #tpu.memory_space<vmem>>, vector<16xi32>,
        tpu.vector_store %arg9[%swap3A_344, %swap3A_345], %get3A_342 {strides = array<i32>} : memref<16x128xi32, #tpu.memory_space<vmem>>, vector<16xi32>,
        %mul3A_347 = arith.constant 128 : i32
        %mul3A_348 = arith.muli %add3A_73, %mul3A_347 : i32
        %add3A_349 = arith.constant 64 : i32
        %add3A_350 = arith.addi %mul3A_348, %add3A_349 : i32
        %get3A_351 = arith.index_cast %add3A_350 : i32 to index
        %get3A_352 = tpu.vector_load %arg8[%get3A_351] {strides = array<i32>} : memref<3392xi32, #tpu.memory_space<vmem>>, vector<16xi32>,
        %swap3A_353 = arith.constant 3 : i32
        %swap3A_354 = arith.index_cast %swap3A_353 : i32 to index
        %swap3A_355 = arith.constant 64 : index
        %swap3A_356 = tpu.vector_load %arg9[%swap3A_354, %swap3A_355] {strides = array<i32>} : memref<16x128xi32, #tpu.memory_space<vmem>>, vector<16xi32>,
        tpu.vector_store %arg9[%swap3A_354, %swap3A_355], %get3A_352 {strides = array<i32>} : memref<16x128xi32, #tpu.memory_space<vmem>>, vector<16xi32>,
        %mul3A_357 = arith.constant 128 : i32
        %mul3A_358 = arith.muli %add3A_73, %mul3A_357 : i32
        %add3A_359 = arith.constant 80 : i32
        %add3A_360 = arith.addi %mul3A_358, %add3A_359 : i32
        %get3A_361 = arith.index_cast %add3A_360 : i32 to index
        %get3A_362 = tpu.vector_load %arg7[%get3A_361] {strides = array<i32>} : memref<3392xi32, #tpu.memory_space<vmem>>, vector<16xi32>,
        %swap3A_363 = arith.constant 2 : i32
        %swap3A_364 = arith.index_cast %swap3A_363 : i32 to index
        %swap3A_365 = arith.constant 80 : index
        %swap3A_366 = tpu.vector_load %arg9[%swap3A_364, %swap3A_365] {strides = array<i32>} : memref<16x128xi32, #tpu.memory_space<vmem>>, vector<16xi32>,
        tpu.vector_store %arg9[%swap3A_364, %swap3A_365], %get3A_362 {strides = array<i32>} : memref<16x128xi32, #tpu.memory_space<vmem>>, vector<16xi32>,
        %mul3A_367 = arith.constant 128 : i32
        %mul3A_368 = arith.muli %add3A_73, %mul3A_367 : i32
        %add3A_369 = arith.constant 80 : i32
        %add3A_370 = arith.addi %mul3A_368, %add3A_369 : i32
        %get3A_371 = arith.index_cast %add3A_370 : i32 to index
        %get3A_372 = tpu.vector_load %arg8[%get3A_371] {strides = array<i32>} : memref<3392xi32, #tpu.memory_space<vmem>>, vector<16xi32>,
        %swap3A_373 = arith.constant 3 : i32
        %swap3A_374 = arith.index_cast %swap3A_373 : i32 to index
        %swap3A_375 = arith.constant 80 : index
        %swap3A_376 = tpu.vector_load %arg9[%swap3A_374, %swap3A_375] {strides = array<i32>} : memref<16x128xi32, #tpu.memory_space<vmem>>, vector<16xi32>,
        tpu.vector_store %arg9[%swap3A_374, %swap3A_375], %get3A_372 {strides = array<i32>} : memref<16x128xi32, #tpu.memory_space<vmem>>, vector<16xi32>,
        %mul3A_377 = arith.constant 128 : i32
        %mul3A_378 = arith.muli %add3A_73, %mul3A_377 : i32
        %add3A_379 = arith.constant 96 : i32
        %add3A_380 = arith.addi %mul3A_378, %add3A_379 : i32
        %get3A_381 = arith.index_cast %add3A_380 : i32 to index
        %get3A_382 = tpu.vector_load %arg7[%get3A_381] {strides = array<i32>} : memref<3392xi32, #tpu.memory_space<vmem>>, vector<16xi32>,
        %swap3A_383 = arith.constant 2 : i32
        %swap3A_384 = arith.index_cast %swap3A_383 : i32 to index
        %swap3A_385 = arith.constant 96 : index
        %swap3A_386 = tpu.vector_load %arg9[%swap3A_384, %swap3A_385] {strides = array<i32>} : memref<16x128xi32, #tpu.memory_space<vmem>>, vector<16xi32>,
        tpu.vector_store %arg9[%swap3A_384, %swap3A_385], %get3A_382 {strides = array<i32>} : memref<16x128xi32, #tpu.memory_space<vmem>>, vector<16xi32>,
        %mul3A_387 = arith.constant 128 : i32
        %mul3A_388 = arith.muli %add3A_73, %mul3A_387 : i32
        %add3A_389 = arith.constant 96 : i32
        %add3A_390 = arith.addi %mul3A_388, %add3A_389 : i32
        %get3A_391 = arith.index_cast %add3A_390 : i32 to index
        %get3A_392 = tpu.vector_load %arg8[%get3A_391] {strides = array<i32>} : memref<3392xi32, #tpu.memory_space<vmem>>, vector<16xi32>,
        %swap3A_393 = arith.constant 3 : i32
        %swap3A_394 = arith.index_cast %swap3A_393 : i32 to index
        %swap3A_395 = arith.constant 96 : index
        %swap3A_396 = tpu.vector_load %arg9[%swap3A_394, %swap3A_395] {strides = array<i32>} : memref<16x128xi32, #tpu.memory_space<vmem>>, vector<16xi32>,
        tpu.vector_store %arg9[%swap3A_394, %swap3A_395], %get3A_392 {strides = array<i32>} : memref<16x128xi32, #tpu.memory_space<vmem>>, vector<16xi32>,
        %mul3A_397 = arith.constant 128 : i32
        %mul3A_398 = arith.muli %add3A_73, %mul3A_397 : i32
        %add3A_399 = arith.constant 112 : i32
        %add3A_400 = arith.addi %mul3A_398, %add3A_399 : i32
        %get3A_401 = arith.index_cast %add3A_400 : i32 to index
        %get3A_402 = tpu.vector_load %arg7[%get3A_401] {strides = array<i32>} : memref<3392xi32, #tpu.memory_space<vmem>>, vector<16xi32>,
        %swap3A_403 = arith.constant 2 : i32
        %swap3A_404 = arith.index_cast %swap3A_403 : i32 to index
        %swap3A_405 = arith.constant 112 : index
        %swap3A_406 = tpu.vector_load %arg9[%swap3A_404, %swap3A_405] {strides = array<i32>} : memref<16x128xi32, #tpu.memory_space<vmem>>, vector<16xi32>,
        tpu.vector_store %arg9[%swap3A_404, %swap3A_405], %get3A_402 {strides = array<i32>} : memref<16x128xi32, #tpu.memory_space<vmem>>, vector<16xi32>,
        %mul3A_407 = arith.constant 128 : i32
        %mul3A_408 = arith.muli %add3A_73, %mul3A_407 : i32
        %add3A_409 = arith.constant 112 : i32
        %add3A_410 = arith.addi %mul3A_408, %add3A_409 : i32
        %get3A_411 = arith.index_cast %add3A_410 : i32 to index
        %get3A_412 = tpu.vector_load %arg8[%get3A_411] {strides = array<i32>} : memref<3392xi32, #tpu.memory_space<vmem>>, vector<16xi32>,
        %swap3A_413 = arith.constant 3 : i32
        %swap3A_414 = arith.index_cast %swap3A_413 : i32 to index
        %swap3A_415 = arith.constant 112 : index
        %swap3A_416 = tpu.vector_load %arg9[%swap3A_414, %swap3A_415] {strides = array<i32>} : memref<16x128xi32, #tpu.memory_space<vmem>>, vector<16xi32>,
        tpu.vector_store %arg9[%swap3A_414, %swap3A_415], %get3A_412 {strides = array<i32>} : memref<16x128xi32, #tpu.memory_space<vmem>>, vector<16xi32>,
        %dma_start3A = arith.constant 2 : i32
        %dma_start3A_417 = arith.constant 128 : i32
        %dma_start3A_418 = arith.constant 0 : i32
        %dma_start3A_419 = tpu.memref_slice %arg10[%dma_start3A_417, %dma_start3A_418] : memref<1024x64xf32, #tpu.memory_space<vmem>> -> memref<128x64xf32, #tpu.memory_space<vmem>>
        %dma_start3A_420 = arith.constant 0 : i32
        %dma_start3A_421 = tpu.memref_slice %arg9[%dma_start3A, %dma_start3A_420] : memref<16x128xi32, #tpu.memory_space<vmem>> -> memref<1x128xi32, #tpu.memory_space<vmem>>
        %dma_start3A_422 = tpu.memref_squeeze %dma_start3A_421 : memref<1x128xi32, #tpu.memory_space<vmem>> -> memref<128xi32, #tpu.memory_space<vmem>>
        %dma_start3A_423 = arith.constant 0 : i32
        %dma_start3A_424 = arith.constant 0 : i32
        %dma_start3A_425 = tpu.memref_slice %arg4[%dma_start3A_423, %dma_start3A_424] : memref<16384x64xf32, #tpu.memory_space<hbm>> -> memref<16384x64xf32, #tpu.memory_space<hbm>>
        tpu.enqueue_indirect_dma source(%dma_start3A_425 : memref<16384x64xf32, #tpu.memory_space<hbm>>) target(%dma_start3A_419 : memref<128x64xf32, #tpu.memory_space<vmem>>) offsets(%dma_start3A_422 : memref<128xi32, #tpu.memory_space<vmem>>) semaphore(%arg11 : memref<!tpu.dma_semaphore, #tpu.memory_space<semaphore_mem>>)
      } else {
      }
      %add3A_78 = arith.constant 2 : i32
      %add3A_79 = arith.addi %mul3A_68, %add3A_78 : i32
      %lt3A_80 = arith.cmpi slt, %add3A_79, %select_n3A : i32
      %convert_element_type3A_81 = arith.extui %lt3A_80 : i1 to i32
      %cond3A_82 = arith.constant 0 : i32
      %cond3A_83 = arith.cmpi ne, %convert_element_type3A_81, %cond3A_82 : i32
      scf.if %cond3A_83 {
        %mul3A_259 = arith.constant 128 : i32
        %mul3A_260 = arith.muli %add3A_79, %mul3A_259 : i32
        %add3A_261 = arith.constant 0 : i32
        %add3A_262 = arith.addi %mul3A_260, %add3A_261 : i32
        %get3A = arith.index_cast %add3A_262 : i32 to index
        %get3A_263 = tpu.vector_load %arg7[%get3A] {strides = array<i32>} : memref<3392xi32, #tpu.memory_space<vmem>>, vector<16xi32>,
        %swap3A = arith.constant 4 : i32
        %swap3A_264 = arith.index_cast %swap3A : i32 to index
        %swap3A_265 = arith.constant 0 : index
        %swap3A_266 = tpu.vector_load %arg9[%swap3A_264, %swap3A_265] {strides = array<i32>} : memref<16x128xi32, #tpu.memory_space<vmem>>, vector<16xi32>,
        tpu.vector_store %arg9[%swap3A_264, %swap3A_265], %get3A_263 {strides = array<i32>} : memref<16x128xi32, #tpu.memory_space<vmem>>, vector<16xi32>,
        %mul3A_267 = arith.constant 128 : i32
        %mul3A_268 = arith.muli %add3A_79, %mul3A_267 : i32
        %add3A_269 = arith.constant 0 : i32
        %add3A_270 = arith.addi %mul3A_268, %add3A_269 : i32
        %get3A_271 = arith.index_cast %add3A_270 : i32 to index
        %get3A_272 = tpu.vector_load %arg8[%get3A_271] {strides = array<i32>} : memref<3392xi32, #tpu.memory_space<vmem>>, vector<16xi32>,
        %swap3A_273 = arith.constant 5 : i32
        %swap3A_274 = arith.index_cast %swap3A_273 : i32 to index
        %swap3A_275 = arith.constant 0 : index
        %swap3A_276 = tpu.vector_load %arg9[%swap3A_274, %swap3A_275] {strides = array<i32>} : memref<16x128xi32, #tpu.memory_space<vmem>>, vector<16xi32>,
        tpu.vector_store %arg9[%swap3A_274, %swap3A_275], %get3A_272 {strides = array<i32>} : memref<16x128xi32, #tpu.memory_space<vmem>>, vector<16xi32>,
        %mul3A_277 = arith.constant 128 : i32
        %mul3A_278 = arith.muli %add3A_79, %mul3A_277 : i32
        %add3A_279 = arith.constant 16 : i32
        %add3A_280 = arith.addi %mul3A_278, %add3A_279 : i32
        %get3A_281 = arith.index_cast %add3A_280 : i32 to index
        %get3A_282 = tpu.vector_load %arg7[%get3A_281] {strides = array<i32>} : memref<3392xi32, #tpu.memory_space<vmem>>, vector<16xi32>,
        %swap3A_283 = arith.constant 4 : i32
        %swap3A_284 = arith.index_cast %swap3A_283 : i32 to index
        %swap3A_285 = arith.constant 16 : index
        %swap3A_286 = tpu.vector_load %arg9[%swap3A_284, %swap3A_285] {strides = array<i32>} : memref<16x128xi32, #tpu.memory_space<vmem>>, vector<16xi32>,
        tpu.vector_store %arg9[%swap3A_284, %swap3A_285], %get3A_282 {strides = array<i32>} : memref<16x128xi32, #tpu.memory_space<vmem>>, vector<16xi32>,
        %mul3A_287 = arith.constant 128 : i32
        %mul3A_288 = arith.muli %add3A_79, %mul3A_287 : i32
        %add3A_289 = arith.constant 16 : i32
        %add3A_290 = arith.addi %mul3A_288, %add3A_289 : i32
        %get3A_291 = arith.index_cast %add3A_290 : i32 to index
        %get3A_292 = tpu.vector_load %arg8[%get3A_291] {strides = array<i32>} : memref<3392xi32, #tpu.memory_space<vmem>>, vector<16xi32>,
        %swap3A_293 = arith.constant 5 : i32
        %swap3A_294 = arith.index_cast %swap3A_293 : i32 to index
        %swap3A_295 = arith.constant 16 : index
        %swap3A_296 = tpu.vector_load %arg9[%swap3A_294, %swap3A_295] {strides = array<i32>} : memref<16x128xi32, #tpu.memory_space<vmem>>, vector<16xi32>,
        tpu.vector_store %arg9[%swap3A_294, %swap3A_295], %get3A_292 {strides = array<i32>} : memref<16x128xi32, #tpu.memory_space<vmem>>, vector<16xi32>,
        %mul3A_297 = arith.constant 128 : i32
        %mul3A_298 = arith.muli %add3A_79, %mul3A_297 : i32
        %add3A_299 = arith.constant 32 : i32
        %add3A_300 = arith.addi %mul3A_298, %add3A_299 : i32
        %get3A_301 = arith.index_cast %add3A_300 : i32 to index
        %get3A_302 = tpu.vector_load %arg7[%get3A_301] {strides = array<i32>} : memref<3392xi32, #tpu.memory_space<vmem>>, vector<16xi32>,
        %swap3A_303 = arith.constant 4 : i32
        %swap3A_304 = arith.index_cast %swap3A_303 : i32 to index
        %swap3A_305 = arith.constant 32 : index
        %swap3A_306 = tpu.vector_load %arg9[%swap3A_304, %swap3A_305] {strides = array<i32>} : memref<16x128xi32, #tpu.memory_space<vmem>>, vector<16xi32>,
        tpu.vector_store %arg9[%swap3A_304, %swap3A_305], %get3A_302 {strides = array<i32>} : memref<16x128xi32, #tpu.memory_space<vmem>>, vector<16xi32>,
        %mul3A_307 = arith.constant 128 : i32
        %mul3A_308 = arith.muli %add3A_79, %mul3A_307 : i32
        %add3A_309 = arith.constant 32 : i32
        %add3A_310 = arith.addi %mul3A_308, %add3A_309 : i32
        %get3A_311 = arith.index_cast %add3A_310 : i32 to index
        %get3A_312 = tpu.vector_load %arg8[%get3A_311] {strides = array<i32>} : memref<3392xi32, #tpu.memory_space<vmem>>, vector<16xi32>,
        %swap3A_313 = arith.constant 5 : i32
        %swap3A_314 = arith.index_cast %swap3A_313 : i32 to index
        %swap3A_315 = arith.constant 32 : index
        %swap3A_316 = tpu.vector_load %arg9[%swap3A_314, %swap3A_315] {strides = array<i32>} : memref<16x128xi32, #tpu.memory_space<vmem>>, vector<16xi32>,
        tpu.vector_store %arg9[%swap3A_314, %swap3A_315], %get3A_312 {strides = array<i32>} : memref<16x128xi32, #tpu.memory_space<vmem>>, vector<16xi32>,
        %mul3A_317 = arith.constant 128 : i32
        %mul3A_318 = arith.muli %add3A_79, %mul3A_317 : i32
        %add3A_319 = arith.constant 48 : i32
        %add3A_320 = arith.addi %mul3A_318, %add3A_319 : i32
        %get3A_321 = arith.index_cast %add3A_320 : i32 to index
        %get3A_322 = tpu.vector_load %arg7[%get3A_321] {strides = array<i32>} : memref<3392xi32, #tpu.memory_space<vmem>>, vector<16xi32>,
        %swap3A_323 = arith.constant 4 : i32
        %swap3A_324 = arith.index_cast %swap3A_323 : i32 to index
        %swap3A_325 = arith.constant 48 : index
        %swap3A_326 = tpu.vector_load %arg9[%swap3A_324, %swap3A_325] {strides = array<i32>} : memref<16x128xi32, #tpu.memory_space<vmem>>, vector<16xi32>,
        tpu.vector_store %arg9[%swap3A_324, %swap3A_325], %get3A_322 {strides = array<i32>} : memref<16x128xi32, #tpu.memory_space<vmem>>, vector<16xi32>,
        %mul3A_327 = arith.constant 128 : i32
        %mul3A_328 = arith.muli %add3A_79, %mul3A_327 : i32
        %add3A_329 = arith.constant 48 : i32
        %add3A_330 = arith.addi %mul3A_328, %add3A_329 : i32
        %get3A_331 = arith.index_cast %add3A_330 : i32 to index
        %get3A_332 = tpu.vector_load %arg8[%get3A_331] {strides = array<i32>} : memref<3392xi32, #tpu.memory_space<vmem>>, vector<16xi32>,
        %swap3A_333 = arith.constant 5 : i32
        %swap3A_334 = arith.index_cast %swap3A_333 : i32 to index
        %swap3A_335 = arith.constant 48 : index
        %swap3A_336 = tpu.vector_load %arg9[%swap3A_334, %swap3A_335] {strides = array<i32>} : memref<16x128xi32, #tpu.memory_space<vmem>>, vector<16xi32>,
        tpu.vector_store %arg9[%swap3A_334, %swap3A_335], %get3A_332 {strides = array<i32>} : memref<16x128xi32, #tpu.memory_space<vmem>>, vector<16xi32>,
        %mul3A_337 = arith.constant 128 : i32
        %mul3A_338 = arith.muli %add3A_79, %mul3A_337 : i32
        %add3A_339 = arith.constant 64 : i32
        %add3A_340 = arith.addi %mul3A_338, %add3A_339 : i32
        %get3A_341 = arith.index_cast %add3A_340 : i32 to index
        %get3A_342 = tpu.vector_load %arg7[%get3A_341] {strides = array<i32>} : memref<3392xi32, #tpu.memory_space<vmem>>, vector<16xi32>,
        %swap3A_343 = arith.constant 4 : i32
        %swap3A_344 = arith.index_cast %swap3A_343 : i32 to index
        %swap3A_345 = arith.constant 64 : index
        %swap3A_346 = tpu.vector_load %arg9[%swap3A_344, %swap3A_345] {strides = array<i32>} : memref<16x128xi32, #tpu.memory_space<vmem>>, vector<16xi32>,
        tpu.vector_store %arg9[%swap3A_344, %swap3A_345], %get3A_342 {strides = array<i32>} : memref<16x128xi32, #tpu.memory_space<vmem>>, vector<16xi32>,
        %mul3A_347 = arith.constant 128 : i32
        %mul3A_348 = arith.muli %add3A_79, %mul3A_347 : i32
        %add3A_349 = arith.constant 64 : i32
        %add3A_350 = arith.addi %mul3A_348, %add3A_349 : i32
        %get3A_351 = arith.index_cast %add3A_350 : i32 to index
        %get3A_352 = tpu.vector_load %arg8[%get3A_351] {strides = array<i32>} : memref<3392xi32, #tpu.memory_space<vmem>>, vector<16xi32>,
        %swap3A_353 = arith.constant 5 : i32
        %swap3A_354 = arith.index_cast %swap3A_353 : i32 to index
        %swap3A_355 = arith.constant 64 : index
        %swap3A_356 = tpu.vector_load %arg9[%swap3A_354, %swap3A_355] {strides = array<i32>} : memref<16x128xi32, #tpu.memory_space<vmem>>, vector<16xi32>,
        tpu.vector_store %arg9[%swap3A_354, %swap3A_355], %get3A_352 {strides = array<i32>} : memref<16x128xi32, #tpu.memory_space<vmem>>, vector<16xi32>,
        %mul3A_357 = arith.constant 128 : i32
        %mul3A_358 = arith.muli %add3A_79, %mul3A_357 : i32
        %add3A_359 = arith.constant 80 : i32
        %add3A_360 = arith.addi %mul3A_358, %add3A_359 : i32
        %get3A_361 = arith.index_cast %add3A_360 : i32 to index
        %get3A_362 = tpu.vector_load %arg7[%get3A_361] {strides = array<i32>} : memref<3392xi32, #tpu.memory_space<vmem>>, vector<16xi32>,
        %swap3A_363 = arith.constant 4 : i32
        %swap3A_364 = arith.index_cast %swap3A_363 : i32 to index
        %swap3A_365 = arith.constant 80 : index
        %swap3A_366 = tpu.vector_load %arg9[%swap3A_364, %swap3A_365] {strides = array<i32>} : memref<16x128xi32, #tpu.memory_space<vmem>>, vector<16xi32>,
        tpu.vector_store %arg9[%swap3A_364, %swap3A_365], %get3A_362 {strides = array<i32>} : memref<16x128xi32, #tpu.memory_space<vmem>>, vector<16xi32>,
        %mul3A_367 = arith.constant 128 : i32
        %mul3A_368 = arith.muli %add3A_79, %mul3A_367 : i32
        %add3A_369 = arith.constant 80 : i32
        %add3A_370 = arith.addi %mul3A_368, %add3A_369 : i32
        %get3A_371 = arith.index_cast %add3A_370 : i32 to index
        %get3A_372 = tpu.vector_load %arg8[%get3A_371] {strides = array<i32>} : memref<3392xi32, #tpu.memory_space<vmem>>, vector<16xi32>,
        %swap3A_373 = arith.constant 5 : i32
        %swap3A_374 = arith.index_cast %swap3A_373 : i32 to index
        %swap3A_375 = arith.constant 80 : index
        %swap3A_376 = tpu.vector_load %arg9[%swap3A_374, %swap3A_375] {strides = array<i32>} : memref<16x128xi32, #tpu.memory_space<vmem>>, vector<16xi32>,
        tpu.vector_store %arg9[%swap3A_374, %swap3A_375], %get3A_372 {strides = array<i32>} : memref<16x128xi32, #tpu.memory_space<vmem>>, vector<16xi32>,
        %mul3A_377 = arith.constant 128 : i32
        %mul3A_378 = arith.muli %add3A_79, %mul3A_377 : i32
        %add3A_379 = arith.constant 96 : i32
        %add3A_380 = arith.addi %mul3A_378, %add3A_379 : i32
        %get3A_381 = arith.index_cast %add3A_380 : i32 to index
        %get3A_382 = tpu.vector_load %arg7[%get3A_381] {strides = array<i32>} : memref<3392xi32, #tpu.memory_space<vmem>>, vector<16xi32>,
        %swap3A_383 = arith.constant 4 : i32
        %swap3A_384 = arith.index_cast %swap3A_383 : i32 to index
        %swap3A_385 = arith.constant 96 : index
        %swap3A_386 = tpu.vector_load %arg9[%swap3A_384, %swap3A_385] {strides = array<i32>} : memref<16x128xi32, #tpu.memory_space<vmem>>, vector<16xi32>,
        tpu.vector_store %arg9[%swap3A_384, %swap3A_385], %get3A_382 {strides = array<i32>} : memref<16x128xi32, #tpu.memory_space<vmem>>, vector<16xi32>,
        %mul3A_387 = arith.constant 128 : i32
        %mul3A_388 = arith.muli %add3A_79, %mul3A_387 : i32
        %add3A_389 = arith.constant 96 : i32
        %add3A_390 = arith.addi %mul3A_388, %add3A_389 : i32
        %get3A_391 = arith.index_cast %add3A_390 : i32 to index
        %get3A_392 = tpu.vector_load %arg8[%get3A_391] {strides = array<i32>} : memref<3392xi32, #tpu.memory_space<vmem>>, vector<16xi32>,
        %swap3A_393 = arith.constant 5 : i32
        %swap3A_394 = arith.index_cast %swap3A_393 : i32 to index
        %swap3A_395 = arith.constant 96 : index
        %swap3A_396 = tpu.vector_load %arg9[%swap3A_394, %swap3A_395] {strides = array<i32>} : memref<16x128xi32, #tpu.memory_space<vmem>>, vector<16xi32>,
        tpu.vector_store %arg9[%swap3A_394, %swap3A_395], %get3A_392 {strides = array<i32>} : memref<16x128xi32, #tpu.memory_space<vmem>>, vector<16xi32>,
        %mul3A_397 = arith.constant 128 : i32
        %mul3A_398 = arith.muli %add3A_79, %mul3A_397 : i32
        %add3A_399 = arith.constant 112 : i32
        %add3A_400 = arith.addi %mul3A_398, %add3A_399 : i32
        %get3A_401 = arith.index_cast %add3A_400 : i32 to index
        %get3A_402 = tpu.vector_load %arg7[%get3A_401] {strides = array<i32>} : memref<3392xi32, #tpu.memory_space<vmem>>, vector<16xi32>,
        %swap3A_403 = arith.constant 4 : i32
        %swap3A_404 = arith.index_cast %swap3A_403 : i32 to index
        %swap3A_405 = arith.constant 112 : index
        %swap3A_406 = tpu.vector_load %arg9[%swap3A_404, %swap3A_405] {strides = array<i32>} : memref<16x128xi32, #tpu.memory_space<vmem>>, vector<16xi32>,
        tpu.vector_store %arg9[%swap3A_404, %swap3A_405], %get3A_402 {strides = array<i32>} : memref<16x128xi32, #tpu.memory_space<vmem>>, vector<16xi32>,
        %mul3A_407 = arith.constant 128 : i32
        %mul3A_408 = arith.muli %add3A_79, %mul3A_407 : i32
        %add3A_409 = arith.constant 112 : i32
        %add3A_410 = arith.addi %mul3A_408, %add3A_409 : i32
        %get3A_411 = arith.index_cast %add3A_410 : i32 to index
        %get3A_412 = tpu.vector_load %arg8[%get3A_411] {strides = array<i32>} : memref<3392xi32, #tpu.memory_space<vmem>>, vector<16xi32>,
        %swap3A_413 = arith.constant 5 : i32
        %swap3A_414 = arith.index_cast %swap3A_413 : i32 to index
        %swap3A_415 = arith.constant 112 : index
        %swap3A_416 = tpu.vector_load %arg9[%swap3A_414, %swap3A_415] {strides = array<i32>} : memref<16x128xi32, #tpu.memory_space<vmem>>, vector<16xi32>,
        tpu.vector_store %arg9[%swap3A_414, %swap3A_415], %get3A_412 {strides = array<i32>} : memref<16x128xi32, #tpu.memory_space<vmem>>, vector<16xi32>,
        %dma_start3A = arith.constant 4 : i32
        %dma_start3A_417 = arith.constant 256 : i32
        %dma_start3A_418 = arith.constant 0 : i32
        %dma_start3A_419 = tpu.memref_slice %arg10[%dma_start3A_417, %dma_start3A_418] : memref<1024x64xf32, #tpu.memory_space<vmem>> -> memref<128x64xf32, #tpu.memory_space<vmem>>
        %dma_start3A_420 = arith.constant 0 : i32
        %dma_start3A_421 = tpu.memref_slice %arg9[%dma_start3A, %dma_start3A_420] : memref<16x128xi32, #tpu.memory_space<vmem>> -> memref<1x128xi32, #tpu.memory_space<vmem>>
        %dma_start3A_422 = tpu.memref_squeeze %dma_start3A_421 : memref<1x128xi32, #tpu.memory_space<vmem>> -> memref<128xi32, #tpu.memory_space<vmem>>
        %dma_start3A_423 = arith.constant 0 : i32
        %dma_start3A_424 = arith.constant 0 : i32
        %dma_start3A_425 = tpu.memref_slice %arg4[%dma_start3A_423, %dma_start3A_424] : memref<16384x64xf32, #tpu.memory_space<hbm>> -> memref<16384x64xf32, #tpu.memory_space<hbm>>
        tpu.enqueue_indirect_dma source(%dma_start3A_425 : memref<16384x64xf32, #tpu.memory_space<hbm>>) target(%dma_start3A_419 : memref<128x64xf32, #tpu.memory_space<vmem>>) offsets(%dma_start3A_422 : memref<128xi32, #tpu.memory_space<vmem>>) semaphore(%arg11 : memref<!tpu.dma_semaphore, #tpu.memory_space<semaphore_mem>>)
      } else {
      }
      %add3A_84 = arith.constant 3 : i32
      %add3A_85 = arith.addi %mul3A_68, %add3A_84 : i32
      %lt3A_86 = arith.cmpi slt, %add3A_85, %select_n3A : i32
      %convert_element_type3A_87 = arith.extui %lt3A_86 : i1 to i32
      %cond3A_88 = arith.constant 0 : i32
      %cond3A_89 = arith.cmpi ne, %convert_element_type3A_87, %cond3A_88 : i32
      scf.if %cond3A_89 {
        %mul3A_259 = arith.constant 128 : i32
        %mul3A_260 = arith.muli %add3A_85, %mul3A_259 : i32
        %add3A_261 = arith.constant 0 : i32
        %add3A_262 = arith.addi %mul3A_260, %add3A_261 : i32
        %get3A = arith.index_cast %add3A_262 : i32 to index
        %get3A_263 = tpu.vector_load %arg7[%get3A] {strides = array<i32>} : memref<3392xi32, #tpu.memory_space<vmem>>, vector<16xi32>,
        %swap3A = arith.constant 6 : i32
        %swap3A_264 = arith.index_cast %swap3A : i32 to index
        %swap3A_265 = arith.constant 0 : index
        %swap3A_266 = tpu.vector_load %arg9[%swap3A_264, %swap3A_265] {strides = array<i32>} : memref<16x128xi32, #tpu.memory_space<vmem>>, vector<16xi32>,
        tpu.vector_store %arg9[%swap3A_264, %swap3A_265], %get3A_263 {strides = array<i32>} : memref<16x128xi32, #tpu.memory_space<vmem>>, vector<16xi32>,
        %mul3A_267 = arith.constant 128 : i32
        %mul3A_268 = arith.muli %add3A_85, %mul3A_267 : i32
        %add3A_269 = arith.constant 0 : i32
        %add3A_270 = arith.addi %mul3A_268, %add3A_269 : i32
        %get3A_271 = arith.index_cast %add3A_270 : i32 to index
        %get3A_272 = tpu.vector_load %arg8[%get3A_271] {strides = array<i32>} : memref<3392xi32, #tpu.memory_space<vmem>>, vector<16xi32>,
        %swap3A_273 = arith.constant 7 : i32
        %swap3A_274 = arith.index_cast %swap3A_273 : i32 to index
        %swap3A_275 = arith.constant 0 : index
        %swap3A_276 = tpu.vector_load %arg9[%swap3A_274, %swap3A_275] {strides = array<i32>} : memref<16x128xi32, #tpu.memory_space<vmem>>, vector<16xi32>,
        tpu.vector_store %arg9[%swap3A_274, %swap3A_275], %get3A_272 {strides = array<i32>} : memref<16x128xi32, #tpu.memory_space<vmem>>, vector<16xi32>,
        %mul3A_277 = arith.constant 128 : i32
        %mul3A_278 = arith.muli %add3A_85, %mul3A_277 : i32
        %add3A_279 = arith.constant 16 : i32
        %add3A_280 = arith.addi %mul3A_278, %add3A_279 : i32
        %get3A_281 = arith.index_cast %add3A_280 : i32 to index
        %get3A_282 = tpu.vector_load %arg7[%get3A_281] {strides = array<i32>} : memref<3392xi32, #tpu.memory_space<vmem>>, vector<16xi32>,
        %swap3A_283 = arith.constant 6 : i32
        %swap3A_284 = arith.index_cast %swap3A_283 : i32 to index
        %swap3A_285 = arith.constant 16 : index
        %swap3A_286 = tpu.vector_load %arg9[%swap3A_284, %swap3A_285] {strides = array<i32>} : memref<16x128xi32, #tpu.memory_space<vmem>>, vector<16xi32>,
        tpu.vector_store %arg9[%swap3A_284, %swap3A_285], %get3A_282 {strides = array<i32>} : memref<16x128xi32, #tpu.memory_space<vmem>>, vector<16xi32>,
        %mul3A_287 = arith.constant 128 : i32
        %mul3A_288 = arith.muli %add3A_85, %mul3A_287 : i32
        %add3A_289 = arith.constant 16 : i32
        %add3A_290 = arith.addi %mul3A_288, %add3A_289 : i32
        %get3A_291 = arith.index_cast %add3A_290 : i32 to index
        %get3A_292 = tpu.vector_load %arg8[%get3A_291] {strides = array<i32>} : memref<3392xi32, #tpu.memory_space<vmem>>, vector<16xi32>,
        %swap3A_293 = arith.constant 7 : i32
        %swap3A_294 = arith.index_cast %swap3A_293 : i32 to index
        %swap3A_295 = arith.constant 16 : index
        %swap3A_296 = tpu.vector_load %arg9[%swap3A_294, %swap3A_295] {strides = array<i32>} : memref<16x128xi32, #tpu.memory_space<vmem>>, vector<16xi32>,
        tpu.vector_store %arg9[%swap3A_294, %swap3A_295], %get3A_292 {strides = array<i32>} : memref<16x128xi32, #tpu.memory_space<vmem>>, vector<16xi32>,
        %mul3A_297 = arith.constant 128 : i32
        %mul3A_298 = arith.muli %add3A_85, %mul3A_297 : i32
        %add3A_299 = arith.constant 32 : i32
        %add3A_300 = arith.addi %mul3A_298, %add3A_299 : i32
        %get3A_301 = arith.index_cast %add3A_300 : i32 to index
        %get3A_302 = tpu.vector_load %arg7[%get3A_301] {strides = array<i32>} : memref<3392xi32, #tpu.memory_space<vmem>>, vector<16xi32>,
        %swap3A_303 = arith.constant 6 : i32
        %swap3A_304 = arith.index_cast %swap3A_303 : i32 to index
        %swap3A_305 = arith.constant 32 : index
        %swap3A_306 = tpu.vector_load %arg9[%swap3A_304, %swap3A_305] {strides = array<i32>} : memref<16x128xi32, #tpu.memory_space<vmem>>, vector<16xi32>,
        tpu.vector_store %arg9[%swap3A_304, %swap3A_305], %get3A_302 {strides = array<i32>} : memref<16x128xi32, #tpu.memory_space<vmem>>, vector<16xi32>,
        %mul3A_307 = arith.constant 128 : i32
        %mul3A_308 = arith.muli %add3A_85, %mul3A_307 : i32
        %add3A_309 = arith.constant 32 : i32
        %add3A_310 = arith.addi %mul3A_308, %add3A_309 : i32
        %get3A_311 = arith.index_cast %add3A_310 : i32 to index
        %get3A_312 = tpu.vector_load %arg8[%get3A_311] {strides = array<i32>} : memref<3392xi32, #tpu.memory_space<vmem>>, vector<16xi32>,
        %swap3A_313 = arith.constant 7 : i32
        %swap3A_314 = arith.index_cast %swap3A_313 : i32 to index
        %swap3A_315 = arith.constant 32 : index
        %swap3A_316 = tpu.vector_load %arg9[%swap3A_314, %swap3A_315] {strides = array<i32>} : memref<16x128xi32, #tpu.memory_space<vmem>>, vector<16xi32>,
        tpu.vector_store %arg9[%swap3A_314, %swap3A_315], %get3A_312 {strides = array<i32>} : memref<16x128xi32, #tpu.memory_space<vmem>>, vector<16xi32>,
        %mul3A_317 = arith.constant 128 : i32
        %mul3A_318 = arith.muli %add3A_85, %mul3A_317 : i32
        %add3A_319 = arith.constant 48 : i32
        %add3A_320 = arith.addi %mul3A_318, %add3A_319 : i32
        %get3A_321 = arith.index_cast %add3A_320 : i32 to index
        %get3A_322 = tpu.vector_load %arg7[%get3A_321] {strides = array<i32>} : memref<3392xi32, #tpu.memory_space<vmem>>, vector<16xi32>,
        %swap3A_323 = arith.constant 6 : i32
        %swap3A_324 = arith.index_cast %swap3A_323 : i32 to index
        %swap3A_325 = arith.constant 48 : index
        %swap3A_326 = tpu.vector_load %arg9[%swap3A_324, %swap3A_325] {strides = array<i32>} : memref<16x128xi32, #tpu.memory_space<vmem>>, vector<16xi32>,
        tpu.vector_store %arg9[%swap3A_324, %swap3A_325], %get3A_322 {strides = array<i32>} : memref<16x128xi32, #tpu.memory_space<vmem>>, vector<16xi32>,
        %mul3A_327 = arith.constant 128 : i32
        %mul3A_328 = arith.muli %add3A_85, %mul3A_327 : i32
        %add3A_329 = arith.constant 48 : i32
        %add3A_330 = arith.addi %mul3A_328, %add3A_329 : i32
        %get3A_331 = arith.index_cast %add3A_330 : i32 to index
        %get3A_332 = tpu.vector_load %arg8[%get3A_331] {strides = array<i32>} : memref<3392xi32, #tpu.memory_space<vmem>>, vector<16xi32>,
        %swap3A_333 = arith.constant 7 : i32
        %swap3A_334 = arith.index_cast %swap3A_333 : i32 to index
        %swap3A_335 = arith.constant 48 : index
        %swap3A_336 = tpu.vector_load %arg9[%swap3A_334, %swap3A_335] {strides = array<i32>} : memref<16x128xi32, #tpu.memory_space<vmem>>, vector<16xi32>,
        tpu.vector_store %arg9[%swap3A_334, %swap3A_335], %get3A_332 {strides = array<i32>} : memref<16x128xi32, #tpu.memory_space<vmem>>, vector<16xi32>,
        %mul3A_337 = arith.constant 128 : i32
        %mul3A_338 = arith.muli %add3A_85, %mul3A_337 : i32
        %add3A_339 = arith.constant 64 : i32
        %add3A_340 = arith.addi %mul3A_338, %add3A_339 : i32
        %get3A_341 = arith.index_cast %add3A_340 : i32 to index
        %get3A_342 = tpu.vector_load %arg7[%get3A_341] {strides = array<i32>} : memref<3392xi32, #tpu.memory_space<vmem>>, vector<16xi32>,
        %swap3A_343 = arith.constant 6 : i32
        %swap3A_344 = arith.index_cast %swap3A_343 : i32 to index
        %swap3A_345 = arith.constant 64 : index
        %swap3A_346 = tpu.vector_load %arg9[%swap3A_344, %swap3A_345] {strides = array<i32>} : memref<16x128xi32, #tpu.memory_space<vmem>>, vector<16xi32>,
        tpu.vector_store %arg9[%swap3A_344, %swap3A_345], %get3A_342 {strides = array<i32>} : memref<16x128xi32, #tpu.memory_space<vmem>>, vector<16xi32>,
        %mul3A_347 = arith.constant 128 : i32
        %mul3A_348 = arith.muli %add3A_85, %mul3A_347 : i32
        %add3A_349 = arith.constant 64 : i32
        %add3A_350 = arith.addi %mul3A_348, %add3A_349 : i32
        %get3A_351 = arith.index_cast %add3A_350 : i32 to index
        %get3A_352 = tpu.vector_load %arg8[%get3A_351] {strides = array<i32>} : memref<3392xi32, #tpu.memory_space<vmem>>, vector<16xi32>,
        %swap3A_353 = arith.constant 7 : i32
        %swap3A_354 = arith.index_cast %swap3A_353 : i32 to index
        %swap3A_355 = arith.constant 64 : index
        %swap3A_356 = tpu.vector_load %arg9[%swap3A_354, %swap3A_355] {strides = array<i32>} : memref<16x128xi32, #tpu.memory_space<vmem>>, vector<16xi32>,
        tpu.vector_store %arg9[%swap3A_354, %swap3A_355], %get3A_352 {strides = array<i32>} : memref<16x128xi32, #tpu.memory_space<vmem>>, vector<16xi32>,
        %mul3A_357 = arith.constant 128 : i32
        %mul3A_358 = arith.muli %add3A_85, %mul3A_357 : i32
        %add3A_359 = arith.constant 80 : i32
        %add3A_360 = arith.addi %mul3A_358, %add3A_359 : i32
        %get3A_361 = arith.index_cast %add3A_360 : i32 to index
        %get3A_362 = tpu.vector_load %arg7[%get3A_361] {strides = array<i32>} : memref<3392xi32, #tpu.memory_space<vmem>>, vector<16xi32>,
        %swap3A_363 = arith.constant 6 : i32
        %swap3A_364 = arith.index_cast %swap3A_363 : i32 to index
        %swap3A_365 = arith.constant 80 : index
        %swap3A_366 = tpu.vector_load %arg9[%swap3A_364, %swap3A_365] {strides = array<i32>} : memref<16x128xi32, #tpu.memory_space<vmem>>, vector<16xi32>,
        tpu.vector_store %arg9[%swap3A_364, %swap3A_365], %get3A_362 {strides = array<i32>} : memref<16x128xi32, #tpu.memory_space<vmem>>, vector<16xi32>,
        %mul3A_367 = arith.constant 128 : i32
        %mul3A_368 = arith.muli %add3A_85, %mul3A_367 : i32
        %add3A_369 = arith.constant 80 : i32
        %add3A_370 = arith.addi %mul3A_368, %add3A_369 : i32
        %get3A_371 = arith.index_cast %add3A_370 : i32 to index
        %get3A_372 = tpu.vector_load %arg8[%get3A_371] {strides = array<i32>} : memref<3392xi32, #tpu.memory_space<vmem>>, vector<16xi32>,
        %swap3A_373 = arith.constant 7 : i32
        %swap3A_374 = arith.index_cast %swap3A_373 : i32 to index
        %swap3A_375 = arith.constant 80 : index
        %swap3A_376 = tpu.vector_load %arg9[%swap3A_374, %swap3A_375] {strides = array<i32>} : memref<16x128xi32, #tpu.memory_space<vmem>>, vector<16xi32>,
        tpu.vector_store %arg9[%swap3A_374, %swap3A_375], %get3A_372 {strides = array<i32>} : memref<16x128xi32, #tpu.memory_space<vmem>>, vector<16xi32>,
        %mul3A_377 = arith.constant 128 : i32
        %mul3A_378 = arith.muli %add3A_85, %mul3A_377 : i32
        %add3A_379 = arith.constant 96 : i32
        %add3A_380 = arith.addi %mul3A_378, %add3A_379 : i32
        %get3A_381 = arith.index_cast %add3A_380 : i32 to index
        %get3A_382 = tpu.vector_load %arg7[%get3A_381] {strides = array<i32>} : memref<3392xi32, #tpu.memory_space<vmem>>, vector<16xi32>,
        %swap3A_383 = arith.constant 6 : i32
        %swap3A_384 = arith.index_cast %swap3A_383 : i32 to index
        %swap3A_385 = arith.constant 96 : index
        %swap3A_386 = tpu.vector_load %arg9[%swap3A_384, %swap3A_385] {strides = array<i32>} : memref<16x128xi32, #tpu.memory_space<vmem>>, vector<16xi32>,
        tpu.vector_store %arg9[%swap3A_384, %swap3A_385], %get3A_382 {strides = array<i32>} : memref<16x128xi32, #tpu.memory_space<vmem>>, vector<16xi32>,
        %mul3A_387 = arith.constant 128 : i32
        %mul3A_388 = arith.muli %add3A_85, %mul3A_387 : i32
        %add3A_389 = arith.constant 96 : i32
        %add3A_390 = arith.addi %mul3A_388, %add3A_389 : i32
        %get3A_391 = arith.index_cast %add3A_390 : i32 to index
        %get3A_392 = tpu.vector_load %arg8[%get3A_391] {strides = array<i32>} : memref<3392xi32, #tpu.memory_space<vmem>>, vector<16xi32>,
        %swap3A_393 = arith.constant 7 : i32
        %swap3A_394 = arith.index_cast %swap3A_393 : i32 to index
        %swap3A_395 = arith.constant 96 : index
        %swap3A_396 = tpu.vector_load %arg9[%swap3A_394, %swap3A_395] {strides = array<i32>} : memref<16x128xi32, #tpu.memory_space<vmem>>, vector<16xi32>,
        tpu.vector_store %arg9[%swap3A_394, %swap3A_395], %get3A_392 {strides = array<i32>} : memref<16x128xi32, #tpu.memory_space<vmem>>, vector<16xi32>,
        %mul3A_397 = arith.constant 128 : i32
        %mul3A_398 = arith.muli %add3A_85, %mul3A_397 : i32
        %add3A_399 = arith.constant 112 : i32
        %add3A_400 = arith.addi %mul3A_398, %add3A_399 : i32
        %get3A_401 = arith.index_cast %add3A_400 : i32 to index
        %get3A_402 = tpu.vector_load %arg7[%get3A_401] {strides = array<i32>} : memref<3392xi32, #tpu.memory_space<vmem>>, vector<16xi32>,
        %swap3A_403 = arith.constant 6 : i32
        %swap3A_404 = arith.index_cast %swap3A_403 : i32 to index
        %swap3A_405 = arith.constant 112 : index
        %swap3A_406 = tpu.vector_load %arg9[%swap3A_404, %swap3A_405] {strides = array<i32>} : memref<16x128xi32, #tpu.memory_space<vmem>>, vector<16xi32>,
        tpu.vector_store %arg9[%swap3A_404, %swap3A_405], %get3A_402 {strides = array<i32>} : memref<16x128xi32, #tpu.memory_space<vmem>>, vector<16xi32>,
        %mul3A_407 = arith.constant 128 : i32
        %mul3A_408 = arith.muli %add3A_85, %mul3A_407 : i32
        %add3A_409 = arith.constant 112 : i32
        %add3A_410 = arith.addi %mul3A_408, %add3A_409 : i32
        %get3A_411 = arith.index_cast %add3A_410 : i32 to index
        %get3A_412 = tpu.vector_load %arg8[%get3A_411] {strides = array<i32>} : memref<3392xi32, #tpu.memory_space<vmem>>, vector<16xi32>,
        %swap3A_413 = arith.constant 7 : i32
        %swap3A_414 = arith.index_cast %swap3A_413 : i32 to index
        %swap3A_415 = arith.constant 112 : index
        %swap3A_416 = tpu.vector_load %arg9[%swap3A_414, %swap3A_415] {strides = array<i32>} : memref<16x128xi32, #tpu.memory_space<vmem>>, vector<16xi32>,
        tpu.vector_store %arg9[%swap3A_414, %swap3A_415], %get3A_412 {strides = array<i32>} : memref<16x128xi32, #tpu.memory_space<vmem>>, vector<16xi32>,
        %dma_start3A = arith.constant 6 : i32
        %dma_start3A_417 = arith.constant 384 : i32
        %dma_start3A_418 = arith.constant 0 : i32
        %dma_start3A_419 = tpu.memref_slice %arg10[%dma_start3A_417, %dma_start3A_418] : memref<1024x64xf32, #tpu.memory_space<vmem>> -> memref<128x64xf32, #tpu.memory_space<vmem>>
        %dma_start3A_420 = arith.constant 0 : i32
        %dma_start3A_421 = tpu.memref_slice %arg9[%dma_start3A, %dma_start3A_420] : memref<16x128xi32, #tpu.memory_space<vmem>> -> memref<1x128xi32, #tpu.memory_space<vmem>>
        %dma_start3A_422 = tpu.memref_squeeze %dma_start3A_421 : memref<1x128xi32, #tpu.memory_space<vmem>> -> memref<128xi32, #tpu.memory_space<vmem>>
        %dma_start3A_423 = arith.constant 0 : i32
        %dma_start3A_424 = arith.constant 0 : i32
        %dma_start3A_425 = tpu.memref_slice %arg4[%dma_start3A_423, %dma_start3A_424] : memref<16384x64xf32, #tpu.memory_space<hbm>> -> memref<16384x64xf32, #tpu.memory_space<hbm>>
        tpu.enqueue_indirect_dma source(%dma_start3A_425 : memref<16384x64xf32, #tpu.memory_space<hbm>>) target(%dma_start3A_419 : memref<128x64xf32, #tpu.memory_space<vmem>>) offsets(%dma_start3A_422 : memref<128xi32, #tpu.memory_space<vmem>>) semaphore(%arg11 : memref<!tpu.dma_semaphore, #tpu.memory_space<semaphore_mem>>)
      } else {
      }
      %add3A_90 = arith.constant 4 : i32
      %add3A_91 = arith.addi %mul3A_68, %add3A_90 : i32
      %lt3A_92 = arith.cmpi slt, %add3A_91, %select_n3A : i32
      %convert_element_type3A_93 = arith.extui %lt3A_92 : i1 to i32
      %cond3A_94 = arith.constant 0 : i32
      %cond3A_95 = arith.cmpi ne, %convert_element_type3A_93, %cond3A_94 : i32
      scf.if %cond3A_95 {
        %mul3A_259 = arith.constant 128 : i32
        %mul3A_260 = arith.muli %add3A_91, %mul3A_259 : i32
        %add3A_261 = arith.constant 0 : i32
        %add3A_262 = arith.addi %mul3A_260, %add3A_261 : i32
        %get3A = arith.index_cast %add3A_262 : i32 to index
        %get3A_263 = tpu.vector_load %arg7[%get3A] {strides = array<i32>} : memref<3392xi32, #tpu.memory_space<vmem>>, vector<16xi32>,
        %swap3A = arith.constant 8 : i32
        %swap3A_264 = arith.index_cast %swap3A : i32 to index
        %swap3A_265 = arith.constant 0 : index
        %swap3A_266 = tpu.vector_load %arg9[%swap3A_264, %swap3A_265] {strides = array<i32>} : memref<16x128xi32, #tpu.memory_space<vmem>>, vector<16xi32>,
        tpu.vector_store %arg9[%swap3A_264, %swap3A_265], %get3A_263 {strides = array<i32>} : memref<16x128xi32, #tpu.memory_space<vmem>>, vector<16xi32>,
        %mul3A_267 = arith.constant 128 : i32
        %mul3A_268 = arith.muli %add3A_91, %mul3A_267 : i32
        %add3A_269 = arith.constant 0 : i32
        %add3A_270 = arith.addi %mul3A_268, %add3A_269 : i32
        %get3A_271 = arith.index_cast %add3A_270 : i32 to index
        %get3A_272 = tpu.vector_load %arg8[%get3A_271] {strides = array<i32>} : memref<3392xi32, #tpu.memory_space<vmem>>, vector<16xi32>,
        %swap3A_273 = arith.constant 9 : i32
        %swap3A_274 = arith.index_cast %swap3A_273 : i32 to index
        %swap3A_275 = arith.constant 0 : index
        %swap3A_276 = tpu.vector_load %arg9[%swap3A_274, %swap3A_275] {strides = array<i32>} : memref<16x128xi32, #tpu.memory_space<vmem>>, vector<16xi32>,
        tpu.vector_store %arg9[%swap3A_274, %swap3A_275], %get3A_272 {strides = array<i32>} : memref<16x128xi32, #tpu.memory_space<vmem>>, vector<16xi32>,
        %mul3A_277 = arith.constant 128 : i32
        %mul3A_278 = arith.muli %add3A_91, %mul3A_277 : i32
        %add3A_279 = arith.constant 16 : i32
        %add3A_280 = arith.addi %mul3A_278, %add3A_279 : i32
        %get3A_281 = arith.index_cast %add3A_280 : i32 to index
        %get3A_282 = tpu.vector_load %arg7[%get3A_281] {strides = array<i32>} : memref<3392xi32, #tpu.memory_space<vmem>>, vector<16xi32>,
        %swap3A_283 = arith.constant 8 : i32
        %swap3A_284 = arith.index_cast %swap3A_283 : i32 to index
        %swap3A_285 = arith.constant 16 : index
        %swap3A_286 = tpu.vector_load %arg9[%swap3A_284, %swap3A_285] {strides = array<i32>} : memref<16x128xi32, #tpu.memory_space<vmem>>, vector<16xi32>,
        tpu.vector_store %arg9[%swap3A_284, %swap3A_285], %get3A_282 {strides = array<i32>} : memref<16x128xi32, #tpu.memory_space<vmem>>, vector<16xi32>,
        %mul3A_287 = arith.constant 128 : i32
        %mul3A_288 = arith.muli %add3A_91, %mul3A_287 : i32
        %add3A_289 = arith.constant 16 : i32
        %add3A_290 = arith.addi %mul3A_288, %add3A_289 : i32
        %get3A_291 = arith.index_cast %add3A_290 : i32 to index
        %get3A_292 = tpu.vector_load %arg8[%get3A_291] {strides = array<i32>} : memref<3392xi32, #tpu.memory_space<vmem>>, vector<16xi32>,
        %swap3A_293 = arith.constant 9 : i32
        %swap3A_294 = arith.index_cast %swap3A_293 : i32 to index
        %swap3A_295 = arith.constant 16 : index
        %swap3A_296 = tpu.vector_load %arg9[%swap3A_294, %swap3A_295] {strides = array<i32>} : memref<16x128xi32, #tpu.memory_space<vmem>>, vector<16xi32>,
        tpu.vector_store %arg9[%swap3A_294, %swap3A_295], %get3A_292 {strides = array<i32>} : memref<16x128xi32, #tpu.memory_space<vmem>>, vector<16xi32>,
        %mul3A_297 = arith.constant 128 : i32
        %mul3A_298 = arith.muli %add3A_91, %mul3A_297 : i32
        %add3A_299 = arith.constant 32 : i32
        %add3A_300 = arith.addi %mul3A_298, %add3A_299 : i32
        %get3A_301 = arith.index_cast %add3A_300 : i32 to index
        %get3A_302 = tpu.vector_load %arg7[%get3A_301] {strides = array<i32>} : memref<3392xi32, #tpu.memory_space<vmem>>, vector<16xi32>,
        %swap3A_303 = arith.constant 8 : i32
        %swap3A_304 = arith.index_cast %swap3A_303 : i32 to index
        %swap3A_305 = arith.constant 32 : index
        %swap3A_306 = tpu.vector_load %arg9[%swap3A_304, %swap3A_305] {strides = array<i32>} : memref<16x128xi32, #tpu.memory_space<vmem>>, vector<16xi32>,
        tpu.vector_store %arg9[%swap3A_304, %swap3A_305], %get3A_302 {strides = array<i32>} : memref<16x128xi32, #tpu.memory_space<vmem>>, vector<16xi32>,
        %mul3A_307 = arith.constant 128 : i32
        %mul3A_308 = arith.muli %add3A_91, %mul3A_307 : i32
        %add3A_309 = arith.constant 32 : i32
        %add3A_310 = arith.addi %mul3A_308, %add3A_309 : i32
        %get3A_311 = arith.index_cast %add3A_310 : i32 to index
        %get3A_312 = tpu.vector_load %arg8[%get3A_311] {strides = array<i32>} : memref<3392xi32, #tpu.memory_space<vmem>>, vector<16xi32>,
        %swap3A_313 = arith.constant 9 : i32
        %swap3A_314 = arith.index_cast %swap3A_313 : i32 to index
        %swap3A_315 = arith.constant 32 : index
        %swap3A_316 = tpu.vector_load %arg9[%swap3A_314, %swap3A_315] {strides = array<i32>} : memref<16x128xi32, #tpu.memory_space<vmem>>, vector<16xi32>,
        tpu.vector_store %arg9[%swap3A_314, %swap3A_315], %get3A_312 {strides = array<i32>} : memref<16x128xi32, #tpu.memory_space<vmem>>, vector<16xi32>,
        %mul3A_317 = arith.constant 128 : i32
        %mul3A_318 = arith.muli %add3A_91, %mul3A_317 : i32
        %add3A_319 = arith.constant 48 : i32
        %add3A_320 = arith.addi %mul3A_318, %add3A_319 : i32
        %get3A_321 = arith.index_cast %add3A_320 : i32 to index
        %get3A_322 = tpu.vector_load %arg7[%get3A_321] {strides = array<i32>} : memref<3392xi32, #tpu.memory_space<vmem>>, vector<16xi32>,
        %swap3A_323 = arith.constant 8 : i32
        %swap3A_324 = arith.index_cast %swap3A_323 : i32 to index
        %swap3A_325 = arith.constant 48 : index
        %swap3A_326 = tpu.vector_load %arg9[%swap3A_324, %swap3A_325] {strides = array<i32>} : memref<16x128xi32, #tpu.memory_space<vmem>>, vector<16xi32>,
        tpu.vector_store %arg9[%swap3A_324, %swap3A_325], %get3A_322 {strides = array<i32>} : memref<16x128xi32, #tpu.memory_space<vmem>>, vector<16xi32>,
        %mul3A_327 = arith.constant 128 : i32
        %mul3A_328 = arith.muli %add3A_91, %mul3A_327 : i32
        %add3A_329 = arith.constant 48 : i32
        %add3A_330 = arith.addi %mul3A_328, %add3A_329 : i32
        %get3A_331 = arith.index_cast %add3A_330 : i32 to index
        %get3A_332 = tpu.vector_load %arg8[%get3A_331] {strides = array<i32>} : memref<3392xi32, #tpu.memory_space<vmem>>, vector<16xi32>,
        %swap3A_333 = arith.constant 9 : i32
        %swap3A_334 = arith.index_cast %swap3A_333 : i32 to index
        %swap3A_335 = arith.constant 48 : index
        %swap3A_336 = tpu.vector_load %arg9[%swap3A_334, %swap3A_335] {strides = array<i32>} : memref<16x128xi32, #tpu.memory_space<vmem>>, vector<16xi32>,
        tpu.vector_store %arg9[%swap3A_334, %swap3A_335], %get3A_332 {strides = array<i32>} : memref<16x128xi32, #tpu.memory_space<vmem>>, vector<16xi32>,
        %mul3A_337 = arith.constant 128 : i32
        %mul3A_338 = arith.muli %add3A_91, %mul3A_337 : i32
        %add3A_339 = arith.constant 64 : i32
        %add3A_340 = arith.addi %mul3A_338, %add3A_339 : i32
        %get3A_341 = arith.index_cast %add3A_340 : i32 to index
        %get3A_342 = tpu.vector_load %arg7[%get3A_341] {strides = array<i32>} : memref<3392xi32, #tpu.memory_space<vmem>>, vector<16xi32>,
        %swap3A_343 = arith.constant 8 : i32
        %swap3A_344 = arith.index_cast %swap3A_343 : i32 to index
        %swap3A_345 = arith.constant 64 : index
        %swap3A_346 = tpu.vector_load %arg9[%swap3A_344, %swap3A_345] {strides = array<i32>} : memref<16x128xi32, #tpu.memory_space<vmem>>, vector<16xi32>,
        tpu.vector_store %arg9[%swap3A_344, %swap3A_345], %get3A_342 {strides = array<i32>} : memref<16x128xi32, #tpu.memory_space<vmem>>, vector<16xi32>,
        %mul3A_347 = arith.constant 128 : i32
        %mul3A_348 = arith.muli %add3A_91, %mul3A_347 : i32
        %add3A_349 = arith.constant 64 : i32
        %add3A_350 = arith.addi %mul3A_348, %add3A_349 : i32
        %get3A_351 = arith.index_cast %add3A_350 : i32 to index
        %get3A_352 = tpu.vector_load %arg8[%get3A_351] {strides = array<i32>} : memref<3392xi32, #tpu.memory_space<vmem>>, vector<16xi32>,
        %swap3A_353 = arith.constant 9 : i32
        %swap3A_354 = arith.index_cast %swap3A_353 : i32 to index
        %swap3A_355 = arith.constant 64 : index
        %swap3A_356 = tpu.vector_load %arg9[%swap3A_354, %swap3A_355] {strides = array<i32>} : memref<16x128xi32, #tpu.memory_space<vmem>>, vector<16xi32>,
        tpu.vector_store %arg9[%swap3A_354, %swap3A_355], %get3A_352 {strides = array<i32>} : memref<16x128xi32, #tpu.memory_space<vmem>>, vector<16xi32>,
        %mul3A_357 = arith.constant 128 : i32
        %mul3A_358 = arith.muli %add3A_91, %mul3A_357 : i32
        %add3A_359 = arith.constant 80 : i32
        %add3A_360 = arith.addi %mul3A_358, %add3A_359 : i32
        %get3A_361 = arith.index_cast %add3A_360 : i32 to index
        %get3A_362 = tpu.vector_load %arg7[%get3A_361] {strides = array<i32>} : memref<3392xi32, #tpu.memory_space<vmem>>, vector<16xi32>,
        %swap3A_363 = arith.constant 8 : i32
        %swap3A_364 = arith.index_cast %swap3A_363 : i32 to index
        %swap3A_365 = arith.constant 80 : index
        %swap3A_366 = tpu.vector_load %arg9[%swap3A_364, %swap3A_365] {strides = array<i32>} : memref<16x128xi32, #tpu.memory_space<vmem>>, vector<16xi32>,
        tpu.vector_store %arg9[%swap3A_364, %swap3A_365], %get3A_362 {strides = array<i32>} : memref<16x128xi32, #tpu.memory_space<vmem>>, vector<16xi32>,
        %mul3A_367 = arith.constant 128 : i32
        %mul3A_368 = arith.muli %add3A_91, %mul3A_367 : i32
        %add3A_369 = arith.constant 80 : i32
        %add3A_370 = arith.addi %mul3A_368, %add3A_369 : i32
        %get3A_371 = arith.index_cast %add3A_370 : i32 to index
        %get3A_372 = tpu.vector_load %arg8[%get3A_371] {strides = array<i32>} : memref<3392xi32, #tpu.memory_space<vmem>>, vector<16xi32>,
        %swap3A_373 = arith.constant 9 : i32
        %swap3A_374 = arith.index_cast %swap3A_373 : i32 to index
        %swap3A_375 = arith.constant 80 : index
        %swap3A_376 = tpu.vector_load %arg9[%swap3A_374, %swap3A_375] {strides = array<i32>} : memref<16x128xi32, #tpu.memory_space<vmem>>, vector<16xi32>,
        tpu.vector_store %arg9[%swap3A_374, %swap3A_375], %get3A_372 {strides = array<i32>} : memref<16x128xi32, #tpu.memory_space<vmem>>, vector<16xi32>,
        %mul3A_377 = arith.constant 128 : i32
        %mul3A_378 = arith.muli %add3A_91, %mul3A_377 : i32
        %add3A_379 = arith.constant 96 : i32
        %add3A_380 = arith.addi %mul3A_378, %add3A_379 : i32
        %get3A_381 = arith.index_cast %add3A_380 : i32 to index
        %get3A_382 = tpu.vector_load %arg7[%get3A_381] {strides = array<i32>} : memref<3392xi32, #tpu.memory_space<vmem>>, vector<16xi32>,
        %swap3A_383 = arith.constant 8 : i32
        %swap3A_384 = arith.index_cast %swap3A_383 : i32 to index
        %swap3A_385 = arith.constant 96 : index
        %swap3A_386 = tpu.vector_load %arg9[%swap3A_384, %swap3A_385] {strides = array<i32>} : memref<16x128xi32, #tpu.memory_space<vmem>>, vector<16xi32>,
        tpu.vector_store %arg9[%swap3A_384, %swap3A_385], %get3A_382 {strides = array<i32>} : memref<16x128xi32, #tpu.memory_space<vmem>>, vector<16xi32>,
        %mul3A_387 = arith.constant 128 : i32
        %mul3A_388 = arith.muli %add3A_91, %mul3A_387 : i32
        %add3A_389 = arith.constant 96 : i32
        %add3A_390 = arith.addi %mul3A_388, %add3A_389 : i32
        %get3A_391 = arith.index_cast %add3A_390 : i32 to index
        %get3A_392 = tpu.vector_load %arg8[%get3A_391] {strides = array<i32>} : memref<3392xi32, #tpu.memory_space<vmem>>, vector<16xi32>,
        %swap3A_393 = arith.constant 9 : i32
        %swap3A_394 = arith.index_cast %swap3A_393 : i32 to index
        %swap3A_395 = arith.constant 96 : index
        %swap3A_396 = tpu.vector_load %arg9[%swap3A_394, %swap3A_395] {strides = array<i32>} : memref<16x128xi32, #tpu.memory_space<vmem>>, vector<16xi32>,
        tpu.vector_store %arg9[%swap3A_394, %swap3A_395], %get3A_392 {strides = array<i32>} : memref<16x128xi32, #tpu.memory_space<vmem>>, vector<16xi32>,
        %mul3A_397 = arith.constant 128 : i32
        %mul3A_398 = arith.muli %add3A_91, %mul3A_397 : i32
        %add3A_399 = arith.constant 112 : i32
        %add3A_400 = arith.addi %mul3A_398, %add3A_399 : i32
        %get3A_401 = arith.index_cast %add3A_400 : i32 to index
        %get3A_402 = tpu.vector_load %arg7[%get3A_401] {strides = array<i32>} : memref<3392xi32, #tpu.memory_space<vmem>>, vector<16xi32>,
        %swap3A_403 = arith.constant 8 : i32
        %swap3A_404 = arith.index_cast %swap3A_403 : i32 to index
        %swap3A_405 = arith.constant 112 : index
        %swap3A_406 = tpu.vector_load %arg9[%swap3A_404, %swap3A_405] {strides = array<i32>} : memref<16x128xi32, #tpu.memory_space<vmem>>, vector<16xi32>,
        tpu.vector_store %arg9[%swap3A_404, %swap3A_405], %get3A_402 {strides = array<i32>} : memref<16x128xi32, #tpu.memory_space<vmem>>, vector<16xi32>,
        %mul3A_407 = arith.constant 128 : i32
        %mul3A_408 = arith.muli %add3A_91, %mul3A_407 : i32
        %add3A_409 = arith.constant 112 : i32
        %add3A_410 = arith.addi %mul3A_408, %add3A_409 : i32
        %get3A_411 = arith.index_cast %add3A_410 : i32 to index
        %get3A_412 = tpu.vector_load %arg8[%get3A_411] {strides = array<i32>} : memref<3392xi32, #tpu.memory_space<vmem>>, vector<16xi32>,
        %swap3A_413 = arith.constant 9 : i32
        %swap3A_414 = arith.index_cast %swap3A_413 : i32 to index
        %swap3A_415 = arith.constant 112 : index
        %swap3A_416 = tpu.vector_load %arg9[%swap3A_414, %swap3A_415] {strides = array<i32>} : memref<16x128xi32, #tpu.memory_space<vmem>>, vector<16xi32>,
        tpu.vector_store %arg9[%swap3A_414, %swap3A_415], %get3A_412 {strides = array<i32>} : memref<16x128xi32, #tpu.memory_space<vmem>>, vector<16xi32>,
        %dma_start3A = arith.constant 8 : i32
        %dma_start3A_417 = arith.constant 512 : i32
        %dma_start3A_418 = arith.constant 0 : i32
        %dma_start3A_419 = tpu.memref_slice %arg10[%dma_start3A_417, %dma_start3A_418] : memref<1024x64xf32, #tpu.memory_space<vmem>> -> memref<128x64xf32, #tpu.memory_space<vmem>>
        %dma_start3A_420 = arith.constant 0 : i32
        %dma_start3A_421 = tpu.memref_slice %arg9[%dma_start3A, %dma_start3A_420] : memref<16x128xi32, #tpu.memory_space<vmem>> -> memref<1x128xi32, #tpu.memory_space<vmem>>
        %dma_start3A_422 = tpu.memref_squeeze %dma_start3A_421 : memref<1x128xi32, #tpu.memory_space<vmem>> -> memref<128xi32, #tpu.memory_space<vmem>>
        %dma_start3A_423 = arith.constant 0 : i32
        %dma_start3A_424 = arith.constant 0 : i32
        %dma_start3A_425 = tpu.memref_slice %arg4[%dma_start3A_423, %dma_start3A_424] : memref<16384x64xf32, #tpu.memory_space<hbm>> -> memref<16384x64xf32, #tpu.memory_space<hbm>>
        tpu.enqueue_indirect_dma source(%dma_start3A_425 : memref<16384x64xf32, #tpu.memory_space<hbm>>) target(%dma_start3A_419 : memref<128x64xf32, #tpu.memory_space<vmem>>) offsets(%dma_start3A_422 : memref<128xi32, #tpu.memory_space<vmem>>) semaphore(%arg11 : memref<!tpu.dma_semaphore, #tpu.memory_space<semaphore_mem>>)
      } else {
      }
      %add3A_96 = arith.constant 5 : i32
      %add3A_97 = arith.addi %mul3A_68, %add3A_96 : i32
      %lt3A_98 = arith.cmpi slt, %add3A_97, %select_n3A : i32
      %convert_element_type3A_99 = arith.extui %lt3A_98 : i1 to i32
      %cond3A_100 = arith.constant 0 : i32
      %cond3A_101 = arith.cmpi ne, %convert_element_type3A_99, %cond3A_100 : i32
      scf.if %cond3A_101 {
        %mul3A_259 = arith.constant 128 : i32
        %mul3A_260 = arith.muli %add3A_97, %mul3A_259 : i32
        %add3A_261 = arith.constant 0 : i32
        %add3A_262 = arith.addi %mul3A_260, %add3A_261 : i32
        %get3A = arith.index_cast %add3A_262 : i32 to index
        %get3A_263 = tpu.vector_load %arg7[%get3A] {strides = array<i32>} : memref<3392xi32, #tpu.memory_space<vmem>>, vector<16xi32>,
        %swap3A = arith.constant 10 : i32
        %swap3A_264 = arith.index_cast %swap3A : i32 to index
        %swap3A_265 = arith.constant 0 : index
        %swap3A_266 = tpu.vector_load %arg9[%swap3A_264, %swap3A_265] {strides = array<i32>} : memref<16x128xi32, #tpu.memory_space<vmem>>, vector<16xi32>,
        tpu.vector_store %arg9[%swap3A_264, %swap3A_265], %get3A_263 {strides = array<i32>} : memref<16x128xi32, #tpu.memory_space<vmem>>, vector<16xi32>,
        %mul3A_267 = arith.constant 128 : i32
        %mul3A_268 = arith.muli %add3A_97, %mul3A_267 : i32
        %add3A_269 = arith.constant 0 : i32
        %add3A_270 = arith.addi %mul3A_268, %add3A_269 : i32
        %get3A_271 = arith.index_cast %add3A_270 : i32 to index
        %get3A_272 = tpu.vector_load %arg8[%get3A_271] {strides = array<i32>} : memref<3392xi32, #tpu.memory_space<vmem>>, vector<16xi32>,
        %swap3A_273 = arith.constant 11 : i32
        %swap3A_274 = arith.index_cast %swap3A_273 : i32 to index
        %swap3A_275 = arith.constant 0 : index
        %swap3A_276 = tpu.vector_load %arg9[%swap3A_274, %swap3A_275] {strides = array<i32>} : memref<16x128xi32, #tpu.memory_space<vmem>>, vector<16xi32>,
        tpu.vector_store %arg9[%swap3A_274, %swap3A_275], %get3A_272 {strides = array<i32>} : memref<16x128xi32, #tpu.memory_space<vmem>>, vector<16xi32>,
        %mul3A_277 = arith.constant 128 : i32
        %mul3A_278 = arith.muli %add3A_97, %mul3A_277 : i32
        %add3A_279 = arith.constant 16 : i32
        %add3A_280 = arith.addi %mul3A_278, %add3A_279 : i32
        %get3A_281 = arith.index_cast %add3A_280 : i32 to index
        %get3A_282 = tpu.vector_load %arg7[%get3A_281] {strides = array<i32>} : memref<3392xi32, #tpu.memory_space<vmem>>, vector<16xi32>,
        %swap3A_283 = arith.constant 10 : i32
        %swap3A_284 = arith.index_cast %swap3A_283 : i32 to index
        %swap3A_285 = arith.constant 16 : index
        %swap3A_286 = tpu.vector_load %arg9[%swap3A_284, %swap3A_285] {strides = array<i32>} : memref<16x128xi32, #tpu.memory_space<vmem>>, vector<16xi32>,
        tpu.vector_store %arg9[%swap3A_284, %swap3A_285], %get3A_282 {strides = array<i32>} : memref<16x128xi32, #tpu.memory_space<vmem>>, vector<16xi32>,
        %mul3A_287 = arith.constant 128 : i32
        %mul3A_288 = arith.muli %add3A_97, %mul3A_287 : i32
        %add3A_289 = arith.constant 16 : i32
        %add3A_290 = arith.addi %mul3A_288, %add3A_289 : i32
        %get3A_291 = arith.index_cast %add3A_290 : i32 to index
        %get3A_292 = tpu.vector_load %arg8[%get3A_291] {strides = array<i32>} : memref<3392xi32, #tpu.memory_space<vmem>>, vector<16xi32>,
        %swap3A_293 = arith.constant 11 : i32
        %swap3A_294 = arith.index_cast %swap3A_293 : i32 to index
        %swap3A_295 = arith.constant 16 : index
        %swap3A_296 = tpu.vector_load %arg9[%swap3A_294, %swap3A_295] {strides = array<i32>} : memref<16x128xi32, #tpu.memory_space<vmem>>, vector<16xi32>,
        tpu.vector_store %arg9[%swap3A_294, %swap3A_295], %get3A_292 {strides = array<i32>} : memref<16x128xi32, #tpu.memory_space<vmem>>, vector<16xi32>,
        %mul3A_297 = arith.constant 128 : i32
        %mul3A_298 = arith.muli %add3A_97, %mul3A_297 : i32
        %add3A_299 = arith.constant 32 : i32
        %add3A_300 = arith.addi %mul3A_298, %add3A_299 : i32
        %get3A_301 = arith.index_cast %add3A_300 : i32 to index
        %get3A_302 = tpu.vector_load %arg7[%get3A_301] {strides = array<i32>} : memref<3392xi32, #tpu.memory_space<vmem>>, vector<16xi32>,
        %swap3A_303 = arith.constant 10 : i32
        %swap3A_304 = arith.index_cast %swap3A_303 : i32 to index
        %swap3A_305 = arith.constant 32 : index
        %swap3A_306 = tpu.vector_load %arg9[%swap3A_304, %swap3A_305] {strides = array<i32>} : memref<16x128xi32, #tpu.memory_space<vmem>>, vector<16xi32>,
        tpu.vector_store %arg9[%swap3A_304, %swap3A_305], %get3A_302 {strides = array<i32>} : memref<16x128xi32, #tpu.memory_space<vmem>>, vector<16xi32>,
        %mul3A_307 = arith.constant 128 : i32
        %mul3A_308 = arith.muli %add3A_97, %mul3A_307 : i32
        %add3A_309 = arith.constant 32 : i32
        %add3A_310 = arith.addi %mul3A_308, %add3A_309 : i32
        %get3A_311 = arith.index_cast %add3A_310 : i32 to index
        %get3A_312 = tpu.vector_load %arg8[%get3A_311] {strides = array<i32>} : memref<3392xi32, #tpu.memory_space<vmem>>, vector<16xi32>,
        %swap3A_313 = arith.constant 11 : i32
        %swap3A_314 = arith.index_cast %swap3A_313 : i32 to index
        %swap3A_315 = arith.constant 32 : index
        %swap3A_316 = tpu.vector_load %arg9[%swap3A_314, %swap3A_315] {strides = array<i32>} : memref<16x128xi32, #tpu.memory_space<vmem>>, vector<16xi32>,
        tpu.vector_store %arg9[%swap3A_314, %swap3A_315], %get3A_312 {strides = array<i32>} : memref<16x128xi32, #tpu.memory_space<vmem>>, vector<16xi32>,
        %mul3A_317 = arith.constant 128 : i32
        %mul3A_318 = arith.muli %add3A_97, %mul3A_317 : i32
        %add3A_319 = arith.constant 48 : i32
        %add3A_320 = arith.addi %mul3A_318, %add3A_319 : i32
        %get3A_321 = arith.index_cast %add3A_320 : i32 to index
        %get3A_322 = tpu.vector_load %arg7[%get3A_321] {strides = array<i32>} : memref<3392xi32, #tpu.memory_space<vmem>>, vector<16xi32>,
        %swap3A_323 = arith.constant 10 : i32
        %swap3A_324 = arith.index_cast %swap3A_323 : i32 to index
        %swap3A_325 = arith.constant 48 : index
        %swap3A_326 = tpu.vector_load %arg9[%swap3A_324, %swap3A_325] {strides = array<i32>} : memref<16x128xi32, #tpu.memory_space<vmem>>, vector<16xi32>,
        tpu.vector_store %arg9[%swap3A_324, %swap3A_325], %get3A_322 {strides = array<i32>} : memref<16x128xi32, #tpu.memory_space<vmem>>, vector<16xi32>,
        %mul3A_327 = arith.constant 128 : i32
        %mul3A_328 = arith.muli %add3A_97, %mul3A_327 : i32
        %add3A_329 = arith.constant 48 : i32
        %add3A_330 = arith.addi %mul3A_328, %add3A_329 : i32
        %get3A_331 = arith.index_cast %add3A_330 : i32 to index
        %get3A_332 = tpu.vector_load %arg8[%get3A_331] {strides = array<i32>} : memref<3392xi32, #tpu.memory_space<vmem>>, vector<16xi32>,
        %swap3A_333 = arith.constant 11 : i32
        %swap3A_334 = arith.index_cast %swap3A_333 : i32 to index
        %swap3A_335 = arith.constant 48 : index
        %swap3A_336 = tpu.vector_load %arg9[%swap3A_334, %swap3A_335] {strides = array<i32>} : memref<16x128xi32, #tpu.memory_space<vmem>>, vector<16xi32>,
        tpu.vector_store %arg9[%swap3A_334, %swap3A_335], %get3A_332 {strides = array<i32>} : memref<16x128xi32, #tpu.memory_space<vmem>>, vector<16xi32>,
        %mul3A_337 = arith.constant 128 : i32
        %mul3A_338 = arith.muli %add3A_97, %mul3A_337 : i32
        %add3A_339 = arith.constant 64 : i32
        %add3A_340 = arith.addi %mul3A_338, %add3A_339 : i32
        %get3A_341 = arith.index_cast %add3A_340 : i32 to index
        %get3A_342 = tpu.vector_load %arg7[%get3A_341] {strides = array<i32>} : memref<3392xi32, #tpu.memory_space<vmem>>, vector<16xi32>,
        %swap3A_343 = arith.constant 10 : i32
        %swap3A_344 = arith.index_cast %swap3A_343 : i32 to index
        %swap3A_345 = arith.constant 64 : index
        %swap3A_346 = tpu.vector_load %arg9[%swap3A_344, %swap3A_345] {strides = array<i32>} : memref<16x128xi32, #tpu.memory_space<vmem>>, vector<16xi32>,
        tpu.vector_store %arg9[%swap3A_344, %swap3A_345], %get3A_342 {strides = array<i32>} : memref<16x128xi32, #tpu.memory_space<vmem>>, vector<16xi32>,
        %mul3A_347 = arith.constant 128 : i32
        %mul3A_348 = arith.muli %add3A_97, %mul3A_347 : i32
        %add3A_349 = arith.constant 64 : i32
        %add3A_350 = arith.addi %mul3A_348, %add3A_349 : i32
        %get3A_351 = arith.index_cast %add3A_350 : i32 to index
        %get3A_352 = tpu.vector_load %arg8[%get3A_351] {strides = array<i32>} : memref<3392xi32, #tpu.memory_space<vmem>>, vector<16xi32>,
        %swap3A_353 = arith.constant 11 : i32
        %swap3A_354 = arith.index_cast %swap3A_353 : i32 to index
        %swap3A_355 = arith.constant 64 : index
        %swap3A_356 = tpu.vector_load %arg9[%swap3A_354, %swap3A_355] {strides = array<i32>} : memref<16x128xi32, #tpu.memory_space<vmem>>, vector<16xi32>,
        tpu.vector_store %arg9[%swap3A_354, %swap3A_355], %get3A_352 {strides = array<i32>} : memref<16x128xi32, #tpu.memory_space<vmem>>, vector<16xi32>,
        %mul3A_357 = arith.constant 128 : i32
        %mul3A_358 = arith.muli %add3A_97, %mul3A_357 : i32
        %add3A_359 = arith.constant 80 : i32
        %add3A_360 = arith.addi %mul3A_358, %add3A_359 : i32
        %get3A_361 = arith.index_cast %add3A_360 : i32 to index
        %get3A_362 = tpu.vector_load %arg7[%get3A_361] {strides = array<i32>} : memref<3392xi32, #tpu.memory_space<vmem>>, vector<16xi32>,
        %swap3A_363 = arith.constant 10 : i32
        %swap3A_364 = arith.index_cast %swap3A_363 : i32 to index
        %swap3A_365 = arith.constant 80 : index
        %swap3A_366 = tpu.vector_load %arg9[%swap3A_364, %swap3A_365] {strides = array<i32>} : memref<16x128xi32, #tpu.memory_space<vmem>>, vector<16xi32>,
        tpu.vector_store %arg9[%swap3A_364, %swap3A_365], %get3A_362 {strides = array<i32>} : memref<16x128xi32, #tpu.memory_space<vmem>>, vector<16xi32>,
        %mul3A_367 = arith.constant 128 : i32
        %mul3A_368 = arith.muli %add3A_97, %mul3A_367 : i32
        %add3A_369 = arith.constant 80 : i32
        %add3A_370 = arith.addi %mul3A_368, %add3A_369 : i32
        %get3A_371 = arith.index_cast %add3A_370 : i32 to index
        %get3A_372 = tpu.vector_load %arg8[%get3A_371] {strides = array<i32>} : memref<3392xi32, #tpu.memory_space<vmem>>, vector<16xi32>,
        %swap3A_373 = arith.constant 11 : i32
        %swap3A_374 = arith.index_cast %swap3A_373 : i32 to index
        %swap3A_375 = arith.constant 80 : index
        %swap3A_376 = tpu.vector_load %arg9[%swap3A_374, %swap3A_375] {strides = array<i32>} : memref<16x128xi32, #tpu.memory_space<vmem>>, vector<16xi32>,
        tpu.vector_store %arg9[%swap3A_374, %swap3A_375], %get3A_372 {strides = array<i32>} : memref<16x128xi32, #tpu.memory_space<vmem>>, vector<16xi32>,
        %mul3A_377 = arith.constant 128 : i32
        %mul3A_378 = arith.muli %add3A_97, %mul3A_377 : i32
        %add3A_379 = arith.constant 96 : i32
        %add3A_380 = arith.addi %mul3A_378, %add3A_379 : i32
        %get3A_381 = arith.index_cast %add3A_380 : i32 to index
        %get3A_382 = tpu.vector_load %arg7[%get3A_381] {strides = array<i32>} : memref<3392xi32, #tpu.memory_space<vmem>>, vector<16xi32>,
        %swap3A_383 = arith.constant 10 : i32
        %swap3A_384 = arith.index_cast %swap3A_383 : i32 to index
        %swap3A_385 = arith.constant 96 : index
        %swap3A_386 = tpu.vector_load %arg9[%swap3A_384, %swap3A_385] {strides = array<i32>} : memref<16x128xi32, #tpu.memory_space<vmem>>, vector<16xi32>,
        tpu.vector_store %arg9[%swap3A_384, %swap3A_385], %get3A_382 {strides = array<i32>} : memref<16x128xi32, #tpu.memory_space<vmem>>, vector<16xi32>,
        %mul3A_387 = arith.constant 128 : i32
        %mul3A_388 = arith.muli %add3A_97, %mul3A_387 : i32
        %add3A_389 = arith.constant 96 : i32
        %add3A_390 = arith.addi %mul3A_388, %add3A_389 : i32
        %get3A_391 = arith.index_cast %add3A_390 : i32 to index
        %get3A_392 = tpu.vector_load %arg8[%get3A_391] {strides = array<i32>} : memref<3392xi32, #tpu.memory_space<vmem>>, vector<16xi32>,
        %swap3A_393 = arith.constant 11 : i32
        %swap3A_394 = arith.index_cast %swap3A_393 : i32 to index
        %swap3A_395 = arith.constant 96 : index
        %swap3A_396 = tpu.vector_load %arg9[%swap3A_394, %swap3A_395] {strides = array<i32>} : memref<16x128xi32, #tpu.memory_space<vmem>>, vector<16xi32>,
        tpu.vector_store %arg9[%swap3A_394, %swap3A_395], %get3A_392 {strides = array<i32>} : memref<16x128xi32, #tpu.memory_space<vmem>>, vector<16xi32>,
        %mul3A_397 = arith.constant 128 : i32
        %mul3A_398 = arith.muli %add3A_97, %mul3A_397 : i32
        %add3A_399 = arith.constant 112 : i32
        %add3A_400 = arith.addi %mul3A_398, %add3A_399 : i32
        %get3A_401 = arith.index_cast %add3A_400 : i32 to index
        %get3A_402 = tpu.vector_load %arg7[%get3A_401] {strides = array<i32>} : memref<3392xi32, #tpu.memory_space<vmem>>, vector<16xi32>,
        %swap3A_403 = arith.constant 10 : i32
        %swap3A_404 = arith.index_cast %swap3A_403 : i32 to index
        %swap3A_405 = arith.constant 112 : index
        %swap3A_406 = tpu.vector_load %arg9[%swap3A_404, %swap3A_405] {strides = array<i32>} : memref<16x128xi32, #tpu.memory_space<vmem>>, vector<16xi32>,
        tpu.vector_store %arg9[%swap3A_404, %swap3A_405], %get3A_402 {strides = array<i32>} : memref<16x128xi32, #tpu.memory_space<vmem>>, vector<16xi32>,
        %mul3A_407 = arith.constant 128 : i32
        %mul3A_408 = arith.muli %add3A_97, %mul3A_407 : i32
        %add3A_409 = arith.constant 112 : i32
        %add3A_410 = arith.addi %mul3A_408, %add3A_409 : i32
        %get3A_411 = arith.index_cast %add3A_410 : i32 to index
        %get3A_412 = tpu.vector_load %arg8[%get3A_411] {strides = array<i32>} : memref<3392xi32, #tpu.memory_space<vmem>>, vector<16xi32>,
        %swap3A_413 = arith.constant 11 : i32
        %swap3A_414 = arith.index_cast %swap3A_413 : i32 to index
        %swap3A_415 = arith.constant 112 : index
        %swap3A_416 = tpu.vector_load %arg9[%swap3A_414, %swap3A_415] {strides = array<i32>} : memref<16x128xi32, #tpu.memory_space<vmem>>, vector<16xi32>,
        tpu.vector_store %arg9[%swap3A_414, %swap3A_415], %get3A_412 {strides = array<i32>} : memref<16x128xi32, #tpu.memory_space<vmem>>, vector<16xi32>,
        %dma_start3A = arith.constant 10 : i32
        %dma_start3A_417 = arith.constant 640 : i32
        %dma_start3A_418 = arith.constant 0 : i32
        %dma_start3A_419 = tpu.memref_slice %arg10[%dma_start3A_417, %dma_start3A_418] : memref<1024x64xf32, #tpu.memory_space<vmem>> -> memref<128x64xf32, #tpu.memory_space<vmem>>
        %dma_start3A_420 = arith.constant 0 : i32
        %dma_start3A_421 = tpu.memref_slice %arg9[%dma_start3A, %dma_start3A_420] : memref<16x128xi32, #tpu.memory_space<vmem>> -> memref<1x128xi32, #tpu.memory_space<vmem>>
        %dma_start3A_422 = tpu.memref_squeeze %dma_start3A_421 : memref<1x128xi32, #tpu.memory_space<vmem>> -> memref<128xi32, #tpu.memory_space<vmem>>
        %dma_start3A_423 = arith.constant 0 : i32
        %dma_start3A_424 = arith.constant 0 : i32
        %dma_start3A_425 = tpu.memref_slice %arg4[%dma_start3A_423, %dma_start3A_424] : memref<16384x64xf32, #tpu.memory_space<hbm>> -> memref<16384x64xf32, #tpu.memory_space<hbm>>
        tpu.enqueue_indirect_dma source(%dma_start3A_425 : memref<16384x64xf32, #tpu.memory_space<hbm>>) target(%dma_start3A_419 : memref<128x64xf32, #tpu.memory_space<vmem>>) offsets(%dma_start3A_422 : memref<128xi32, #tpu.memory_space<vmem>>) semaphore(%arg11 : memref<!tpu.dma_semaphore, #tpu.memory_space<semaphore_mem>>)
      } else {
      }
      %add3A_102 = arith.constant 6 : i32
      %add3A_103 = arith.addi %mul3A_68, %add3A_102 : i32
      %lt3A_104 = arith.cmpi slt, %add3A_103, %select_n3A : i32
      %convert_element_type3A_105 = arith.extui %lt3A_104 : i1 to i32
      %cond3A_106 = arith.constant 0 : i32
      %cond3A_107 = arith.cmpi ne, %convert_element_type3A_105, %cond3A_106 : i32
      scf.if %cond3A_107 {
        %mul3A_259 = arith.constant 128 : i32
        %mul3A_260 = arith.muli %add3A_103, %mul3A_259 : i32
        %add3A_261 = arith.constant 0 : i32
        %add3A_262 = arith.addi %mul3A_260, %add3A_261 : i32
        %get3A = arith.index_cast %add3A_262 : i32 to index
        %get3A_263 = tpu.vector_load %arg7[%get3A] {strides = array<i32>} : memref<3392xi32, #tpu.memory_space<vmem>>, vector<16xi32>,
        %swap3A = arith.constant 12 : i32
        %swap3A_264 = arith.index_cast %swap3A : i32 to index
        %swap3A_265 = arith.constant 0 : index
        %swap3A_266 = tpu.vector_load %arg9[%swap3A_264, %swap3A_265] {strides = array<i32>} : memref<16x128xi32, #tpu.memory_space<vmem>>, vector<16xi32>,
        tpu.vector_store %arg9[%swap3A_264, %swap3A_265], %get3A_263 {strides = array<i32>} : memref<16x128xi32, #tpu.memory_space<vmem>>, vector<16xi32>,
        %mul3A_267 = arith.constant 128 : i32
        %mul3A_268 = arith.muli %add3A_103, %mul3A_267 : i32
        %add3A_269 = arith.constant 0 : i32
        %add3A_270 = arith.addi %mul3A_268, %add3A_269 : i32
        %get3A_271 = arith.index_cast %add3A_270 : i32 to index
        %get3A_272 = tpu.vector_load %arg8[%get3A_271] {strides = array<i32>} : memref<3392xi32, #tpu.memory_space<vmem>>, vector<16xi32>,
        %swap3A_273 = arith.constant 13 : i32
        %swap3A_274 = arith.index_cast %swap3A_273 : i32 to index
        %swap3A_275 = arith.constant 0 : index
        %swap3A_276 = tpu.vector_load %arg9[%swap3A_274, %swap3A_275] {strides = array<i32>} : memref<16x128xi32, #tpu.memory_space<vmem>>, vector<16xi32>,
        tpu.vector_store %arg9[%swap3A_274, %swap3A_275], %get3A_272 {strides = array<i32>} : memref<16x128xi32, #tpu.memory_space<vmem>>, vector<16xi32>,
        %mul3A_277 = arith.constant 128 : i32
        %mul3A_278 = arith.muli %add3A_103, %mul3A_277 : i32
        %add3A_279 = arith.constant 16 : i32
        %add3A_280 = arith.addi %mul3A_278, %add3A_279 : i32
        %get3A_281 = arith.index_cast %add3A_280 : i32 to index
        %get3A_282 = tpu.vector_load %arg7[%get3A_281] {strides = array<i32>} : memref<3392xi32, #tpu.memory_space<vmem>>, vector<16xi32>,
        %swap3A_283 = arith.constant 12 : i32
        %swap3A_284 = arith.index_cast %swap3A_283 : i32 to index
        %swap3A_285 = arith.constant 16 : index
        %swap3A_286 = tpu.vector_load %arg9[%swap3A_284, %swap3A_285] {strides = array<i32>} : memref<16x128xi32, #tpu.memory_space<vmem>>, vector<16xi32>,
        tpu.vector_store %arg9[%swap3A_284, %swap3A_285], %get3A_282 {strides = array<i32>} : memref<16x128xi32, #tpu.memory_space<vmem>>, vector<16xi32>,
        %mul3A_287 = arith.constant 128 : i32
        %mul3A_288 = arith.muli %add3A_103, %mul3A_287 : i32
        %add3A_289 = arith.constant 16 : i32
        %add3A_290 = arith.addi %mul3A_288, %add3A_289 : i32
        %get3A_291 = arith.index_cast %add3A_290 : i32 to index
        %get3A_292 = tpu.vector_load %arg8[%get3A_291] {strides = array<i32>} : memref<3392xi32, #tpu.memory_space<vmem>>, vector<16xi32>,
        %swap3A_293 = arith.constant 13 : i32
        %swap3A_294 = arith.index_cast %swap3A_293 : i32 to index
        %swap3A_295 = arith.constant 16 : index
        %swap3A_296 = tpu.vector_load %arg9[%swap3A_294, %swap3A_295] {strides = array<i32>} : memref<16x128xi32, #tpu.memory_space<vmem>>, vector<16xi32>,
        tpu.vector_store %arg9[%swap3A_294, %swap3A_295], %get3A_292 {strides = array<i32>} : memref<16x128xi32, #tpu.memory_space<vmem>>, vector<16xi32>,
        %mul3A_297 = arith.constant 128 : i32
        %mul3A_298 = arith.muli %add3A_103, %mul3A_297 : i32
        %add3A_299 = arith.constant 32 : i32
        %add3A_300 = arith.addi %mul3A_298, %add3A_299 : i32
        %get3A_301 = arith.index_cast %add3A_300 : i32 to index
        %get3A_302 = tpu.vector_load %arg7[%get3A_301] {strides = array<i32>} : memref<3392xi32, #tpu.memory_space<vmem>>, vector<16xi32>,
        %swap3A_303 = arith.constant 12 : i32
        %swap3A_304 = arith.index_cast %swap3A_303 : i32 to index
        %swap3A_305 = arith.constant 32 : index
        %swap3A_306 = tpu.vector_load %arg9[%swap3A_304, %swap3A_305] {strides = array<i32>} : memref<16x128xi32, #tpu.memory_space<vmem>>, vector<16xi32>,
        tpu.vector_store %arg9[%swap3A_304, %swap3A_305], %get3A_302 {strides = array<i32>} : memref<16x128xi32, #tpu.memory_space<vmem>>, vector<16xi32>,
        %mul3A_307 = arith.constant 128 : i32
        %mul3A_308 = arith.muli %add3A_103, %mul3A_307 : i32
        %add3A_309 = arith.constant 32 : i32
        %add3A_310 = arith.addi %mul3A_308, %add3A_309 : i32
        %get3A_311 = arith.index_cast %add3A_310 : i32 to index
        %get3A_312 = tpu.vector_load %arg8[%get3A_311] {strides = array<i32>} : memref<3392xi32, #tpu.memory_space<vmem>>, vector<16xi32>,
        %swap3A_313 = arith.constant 13 : i32
        %swap3A_314 = arith.index_cast %swap3A_313 : i32 to index
        %swap3A_315 = arith.constant 32 : index
        %swap3A_316 = tpu.vector_load %arg9[%swap3A_314, %swap3A_315] {strides = array<i32>} : memref<16x128xi32, #tpu.memory_space<vmem>>, vector<16xi32>,
        tpu.vector_store %arg9[%swap3A_314, %swap3A_315], %get3A_312 {strides = array<i32>} : memref<16x128xi32, #tpu.memory_space<vmem>>, vector<16xi32>,
        %mul3A_317 = arith.constant 128 : i32
        %mul3A_318 = arith.muli %add3A_103, %mul3A_317 : i32
        %add3A_319 = arith.constant 48 : i32
        %add3A_320 = arith.addi %mul3A_318, %add3A_319 : i32
        %get3A_321 = arith.index_cast %add3A_320 : i32 to index
        %get3A_322 = tpu.vector_load %arg7[%get3A_321] {strides = array<i32>} : memref<3392xi32, #tpu.memory_space<vmem>>, vector<16xi32>,
        %swap3A_323 = arith.constant 12 : i32
        %swap3A_324 = arith.index_cast %swap3A_323 : i32 to index
        %swap3A_325 = arith.constant 48 : index
        %swap3A_326 = tpu.vector_load %arg9[%swap3A_324, %swap3A_325] {strides = array<i32>} : memref<16x128xi32, #tpu.memory_space<vmem>>, vector<16xi32>,
        tpu.vector_store %arg9[%swap3A_324, %swap3A_325], %get3A_322 {strides = array<i32>} : memref<16x128xi32, #tpu.memory_space<vmem>>, vector<16xi32>,
        %mul3A_327 = arith.constant 128 : i32
        %mul3A_328 = arith.muli %add3A_103, %mul3A_327 : i32
        %add3A_329 = arith.constant 48 : i32
        %add3A_330 = arith.addi %mul3A_328, %add3A_329 : i32
        %get3A_331 = arith.index_cast %add3A_330 : i32 to index
        %get3A_332 = tpu.vector_load %arg8[%get3A_331] {strides = array<i32>} : memref<3392xi32, #tpu.memory_space<vmem>>, vector<16xi32>,
        %swap3A_333 = arith.constant 13 : i32
        %swap3A_334 = arith.index_cast %swap3A_333 : i32 to index
        %swap3A_335 = arith.constant 48 : index
        %swap3A_336 = tpu.vector_load %arg9[%swap3A_334, %swap3A_335] {strides = array<i32>} : memref<16x128xi32, #tpu.memory_space<vmem>>, vector<16xi32>,
        tpu.vector_store %arg9[%swap3A_334, %swap3A_335], %get3A_332 {strides = array<i32>} : memref<16x128xi32, #tpu.memory_space<vmem>>, vector<16xi32>,
        %mul3A_337 = arith.constant 128 : i32
        %mul3A_338 = arith.muli %add3A_103, %mul3A_337 : i32
        %add3A_339 = arith.constant 64 : i32
        %add3A_340 = arith.addi %mul3A_338, %add3A_339 : i32
        %get3A_341 = arith.index_cast %add3A_340 : i32 to index
        %get3A_342 = tpu.vector_load %arg7[%get3A_341] {strides = array<i32>} : memref<3392xi32, #tpu.memory_space<vmem>>, vector<16xi32>,
        %swap3A_343 = arith.constant 12 : i32
        %swap3A_344 = arith.index_cast %swap3A_343 : i32 to index
        %swap3A_345 = arith.constant 64 : index
        %swap3A_346 = tpu.vector_load %arg9[%swap3A_344, %swap3A_345] {strides = array<i32>} : memref<16x128xi32, #tpu.memory_space<vmem>>, vector<16xi32>,
        tpu.vector_store %arg9[%swap3A_344, %swap3A_345], %get3A_342 {strides = array<i32>} : memref<16x128xi32, #tpu.memory_space<vmem>>, vector<16xi32>,
        %mul3A_347 = arith.constant 128 : i32
        %mul3A_348 = arith.muli %add3A_103, %mul3A_347 : i32
        %add3A_349 = arith.constant 64 : i32
        %add3A_350 = arith.addi %mul3A_348, %add3A_349 : i32
        %get3A_351 = arith.index_cast %add3A_350 : i32 to index
        %get3A_352 = tpu.vector_load %arg8[%get3A_351] {strides = array<i32>} : memref<3392xi32, #tpu.memory_space<vmem>>, vector<16xi32>,
        %swap3A_353 = arith.constant 13 : i32
        %swap3A_354 = arith.index_cast %swap3A_353 : i32 to index
        %swap3A_355 = arith.constant 64 : index
        %swap3A_356 = tpu.vector_load %arg9[%swap3A_354, %swap3A_355] {strides = array<i32>} : memref<16x128xi32, #tpu.memory_space<vmem>>, vector<16xi32>,
        tpu.vector_store %arg9[%swap3A_354, %swap3A_355], %get3A_352 {strides = array<i32>} : memref<16x128xi32, #tpu.memory_space<vmem>>, vector<16xi32>,
        %mul3A_357 = arith.constant 128 : i32
        %mul3A_358 = arith.muli %add3A_103, %mul3A_357 : i32
        %add3A_359 = arith.constant 80 : i32
        %add3A_360 = arith.addi %mul3A_358, %add3A_359 : i32
        %get3A_361 = arith.index_cast %add3A_360 : i32 to index
        %get3A_362 = tpu.vector_load %arg7[%get3A_361] {strides = array<i32>} : memref<3392xi32, #tpu.memory_space<vmem>>, vector<16xi32>,
        %swap3A_363 = arith.constant 12 : i32
        %swap3A_364 = arith.index_cast %swap3A_363 : i32 to index
        %swap3A_365 = arith.constant 80 : index
        %swap3A_366 = tpu.vector_load %arg9[%swap3A_364, %swap3A_365] {strides = array<i32>} : memref<16x128xi32, #tpu.memory_space<vmem>>, vector<16xi32>,
        tpu.vector_store %arg9[%swap3A_364, %swap3A_365], %get3A_362 {strides = array<i32>} : memref<16x128xi32, #tpu.memory_space<vmem>>, vector<16xi32>,
        %mul3A_367 = arith.constant 128 : i32
        %mul3A_368 = arith.muli %add3A_103, %mul3A_367 : i32
        %add3A_369 = arith.constant 80 : i32
        %add3A_370 = arith.addi %mul3A_368, %add3A_369 : i32
        %get3A_371 = arith.index_cast %add3A_370 : i32 to index
        %get3A_372 = tpu.vector_load %arg8[%get3A_371] {strides = array<i32>} : memref<3392xi32, #tpu.memory_space<vmem>>, vector<16xi32>,
        %swap3A_373 = arith.constant 13 : i32
        %swap3A_374 = arith.index_cast %swap3A_373 : i32 to index
        %swap3A_375 = arith.constant 80 : index
        %swap3A_376 = tpu.vector_load %arg9[%swap3A_374, %swap3A_375] {strides = array<i32>} : memref<16x128xi32, #tpu.memory_space<vmem>>, vector<16xi32>,
        tpu.vector_store %arg9[%swap3A_374, %swap3A_375], %get3A_372 {strides = array<i32>} : memref<16x128xi32, #tpu.memory_space<vmem>>, vector<16xi32>,
        %mul3A_377 = arith.constant 128 : i32
        %mul3A_378 = arith.muli %add3A_103, %mul3A_377 : i32
        %add3A_379 = arith.constant 96 : i32
        %add3A_380 = arith.addi %mul3A_378, %add3A_379 : i32
        %get3A_381 = arith.index_cast %add3A_380 : i32 to index
        %get3A_382 = tpu.vector_load %arg7[%get3A_381] {strides = array<i32>} : memref<3392xi32, #tpu.memory_space<vmem>>, vector<16xi32>,
        %swap3A_383 = arith.constant 12 : i32
        %swap3A_384 = arith.index_cast %swap3A_383 : i32 to index
        %swap3A_385 = arith.constant 96 : index
        %swap3A_386 = tpu.vector_load %arg9[%swap3A_384, %swap3A_385] {strides = array<i32>} : memref<16x128xi32, #tpu.memory_space<vmem>>, vector<16xi32>,
        tpu.vector_store %arg9[%swap3A_384, %swap3A_385], %get3A_382 {strides = array<i32>} : memref<16x128xi32, #tpu.memory_space<vmem>>, vector<16xi32>,
        %mul3A_387 = arith.constant 128 : i32
        %mul3A_388 = arith.muli %add3A_103, %mul3A_387 : i32
        %add3A_389 = arith.constant 96 : i32
        %add3A_390 = arith.addi %mul3A_388, %add3A_389 : i32
        %get3A_391 = arith.index_cast %add3A_390 : i32 to index
        %get3A_392 = tpu.vector_load %arg8[%get3A_391] {strides = array<i32>} : memref<3392xi32, #tpu.memory_space<vmem>>, vector<16xi32>,
        %swap3A_393 = arith.constant 13 : i32
        %swap3A_394 = arith.index_cast %swap3A_393 : i32 to index
        %swap3A_395 = arith.constant 96 : index
        %swap3A_396 = tpu.vector_load %arg9[%swap3A_394, %swap3A_395] {strides = array<i32>} : memref<16x128xi32, #tpu.memory_space<vmem>>, vector<16xi32>,
        tpu.vector_store %arg9[%swap3A_394, %swap3A_395], %get3A_392 {strides = array<i32>} : memref<16x128xi32, #tpu.memory_space<vmem>>, vector<16xi32>,
        %mul3A_397 = arith.constant 128 : i32
        %mul3A_398 = arith.muli %add3A_103, %mul3A_397 : i32
        %add3A_399 = arith.constant 112 : i32
        %add3A_400 = arith.addi %mul3A_398, %add3A_399 : i32
        %get3A_401 = arith.index_cast %add3A_400 : i32 to index
        %get3A_402 = tpu.vector_load %arg7[%get3A_401] {strides = array<i32>} : memref<3392xi32, #tpu.memory_space<vmem>>, vector<16xi32>,
        %swap3A_403 = arith.constant 12 : i32
        %swap3A_404 = arith.index_cast %swap3A_403 : i32 to index
        %swap3A_405 = arith.constant 112 : index
        %swap3A_406 = tpu.vector_load %arg9[%swap3A_404, %swap3A_405] {strides = array<i32>} : memref<16x128xi32, #tpu.memory_space<vmem>>, vector<16xi32>,
        tpu.vector_store %arg9[%swap3A_404, %swap3A_405], %get3A_402 {strides = array<i32>} : memref<16x128xi32, #tpu.memory_space<vmem>>, vector<16xi32>,
        %mul3A_407 = arith.constant 128 : i32
        %mul3A_408 = arith.muli %add3A_103, %mul3A_407 : i32
        %add3A_409 = arith.constant 112 : i32
        %add3A_410 = arith.addi %mul3A_408, %add3A_409 : i32
        %get3A_411 = arith.index_cast %add3A_410 : i32 to index
        %get3A_412 = tpu.vector_load %arg8[%get3A_411] {strides = array<i32>} : memref<3392xi32, #tpu.memory_space<vmem>>, vector<16xi32>,
        %swap3A_413 = arith.constant 13 : i32
        %swap3A_414 = arith.index_cast %swap3A_413 : i32 to index
        %swap3A_415 = arith.constant 112 : index
        %swap3A_416 = tpu.vector_load %arg9[%swap3A_414, %swap3A_415] {strides = array<i32>} : memref<16x128xi32, #tpu.memory_space<vmem>>, vector<16xi32>,
        tpu.vector_store %arg9[%swap3A_414, %swap3A_415], %get3A_412 {strides = array<i32>} : memref<16x128xi32, #tpu.memory_space<vmem>>, vector<16xi32>,
        %dma_start3A = arith.constant 12 : i32
        %dma_start3A_417 = arith.constant 768 : i32
        %dma_start3A_418 = arith.constant 0 : i32
        %dma_start3A_419 = tpu.memref_slice %arg10[%dma_start3A_417, %dma_start3A_418] : memref<1024x64xf32, #tpu.memory_space<vmem>> -> memref<128x64xf32, #tpu.memory_space<vmem>>
        %dma_start3A_420 = arith.constant 0 : i32
        %dma_start3A_421 = tpu.memref_slice %arg9[%dma_start3A, %dma_start3A_420] : memref<16x128xi32, #tpu.memory_space<vmem>> -> memref<1x128xi32, #tpu.memory_space<vmem>>
        %dma_start3A_422 = tpu.memref_squeeze %dma_start3A_421 : memref<1x128xi32, #tpu.memory_space<vmem>> -> memref<128xi32, #tpu.memory_space<vmem>>
        %dma_start3A_423 = arith.constant 0 : i32
        %dma_start3A_424 = arith.constant 0 : i32
        %dma_start3A_425 = tpu.memref_slice %arg4[%dma_start3A_423, %dma_start3A_424] : memref<16384x64xf32, #tpu.memory_space<hbm>> -> memref<16384x64xf32, #tpu.memory_space<hbm>>
        tpu.enqueue_indirect_dma source(%dma_start3A_425 : memref<16384x64xf32, #tpu.memory_space<hbm>>) target(%dma_start3A_419 : memref<128x64xf32, #tpu.memory_space<vmem>>) offsets(%dma_start3A_422 : memref<128xi32, #tpu.memory_space<vmem>>) semaphore(%arg11 : memref<!tpu.dma_semaphore, #tpu.memory_space<semaphore_mem>>)
      } else {
      }
      %add3A_108 = arith.constant 7 : i32
      %add3A_109 = arith.addi %mul3A_68, %add3A_108 : i32
      %lt3A_110 = arith.cmpi slt, %add3A_109, %select_n3A : i32
      %convert_element_type3A_111 = arith.extui %lt3A_110 : i1 to i32
      %cond3A_112 = arith.constant 0 : i32
      %cond3A_113 = arith.cmpi ne, %convert_element_type3A_111, %cond3A_112 : i32
      scf.if %cond3A_113 {
        %mul3A_259 = arith.constant 128 : i32
        %mul3A_260 = arith.muli %add3A_109, %mul3A_259 : i32
        %add3A_261 = arith.constant 0 : i32
        %add3A_262 = arith.addi %mul3A_260, %add3A_261 : i32
        %get3A = arith.index_cast %add3A_262 : i32 to index
        %get3A_263 = tpu.vector_load %arg7[%get3A] {strides = array<i32>} : memref<3392xi32, #tpu.memory_space<vmem>>, vector<16xi32>,
        %swap3A = arith.constant 14 : i32
        %swap3A_264 = arith.index_cast %swap3A : i32 to index
        %swap3A_265 = arith.constant 0 : index
        %swap3A_266 = tpu.vector_load %arg9[%swap3A_264, %swap3A_265] {strides = array<i32>} : memref<16x128xi32, #tpu.memory_space<vmem>>, vector<16xi32>,
        tpu.vector_store %arg9[%swap3A_264, %swap3A_265], %get3A_263 {strides = array<i32>} : memref<16x128xi32, #tpu.memory_space<vmem>>, vector<16xi32>,
        %mul3A_267 = arith.constant 128 : i32
        %mul3A_268 = arith.muli %add3A_109, %mul3A_267 : i32
        %add3A_269 = arith.constant 0 : i32
        %add3A_270 = arith.addi %mul3A_268, %add3A_269 : i32
        %get3A_271 = arith.index_cast %add3A_270 : i32 to index
        %get3A_272 = tpu.vector_load %arg8[%get3A_271] {strides = array<i32>} : memref<3392xi32, #tpu.memory_space<vmem>>, vector<16xi32>,
        %swap3A_273 = arith.constant 15 : i32
        %swap3A_274 = arith.index_cast %swap3A_273 : i32 to index
        %swap3A_275 = arith.constant 0 : index
        %swap3A_276 = tpu.vector_load %arg9[%swap3A_274, %swap3A_275] {strides = array<i32>} : memref<16x128xi32, #tpu.memory_space<vmem>>, vector<16xi32>,
        tpu.vector_store %arg9[%swap3A_274, %swap3A_275], %get3A_272 {strides = array<i32>} : memref<16x128xi32, #tpu.memory_space<vmem>>, vector<16xi32>,
        %mul3A_277 = arith.constant 128 : i32
        %mul3A_278 = arith.muli %add3A_109, %mul3A_277 : i32
        %add3A_279 = arith.constant 16 : i32
        %add3A_280 = arith.addi %mul3A_278, %add3A_279 : i32
        %get3A_281 = arith.index_cast %add3A_280 : i32 to index
        %get3A_282 = tpu.vector_load %arg7[%get3A_281] {strides = array<i32>} : memref<3392xi32, #tpu.memory_space<vmem>>, vector<16xi32>,
        %swap3A_283 = arith.constant 14 : i32
        %swap3A_284 = arith.index_cast %swap3A_283 : i32 to index
        %swap3A_285 = arith.constant 16 : index
        %swap3A_286 = tpu.vector_load %arg9[%swap3A_284, %swap3A_285] {strides = array<i32>} : memref<16x128xi32, #tpu.memory_space<vmem>>, vector<16xi32>,
        tpu.vector_store %arg9[%swap3A_284, %swap3A_285], %get3A_282 {strides = array<i32>} : memref<16x128xi32, #tpu.memory_space<vmem>>, vector<16xi32>,
        %mul3A_287 = arith.constant 128 : i32
        %mul3A_288 = arith.muli %add3A_109, %mul3A_287 : i32
        %add3A_289 = arith.constant 16 : i32
        %add3A_290 = arith.addi %mul3A_288, %add3A_289 : i32
        %get3A_291 = arith.index_cast %add3A_290 : i32 to index
        %get3A_292 = tpu.vector_load %arg8[%get3A_291] {strides = array<i32>} : memref<3392xi32, #tpu.memory_space<vmem>>, vector<16xi32>,
        %swap3A_293 = arith.constant 15 : i32
        %swap3A_294 = arith.index_cast %swap3A_293 : i32 to index
        %swap3A_295 = arith.constant 16 : index
        %swap3A_296 = tpu.vector_load %arg9[%swap3A_294, %swap3A_295] {strides = array<i32>} : memref<16x128xi32, #tpu.memory_space<vmem>>, vector<16xi32>,
        tpu.vector_store %arg9[%swap3A_294, %swap3A_295], %get3A_292 {strides = array<i32>} : memref<16x128xi32, #tpu.memory_space<vmem>>, vector<16xi32>,
        %mul3A_297 = arith.constant 128 : i32
        %mul3A_298 = arith.muli %add3A_109, %mul3A_297 : i32
        %add3A_299 = arith.constant 32 : i32
        %add3A_300 = arith.addi %mul3A_298, %add3A_299 : i32
        %get3A_301 = arith.index_cast %add3A_300 : i32 to index
        %get3A_302 = tpu.vector_load %arg7[%get3A_301] {strides = array<i32>} : memref<3392xi32, #tpu.memory_space<vmem>>, vector<16xi32>,
        %swap3A_303 = arith.constant 14 : i32
        %swap3A_304 = arith.index_cast %swap3A_303 : i32 to index
        %swap3A_305 = arith.constant 32 : index
        %swap3A_306 = tpu.vector_load %arg9[%swap3A_304, %swap3A_305] {strides = array<i32>} : memref<16x128xi32, #tpu.memory_space<vmem>>, vector<16xi32>,
        tpu.vector_store %arg9[%swap3A_304, %swap3A_305], %get3A_302 {strides = array<i32>} : memref<16x128xi32, #tpu.memory_space<vmem>>, vector<16xi32>,
        %mul3A_307 = arith.constant 128 : i32
        %mul3A_308 = arith.muli %add3A_109, %mul3A_307 : i32
        %add3A_309 = arith.constant 32 : i32
        %add3A_310 = arith.addi %mul3A_308, %add3A_309 : i32
        %get3A_311 = arith.index_cast %add3A_310 : i32 to index
        %get3A_312 = tpu.vector_load %arg8[%get3A_311] {strides = array<i32>} : memref<3392xi32, #tpu.memory_space<vmem>>, vector<16xi32>,
        %swap3A_313 = arith.constant 15 : i32
        %swap3A_314 = arith.index_cast %swap3A_313 : i32 to index
        %swap3A_315 = arith.constant 32 : index
        %swap3A_316 = tpu.vector_load %arg9[%swap3A_314, %swap3A_315] {strides = array<i32>} : memref<16x128xi32, #tpu.memory_space<vmem>>, vector<16xi32>,
        tpu.vector_store %arg9[%swap3A_314, %swap3A_315], %get3A_312 {strides = array<i32>} : memref<16x128xi32, #tpu.memory_space<vmem>>, vector<16xi32>,
        %mul3A_317 = arith.constant 128 : i32
        %mul3A_318 = arith.muli %add3A_109, %mul3A_317 : i32
        %add3A_319 = arith.constant 48 : i32
        %add3A_320 = arith.addi %mul3A_318, %add3A_319 : i32
        %get3A_321 = arith.index_cast %add3A_320 : i32 to index
        %get3A_322 = tpu.vector_load %arg7[%get3A_321] {strides = array<i32>} : memref<3392xi32, #tpu.memory_space<vmem>>, vector<16xi32>,
        %swap3A_323 = arith.constant 14 : i32
        %swap3A_324 = arith.index_cast %swap3A_323 : i32 to index
        %swap3A_325 = arith.constant 48 : index
        %swap3A_326 = tpu.vector_load %arg9[%swap3A_324, %swap3A_325] {strides = array<i32>} : memref<16x128xi32, #tpu.memory_space<vmem>>, vector<16xi32>,
        tpu.vector_store %arg9[%swap3A_324, %swap3A_325], %get3A_322 {strides = array<i32>} : memref<16x128xi32, #tpu.memory_space<vmem>>, vector<16xi32>,
        %mul3A_327 = arith.constant 128 : i32
        %mul3A_328 = arith.muli %add3A_109, %mul3A_327 : i32
        %add3A_329 = arith.constant 48 : i32
        %add3A_330 = arith.addi %mul3A_328, %add3A_329 : i32
        %get3A_331 = arith.index_cast %add3A_330 : i32 to index
        %get3A_332 = tpu.vector_load %arg8[%get3A_331] {strides = array<i32>} : memref<3392xi32, #tpu.memory_space<vmem>>, vector<16xi32>,
        %swap3A_333 = arith.constant 15 : i32
        %swap3A_334 = arith.index_cast %swap3A_333 : i32 to index
        %swap3A_335 = arith.constant 48 : index
        %swap3A_336 = tpu.vector_load %arg9[%swap3A_334, %swap3A_335] {strides = array<i32>} : memref<16x128xi32, #tpu.memory_space<vmem>>, vector<16xi32>,
        tpu.vector_store %arg9[%swap3A_334, %swap3A_335], %get3A_332 {strides = array<i32>} : memref<16x128xi32, #tpu.memory_space<vmem>>, vector<16xi32>,
        %mul3A_337 = arith.constant 128 : i32
        %mul3A_338 = arith.muli %add3A_109, %mul3A_337 : i32
        %add3A_339 = arith.constant 64 : i32
        %add3A_340 = arith.addi %mul3A_338, %add3A_339 : i32
        %get3A_341 = arith.index_cast %add3A_340 : i32 to index
        %get3A_342 = tpu.vector_load %arg7[%get3A_341] {strides = array<i32>} : memref<3392xi32, #tpu.memory_space<vmem>>, vector<16xi32>,
        %swap3A_343 = arith.constant 14 : i32
        %swap3A_344 = arith.index_cast %swap3A_343 : i32 to index
        %swap3A_345 = arith.constant 64 : index
        %swap3A_346 = tpu.vector_load %arg9[%swap3A_344, %swap3A_345] {strides = array<i32>} : memref<16x128xi32, #tpu.memory_space<vmem>>, vector<16xi32>,
        tpu.vector_store %arg9[%swap3A_344, %swap3A_345], %get3A_342 {strides = array<i32>} : memref<16x128xi32, #tpu.memory_space<vmem>>, vector<16xi32>,
        %mul3A_347 = arith.constant 128 : i32
        %mul3A_348 = arith.muli %add3A_109, %mul3A_347 : i32
        %add3A_349 = arith.constant 64 : i32
        %add3A_350 = arith.addi %mul3A_348, %add3A_349 : i32
        %get3A_351 = arith.index_cast %add3A_350 : i32 to index
        %get3A_352 = tpu.vector_load %arg8[%get3A_351] {strides = array<i32>} : memref<3392xi32, #tpu.memory_space<vmem>>, vector<16xi32>,
        %swap3A_353 = arith.constant 15 : i32
        %swap3A_354 = arith.index_cast %swap3A_353 : i32 to index
        %swap3A_355 = arith.constant 64 : index
        %swap3A_356 = tpu.vector_load %arg9[%swap3A_354, %swap3A_355] {strides = array<i32>} : memref<16x128xi32, #tpu.memory_space<vmem>>, vector<16xi32>,
        tpu.vector_store %arg9[%swap3A_354, %swap3A_355], %get3A_352 {strides = array<i32>} : memref<16x128xi32, #tpu.memory_space<vmem>>, vector<16xi32>,
        %mul3A_357 = arith.constant 128 : i32
        %mul3A_358 = arith.muli %add3A_109, %mul3A_357 : i32
        %add3A_359 = arith.constant 80 : i32
        %add3A_360 = arith.addi %mul3A_358, %add3A_359 : i32
        %get3A_361 = arith.index_cast %add3A_360 : i32 to index
        %get3A_362 = tpu.vector_load %arg7[%get3A_361] {strides = array<i32>} : memref<3392xi32, #tpu.memory_space<vmem>>, vector<16xi32>,
        %swap3A_363 = arith.constant 14 : i32
        %swap3A_364 = arith.index_cast %swap3A_363 : i32 to index
        %swap3A_365 = arith.constant 80 : index
        %swap3A_366 = tpu.vector_load %arg9[%swap3A_364, %swap3A_365] {strides = array<i32>} : memref<16x128xi32, #tpu.memory_space<vmem>>, vector<16xi32>,
        tpu.vector_store %arg9[%swap3A_364, %swap3A_365], %get3A_362 {strides = array<i32>} : memref<16x128xi32, #tpu.memory_space<vmem>>, vector<16xi32>,
        %mul3A_367 = arith.constant 128 : i32
        %mul3A_368 = arith.muli %add3A_109, %mul3A_367 : i32
        %add3A_369 = arith.constant 80 : i32
        %add3A_370 = arith.addi %mul3A_368, %add3A_369 : i32
        %get3A_371 = arith.index_cast %add3A_370 : i32 to index
        %get3A_372 = tpu.vector_load %arg8[%get3A_371] {strides = array<i32>} : memref<3392xi32, #tpu.memory_space<vmem>>, vector<16xi32>,
        %swap3A_373 = arith.constant 15 : i32
        %swap3A_374 = arith.index_cast %swap3A_373 : i32 to index
        %swap3A_375 = arith.constant 80 : index
        %swap3A_376 = tpu.vector_load %arg9[%swap3A_374, %swap3A_375] {strides = array<i32>} : memref<16x128xi32, #tpu.memory_space<vmem>>, vector<16xi32>,
        tpu.vector_store %arg9[%swap3A_374, %swap3A_375], %get3A_372 {strides = array<i32>} : memref<16x128xi32, #tpu.memory_space<vmem>>, vector<16xi32>,
        %mul3A_377 = arith.constant 128 : i32
        %mul3A_378 = arith.muli %add3A_109, %mul3A_377 : i32
        %add3A_379 = arith.constant 96 : i32
        %add3A_380 = arith.addi %mul3A_378, %add3A_379 : i32
        %get3A_381 = arith.index_cast %add3A_380 : i32 to index
        %get3A_382 = tpu.vector_load %arg7[%get3A_381] {strides = array<i32>} : memref<3392xi32, #tpu.memory_space<vmem>>, vector<16xi32>,
        %swap3A_383 = arith.constant 14 : i32
        %swap3A_384 = arith.index_cast %swap3A_383 : i32 to index
        %swap3A_385 = arith.constant 96 : index
        %swap3A_386 = tpu.vector_load %arg9[%swap3A_384, %swap3A_385] {strides = array<i32>} : memref<16x128xi32, #tpu.memory_space<vmem>>, vector<16xi32>,
        tpu.vector_store %arg9[%swap3A_384, %swap3A_385], %get3A_382 {strides = array<i32>} : memref<16x128xi32, #tpu.memory_space<vmem>>, vector<16xi32>,
        %mul3A_387 = arith.constant 128 : i32
        %mul3A_388 = arith.muli %add3A_109, %mul3A_387 : i32
        %add3A_389 = arith.constant 96 : i32
        %add3A_390 = arith.addi %mul3A_388, %add3A_389 : i32
        %get3A_391 = arith.index_cast %add3A_390 : i32 to index
        %get3A_392 = tpu.vector_load %arg8[%get3A_391] {strides = array<i32>} : memref<3392xi32, #tpu.memory_space<vmem>>, vector<16xi32>,
        %swap3A_393 = arith.constant 15 : i32
        %swap3A_394 = arith.index_cast %swap3A_393 : i32 to index
        %swap3A_395 = arith.constant 96 : index
        %swap3A_396 = tpu.vector_load %arg9[%swap3A_394, %swap3A_395] {strides = array<i32>} : memref<16x128xi32, #tpu.memory_space<vmem>>, vector<16xi32>,
        tpu.vector_store %arg9[%swap3A_394, %swap3A_395], %get3A_392 {strides = array<i32>} : memref<16x128xi32, #tpu.memory_space<vmem>>, vector<16xi32>,
        %mul3A_397 = arith.constant 128 : i32
        %mul3A_398 = arith.muli %add3A_109, %mul3A_397 : i32
        %add3A_399 = arith.constant 112 : i32
        %add3A_400 = arith.addi %mul3A_398, %add3A_399 : i32
        %get3A_401 = arith.index_cast %add3A_400 : i32 to index
        %get3A_402 = tpu.vector_load %arg7[%get3A_401] {strides = array<i32>} : memref<3392xi32, #tpu.memory_space<vmem>>, vector<16xi32>,
        %swap3A_403 = arith.constant 14 : i32
        %swap3A_404 = arith.index_cast %swap3A_403 : i32 to index
        %swap3A_405 = arith.constant 112 : index
        %swap3A_406 = tpu.vector_load %arg9[%swap3A_404, %swap3A_405] {strides = array<i32>} : memref<16x128xi32, #tpu.memory_space<vmem>>, vector<16xi32>,
        tpu.vector_store %arg9[%swap3A_404, %swap3A_405], %get3A_402 {strides = array<i32>} : memref<16x128xi32, #tpu.memory_space<vmem>>, vector<16xi32>,
        %mul3A_407 = arith.constant 128 : i32
        %mul3A_408 = arith.muli %add3A_109, %mul3A_407 : i32
        %add3A_409 = arith.constant 112 : i32
        %add3A_410 = arith.addi %mul3A_408, %add3A_409 : i32
        %get3A_411 = arith.index_cast %add3A_410 : i32 to index
        %get3A_412 = tpu.vector_load %arg8[%get3A_411] {strides = array<i32>} : memref<3392xi32, #tpu.memory_space<vmem>>, vector<16xi32>,
        %swap3A_413 = arith.constant 15 : i32
        %swap3A_414 = arith.index_cast %swap3A_413 : i32 to index
        %swap3A_415 = arith.constant 112 : index
        %swap3A_416 = tpu.vector_load %arg9[%swap3A_414, %swap3A_415] {strides = array<i32>} : memref<16x128xi32, #tpu.memory_space<vmem>>, vector<16xi32>,
        tpu.vector_store %arg9[%swap3A_414, %swap3A_415], %get3A_412 {strides = array<i32>} : memref<16x128xi32, #tpu.memory_space<vmem>>, vector<16xi32>,
        %dma_start3A = arith.constant 14 : i32
        %dma_start3A_417 = arith.constant 896 : i32
        %dma_start3A_418 = arith.constant 0 : i32
        %dma_start3A_419 = tpu.memref_slice %arg10[%dma_start3A_417, %dma_start3A_418] : memref<1024x64xf32, #tpu.memory_space<vmem>> -> memref<128x64xf32, #tpu.memory_space<vmem>>
        %dma_start3A_420 = arith.constant 0 : i32
        %dma_start3A_421 = tpu.memref_slice %arg9[%dma_start3A, %dma_start3A_420] : memref<16x128xi32, #tpu.memory_space<vmem>> -> memref<1x128xi32, #tpu.memory_space<vmem>>
        %dma_start3A_422 = tpu.memref_squeeze %dma_start3A_421 : memref<1x128xi32, #tpu.memory_space<vmem>> -> memref<128xi32, #tpu.memory_space<vmem>>
        %dma_start3A_423 = arith.constant 0 : i32
        %dma_start3A_424 = arith.constant 0 : i32
        %dma_start3A_425 = tpu.memref_slice %arg4[%dma_start3A_423, %dma_start3A_424] : memref<16384x64xf32, #tpu.memory_space<hbm>> -> memref<16384x64xf32, #tpu.memory_space<hbm>>
        tpu.enqueue_indirect_dma source(%dma_start3A_425 : memref<16384x64xf32, #tpu.memory_space<hbm>>) target(%dma_start3A_419 : memref<128x64xf32, #tpu.memory_space<vmem>>) offsets(%dma_start3A_422 : memref<128xi32, #tpu.memory_space<vmem>>) semaphore(%arg11 : memref<!tpu.dma_semaphore, #tpu.memory_space<semaphore_mem>>)
      } else {
      }
      %add3A_114 = arith.constant 0 : i32
      %add3A_115 = arith.addi %mul3A_68, %add3A_114 : i32
      %lt3A_116 = arith.cmpi slt, %add3A_115, %select_n3A : i32
      %convert_element_type3A_117 = arith.extui %lt3A_116 : i1 to i32
      %cond3A_118 = arith.constant 0 : i32
      %cond3A_119 = arith.cmpi ne, %convert_element_type3A_117, %cond3A_118 : i32
      scf.if %cond3A_119 {
        %dma_wait3A = arith.constant 0 : i32
        %dma_wait3A_259 = arith.constant 0 : i32
        %dma_wait3A_260 = arith.constant 0 : i32
        %dma_wait3A_261 = tpu.memref_slice %arg10[%dma_wait3A_259, %dma_wait3A_260] : memref<1024x64xf32, #tpu.memory_space<vmem>> -> memref<128x64xf32, #tpu.memory_space<vmem>>
        %dma_wait3A_262 = arith.constant 0 : i32
        %dma_wait3A_263 = tpu.memref_slice %arg9[%dma_wait3A, %dma_wait3A_262] : memref<16x128xi32, #tpu.memory_space<vmem>> -> memref<1x128xi32, #tpu.memory_space<vmem>>
        %dma_wait3A_264 = tpu.memref_squeeze %dma_wait3A_263 : memref<1x128xi32, #tpu.memory_space<vmem>> -> memref<128xi32, #tpu.memory_space<vmem>>
        %dma_wait3A_265 = arith.constant 0 : i32
        %dma_wait3A_266 = arith.constant 0 : i32
        %dma_wait3A_267 = tpu.memref_slice %arg4[%dma_wait3A_265, %dma_wait3A_266] : memref<16384x64xf32, #tpu.memory_space<hbm>> -> memref<16384x64xf32, #tpu.memory_space<hbm>>
        tpu.wait_indirect_dma semaphore(%arg11 : memref<!tpu.dma_semaphore, #tpu.memory_space<semaphore_mem>>) src(%dma_wait3A_267 : memref<16384x64xf32, #tpu.memory_space<hbm>>) dst(%dma_wait3A_261 : memref<128x64xf32, #tpu.memory_space<vmem>>)
      } else {
      }
      %add3A_120 = arith.constant 1 : i32
      %add3A_121 = arith.addi %mul3A_68, %add3A_120 : i32
      %lt3A_122 = arith.cmpi slt, %add3A_121, %select_n3A : i32
      %convert_element_type3A_123 = arith.extui %lt3A_122 : i1 to i32
      %cond3A_124 = arith.constant 0 : i32
      %cond3A_125 = arith.cmpi ne, %convert_element_type3A_123, %cond3A_124 : i32
      scf.if %cond3A_125 {
        %dma_wait3A = arith.constant 2 : i32
        %dma_wait3A_259 = arith.constant 128 : i32
        %dma_wait3A_260 = arith.constant 0 : i32
        %dma_wait3A_261 = tpu.memref_slice %arg10[%dma_wait3A_259, %dma_wait3A_260] : memref<1024x64xf32, #tpu.memory_space<vmem>> -> memref<128x64xf32, #tpu.memory_space<vmem>>
        %dma_wait3A_262 = arith.constant 0 : i32
        %dma_wait3A_263 = tpu.memref_slice %arg9[%dma_wait3A, %dma_wait3A_262] : memref<16x128xi32, #tpu.memory_space<vmem>> -> memref<1x128xi32, #tpu.memory_space<vmem>>
        %dma_wait3A_264 = tpu.memref_squeeze %dma_wait3A_263 : memref<1x128xi32, #tpu.memory_space<vmem>> -> memref<128xi32, #tpu.memory_space<vmem>>
        %dma_wait3A_265 = arith.constant 0 : i32
        %dma_wait3A_266 = arith.constant 0 : i32
        %dma_wait3A_267 = tpu.memref_slice %arg4[%dma_wait3A_265, %dma_wait3A_266] : memref<16384x64xf32, #tpu.memory_space<hbm>> -> memref<16384x64xf32, #tpu.memory_space<hbm>>
        tpu.wait_indirect_dma semaphore(%arg11 : memref<!tpu.dma_semaphore, #tpu.memory_space<semaphore_mem>>) src(%dma_wait3A_267 : memref<16384x64xf32, #tpu.memory_space<hbm>>) dst(%dma_wait3A_261 : memref<128x64xf32, #tpu.memory_space<vmem>>)
      } else {
      }
      %add3A_126 = arith.constant 2 : i32
      %add3A_127 = arith.addi %mul3A_68, %add3A_126 : i32
      %lt3A_128 = arith.cmpi slt, %add3A_127, %select_n3A : i32
      %convert_element_type3A_129 = arith.extui %lt3A_128 : i1 to i32
      %cond3A_130 = arith.constant 0 : i32
      %cond3A_131 = arith.cmpi ne, %convert_element_type3A_129, %cond3A_130 : i32
      scf.if %cond3A_131 {
        %dma_wait3A = arith.constant 4 : i32
        %dma_wait3A_259 = arith.constant 256 : i32
        %dma_wait3A_260 = arith.constant 0 : i32
        %dma_wait3A_261 = tpu.memref_slice %arg10[%dma_wait3A_259, %dma_wait3A_260] : memref<1024x64xf32, #tpu.memory_space<vmem>> -> memref<128x64xf32, #tpu.memory_space<vmem>>
        %dma_wait3A_262 = arith.constant 0 : i32
        %dma_wait3A_263 = tpu.memref_slice %arg9[%dma_wait3A, %dma_wait3A_262] : memref<16x128xi32, #tpu.memory_space<vmem>> -> memref<1x128xi32, #tpu.memory_space<vmem>>
        %dma_wait3A_264 = tpu.memref_squeeze %dma_wait3A_263 : memref<1x128xi32, #tpu.memory_space<vmem>> -> memref<128xi32, #tpu.memory_space<vmem>>
        %dma_wait3A_265 = arith.constant 0 : i32
        %dma_wait3A_266 = arith.constant 0 : i32
        %dma_wait3A_267 = tpu.memref_slice %arg4[%dma_wait3A_265, %dma_wait3A_266] : memref<16384x64xf32, #tpu.memory_space<hbm>> -> memref<16384x64xf32, #tpu.memory_space<hbm>>
        tpu.wait_indirect_dma semaphore(%arg11 : memref<!tpu.dma_semaphore, #tpu.memory_space<semaphore_mem>>) src(%dma_wait3A_267 : memref<16384x64xf32, #tpu.memory_space<hbm>>) dst(%dma_wait3A_261 : memref<128x64xf32, #tpu.memory_space<vmem>>)
      } else {
      }
      %add3A_132 = arith.constant 3 : i32
      %add3A_133 = arith.addi %mul3A_68, %add3A_132 : i32
      %lt3A_134 = arith.cmpi slt, %add3A_133, %select_n3A : i32
      %convert_element_type3A_135 = arith.extui %lt3A_134 : i1 to i32
      %cond3A_136 = arith.constant 0 : i32
      %cond3A_137 = arith.cmpi ne, %convert_element_type3A_135, %cond3A_136 : i32
      scf.if %cond3A_137 {
        %dma_wait3A = arith.constant 6 : i32
        %dma_wait3A_259 = arith.constant 384 : i32
        %dma_wait3A_260 = arith.constant 0 : i32
        %dma_wait3A_261 = tpu.memref_slice %arg10[%dma_wait3A_259, %dma_wait3A_260] : memref<1024x64xf32, #tpu.memory_space<vmem>> -> memref<128x64xf32, #tpu.memory_space<vmem>>
        %dma_wait3A_262 = arith.constant 0 : i32
        %dma_wait3A_263 = tpu.memref_slice %arg9[%dma_wait3A, %dma_wait3A_262] : memref<16x128xi32, #tpu.memory_space<vmem>> -> memref<1x128xi32, #tpu.memory_space<vmem>>
        %dma_wait3A_264 = tpu.memref_squeeze %dma_wait3A_263 : memref<1x128xi32, #tpu.memory_space<vmem>> -> memref<128xi32, #tpu.memory_space<vmem>>
        %dma_wait3A_265 = arith.constant 0 : i32
        %dma_wait3A_266 = arith.constant 0 : i32
        %dma_wait3A_267 = tpu.memref_slice %arg4[%dma_wait3A_265, %dma_wait3A_266] : memref<16384x64xf32, #tpu.memory_space<hbm>> -> memref<16384x64xf32, #tpu.memory_space<hbm>>
        tpu.wait_indirect_dma semaphore(%arg11 : memref<!tpu.dma_semaphore, #tpu.memory_space<semaphore_mem>>) src(%dma_wait3A_267 : memref<16384x64xf32, #tpu.memory_space<hbm>>) dst(%dma_wait3A_261 : memref<128x64xf32, #tpu.memory_space<vmem>>)
      } else {
      }
      %add3A_138 = arith.constant 4 : i32
      %add3A_139 = arith.addi %mul3A_68, %add3A_138 : i32
      %lt3A_140 = arith.cmpi slt, %add3A_139, %select_n3A : i32
      %convert_element_type3A_141 = arith.extui %lt3A_140 : i1 to i32
      %cond3A_142 = arith.constant 0 : i32
      %cond3A_143 = arith.cmpi ne, %convert_element_type3A_141, %cond3A_142 : i32
      scf.if %cond3A_143 {
        %dma_wait3A = arith.constant 8 : i32
        %dma_wait3A_259 = arith.constant 512 : i32
        %dma_wait3A_260 = arith.constant 0 : i32
        %dma_wait3A_261 = tpu.memref_slice %arg10[%dma_wait3A_259, %dma_wait3A_260] : memref<1024x64xf32, #tpu.memory_space<vmem>> -> memref<128x64xf32, #tpu.memory_space<vmem>>
        %dma_wait3A_262 = arith.constant 0 : i32
        %dma_wait3A_263 = tpu.memref_slice %arg9[%dma_wait3A, %dma_wait3A_262] : memref<16x128xi32, #tpu.memory_space<vmem>> -> memref<1x128xi32, #tpu.memory_space<vmem>>
        %dma_wait3A_264 = tpu.memref_squeeze %dma_wait3A_263 : memref<1x128xi32, #tpu.memory_space<vmem>> -> memref<128xi32, #tpu.memory_space<vmem>>
        %dma_wait3A_265 = arith.constant 0 : i32
        %dma_wait3A_266 = arith.constant 0 : i32
        %dma_wait3A_267 = tpu.memref_slice %arg4[%dma_wait3A_265, %dma_wait3A_266] : memref<16384x64xf32, #tpu.memory_space<hbm>> -> memref<16384x64xf32, #tpu.memory_space<hbm>>
        tpu.wait_indirect_dma semaphore(%arg11 : memref<!tpu.dma_semaphore, #tpu.memory_space<semaphore_mem>>) src(%dma_wait3A_267 : memref<16384x64xf32, #tpu.memory_space<hbm>>) dst(%dma_wait3A_261 : memref<128x64xf32, #tpu.memory_space<vmem>>)
      } else {
      }
      %add3A_144 = arith.constant 5 : i32
      %add3A_145 = arith.addi %mul3A_68, %add3A_144 : i32
      %lt3A_146 = arith.cmpi slt, %add3A_145, %select_n3A : i32
      %convert_element_type3A_147 = arith.extui %lt3A_146 : i1 to i32
      %cond3A_148 = arith.constant 0 : i32
      %cond3A_149 = arith.cmpi ne, %convert_element_type3A_147, %cond3A_148 : i32
      scf.if %cond3A_149 {
        %dma_wait3A = arith.constant 10 : i32
        %dma_wait3A_259 = arith.constant 640 : i32
        %dma_wait3A_260 = arith.constant 0 : i32
        %dma_wait3A_261 = tpu.memref_slice %arg10[%dma_wait3A_259, %dma_wait3A_260] : memref<1024x64xf32, #tpu.memory_space<vmem>> -> memref<128x64xf32, #tpu.memory_space<vmem>>
        %dma_wait3A_262 = arith.constant 0 : i32
        %dma_wait3A_263 = tpu.memref_slice %arg9[%dma_wait3A, %dma_wait3A_262] : memref<16x128xi32, #tpu.memory_space<vmem>> -> memref<1x128xi32, #tpu.memory_space<vmem>>
        %dma_wait3A_264 = tpu.memref_squeeze %dma_wait3A_263 : memref<1x128xi32, #tpu.memory_space<vmem>> -> memref<128xi32, #tpu.memory_space<vmem>>
        %dma_wait3A_265 = arith.constant 0 : i32
        %dma_wait3A_266 = arith.constant 0 : i32
        %dma_wait3A_267 = tpu.memref_slice %arg4[%dma_wait3A_265, %dma_wait3A_266] : memref<16384x64xf32, #tpu.memory_space<hbm>> -> memref<16384x64xf32, #tpu.memory_space<hbm>>
        tpu.wait_indirect_dma semaphore(%arg11 : memref<!tpu.dma_semaphore, #tpu.memory_space<semaphore_mem>>) src(%dma_wait3A_267 : memref<16384x64xf32, #tpu.memory_space<hbm>>) dst(%dma_wait3A_261 : memref<128x64xf32, #tpu.memory_space<vmem>>)
      } else {
      }
      %add3A_150 = arith.constant 6 : i32
      %add3A_151 = arith.addi %mul3A_68, %add3A_150 : i32
      %lt3A_152 = arith.cmpi slt, %add3A_151, %select_n3A : i32
      %convert_element_type3A_153 = arith.extui %lt3A_152 : i1 to i32
      %cond3A_154 = arith.constant 0 : i32
      %cond3A_155 = arith.cmpi ne, %convert_element_type3A_153, %cond3A_154 : i32
      scf.if %cond3A_155 {
        %dma_wait3A = arith.constant 12 : i32
        %dma_wait3A_259 = arith.constant 768 : i32
        %dma_wait3A_260 = arith.constant 0 : i32
        %dma_wait3A_261 = tpu.memref_slice %arg10[%dma_wait3A_259, %dma_wait3A_260] : memref<1024x64xf32, #tpu.memory_space<vmem>> -> memref<128x64xf32, #tpu.memory_space<vmem>>
        %dma_wait3A_262 = arith.constant 0 : i32
        %dma_wait3A_263 = tpu.memref_slice %arg9[%dma_wait3A, %dma_wait3A_262] : memref<16x128xi32, #tpu.memory_space<vmem>> -> memref<1x128xi32, #tpu.memory_space<vmem>>
        %dma_wait3A_264 = tpu.memref_squeeze %dma_wait3A_263 : memref<1x128xi32, #tpu.memory_space<vmem>> -> memref<128xi32, #tpu.memory_space<vmem>>
        %dma_wait3A_265 = arith.constant 0 : i32
        %dma_wait3A_266 = arith.constant 0 : i32
        %dma_wait3A_267 = tpu.memref_slice %arg4[%dma_wait3A_265, %dma_wait3A_266] : memref<16384x64xf32, #tpu.memory_space<hbm>> -> memref<16384x64xf32, #tpu.memory_space<hbm>>
        tpu.wait_indirect_dma semaphore(%arg11 : memref<!tpu.dma_semaphore, #tpu.memory_space<semaphore_mem>>) src(%dma_wait3A_267 : memref<16384x64xf32, #tpu.memory_space<hbm>>) dst(%dma_wait3A_261 : memref<128x64xf32, #tpu.memory_space<vmem>>)
      } else {
      }
      %add3A_156 = arith.constant 7 : i32
      %add3A_157 = arith.addi %mul3A_68, %add3A_156 : i32
      %lt3A_158 = arith.cmpi slt, %add3A_157, %select_n3A : i32
      %convert_element_type3A_159 = arith.extui %lt3A_158 : i1 to i32
      %cond3A_160 = arith.constant 0 : i32
      %cond3A_161 = arith.cmpi ne, %convert_element_type3A_159, %cond3A_160 : i32
      scf.if %cond3A_161 {
        %dma_wait3A = arith.constant 14 : i32
        %dma_wait3A_259 = arith.constant 896 : i32
        %dma_wait3A_260 = arith.constant 0 : i32
        %dma_wait3A_261 = tpu.memref_slice %arg10[%dma_wait3A_259, %dma_wait3A_260] : memref<1024x64xf32, #tpu.memory_space<vmem>> -> memref<128x64xf32, #tpu.memory_space<vmem>>
        %dma_wait3A_262 = arith.constant 0 : i32
        %dma_wait3A_263 = tpu.memref_slice %arg9[%dma_wait3A, %dma_wait3A_262] : memref<16x128xi32, #tpu.memory_space<vmem>> -> memref<1x128xi32, #tpu.memory_space<vmem>>
        %dma_wait3A_264 = tpu.memref_squeeze %dma_wait3A_263 : memref<1x128xi32, #tpu.memory_space<vmem>> -> memref<128xi32, #tpu.memory_space<vmem>>
        %dma_wait3A_265 = arith.constant 0 : i32
        %dma_wait3A_266 = arith.constant 0 : i32
        %dma_wait3A_267 = tpu.memref_slice %arg4[%dma_wait3A_265, %dma_wait3A_266] : memref<16384x64xf32, #tpu.memory_space<hbm>> -> memref<16384x64xf32, #tpu.memory_space<hbm>>
        tpu.wait_indirect_dma semaphore(%arg11 : memref<!tpu.dma_semaphore, #tpu.memory_space<semaphore_mem>>) src(%dma_wait3A_267 : memref<16384x64xf32, #tpu.memory_space<hbm>>) dst(%dma_wait3A_261 : memref<128x64xf32, #tpu.memory_space<vmem>>)
      } else {
      }
      %add3A_162 = arith.constant 0 : i32
      %add3A_163 = arith.addi %mul3A_68, %add3A_162 : i32
      %lt3A_164 = arith.cmpi slt, %add3A_163, %select_n3A : i32
      %convert_element_type3A_165 = arith.extui %lt3A_164 : i1 to i32
      %cond3A_166 = arith.constant 0 : i32
      %cond3A_167 = arith.cmpi ne, %convert_element_type3A_165, %cond3A_166 : i32
      scf.if %cond3A_167 {
        %dma_start3A = arith.constant 1 : i32
        %dma_start3A_259 = arith.constant 0 : i32
        %dma_start3A_260 = arith.constant 0 : i32
        %dma_start3A_261 = tpu.memref_slice %arg10[%dma_start3A_259, %dma_start3A_260] : memref<1024x64xf32, #tpu.memory_space<vmem>> -> memref<128x64xf32, #tpu.memory_space<vmem>>
        %dma_start3A_262 = arith.constant 0 : i32
        %dma_start3A_263 = tpu.memref_slice %arg9[%dma_start3A, %dma_start3A_262] : memref<16x128xi32, #tpu.memory_space<vmem>> -> memref<1x128xi32, #tpu.memory_space<vmem>>
        %dma_start3A_264 = tpu.memref_squeeze %dma_start3A_263 : memref<1x128xi32, #tpu.memory_space<vmem>> -> memref<128xi32, #tpu.memory_space<vmem>>
        %dma_start3A_265 = arith.constant 0 : i32
        %dma_start3A_266 = arith.constant 0 : i32
        %dma_start3A_267 = tpu.memref_slice %arg5[%dma_start3A_265, %dma_start3A_266] : memref<100000x64xf32, #tpu.memory_space<hbm>> -> memref<100000x64xf32, #tpu.memory_space<hbm>>
        tpu.enqueue_indirect_dma source(%dma_start3A_261 : memref<128x64xf32, #tpu.memory_space<vmem>>) target(%dma_start3A_267 : memref<100000x64xf32, #tpu.memory_space<hbm>>) offsets(%dma_start3A_264 : memref<128xi32, #tpu.memory_space<vmem>>) semaphore(%arg12 : memref<!tpu.dma_semaphore, #tpu.memory_space<semaphore_mem>>)
      } else {
      }
      %add3A_168 = arith.constant 1 : i32
      %add3A_169 = arith.addi %mul3A_68, %add3A_168 : i32
      %lt3A_170 = arith.cmpi slt, %add3A_169, %select_n3A : i32
      %convert_element_type3A_171 = arith.extui %lt3A_170 : i1 to i32
      %cond3A_172 = arith.constant 0 : i32
      %cond3A_173 = arith.cmpi ne, %convert_element_type3A_171, %cond3A_172 : i32
      scf.if %cond3A_173 {
        %dma_start3A = arith.constant 3 : i32
        %dma_start3A_259 = arith.constant 128 : i32
        %dma_start3A_260 = arith.constant 0 : i32
        %dma_start3A_261 = tpu.memref_slice %arg10[%dma_start3A_259, %dma_start3A_260] : memref<1024x64xf32, #tpu.memory_space<vmem>> -> memref<128x64xf32, #tpu.memory_space<vmem>>
        %dma_start3A_262 = arith.constant 0 : i32
        %dma_start3A_263 = tpu.memref_slice %arg9[%dma_start3A, %dma_start3A_262] : memref<16x128xi32, #tpu.memory_space<vmem>> -> memref<1x128xi32, #tpu.memory_space<vmem>>
        %dma_start3A_264 = tpu.memref_squeeze %dma_start3A_263 : memref<1x128xi32, #tpu.memory_space<vmem>> -> memref<128xi32, #tpu.memory_space<vmem>>
        %dma_start3A_265 = arith.constant 0 : i32
        %dma_start3A_266 = arith.constant 0 : i32
        %dma_start3A_267 = tpu.memref_slice %arg5[%dma_start3A_265, %dma_start3A_266] : memref<100000x64xf32, #tpu.memory_space<hbm>> -> memref<100000x64xf32, #tpu.memory_space<hbm>>
        tpu.enqueue_indirect_dma source(%dma_start3A_261 : memref<128x64xf32, #tpu.memory_space<vmem>>) target(%dma_start3A_267 : memref<100000x64xf32, #tpu.memory_space<hbm>>) offsets(%dma_start3A_264 : memref<128xi32, #tpu.memory_space<vmem>>) semaphore(%arg12 : memref<!tpu.dma_semaphore, #tpu.memory_space<semaphore_mem>>)
      } else {
      }
      %add3A_174 = arith.constant 2 : i32
      %add3A_175 = arith.addi %mul3A_68, %add3A_174 : i32
      %lt3A_176 = arith.cmpi slt, %add3A_175, %select_n3A : i32
      %convert_element_type3A_177 = arith.extui %lt3A_176 : i1 to i32
      %cond3A_178 = arith.constant 0 : i32
      %cond3A_179 = arith.cmpi ne, %convert_element_type3A_177, %cond3A_178 : i32
      scf.if %cond3A_179 {
        %dma_start3A = arith.constant 5 : i32
        %dma_start3A_259 = arith.constant 256 : i32
        %dma_start3A_260 = arith.constant 0 : i32
        %dma_start3A_261 = tpu.memref_slice %arg10[%dma_start3A_259, %dma_start3A_260] : memref<1024x64xf32, #tpu.memory_space<vmem>> -> memref<128x64xf32, #tpu.memory_space<vmem>>
        %dma_start3A_262 = arith.constant 0 : i32
        %dma_start3A_263 = tpu.memref_slice %arg9[%dma_start3A, %dma_start3A_262] : memref<16x128xi32, #tpu.memory_space<vmem>> -> memref<1x128xi32, #tpu.memory_space<vmem>>
        %dma_start3A_264 = tpu.memref_squeeze %dma_start3A_263 : memref<1x128xi32, #tpu.memory_space<vmem>> -> memref<128xi32, #tpu.memory_space<vmem>>
        %dma_start3A_265 = arith.constant 0 : i32
        %dma_start3A_266 = arith.constant 0 : i32
        %dma_start3A_267 = tpu.memref_slice %arg5[%dma_start3A_265, %dma_start3A_266] : memref<100000x64xf32, #tpu.memory_space<hbm>> -> memref<100000x64xf32, #tpu.memory_space<hbm>>
        tpu.enqueue_indirect_dma source(%dma_start3A_261 : memref<128x64xf32, #tpu.memory_space<vmem>>) target(%dma_start3A_267 : memref<100000x64xf32, #tpu.memory_space<hbm>>) offsets(%dma_start3A_264 : memref<128xi32, #tpu.memory_space<vmem>>) semaphore(%arg12 : memref<!tpu.dma_semaphore, #tpu.memory_space<semaphore_mem>>)
      } else {
      }
      %add3A_180 = arith.constant 3 : i32
      %add3A_181 = arith.addi %mul3A_68, %add3A_180 : i32
      %lt3A_182 = arith.cmpi slt, %add3A_181, %select_n3A : i32
      %convert_element_type3A_183 = arith.extui %lt3A_182 : i1 to i32
      %cond3A_184 = arith.constant 0 : i32
      %cond3A_185 = arith.cmpi ne, %convert_element_type3A_183, %cond3A_184 : i32
      scf.if %cond3A_185 {
        %dma_start3A = arith.constant 7 : i32
        %dma_start3A_259 = arith.constant 384 : i32
        %dma_start3A_260 = arith.constant 0 : i32
        %dma_start3A_261 = tpu.memref_slice %arg10[%dma_start3A_259, %dma_start3A_260] : memref<1024x64xf32, #tpu.memory_space<vmem>> -> memref<128x64xf32, #tpu.memory_space<vmem>>
        %dma_start3A_262 = arith.constant 0 : i32
        %dma_start3A_263 = tpu.memref_slice %arg9[%dma_start3A, %dma_start3A_262] : memref<16x128xi32, #tpu.memory_space<vmem>> -> memref<1x128xi32, #tpu.memory_space<vmem>>
        %dma_start3A_264 = tpu.memref_squeeze %dma_start3A_263 : memref<1x128xi32, #tpu.memory_space<vmem>> -> memref<128xi32, #tpu.memory_space<vmem>>
        %dma_start3A_265 = arith.constant 0 : i32
        %dma_start3A_266 = arith.constant 0 : i32
        %dma_start3A_267 = tpu.memref_slice %arg5[%dma_start3A_265, %dma_start3A_266] : memref<100000x64xf32, #tpu.memory_space<hbm>> -> memref<100000x64xf32, #tpu.memory_space<hbm>>
        tpu.enqueue_indirect_dma source(%dma_start3A_261 : memref<128x64xf32, #tpu.memory_space<vmem>>) target(%dma_start3A_267 : memref<100000x64xf32, #tpu.memory_space<hbm>>) offsets(%dma_start3A_264 : memref<128xi32, #tpu.memory_space<vmem>>) semaphore(%arg12 : memref<!tpu.dma_semaphore, #tpu.memory_space<semaphore_mem>>)
      } else {
      }
      %add3A_186 = arith.constant 4 : i32
      %add3A_187 = arith.addi %mul3A_68, %add3A_186 : i32
      %lt3A_188 = arith.cmpi slt, %add3A_187, %select_n3A : i32
      %convert_element_type3A_189 = arith.extui %lt3A_188 : i1 to i32
      %cond3A_190 = arith.constant 0 : i32
      %cond3A_191 = arith.cmpi ne, %convert_element_type3A_189, %cond3A_190 : i32
      scf.if %cond3A_191 {
        %dma_start3A = arith.constant 9 : i32
        %dma_start3A_259 = arith.constant 512 : i32
        %dma_start3A_260 = arith.constant 0 : i32
        %dma_start3A_261 = tpu.memref_slice %arg10[%dma_start3A_259, %dma_start3A_260] : memref<1024x64xf32, #tpu.memory_space<vmem>> -> memref<128x64xf32, #tpu.memory_space<vmem>>
        %dma_start3A_262 = arith.constant 0 : i32
        %dma_start3A_263 = tpu.memref_slice %arg9[%dma_start3A, %dma_start3A_262] : memref<16x128xi32, #tpu.memory_space<vmem>> -> memref<1x128xi32, #tpu.memory_space<vmem>>
        %dma_start3A_264 = tpu.memref_squeeze %dma_start3A_263 : memref<1x128xi32, #tpu.memory_space<vmem>> -> memref<128xi32, #tpu.memory_space<vmem>>
        %dma_start3A_265 = arith.constant 0 : i32
        %dma_start3A_266 = arith.constant 0 : i32
        %dma_start3A_267 = tpu.memref_slice %arg5[%dma_start3A_265, %dma_start3A_266] : memref<100000x64xf32, #tpu.memory_space<hbm>> -> memref<100000x64xf32, #tpu.memory_space<hbm>>
        tpu.enqueue_indirect_dma source(%dma_start3A_261 : memref<128x64xf32, #tpu.memory_space<vmem>>) target(%dma_start3A_267 : memref<100000x64xf32, #tpu.memory_space<hbm>>) offsets(%dma_start3A_264 : memref<128xi32, #tpu.memory_space<vmem>>) semaphore(%arg12 : memref<!tpu.dma_semaphore, #tpu.memory_space<semaphore_mem>>)
      } else {
      }
      %add3A_192 = arith.constant 5 : i32
      %add3A_193 = arith.addi %mul3A_68, %add3A_192 : i32
      %lt3A_194 = arith.cmpi slt, %add3A_193, %select_n3A : i32
      %convert_element_type3A_195 = arith.extui %lt3A_194 : i1 to i32
      %cond3A_196 = arith.constant 0 : i32
      %cond3A_197 = arith.cmpi ne, %convert_element_type3A_195, %cond3A_196 : i32
      scf.if %cond3A_197 {
        %dma_start3A = arith.constant 11 : i32
        %dma_start3A_259 = arith.constant 640 : i32
        %dma_start3A_260 = arith.constant 0 : i32
        %dma_start3A_261 = tpu.memref_slice %arg10[%dma_start3A_259, %dma_start3A_260] : memref<1024x64xf32, #tpu.memory_space<vmem>> -> memref<128x64xf32, #tpu.memory_space<vmem>>
        %dma_start3A_262 = arith.constant 0 : i32
        %dma_start3A_263 = tpu.memref_slice %arg9[%dma_start3A, %dma_start3A_262] : memref<16x128xi32, #tpu.memory_space<vmem>> -> memref<1x128xi32, #tpu.memory_space<vmem>>
        %dma_start3A_264 = tpu.memref_squeeze %dma_start3A_263 : memref<1x128xi32, #tpu.memory_space<vmem>> -> memref<128xi32, #tpu.memory_space<vmem>>
        %dma_start3A_265 = arith.constant 0 : i32
        %dma_start3A_266 = arith.constant 0 : i32
        %dma_start3A_267 = tpu.memref_slice %arg5[%dma_start3A_265, %dma_start3A_266] : memref<100000x64xf32, #tpu.memory_space<hbm>> -> memref<100000x64xf32, #tpu.memory_space<hbm>>
        tpu.enqueue_indirect_dma source(%dma_start3A_261 : memref<128x64xf32, #tpu.memory_space<vmem>>) target(%dma_start3A_267 : memref<100000x64xf32, #tpu.memory_space<hbm>>) offsets(%dma_start3A_264 : memref<128xi32, #tpu.memory_space<vmem>>) semaphore(%arg12 : memref<!tpu.dma_semaphore, #tpu.memory_space<semaphore_mem>>)
      } else {
      }
      %add3A_198 = arith.constant 6 : i32
      %add3A_199 = arith.addi %mul3A_68, %add3A_198 : i32
      %lt3A_200 = arith.cmpi slt, %add3A_199, %select_n3A : i32
      %convert_element_type3A_201 = arith.extui %lt3A_200 : i1 to i32
      %cond3A_202 = arith.constant 0 : i32
      %cond3A_203 = arith.cmpi ne, %convert_element_type3A_201, %cond3A_202 : i32
      scf.if %cond3A_203 {
        %dma_start3A = arith.constant 13 : i32
        %dma_start3A_259 = arith.constant 768 : i32
        %dma_start3A_260 = arith.constant 0 : i32
        %dma_start3A_261 = tpu.memref_slice %arg10[%dma_start3A_259, %dma_start3A_260] : memref<1024x64xf32, #tpu.memory_space<vmem>> -> memref<128x64xf32, #tpu.memory_space<vmem>>
        %dma_start3A_262 = arith.constant 0 : i32
        %dma_start3A_263 = tpu.memref_slice %arg9[%dma_start3A, %dma_start3A_262] : memref<16x128xi32, #tpu.memory_space<vmem>> -> memref<1x128xi32, #tpu.memory_space<vmem>>
        %dma_start3A_264 = tpu.memref_squeeze %dma_start3A_263 : memref<1x128xi32, #tpu.memory_space<vmem>> -> memref<128xi32, #tpu.memory_space<vmem>>
        %dma_start3A_265 = arith.constant 0 : i32
        %dma_start3A_266 = arith.constant 0 : i32
        %dma_start3A_267 = tpu.memref_slice %arg5[%dma_start3A_265, %dma_start3A_266] : memref<100000x64xf32, #tpu.memory_space<hbm>> -> memref<100000x64xf32, #tpu.memory_space<hbm>>
        tpu.enqueue_indirect_dma source(%dma_start3A_261 : memref<128x64xf32, #tpu.memory_space<vmem>>) target(%dma_start3A_267 : memref<100000x64xf32, #tpu.memory_space<hbm>>) offsets(%dma_start3A_264 : memref<128xi32, #tpu.memory_space<vmem>>) semaphore(%arg12 : memref<!tpu.dma_semaphore, #tpu.memory_space<semaphore_mem>>)
      } else {
      }
      %add3A_204 = arith.constant 7 : i32
      %add3A_205 = arith.addi %mul3A_68, %add3A_204 : i32
      %lt3A_206 = arith.cmpi slt, %add3A_205, %select_n3A : i32
      %convert_element_type3A_207 = arith.extui %lt3A_206 : i1 to i32
      %cond3A_208 = arith.constant 0 : i32
      %cond3A_209 = arith.cmpi ne, %convert_element_type3A_207, %cond3A_208 : i32
      scf.if %cond3A_209 {
        %dma_start3A = arith.constant 15 : i32
        %dma_start3A_259 = arith.constant 896 : i32
        %dma_start3A_260 = arith.constant 0 : i32
        %dma_start3A_261 = tpu.memref_slice %arg10[%dma_start3A_259, %dma_start3A_260] : memref<1024x64xf32, #tpu.memory_space<vmem>> -> memref<128x64xf32, #tpu.memory_space<vmem>>
        %dma_start3A_262 = arith.constant 0 : i32
        %dma_start3A_263 = tpu.memref_slice %arg9[%dma_start3A, %dma_start3A_262] : memref<16x128xi32, #tpu.memory_space<vmem>> -> memref<1x128xi32, #tpu.memory_space<vmem>>
        %dma_start3A_264 = tpu.memref_squeeze %dma_start3A_263 : memref<1x128xi32, #tpu.memory_space<vmem>> -> memref<128xi32, #tpu.memory_space<vmem>>
        %dma_start3A_265 = arith.constant 0 : i32
        %dma_start3A_266 = arith.constant 0 : i32
        %dma_start3A_267 = tpu.memref_slice %arg5[%dma_start3A_265, %dma_start3A_266] : memref<100000x64xf32, #tpu.memory_space<hbm>> -> memref<100000x64xf32, #tpu.memory_space<hbm>>
        tpu.enqueue_indirect_dma source(%dma_start3A_261 : memref<128x64xf32, #tpu.memory_space<vmem>>) target(%dma_start3A_267 : memref<100000x64xf32, #tpu.memory_space<hbm>>) offsets(%dma_start3A_264 : memref<128xi32, #tpu.memory_space<vmem>>) semaphore(%arg12 : memref<!tpu.dma_semaphore, #tpu.memory_space<semaphore_mem>>)
      } else {
      }
      %add3A_210 = arith.constant 0 : i32
      %add3A_211 = arith.addi %mul3A_68, %add3A_210 : i32
      %lt3A_212 = arith.cmpi slt, %add3A_211, %select_n3A : i32
      %convert_element_type3A_213 = arith.extui %lt3A_212 : i1 to i32
      %cond3A_214 = arith.constant 0 : i32
      %cond3A_215 = arith.cmpi ne, %convert_element_type3A_213, %cond3A_214 : i32
      scf.if %cond3A_215 {
        %dma_wait3A = arith.constant 1 : i32
        %dma_wait3A_259 = arith.constant 0 : i32
        %dma_wait3A_260 = arith.constant 0 : i32
        %dma_wait3A_261 = tpu.memref_slice %arg10[%dma_wait3A_259, %dma_wait3A_260] : memref<1024x64xf32, #tpu.memory_space<vmem>> -> memref<128x64xf32, #tpu.memory_space<vmem>>
        %dma_wait3A_262 = arith.constant 0 : i32
        %dma_wait3A_263 = tpu.memref_slice %arg9[%dma_wait3A, %dma_wait3A_262] : memref<16x128xi32, #tpu.memory_space<vmem>> -> memref<1x128xi32, #tpu.memory_space<vmem>>
        %dma_wait3A_264 = tpu.memref_squeeze %dma_wait3A_263 : memref<1x128xi32, #tpu.memory_space<vmem>> -> memref<128xi32, #tpu.memory_space<vmem>>
        %dma_wait3A_265 = arith.constant 0 : i32
        %dma_wait3A_266 = arith.constant 0 : i32
        %dma_wait3A_267 = tpu.memref_slice %arg5[%dma_wait3A_265, %dma_wait3A_266] : memref<100000x64xf32, #tpu.memory_space<hbm>> -> memref<100000x64xf32, #tpu.memory_space<hbm>>
        tpu.wait_indirect_dma semaphore(%arg12 : memref<!tpu.dma_semaphore, #tpu.memory_space<semaphore_mem>>) src(%dma_wait3A_261 : memref<128x64xf32, #tpu.memory_space<vmem>>) dst(%dma_wait3A_267 : memref<100000x64xf32, #tpu.memory_space<hbm>>)
      } else {
      }
      %add3A_216 = arith.constant 1 : i32
      %add3A_217 = arith.addi %mul3A_68, %add3A_216 : i32
      %lt3A_218 = arith.cmpi slt, %add3A_217, %select_n3A : i32
      %convert_element_type3A_219 = arith.extui %lt3A_218 : i1 to i32
      %cond3A_220 = arith.constant 0 : i32
      %cond3A_221 = arith.cmpi ne, %convert_element_type3A_219, %cond3A_220 : i32
      scf.if %cond3A_221 {
        %dma_wait3A = arith.constant 3 : i32
        %dma_wait3A_259 = arith.constant 128 : i32
        %dma_wait3A_260 = arith.constant 0 : i32
        %dma_wait3A_261 = tpu.memref_slice %arg10[%dma_wait3A_259, %dma_wait3A_260] : memref<1024x64xf32, #tpu.memory_space<vmem>> -> memref<128x64xf32, #tpu.memory_space<vmem>>
        %dma_wait3A_262 = arith.constant 0 : i32
        %dma_wait3A_263 = tpu.memref_slice %arg9[%dma_wait3A, %dma_wait3A_262] : memref<16x128xi32, #tpu.memory_space<vmem>> -> memref<1x128xi32, #tpu.memory_space<vmem>>
        %dma_wait3A_264 = tpu.memref_squeeze %dma_wait3A_263 : memref<1x128xi32, #tpu.memory_space<vmem>> -> memref<128xi32, #tpu.memory_space<vmem>>
        %dma_wait3A_265 = arith.constant 0 : i32
        %dma_wait3A_266 = arith.constant 0 : i32
        %dma_wait3A_267 = tpu.memref_slice %arg5[%dma_wait3A_265, %dma_wait3A_266] : memref<100000x64xf32, #tpu.memory_space<hbm>> -> memref<100000x64xf32, #tpu.memory_space<hbm>>
        tpu.wait_indirect_dma semaphore(%arg12 : memref<!tpu.dma_semaphore, #tpu.memory_space<semaphore_mem>>) src(%dma_wait3A_261 : memref<128x64xf32, #tpu.memory_space<vmem>>) dst(%dma_wait3A_267 : memref<100000x64xf32, #tpu.memory_space<hbm>>)
      } else {
      }
      %add3A_222 = arith.constant 2 : i32
      %add3A_223 = arith.addi %mul3A_68, %add3A_222 : i32
      %lt3A_224 = arith.cmpi slt, %add3A_223, %select_n3A : i32
      %convert_element_type3A_225 = arith.extui %lt3A_224 : i1 to i32
      %cond3A_226 = arith.constant 0 : i32
      %cond3A_227 = arith.cmpi ne, %convert_element_type3A_225, %cond3A_226 : i32
      scf.if %cond3A_227 {
        %dma_wait3A = arith.constant 5 : i32
        %dma_wait3A_259 = arith.constant 256 : i32
        %dma_wait3A_260 = arith.constant 0 : i32
        %dma_wait3A_261 = tpu.memref_slice %arg10[%dma_wait3A_259, %dma_wait3A_260] : memref<1024x64xf32, #tpu.memory_space<vmem>> -> memref<128x64xf32, #tpu.memory_space<vmem>>
        %dma_wait3A_262 = arith.constant 0 : i32
        %dma_wait3A_263 = tpu.memref_slice %arg9[%dma_wait3A, %dma_wait3A_262] : memref<16x128xi32, #tpu.memory_space<vmem>> -> memref<1x128xi32, #tpu.memory_space<vmem>>
        %dma_wait3A_264 = tpu.memref_squeeze %dma_wait3A_263 : memref<1x128xi32, #tpu.memory_space<vmem>> -> memref<128xi32, #tpu.memory_space<vmem>>
        %dma_wait3A_265 = arith.constant 0 : i32
        %dma_wait3A_266 = arith.constant 0 : i32
        %dma_wait3A_267 = tpu.memref_slice %arg5[%dma_wait3A_265, %dma_wait3A_266] : memref<100000x64xf32, #tpu.memory_space<hbm>> -> memref<100000x64xf32, #tpu.memory_space<hbm>>
        tpu.wait_indirect_dma semaphore(%arg12 : memref<!tpu.dma_semaphore, #tpu.memory_space<semaphore_mem>>) src(%dma_wait3A_261 : memref<128x64xf32, #tpu.memory_space<vmem>>) dst(%dma_wait3A_267 : memref<100000x64xf32, #tpu.memory_space<hbm>>)
      } else {
      }
      %add3A_228 = arith.constant 3 : i32
      %add3A_229 = arith.addi %mul3A_68, %add3A_228 : i32
      %lt3A_230 = arith.cmpi slt, %add3A_229, %select_n3A : i32
      %convert_element_type3A_231 = arith.extui %lt3A_230 : i1 to i32
      %cond3A_232 = arith.constant 0 : i32
      %cond3A_233 = arith.cmpi ne, %convert_element_type3A_231, %cond3A_232 : i32
      scf.if %cond3A_233 {
        %dma_wait3A = arith.constant 7 : i32
        %dma_wait3A_259 = arith.constant 384 : i32
        %dma_wait3A_260 = arith.constant 0 : i32
        %dma_wait3A_261 = tpu.memref_slice %arg10[%dma_wait3A_259, %dma_wait3A_260] : memref<1024x64xf32, #tpu.memory_space<vmem>> -> memref<128x64xf32, #tpu.memory_space<vmem>>
        %dma_wait3A_262 = arith.constant 0 : i32
        %dma_wait3A_263 = tpu.memref_slice %arg9[%dma_wait3A, %dma_wait3A_262] : memref<16x128xi32, #tpu.memory_space<vmem>> -> memref<1x128xi32, #tpu.memory_space<vmem>>
        %dma_wait3A_264 = tpu.memref_squeeze %dma_wait3A_263 : memref<1x128xi32, #tpu.memory_space<vmem>> -> memref<128xi32, #tpu.memory_space<vmem>>
        %dma_wait3A_265 = arith.constant 0 : i32
        %dma_wait3A_266 = arith.constant 0 : i32
        %dma_wait3A_267 = tpu.memref_slice %arg5[%dma_wait3A_265, %dma_wait3A_266] : memref<100000x64xf32, #tpu.memory_space<hbm>> -> memref<100000x64xf32, #tpu.memory_space<hbm>>
        tpu.wait_indirect_dma semaphore(%arg12 : memref<!tpu.dma_semaphore, #tpu.memory_space<semaphore_mem>>) src(%dma_wait3A_261 : memref<128x64xf32, #tpu.memory_space<vmem>>) dst(%dma_wait3A_267 : memref<100000x64xf32, #tpu.memory_space<hbm>>)
      } else {
      }
      %add3A_234 = arith.constant 4 : i32
      %add3A_235 = arith.addi %mul3A_68, %add3A_234 : i32
      %lt3A_236 = arith.cmpi slt, %add3A_235, %select_n3A : i32
      %convert_element_type3A_237 = arith.extui %lt3A_236 : i1 to i32
      %cond3A_238 = arith.constant 0 : i32
      %cond3A_239 = arith.cmpi ne, %convert_element_type3A_237, %cond3A_238 : i32
      scf.if %cond3A_239 {
        %dma_wait3A = arith.constant 9 : i32
        %dma_wait3A_259 = arith.constant 512 : i32
        %dma_wait3A_260 = arith.constant 0 : i32
        %dma_wait3A_261 = tpu.memref_slice %arg10[%dma_wait3A_259, %dma_wait3A_260] : memref<1024x64xf32, #tpu.memory_space<vmem>> -> memref<128x64xf32, #tpu.memory_space<vmem>>
        %dma_wait3A_262 = arith.constant 0 : i32
        %dma_wait3A_263 = tpu.memref_slice %arg9[%dma_wait3A, %dma_wait3A_262] : memref<16x128xi32, #tpu.memory_space<vmem>> -> memref<1x128xi32, #tpu.memory_space<vmem>>
        %dma_wait3A_264 = tpu.memref_squeeze %dma_wait3A_263 : memref<1x128xi32, #tpu.memory_space<vmem>> -> memref<128xi32, #tpu.memory_space<vmem>>
        %dma_wait3A_265 = arith.constant 0 : i32
        %dma_wait3A_266 = arith.constant 0 : i32
        %dma_wait3A_267 = tpu.memref_slice %arg5[%dma_wait3A_265, %dma_wait3A_266] : memref<100000x64xf32, #tpu.memory_space<hbm>> -> memref<100000x64xf32, #tpu.memory_space<hbm>>
        tpu.wait_indirect_dma semaphore(%arg12 : memref<!tpu.dma_semaphore, #tpu.memory_space<semaphore_mem>>) src(%dma_wait3A_261 : memref<128x64xf32, #tpu.memory_space<vmem>>) dst(%dma_wait3A_267 : memref<100000x64xf32, #tpu.memory_space<hbm>>)
      } else {
      }
      %add3A_240 = arith.constant 5 : i32
      %add3A_241 = arith.addi %mul3A_68, %add3A_240 : i32
      %lt3A_242 = arith.cmpi slt, %add3A_241, %select_n3A : i32
      %convert_element_type3A_243 = arith.extui %lt3A_242 : i1 to i32
      %cond3A_244 = arith.constant 0 : i32
      %cond3A_245 = arith.cmpi ne, %convert_element_type3A_243, %cond3A_244 : i32
      scf.if %cond3A_245 {
        %dma_wait3A = arith.constant 11 : i32
        %dma_wait3A_259 = arith.constant 640 : i32
        %dma_wait3A_260 = arith.constant 0 : i32
        %dma_wait3A_261 = tpu.memref_slice %arg10[%dma_wait3A_259, %dma_wait3A_260] : memref<1024x64xf32, #tpu.memory_space<vmem>> -> memref<128x64xf32, #tpu.memory_space<vmem>>
        %dma_wait3A_262 = arith.constant 0 : i32
        %dma_wait3A_263 = tpu.memref_slice %arg9[%dma_wait3A, %dma_wait3A_262] : memref<16x128xi32, #tpu.memory_space<vmem>> -> memref<1x128xi32, #tpu.memory_space<vmem>>
        %dma_wait3A_264 = tpu.memref_squeeze %dma_wait3A_263 : memref<1x128xi32, #tpu.memory_space<vmem>> -> memref<128xi32, #tpu.memory_space<vmem>>
        %dma_wait3A_265 = arith.constant 0 : i32
        %dma_wait3A_266 = arith.constant 0 : i32
        %dma_wait3A_267 = tpu.memref_slice %arg5[%dma_wait3A_265, %dma_wait3A_266] : memref<100000x64xf32, #tpu.memory_space<hbm>> -> memref<100000x64xf32, #tpu.memory_space<hbm>>
        tpu.wait_indirect_dma semaphore(%arg12 : memref<!tpu.dma_semaphore, #tpu.memory_space<semaphore_mem>>) src(%dma_wait3A_261 : memref<128x64xf32, #tpu.memory_space<vmem>>) dst(%dma_wait3A_267 : memref<100000x64xf32, #tpu.memory_space<hbm>>)
      } else {
      }
      %add3A_246 = arith.constant 6 : i32
      %add3A_247 = arith.addi %mul3A_68, %add3A_246 : i32
      %lt3A_248 = arith.cmpi slt, %add3A_247, %select_n3A : i32
      %convert_element_type3A_249 = arith.extui %lt3A_248 : i1 to i32
      %cond3A_250 = arith.constant 0 : i32
      %cond3A_251 = arith.cmpi ne, %convert_element_type3A_249, %cond3A_250 : i32
      scf.if %cond3A_251 {
        %dma_wait3A = arith.constant 13 : i32
        %dma_wait3A_259 = arith.constant 768 : i32
        %dma_wait3A_260 = arith.constant 0 : i32
        %dma_wait3A_261 = tpu.memref_slice %arg10[%dma_wait3A_259, %dma_wait3A_260] : memref<1024x64xf32, #tpu.memory_space<vmem>> -> memref<128x64xf32, #tpu.memory_space<vmem>>
        %dma_wait3A_262 = arith.constant 0 : i32
        %dma_wait3A_263 = tpu.memref_slice %arg9[%dma_wait3A, %dma_wait3A_262] : memref<16x128xi32, #tpu.memory_space<vmem>> -> memref<1x128xi32, #tpu.memory_space<vmem>>
        %dma_wait3A_264 = tpu.memref_squeeze %dma_wait3A_263 : memref<1x128xi32, #tpu.memory_space<vmem>> -> memref<128xi32, #tpu.memory_space<vmem>>
        %dma_wait3A_265 = arith.constant 0 : i32
        %dma_wait3A_266 = arith.constant 0 : i32
        %dma_wait3A_267 = tpu.memref_slice %arg5[%dma_wait3A_265, %dma_wait3A_266] : memref<100000x64xf32, #tpu.memory_space<hbm>> -> memref<100000x64xf32, #tpu.memory_space<hbm>>
        tpu.wait_indirect_dma semaphore(%arg12 : memref<!tpu.dma_semaphore, #tpu.memory_space<semaphore_mem>>) src(%dma_wait3A_261 : memref<128x64xf32, #tpu.memory_space<vmem>>) dst(%dma_wait3A_267 : memref<100000x64xf32, #tpu.memory_space<hbm>>)
      } else {
      }
      %add3A_252 = arith.constant 7 : i32
      %add3A_253 = arith.addi %mul3A_68, %add3A_252 : i32
      %lt3A_254 = arith.cmpi slt, %add3A_253, %select_n3A : i32
      %convert_element_type3A_255 = arith.extui %lt3A_254 : i1 to i32
      %cond3A_256 = arith.constant 0 : i32
      %cond3A_257 = arith.cmpi ne, %convert_element_type3A_255, %cond3A_256 : i32
      scf.if %cond3A_257 {
        %dma_wait3A = arith.constant 15 : i32
        %dma_wait3A_259 = arith.constant 896 : i32
        %dma_wait3A_260 = arith.constant 0 : i32
        %dma_wait3A_261 = tpu.memref_slice %arg10[%dma_wait3A_259, %dma_wait3A_260] : memref<1024x64xf32, #tpu.memory_space<vmem>> -> memref<128x64xf32, #tpu.memory_space<vmem>>
        %dma_wait3A_262 = arith.constant 0 : i32
        %dma_wait3A_263 = tpu.memref_slice %arg9[%dma_wait3A, %dma_wait3A_262] : memref<16x128xi32, #tpu.memory_space<vmem>> -> memref<1x128xi32, #tpu.memory_space<vmem>>
        %dma_wait3A_264 = tpu.memref_squeeze %dma_wait3A_263 : memref<1x128xi32, #tpu.memory_space<vmem>> -> memref<128xi32, #tpu.memory_space<vmem>>
        %dma_wait3A_265 = arith.constant 0 : i32
        %dma_wait3A_266 = arith.constant 0 : i32
        %dma_wait3A_267 = tpu.memref_slice %arg5[%dma_wait3A_265, %dma_wait3A_266] : memref<100000x64xf32, #tpu.memory_space<hbm>> -> memref<100000x64xf32, #tpu.memory_space<hbm>>
        tpu.wait_indirect_dma semaphore(%arg12 : memref<!tpu.dma_semaphore, #tpu.memory_space<semaphore_mem>>) src(%dma_wait3A_261 : memref<128x64xf32, #tpu.memory_space<vmem>>) dst(%dma_wait3A_267 : memref<100000x64xf32, #tpu.memory_space<hbm>>)
      } else {
      }
      %while3A_258 = arith.constant 0 : i32
      scf.yield %while3A_258 : i32
    }
    %while3A_63 = arith.constant 1 : i32
    %while3A_64 = scf.for %while3A_65 = %while3A_60 to %while3A_56 step %while3A_63 iter_args(%while3A_66 = %while3A_62) -> (i32)  : i32 {
      %mul3A_67 = arith.constant 8 : i32
      %mul3A_68 = arith.muli %while3A_65, %mul3A_67 : i32
      %add3A_69 = arith.constant 0 : i32
      %add3A_70 = arith.addi %mul3A_68, %add3A_69 : i32
      %lt3A = arith.cmpi slt, %add3A_70, %select_n3A : i32
      %convert_element_type3A = arith.extui %lt3A : i1 to i32
      %cond3A = arith.constant 0 : i32
      %cond3A_71 = arith.cmpi ne, %convert_element_type3A, %cond3A : i32
      scf.if %cond3A_71 {
        %mul3A_259 = arith.constant 128 : i32
        %mul3A_260 = arith.muli %add3A_70, %mul3A_259 : i32
        %add3A_261 = arith.constant 0 : i32
        %add3A_262 = arith.addi %mul3A_260, %add3A_261 : i32
        %get3A = arith.index_cast %add3A_262 : i32 to index
        %get3A_263 = tpu.vector_load %arg7[%get3A] {strides = array<i32>} : memref<3392xi32, #tpu.memory_space<vmem>>, vector<16xi32>,
        %swap3A = arith.constant 0 : i32
        %swap3A_264 = arith.index_cast %swap3A : i32 to index
        %swap3A_265 = arith.constant 0 : index
        %swap3A_266 = tpu.vector_load %arg9[%swap3A_264, %swap3A_265] {strides = array<i32>} : memref<16x128xi32, #tpu.memory_space<vmem>>, vector<16xi32>,
        tpu.vector_store %arg9[%swap3A_264, %swap3A_265], %get3A_263 {strides = array<i32>} : memref<16x128xi32, #tpu.memory_space<vmem>>, vector<16xi32>,
        %mul3A_267 = arith.constant 128 : i32
        %mul3A_268 = arith.muli %add3A_70, %mul3A_267 : i32
        %add3A_269 = arith.constant 0 : i32
        %add3A_270 = arith.addi %mul3A_268, %add3A_269 : i32
        %get3A_271 = arith.index_cast %add3A_270 : i32 to index
        %get3A_272 = tpu.vector_load %arg8[%get3A_271] {strides = array<i32>} : memref<3392xi32, #tpu.memory_space<vmem>>, vector<16xi32>,
        %swap3A_273 = arith.constant 1 : i32
        %swap3A_274 = arith.index_cast %swap3A_273 : i32 to index
        %swap3A_275 = arith.constant 0 : index
        %swap3A_276 = tpu.vector_load %arg9[%swap3A_274, %swap3A_275] {strides = array<i32>} : memref<16x128xi32, #tpu.memory_space<vmem>>, vector<16xi32>,
        tpu.vector_store %arg9[%swap3A_274, %swap3A_275], %get3A_272 {strides = array<i32>} : memref<16x128xi32, #tpu.memory_space<vmem>>, vector<16xi32>,
        %mul3A_277 = arith.constant 128 : i32
        %mul3A_278 = arith.muli %add3A_70, %mul3A_277 : i32
        %add3A_279 = arith.constant 16 : i32
        %add3A_280 = arith.addi %mul3A_278, %add3A_279 : i32
        %get3A_281 = arith.index_cast %add3A_280 : i32 to index
        %get3A_282 = tpu.vector_load %arg7[%get3A_281] {strides = array<i32>} : memref<3392xi32, #tpu.memory_space<vmem>>, vector<16xi32>,
        %swap3A_283 = arith.constant 0 : i32
        %swap3A_284 = arith.index_cast %swap3A_283 : i32 to index
        %swap3A_285 = arith.constant 16 : index
        %swap3A_286 = tpu.vector_load %arg9[%swap3A_284, %swap3A_285] {strides = array<i32>} : memref<16x128xi32, #tpu.memory_space<vmem>>, vector<16xi32>,
        tpu.vector_store %arg9[%swap3A_284, %swap3A_285], %get3A_282 {strides = array<i32>} : memref<16x128xi32, #tpu.memory_space<vmem>>, vector<16xi32>,
        %mul3A_287 = arith.constant 128 : i32
        %mul3A_288 = arith.muli %add3A_70, %mul3A_287 : i32
        %add3A_289 = arith.constant 16 : i32
        %add3A_290 = arith.addi %mul3A_288, %add3A_289 : i32
        %get3A_291 = arith.index_cast %add3A_290 : i32 to index
        %get3A_292 = tpu.vector_load %arg8[%get3A_291] {strides = array<i32>} : memref<3392xi32, #tpu.memory_space<vmem>>, vector<16xi32>,
        %swap3A_293 = arith.constant 1 : i32
        %swap3A_294 = arith.index_cast %swap3A_293 : i32 to index
        %swap3A_295 = arith.constant 16 : index
        %swap3A_296 = tpu.vector_load %arg9[%swap3A_294, %swap3A_295] {strides = array<i32>} : memref<16x128xi32, #tpu.memory_space<vmem>>, vector<16xi32>,
        tpu.vector_store %arg9[%swap3A_294, %swap3A_295], %get3A_292 {strides = array<i32>} : memref<16x128xi32, #tpu.memory_space<vmem>>, vector<16xi32>,
        %mul3A_297 = arith.constant 128 : i32
        %mul3A_298 = arith.muli %add3A_70, %mul3A_297 : i32
        %add3A_299 = arith.constant 32 : i32
        %add3A_300 = arith.addi %mul3A_298, %add3A_299 : i32
        %get3A_301 = arith.index_cast %add3A_300 : i32 to index
        %get3A_302 = tpu.vector_load %arg7[%get3A_301] {strides = array<i32>} : memref<3392xi32, #tpu.memory_space<vmem>>, vector<16xi32>,
        %swap3A_303 = arith.constant 0 : i32
        %swap3A_304 = arith.index_cast %swap3A_303 : i32 to index
        %swap3A_305 = arith.constant 32 : index
        %swap3A_306 = tpu.vector_load %arg9[%swap3A_304, %swap3A_305] {strides = array<i32>} : memref<16x128xi32, #tpu.memory_space<vmem>>, vector<16xi32>,
        tpu.vector_store %arg9[%swap3A_304, %swap3A_305], %get3A_302 {strides = array<i32>} : memref<16x128xi32, #tpu.memory_space<vmem>>, vector<16xi32>,
        %mul3A_307 = arith.constant 128 : i32
        %mul3A_308 = arith.muli %add3A_70, %mul3A_307 : i32
        %add3A_309 = arith.constant 32 : i32
        %add3A_310 = arith.addi %mul3A_308, %add3A_309 : i32
        %get3A_311 = arith.index_cast %add3A_310 : i32 to index
        %get3A_312 = tpu.vector_load %arg8[%get3A_311] {strides = array<i32>} : memref<3392xi32, #tpu.memory_space<vmem>>, vector<16xi32>,
        %swap3A_313 = arith.constant 1 : i32
        %swap3A_314 = arith.index_cast %swap3A_313 : i32 to index
        %swap3A_315 = arith.constant 32 : index
        %swap3A_316 = tpu.vector_load %arg9[%swap3A_314, %swap3A_315] {strides = array<i32>} : memref<16x128xi32, #tpu.memory_space<vmem>>, vector<16xi32>,
        tpu.vector_store %arg9[%swap3A_314, %swap3A_315], %get3A_312 {strides = array<i32>} : memref<16x128xi32, #tpu.memory_space<vmem>>, vector<16xi32>,
        %mul3A_317 = arith.constant 128 : i32
        %mul3A_318 = arith.muli %add3A_70, %mul3A_317 : i32
        %add3A_319 = arith.constant 48 : i32
        %add3A_320 = arith.addi %mul3A_318, %add3A_319 : i32
        %get3A_321 = arith.index_cast %add3A_320 : i32 to index
        %get3A_322 = tpu.vector_load %arg7[%get3A_321] {strides = array<i32>} : memref<3392xi32, #tpu.memory_space<vmem>>, vector<16xi32>,
        %swap3A_323 = arith.constant 0 : i32
        %swap3A_324 = arith.index_cast %swap3A_323 : i32 to index
        %swap3A_325 = arith.constant 48 : index
        %swap3A_326 = tpu.vector_load %arg9[%swap3A_324, %swap3A_325] {strides = array<i32>} : memref<16x128xi32, #tpu.memory_space<vmem>>, vector<16xi32>,
        tpu.vector_store %arg9[%swap3A_324, %swap3A_325], %get3A_322 {strides = array<i32>} : memref<16x128xi32, #tpu.memory_space<vmem>>, vector<16xi32>,
        %mul3A_327 = arith.constant 128 : i32
        %mul3A_328 = arith.muli %add3A_70, %mul3A_327 : i32
        %add3A_329 = arith.constant 48 : i32
        %add3A_330 = arith.addi %mul3A_328, %add3A_329 : i32
        %get3A_331 = arith.index_cast %add3A_330 : i32 to index
        %get3A_332 = tpu.vector_load %arg8[%get3A_331] {strides = array<i32>} : memref<3392xi32, #tpu.memory_space<vmem>>, vector<16xi32>,
        %swap3A_333 = arith.constant 1 : i32
        %swap3A_334 = arith.index_cast %swap3A_333 : i32 to index
        %swap3A_335 = arith.constant 48 : index
        %swap3A_336 = tpu.vector_load %arg9[%swap3A_334, %swap3A_335] {strides = array<i32>} : memref<16x128xi32, #tpu.memory_space<vmem>>, vector<16xi32>,
        tpu.vector_store %arg9[%swap3A_334, %swap3A_335], %get3A_332 {strides = array<i32>} : memref<16x128xi32, #tpu.memory_space<vmem>>, vector<16xi32>,
        %mul3A_337 = arith.constant 128 : i32
        %mul3A_338 = arith.muli %add3A_70, %mul3A_337 : i32
        %add3A_339 = arith.constant 64 : i32
        %add3A_340 = arith.addi %mul3A_338, %add3A_339 : i32
        %get3A_341 = arith.index_cast %add3A_340 : i32 to index
        %get3A_342 = tpu.vector_load %arg7[%get3A_341] {strides = array<i32>} : memref<3392xi32, #tpu.memory_space<vmem>>, vector<16xi32>,
        %swap3A_343 = arith.constant 0 : i32
        %swap3A_344 = arith.index_cast %swap3A_343 : i32 to index
        %swap3A_345 = arith.constant 64 : index
        %swap3A_346 = tpu.vector_load %arg9[%swap3A_344, %swap3A_345] {strides = array<i32>} : memref<16x128xi32, #tpu.memory_space<vmem>>, vector<16xi32>,
        tpu.vector_store %arg9[%swap3A_344, %swap3A_345], %get3A_342 {strides = array<i32>} : memref<16x128xi32, #tpu.memory_space<vmem>>, vector<16xi32>,
        %mul3A_347 = arith.constant 128 : i32
        %mul3A_348 = arith.muli %add3A_70, %mul3A_347 : i32
        %add3A_349 = arith.constant 64 : i32
        %add3A_350 = arith.addi %mul3A_348, %add3A_349 : i32
        %get3A_351 = arith.index_cast %add3A_350 : i32 to index
        %get3A_352 = tpu.vector_load %arg8[%get3A_351] {strides = array<i32>} : memref<3392xi32, #tpu.memory_space<vmem>>, vector<16xi32>,
        %swap3A_353 = arith.constant 1 : i32
        %swap3A_354 = arith.index_cast %swap3A_353 : i32 to index
        %swap3A_355 = arith.constant 64 : index
        %swap3A_356 = tpu.vector_load %arg9[%swap3A_354, %swap3A_355] {strides = array<i32>} : memref<16x128xi32, #tpu.memory_space<vmem>>, vector<16xi32>,
        tpu.vector_store %arg9[%swap3A_354, %swap3A_355], %get3A_352 {strides = array<i32>} : memref<16x128xi32, #tpu.memory_space<vmem>>, vector<16xi32>,
        %mul3A_357 = arith.constant 128 : i32
        %mul3A_358 = arith.muli %add3A_70, %mul3A_357 : i32
        %add3A_359 = arith.constant 80 : i32
        %add3A_360 = arith.addi %mul3A_358, %add3A_359 : i32
        %get3A_361 = arith.index_cast %add3A_360 : i32 to index
        %get3A_362 = tpu.vector_load %arg7[%get3A_361] {strides = array<i32>} : memref<3392xi32, #tpu.memory_space<vmem>>, vector<16xi32>,
        %swap3A_363 = arith.constant 0 : i32
        %swap3A_364 = arith.index_cast %swap3A_363 : i32 to index
        %swap3A_365 = arith.constant 80 : index
        %swap3A_366 = tpu.vector_load %arg9[%swap3A_364, %swap3A_365] {strides = array<i32>} : memref<16x128xi32, #tpu.memory_space<vmem>>, vector<16xi32>,
        tpu.vector_store %arg9[%swap3A_364, %swap3A_365], %get3A_362 {strides = array<i32>} : memref<16x128xi32, #tpu.memory_space<vmem>>, vector<16xi32>,
        %mul3A_367 = arith.constant 128 : i32
        %mul3A_368 = arith.muli %add3A_70, %mul3A_367 : i32
        %add3A_369 = arith.constant 80 : i32
        %add3A_370 = arith.addi %mul3A_368, %add3A_369 : i32
        %get3A_371 = arith.index_cast %add3A_370 : i32 to index
        %get3A_372 = tpu.vector_load %arg8[%get3A_371] {strides = array<i32>} : memref<3392xi32, #tpu.memory_space<vmem>>, vector<16xi32>,
        %swap3A_373 = arith.constant 1 : i32
        %swap3A_374 = arith.index_cast %swap3A_373 : i32 to index
        %swap3A_375 = arith.constant 80 : index
        %swap3A_376 = tpu.vector_load %arg9[%swap3A_374, %swap3A_375] {strides = array<i32>} : memref<16x128xi32, #tpu.memory_space<vmem>>, vector<16xi32>,
        tpu.vector_store %arg9[%swap3A_374, %swap3A_375], %get3A_372 {strides = array<i32>} : memref<16x128xi32, #tpu.memory_space<vmem>>, vector<16xi32>,
        %mul3A_377 = arith.constant 128 : i32
        %mul3A_378 = arith.muli %add3A_70, %mul3A_377 : i32
        %add3A_379 = arith.constant 96 : i32
        %add3A_380 = arith.addi %mul3A_378, %add3A_379 : i32
        %get3A_381 = arith.index_cast %add3A_380 : i32 to index
        %get3A_382 = tpu.vector_load %arg7[%get3A_381] {strides = array<i32>} : memref<3392xi32, #tpu.memory_space<vmem>>, vector<16xi32>,
        %swap3A_383 = arith.constant 0 : i32
        %swap3A_384 = arith.index_cast %swap3A_383 : i32 to index
        %swap3A_385 = arith.constant 96 : index
        %swap3A_386 = tpu.vector_load %arg9[%swap3A_384, %swap3A_385] {strides = array<i32>} : memref<16x128xi32, #tpu.memory_space<vmem>>, vector<16xi32>,
        tpu.vector_store %arg9[%swap3A_384, %swap3A_385], %get3A_382 {strides = array<i32>} : memref<16x128xi32, #tpu.memory_space<vmem>>, vector<16xi32>,
        %mul3A_387 = arith.constant 128 : i32
        %mul3A_388 = arith.muli %add3A_70, %mul3A_387 : i32
        %add3A_389 = arith.constant 96 : i32
        %add3A_390 = arith.addi %mul3A_388, %add3A_389 : i32
        %get3A_391 = arith.index_cast %add3A_390 : i32 to index
        %get3A_392 = tpu.vector_load %arg8[%get3A_391] {strides = array<i32>} : memref<3392xi32, #tpu.memory_space<vmem>>, vector<16xi32>,
        %swap3A_393 = arith.constant 1 : i32
        %swap3A_394 = arith.index_cast %swap3A_393 : i32 to index
        %swap3A_395 = arith.constant 96 : index
        %swap3A_396 = tpu.vector_load %arg9[%swap3A_394, %swap3A_395] {strides = array<i32>} : memref<16x128xi32, #tpu.memory_space<vmem>>, vector<16xi32>,
        tpu.vector_store %arg9[%swap3A_394, %swap3A_395], %get3A_392 {strides = array<i32>} : memref<16x128xi32, #tpu.memory_space<vmem>>, vector<16xi32>,
        %mul3A_397 = arith.constant 128 : i32
        %mul3A_398 = arith.muli %add3A_70, %mul3A_397 : i32
        %add3A_399 = arith.constant 112 : i32
        %add3A_400 = arith.addi %mul3A_398, %add3A_399 : i32
        %get3A_401 = arith.index_cast %add3A_400 : i32 to index
        %get3A_402 = tpu.vector_load %arg7[%get3A_401] {strides = array<i32>} : memref<3392xi32, #tpu.memory_space<vmem>>, vector<16xi32>,
        %swap3A_403 = arith.constant 0 : i32
        %swap3A_404 = arith.index_cast %swap3A_403 : i32 to index
        %swap3A_405 = arith.constant 112 : index
        %swap3A_406 = tpu.vector_load %arg9[%swap3A_404, %swap3A_405] {strides = array<i32>} : memref<16x128xi32, #tpu.memory_space<vmem>>, vector<16xi32>,
        tpu.vector_store %arg9[%swap3A_404, %swap3A_405], %get3A_402 {strides = array<i32>} : memref<16x128xi32, #tpu.memory_space<vmem>>, vector<16xi32>,
        %mul3A_407 = arith.constant 128 : i32
        %mul3A_408 = arith.muli %add3A_70, %mul3A_407 : i32
        %add3A_409 = arith.constant 112 : i32
        %add3A_410 = arith.addi %mul3A_408, %add3A_409 : i32
        %get3A_411 = arith.index_cast %add3A_410 : i32 to index
        %get3A_412 = tpu.vector_load %arg8[%get3A_411] {strides = array<i32>} : memref<3392xi32, #tpu.memory_space<vmem>>, vector<16xi32>,
        %swap3A_413 = arith.constant 1 : i32
        %swap3A_414 = arith.index_cast %swap3A_413 : i32 to index
        %swap3A_415 = arith.constant 112 : index
        %swap3A_416 = tpu.vector_load %arg9[%swap3A_414, %swap3A_415] {strides = array<i32>} : memref<16x128xi32, #tpu.memory_space<vmem>>, vector<16xi32>,
        tpu.vector_store %arg9[%swap3A_414, %swap3A_415], %get3A_412 {strides = array<i32>} : memref<16x128xi32, #tpu.memory_space<vmem>>, vector<16xi32>,
        %dma_start3A = arith.constant 0 : i32
        %dma_start3A_417 = arith.constant 0 : i32
        %dma_start3A_418 = arith.constant 0 : i32
        %dma_start3A_419 = tpu.memref_slice %arg10[%dma_start3A_417, %dma_start3A_418] : memref<1024x64xf32, #tpu.memory_space<vmem>> -> memref<128x64xf32, #tpu.memory_space<vmem>>
        %dma_start3A_420 = arith.constant 0 : i32
        %dma_start3A_421 = tpu.memref_slice %arg9[%dma_start3A, %dma_start3A_420] : memref<16x128xi32, #tpu.memory_space<vmem>> -> memref<1x128xi32, #tpu.memory_space<vmem>>
        %dma_start3A_422 = tpu.memref_squeeze %dma_start3A_421 : memref<1x128xi32, #tpu.memory_space<vmem>> -> memref<128xi32, #tpu.memory_space<vmem>>
        %dma_start3A_423 = arith.constant 0 : i32
        %dma_start3A_424 = arith.constant 0 : i32
        %dma_start3A_425 = tpu.memref_slice %arg4[%dma_start3A_423, %dma_start3A_424] : memref<16384x64xf32, #tpu.memory_space<hbm>> -> memref<16384x64xf32, #tpu.memory_space<hbm>>
        tpu.enqueue_indirect_dma source(%dma_start3A_425 : memref<16384x64xf32, #tpu.memory_space<hbm>>) target(%dma_start3A_419 : memref<128x64xf32, #tpu.memory_space<vmem>>) offsets(%dma_start3A_422 : memref<128xi32, #tpu.memory_space<vmem>>) semaphore(%arg11 : memref<!tpu.dma_semaphore, #tpu.memory_space<semaphore_mem>>)
      } else {
      }
      %add3A_72 = arith.constant 1 : i32
      %add3A_73 = arith.addi %mul3A_68, %add3A_72 : i32
      %lt3A_74 = arith.cmpi slt, %add3A_73, %select_n3A : i32
      %convert_element_type3A_75 = arith.extui %lt3A_74 : i1 to i32
      %cond3A_76 = arith.constant 0 : i32
      %cond3A_77 = arith.cmpi ne, %convert_element_type3A_75, %cond3A_76 : i32
      scf.if %cond3A_77 {
        %mul3A_259 = arith.constant 128 : i32
        %mul3A_260 = arith.muli %add3A_73, %mul3A_259 : i32
        %add3A_261 = arith.constant 0 : i32
        %add3A_262 = arith.addi %mul3A_260, %add3A_261 : i32
        %get3A = arith.index_cast %add3A_262 : i32 to index
        %get3A_263 = tpu.vector_load %arg7[%get3A] {strides = array<i32>} : memref<3392xi32, #tpu.memory_space<vmem>>, vector<16xi32>,
        %swap3A = arith.constant 2 : i32
        %swap3A_264 = arith.index_cast %swap3A : i32 to index
        %swap3A_265 = arith.constant 0 : index
        %swap3A_266 = tpu.vector_load %arg9[%swap3A_264, %swap3A_265] {strides = array<i32>} : memref<16x128xi32, #tpu.memory_space<vmem>>, vector<16xi32>,
        tpu.vector_store %arg9[%swap3A_264, %swap3A_265], %get3A_263 {strides = array<i32>} : memref<16x128xi32, #tpu.memory_space<vmem>>, vector<16xi32>,
        %mul3A_267 = arith.constant 128 : i32
        %mul3A_268 = arith.muli %add3A_73, %mul3A_267 : i32
        %add3A_269 = arith.constant 0 : i32
        %add3A_270 = arith.addi %mul3A_268, %add3A_269 : i32
        %get3A_271 = arith.index_cast %add3A_270 : i32 to index
        %get3A_272 = tpu.vector_load %arg8[%get3A_271] {strides = array<i32>} : memref<3392xi32, #tpu.memory_space<vmem>>, vector<16xi32>,
        %swap3A_273 = arith.constant 3 : i32
        %swap3A_274 = arith.index_cast %swap3A_273 : i32 to index
        %swap3A_275 = arith.constant 0 : index
        %swap3A_276 = tpu.vector_load %arg9[%swap3A_274, %swap3A_275] {strides = array<i32>} : memref<16x128xi32, #tpu.memory_space<vmem>>, vector<16xi32>,
        tpu.vector_store %arg9[%swap3A_274, %swap3A_275], %get3A_272 {strides = array<i32>} : memref<16x128xi32, #tpu.memory_space<vmem>>, vector<16xi32>,
        %mul3A_277 = arith.constant 128 : i32
        %mul3A_278 = arith.muli %add3A_73, %mul3A_277 : i32
        %add3A_279 = arith.constant 16 : i32
        %add3A_280 = arith.addi %mul3A_278, %add3A_279 : i32
        %get3A_281 = arith.index_cast %add3A_280 : i32 to index
        %get3A_282 = tpu.vector_load %arg7[%get3A_281] {strides = array<i32>} : memref<3392xi32, #tpu.memory_space<vmem>>, vector<16xi32>,
        %swap3A_283 = arith.constant 2 : i32
        %swap3A_284 = arith.index_cast %swap3A_283 : i32 to index
        %swap3A_285 = arith.constant 16 : index
        %swap3A_286 = tpu.vector_load %arg9[%swap3A_284, %swap3A_285] {strides = array<i32>} : memref<16x128xi32, #tpu.memory_space<vmem>>, vector<16xi32>,
        tpu.vector_store %arg9[%swap3A_284, %swap3A_285], %get3A_282 {strides = array<i32>} : memref<16x128xi32, #tpu.memory_space<vmem>>, vector<16xi32>,
        %mul3A_287 = arith.constant 128 : i32
        %mul3A_288 = arith.muli %add3A_73, %mul3A_287 : i32
        %add3A_289 = arith.constant 16 : i32
        %add3A_290 = arith.addi %mul3A_288, %add3A_289 : i32
        %get3A_291 = arith.index_cast %add3A_290 : i32 to index
        %get3A_292 = tpu.vector_load %arg8[%get3A_291] {strides = array<i32>} : memref<3392xi32, #tpu.memory_space<vmem>>, vector<16xi32>,
        %swap3A_293 = arith.constant 3 : i32
        %swap3A_294 = arith.index_cast %swap3A_293 : i32 to index
        %swap3A_295 = arith.constant 16 : index
        %swap3A_296 = tpu.vector_load %arg9[%swap3A_294, %swap3A_295] {strides = array<i32>} : memref<16x128xi32, #tpu.memory_space<vmem>>, vector<16xi32>,
        tpu.vector_store %arg9[%swap3A_294, %swap3A_295], %get3A_292 {strides = array<i32>} : memref<16x128xi32, #tpu.memory_space<vmem>>, vector<16xi32>,
        %mul3A_297 = arith.constant 128 : i32
        %mul3A_298 = arith.muli %add3A_73, %mul3A_297 : i32
        %add3A_299 = arith.constant 32 : i32
        %add3A_300 = arith.addi %mul3A_298, %add3A_299 : i32
        %get3A_301 = arith.index_cast %add3A_300 : i32 to index
        %get3A_302 = tpu.vector_load %arg7[%get3A_301] {strides = array<i32>} : memref<3392xi32, #tpu.memory_space<vmem>>, vector<16xi32>,
        %swap3A_303 = arith.constant 2 : i32
        %swap3A_304 = arith.index_cast %swap3A_303 : i32 to index
        %swap3A_305 = arith.constant 32 : index
        %swap3A_306 = tpu.vector_load %arg9[%swap3A_304, %swap3A_305] {strides = array<i32>} : memref<16x128xi32, #tpu.memory_space<vmem>>, vector<16xi32>,
        tpu.vector_store %arg9[%swap3A_304, %swap3A_305], %get3A_302 {strides = array<i32>} : memref<16x128xi32, #tpu.memory_space<vmem>>, vector<16xi32>,
        %mul3A_307 = arith.constant 128 : i32
        %mul3A_308 = arith.muli %add3A_73, %mul3A_307 : i32
        %add3A_309 = arith.constant 32 : i32
        %add3A_310 = arith.addi %mul3A_308, %add3A_309 : i32
        %get3A_311 = arith.index_cast %add3A_310 : i32 to index
        %get3A_312 = tpu.vector_load %arg8[%get3A_311] {strides = array<i32>} : memref<3392xi32, #tpu.memory_space<vmem>>, vector<16xi32>,
        %swap3A_313 = arith.constant 3 : i32
        %swap3A_314 = arith.index_cast %swap3A_313 : i32 to index
        %swap3A_315 = arith.constant 32 : index
        %swap3A_316 = tpu.vector_load %arg9[%swap3A_314, %swap3A_315] {strides = array<i32>} : memref<16x128xi32, #tpu.memory_space<vmem>>, vector<16xi32>,
        tpu.vector_store %arg9[%swap3A_314, %swap3A_315], %get3A_312 {strides = array<i32>} : memref<16x128xi32, #tpu.memory_space<vmem>>, vector<16xi32>,
        %mul3A_317 = arith.constant 128 : i32
        %mul3A_318 = arith.muli %add3A_73, %mul3A_317 : i32
        %add3A_319 = arith.constant 48 : i32
        %add3A_320 = arith.addi %mul3A_318, %add3A_319 : i32
        %get3A_321 = arith.index_cast %add3A_320 : i32 to index
        %get3A_322 = tpu.vector_load %arg7[%get3A_321] {strides = array<i32>} : memref<3392xi32, #tpu.memory_space<vmem>>, vector<16xi32>,
        %swap3A_323 = arith.constant 2 : i32
        %swap3A_324 = arith.index_cast %swap3A_323 : i32 to index
        %swap3A_325 = arith.constant 48 : index
        %swap3A_326 = tpu.vector_load %arg9[%swap3A_324, %swap3A_325] {strides = array<i32>} : memref<16x128xi32, #tpu.memory_space<vmem>>, vector<16xi32>,
        tpu.vector_store %arg9[%swap3A_324, %swap3A_325], %get3A_322 {strides = array<i32>} : memref<16x128xi32, #tpu.memory_space<vmem>>, vector<16xi32>,
        %mul3A_327 = arith.constant 128 : i32
        %mul3A_328 = arith.muli %add3A_73, %mul3A_327 : i32
        %add3A_329 = arith.constant 48 : i32
        %add3A_330 = arith.addi %mul3A_328, %add3A_329 : i32
        %get3A_331 = arith.index_cast %add3A_330 : i32 to index
        %get3A_332 = tpu.vector_load %arg8[%get3A_331] {strides = array<i32>} : memref<3392xi32, #tpu.memory_space<vmem>>, vector<16xi32>,
        %swap3A_333 = arith.constant 3 : i32
        %swap3A_334 = arith.index_cast %swap3A_333 : i32 to index
        %swap3A_335 = arith.constant 48 : index
        %swap3A_336 = tpu.vector_load %arg9[%swap3A_334, %swap3A_335] {strides = array<i32>} : memref<16x128xi32, #tpu.memory_space<vmem>>, vector<16xi32>,
        tpu.vector_store %arg9[%swap3A_334, %swap3A_335], %get3A_332 {strides = array<i32>} : memref<16x128xi32, #tpu.memory_space<vmem>>, vector<16xi32>,
        %mul3A_337 = arith.constant 128 : i32
        %mul3A_338 = arith.muli %add3A_73, %mul3A_337 : i32
        %add3A_339 = arith.constant 64 : i32
        %add3A_340 = arith.addi %mul3A_338, %add3A_339 : i32
        %get3A_341 = arith.index_cast %add3A_340 : i32 to index
        %get3A_342 = tpu.vector_load %arg7[%get3A_341] {strides = array<i32>} : memref<3392xi32, #tpu.memory_space<vmem>>, vector<16xi32>,
        %swap3A_343 = arith.constant 2 : i32
        %swap3A_344 = arith.index_cast %swap3A_343 : i32 to index
        %swap3A_345 = arith.constant 64 : index
        %swap3A_346 = tpu.vector_load %arg9[%swap3A_344, %swap3A_345] {strides = array<i32>} : memref<16x128xi32, #tpu.memory_space<vmem>>, vector<16xi32>,
        tpu.vector_store %arg9[%swap3A_344, %swap3A_345], %get3A_342 {strides = array<i32>} : memref<16x128xi32, #tpu.memory_space<vmem>>, vector<16xi32>,
        %mul3A_347 = arith.constant 128 : i32
        %mul3A_348 = arith.muli %add3A_73, %mul3A_347 : i32
        %add3A_349 = arith.constant 64 : i32
        %add3A_350 = arith.addi %mul3A_348, %add3A_349 : i32
        %get3A_351 = arith.index_cast %add3A_350 : i32 to index
        %get3A_352 = tpu.vector_load %arg8[%get3A_351] {strides = array<i32>} : memref<3392xi32, #tpu.memory_space<vmem>>, vector<16xi32>,
        %swap3A_353 = arith.constant 3 : i32
        %swap3A_354 = arith.index_cast %swap3A_353 : i32 to index
        %swap3A_355 = arith.constant 64 : index
        %swap3A_356 = tpu.vector_load %arg9[%swap3A_354, %swap3A_355] {strides = array<i32>} : memref<16x128xi32, #tpu.memory_space<vmem>>, vector<16xi32>,
        tpu.vector_store %arg9[%swap3A_354, %swap3A_355], %get3A_352 {strides = array<i32>} : memref<16x128xi32, #tpu.memory_space<vmem>>, vector<16xi32>,
        %mul3A_357 = arith.constant 128 : i32
        %mul3A_358 = arith.muli %add3A_73, %mul3A_357 : i32
        %add3A_359 = arith.constant 80 : i32
        %add3A_360 = arith.addi %mul3A_358, %add3A_359 : i32
        %get3A_361 = arith.index_cast %add3A_360 : i32 to index
        %get3A_362 = tpu.vector_load %arg7[%get3A_361] {strides = array<i32>} : memref<3392xi32, #tpu.memory_space<vmem>>, vector<16xi32>,
        %swap3A_363 = arith.constant 2 : i32
        %swap3A_364 = arith.index_cast %swap3A_363 : i32 to index
        %swap3A_365 = arith.constant 80 : index
        %swap3A_366 = tpu.vector_load %arg9[%swap3A_364, %swap3A_365] {strides = array<i32>} : memref<16x128xi32, #tpu.memory_space<vmem>>, vector<16xi32>,
        tpu.vector_store %arg9[%swap3A_364, %swap3A_365], %get3A_362 {strides = array<i32>} : memref<16x128xi32, #tpu.memory_space<vmem>>, vector<16xi32>,
        %mul3A_367 = arith.constant 128 : i32
        %mul3A_368 = arith.muli %add3A_73, %mul3A_367 : i32
        %add3A_369 = arith.constant 80 : i32
        %add3A_370 = arith.addi %mul3A_368, %add3A_369 : i32
        %get3A_371 = arith.index_cast %add3A_370 : i32 to index
        %get3A_372 = tpu.vector_load %arg8[%get3A_371] {strides = array<i32>} : memref<3392xi32, #tpu.memory_space<vmem>>, vector<16xi32>,
        %swap3A_373 = arith.constant 3 : i32
        %swap3A_374 = arith.index_cast %swap3A_373 : i32 to index
        %swap3A_375 = arith.constant 80 : index
        %swap3A_376 = tpu.vector_load %arg9[%swap3A_374, %swap3A_375] {strides = array<i32>} : memref<16x128xi32, #tpu.memory_space<vmem>>, vector<16xi32>,
        tpu.vector_store %arg9[%swap3A_374, %swap3A_375], %get3A_372 {strides = array<i32>} : memref<16x128xi32, #tpu.memory_space<vmem>>, vector<16xi32>,
        %mul3A_377 = arith.constant 128 : i32
        %mul3A_378 = arith.muli %add3A_73, %mul3A_377 : i32
        %add3A_379 = arith.constant 96 : i32
        %add3A_380 = arith.addi %mul3A_378, %add3A_379 : i32
        %get3A_381 = arith.index_cast %add3A_380 : i32 to index
        %get3A_382 = tpu.vector_load %arg7[%get3A_381] {strides = array<i32>} : memref<3392xi32, #tpu.memory_space<vmem>>, vector<16xi32>,
        %swap3A_383 = arith.constant 2 : i32
        %swap3A_384 = arith.index_cast %swap3A_383 : i32 to index
        %swap3A_385 = arith.constant 96 : index
        %swap3A_386 = tpu.vector_load %arg9[%swap3A_384, %swap3A_385] {strides = array<i32>} : memref<16x128xi32, #tpu.memory_space<vmem>>, vector<16xi32>,
        tpu.vector_store %arg9[%swap3A_384, %swap3A_385], %get3A_382 {strides = array<i32>} : memref<16x128xi32, #tpu.memory_space<vmem>>, vector<16xi32>,
        %mul3A_387 = arith.constant 128 : i32
        %mul3A_388 = arith.muli %add3A_73, %mul3A_387 : i32
        %add3A_389 = arith.constant 96 : i32
        %add3A_390 = arith.addi %mul3A_388, %add3A_389 : i32
        %get3A_391 = arith.index_cast %add3A_390 : i32 to index
        %get3A_392 = tpu.vector_load %arg8[%get3A_391] {strides = array<i32>} : memref<3392xi32, #tpu.memory_space<vmem>>, vector<16xi32>,
        %swap3A_393 = arith.constant 3 : i32
        %swap3A_394 = arith.index_cast %swap3A_393 : i32 to index
        %swap3A_395 = arith.constant 96 : index
        %swap3A_396 = tpu.vector_load %arg9[%swap3A_394, %swap3A_395] {strides = array<i32>} : memref<16x128xi32, #tpu.memory_space<vmem>>, vector<16xi32>,
        tpu.vector_store %arg9[%swap3A_394, %swap3A_395], %get3A_392 {strides = array<i32>} : memref<16x128xi32, #tpu.memory_space<vmem>>, vector<16xi32>,
        %mul3A_397 = arith.constant 128 : i32
        %mul3A_398 = arith.muli %add3A_73, %mul3A_397 : i32
        %add3A_399 = arith.constant 112 : i32
        %add3A_400 = arith.addi %mul3A_398, %add3A_399 : i32
        %get3A_401 = arith.index_cast %add3A_400 : i32 to index
        %get3A_402 = tpu.vector_load %arg7[%get3A_401] {strides = array<i32>} : memref<3392xi32, #tpu.memory_space<vmem>>, vector<16xi32>,
        %swap3A_403 = arith.constant 2 : i32
        %swap3A_404 = arith.index_cast %swap3A_403 : i32 to index
        %swap3A_405 = arith.constant 112 : index
        %swap3A_406 = tpu.vector_load %arg9[%swap3A_404, %swap3A_405] {strides = array<i32>} : memref<16x128xi32, #tpu.memory_space<vmem>>, vector<16xi32>,
        tpu.vector_store %arg9[%swap3A_404, %swap3A_405], %get3A_402 {strides = array<i32>} : memref<16x128xi32, #tpu.memory_space<vmem>>, vector<16xi32>,
        %mul3A_407 = arith.constant 128 : i32
        %mul3A_408 = arith.muli %add3A_73, %mul3A_407 : i32
        %add3A_409 = arith.constant 112 : i32
        %add3A_410 = arith.addi %mul3A_408, %add3A_409 : i32
        %get3A_411 = arith.index_cast %add3A_410 : i32 to index
        %get3A_412 = tpu.vector_load %arg8[%get3A_411] {strides = array<i32>} : memref<3392xi32, #tpu.memory_space<vmem>>, vector<16xi32>,
        %swap3A_413 = arith.constant 3 : i32
        %swap3A_414 = arith.index_cast %swap3A_413 : i32 to index
        %swap3A_415 = arith.constant 112 : index
        %swap3A_416 = tpu.vector_load %arg9[%swap3A_414, %swap3A_415] {strides = array<i32>} : memref<16x128xi32, #tpu.memory_space<vmem>>, vector<16xi32>,
        tpu.vector_store %arg9[%swap3A_414, %swap3A_415], %get3A_412 {strides = array<i32>} : memref<16x128xi32, #tpu.memory_space<vmem>>, vector<16xi32>,
        %dma_start3A = arith.constant 2 : i32
        %dma_start3A_417 = arith.constant 128 : i32
        %dma_start3A_418 = arith.constant 0 : i32
        %dma_start3A_419 = tpu.memref_slice %arg10[%dma_start3A_417, %dma_start3A_418] : memref<1024x64xf32, #tpu.memory_space<vmem>> -> memref<128x64xf32, #tpu.memory_space<vmem>>
        %dma_start3A_420 = arith.constant 0 : i32
        %dma_start3A_421 = tpu.memref_slice %arg9[%dma_start3A, %dma_start3A_420] : memref<16x128xi32, #tpu.memory_space<vmem>> -> memref<1x128xi32, #tpu.memory_space<vmem>>
        %dma_start3A_422 = tpu.memref_squeeze %dma_start3A_421 : memref<1x128xi32, #tpu.memory_space<vmem>> -> memref<128xi32, #tpu.memory_space<vmem>>
        %dma_start3A_423 = arith.constant 0 : i32
        %dma_start3A_424 = arith.constant 0 : i32
        %dma_start3A_425 = tpu.memref_slice %arg4[%dma_start3A_423, %dma_start3A_424] : memref<16384x64xf32, #tpu.memory_space<hbm>> -> memref<16384x64xf32, #tpu.memory_space<hbm>>
        tpu.enqueue_indirect_dma source(%dma_start3A_425 : memref<16384x64xf32, #tpu.memory_space<hbm>>) target(%dma_start3A_419 : memref<128x64xf32, #tpu.memory_space<vmem>>) offsets(%dma_start3A_422 : memref<128xi32, #tpu.memory_space<vmem>>) semaphore(%arg11 : memref<!tpu.dma_semaphore, #tpu.memory_space<semaphore_mem>>)
      } else {
      }
      %add3A_78 = arith.constant 2 : i32
      %add3A_79 = arith.addi %mul3A_68, %add3A_78 : i32
      %lt3A_80 = arith.cmpi slt, %add3A_79, %select_n3A : i32
      %convert_element_type3A_81 = arith.extui %lt3A_80 : i1 to i32
      %cond3A_82 = arith.constant 0 : i32
      %cond3A_83 = arith.cmpi ne, %convert_element_type3A_81, %cond3A_82 : i32
      scf.if %cond3A_83 {
        %mul3A_259 = arith.constant 128 : i32
        %mul3A_260 = arith.muli %add3A_79, %mul3A_259 : i32
        %add3A_261 = arith.constant 0 : i32
        %add3A_262 = arith.addi %mul3A_260, %add3A_261 : i32
        %get3A = arith.index_cast %add3A_262 : i32 to index
        %get3A_263 = tpu.vector_load %arg7[%get3A] {strides = array<i32>} : memref<3392xi32, #tpu.memory_space<vmem>>, vector<16xi32>,
        %swap3A = arith.constant 4 : i32
        %swap3A_264 = arith.index_cast %swap3A : i32 to index
        %swap3A_265 = arith.constant 0 : index
        %swap3A_266 = tpu.vector_load %arg9[%swap3A_264, %swap3A_265] {strides = array<i32>} : memref<16x128xi32, #tpu.memory_space<vmem>>, vector<16xi32>,
        tpu.vector_store %arg9[%swap3A_264, %swap3A_265], %get3A_263 {strides = array<i32>} : memref<16x128xi32, #tpu.memory_space<vmem>>, vector<16xi32>,
        %mul3A_267 = arith.constant 128 : i32
        %mul3A_268 = arith.muli %add3A_79, %mul3A_267 : i32
        %add3A_269 = arith.constant 0 : i32
        %add3A_270 = arith.addi %mul3A_268, %add3A_269 : i32
        %get3A_271 = arith.index_cast %add3A_270 : i32 to index
        %get3A_272 = tpu.vector_load %arg8[%get3A_271] {strides = array<i32>} : memref<3392xi32, #tpu.memory_space<vmem>>, vector<16xi32>,
        %swap3A_273 = arith.constant 5 : i32
        %swap3A_274 = arith.index_cast %swap3A_273 : i32 to index
        %swap3A_275 = arith.constant 0 : index
        %swap3A_276 = tpu.vector_load %arg9[%swap3A_274, %swap3A_275] {strides = array<i32>} : memref<16x128xi32, #tpu.memory_space<vmem>>, vector<16xi32>,
        tpu.vector_store %arg9[%swap3A_274, %swap3A_275], %get3A_272 {strides = array<i32>} : memref<16x128xi32, #tpu.memory_space<vmem>>, vector<16xi32>,
        %mul3A_277 = arith.constant 128 : i32
        %mul3A_278 = arith.muli %add3A_79, %mul3A_277 : i32
        %add3A_279 = arith.constant 16 : i32
        %add3A_280 = arith.addi %mul3A_278, %add3A_279 : i32
        %get3A_281 = arith.index_cast %add3A_280 : i32 to index
        %get3A_282 = tpu.vector_load %arg7[%get3A_281] {strides = array<i32>} : memref<3392xi32, #tpu.memory_space<vmem>>, vector<16xi32>,
        %swap3A_283 = arith.constant 4 : i32
        %swap3A_284 = arith.index_cast %swap3A_283 : i32 to index
        %swap3A_285 = arith.constant 16 : index
        %swap3A_286 = tpu.vector_load %arg9[%swap3A_284, %swap3A_285] {strides = array<i32>} : memref<16x128xi32, #tpu.memory_space<vmem>>, vector<16xi32>,
        tpu.vector_store %arg9[%swap3A_284, %swap3A_285], %get3A_282 {strides = array<i32>} : memref<16x128xi32, #tpu.memory_space<vmem>>, vector<16xi32>,
        %mul3A_287 = arith.constant 128 : i32
        %mul3A_288 = arith.muli %add3A_79, %mul3A_287 : i32
        %add3A_289 = arith.constant 16 : i32
        %add3A_290 = arith.addi %mul3A_288, %add3A_289 : i32
        %get3A_291 = arith.index_cast %add3A_290 : i32 to index
        %get3A_292 = tpu.vector_load %arg8[%get3A_291] {strides = array<i32>} : memref<3392xi32, #tpu.memory_space<vmem>>, vector<16xi32>,
        %swap3A_293 = arith.constant 5 : i32
        %swap3A_294 = arith.index_cast %swap3A_293 : i32 to index
        %swap3A_295 = arith.constant 16 : index
        %swap3A_296 = tpu.vector_load %arg9[%swap3A_294, %swap3A_295] {strides = array<i32>} : memref<16x128xi32, #tpu.memory_space<vmem>>, vector<16xi32>,
        tpu.vector_store %arg9[%swap3A_294, %swap3A_295], %get3A_292 {strides = array<i32>} : memref<16x128xi32, #tpu.memory_space<vmem>>, vector<16xi32>,
        %mul3A_297 = arith.constant 128 : i32
        %mul3A_298 = arith.muli %add3A_79, %mul3A_297 : i32
        %add3A_299 = arith.constant 32 : i32
        %add3A_300 = arith.addi %mul3A_298, %add3A_299 : i32
        %get3A_301 = arith.index_cast %add3A_300 : i32 to index
        %get3A_302 = tpu.vector_load %arg7[%get3A_301] {strides = array<i32>} : memref<3392xi32, #tpu.memory_space<vmem>>, vector<16xi32>,
        %swap3A_303 = arith.constant 4 : i32
        %swap3A_304 = arith.index_cast %swap3A_303 : i32 to index
        %swap3A_305 = arith.constant 32 : index
        %swap3A_306 = tpu.vector_load %arg9[%swap3A_304, %swap3A_305] {strides = array<i32>} : memref<16x128xi32, #tpu.memory_space<vmem>>, vector<16xi32>,
        tpu.vector_store %arg9[%swap3A_304, %swap3A_305], %get3A_302 {strides = array<i32>} : memref<16x128xi32, #tpu.memory_space<vmem>>, vector<16xi32>,
        %mul3A_307 = arith.constant 128 : i32
        %mul3A_308 = arith.muli %add3A_79, %mul3A_307 : i32
        %add3A_309 = arith.constant 32 : i32
        %add3A_310 = arith.addi %mul3A_308, %add3A_309 : i32
        %get3A_311 = arith.index_cast %add3A_310 : i32 to index
        %get3A_312 = tpu.vector_load %arg8[%get3A_311] {strides = array<i32>} : memref<3392xi32, #tpu.memory_space<vmem>>, vector<16xi32>,
        %swap3A_313 = arith.constant 5 : i32
        %swap3A_314 = arith.index_cast %swap3A_313 : i32 to index
        %swap3A_315 = arith.constant 32 : index
        %swap3A_316 = tpu.vector_load %arg9[%swap3A_314, %swap3A_315] {strides = array<i32>} : memref<16x128xi32, #tpu.memory_space<vmem>>, vector<16xi32>,
        tpu.vector_store %arg9[%swap3A_314, %swap3A_315], %get3A_312 {strides = array<i32>} : memref<16x128xi32, #tpu.memory_space<vmem>>, vector<16xi32>,
        %mul3A_317 = arith.constant 128 : i32
        %mul3A_318 = arith.muli %add3A_79, %mul3A_317 : i32
        %add3A_319 = arith.constant 48 : i32
        %add3A_320 = arith.addi %mul3A_318, %add3A_319 : i32
        %get3A_321 = arith.index_cast %add3A_320 : i32 to index
        %get3A_322 = tpu.vector_load %arg7[%get3A_321] {strides = array<i32>} : memref<3392xi32, #tpu.memory_space<vmem>>, vector<16xi32>,
        %swap3A_323 = arith.constant 4 : i32
        %swap3A_324 = arith.index_cast %swap3A_323 : i32 to index
        %swap3A_325 = arith.constant 48 : index
        %swap3A_326 = tpu.vector_load %arg9[%swap3A_324, %swap3A_325] {strides = array<i32>} : memref<16x128xi32, #tpu.memory_space<vmem>>, vector<16xi32>,
        tpu.vector_store %arg9[%swap3A_324, %swap3A_325], %get3A_322 {strides = array<i32>} : memref<16x128xi32, #tpu.memory_space<vmem>>, vector<16xi32>,
        %mul3A_327 = arith.constant 128 : i32
        %mul3A_328 = arith.muli %add3A_79, %mul3A_327 : i32
        %add3A_329 = arith.constant 48 : i32
        %add3A_330 = arith.addi %mul3A_328, %add3A_329 : i32
        %get3A_331 = arith.index_cast %add3A_330 : i32 to index
        %get3A_332 = tpu.vector_load %arg8[%get3A_331] {strides = array<i32>} : memref<3392xi32, #tpu.memory_space<vmem>>, vector<16xi32>,
        %swap3A_333 = arith.constant 5 : i32
        %swap3A_334 = arith.index_cast %swap3A_333 : i32 to index
        %swap3A_335 = arith.constant 48 : index
        %swap3A_336 = tpu.vector_load %arg9[%swap3A_334, %swap3A_335] {strides = array<i32>} : memref<16x128xi32, #tpu.memory_space<vmem>>, vector<16xi32>,
        tpu.vector_store %arg9[%swap3A_334, %swap3A_335], %get3A_332 {strides = array<i32>} : memref<16x128xi32, #tpu.memory_space<vmem>>, vector<16xi32>,
        %mul3A_337 = arith.constant 128 : i32
        %mul3A_338 = arith.muli %add3A_79, %mul3A_337 : i32
        %add3A_339 = arith.constant 64 : i32
        %add3A_340 = arith.addi %mul3A_338, %add3A_339 : i32
        %get3A_341 = arith.index_cast %add3A_340 : i32 to index
        %get3A_342 = tpu.vector_load %arg7[%get3A_341] {strides = array<i32>} : memref<3392xi32, #tpu.memory_space<vmem>>, vector<16xi32>,
        %swap3A_343 = arith.constant 4 : i32
        %swap3A_344 = arith.index_cast %swap3A_343 : i32 to index
        %swap3A_345 = arith.constant 64 : index
        %swap3A_346 = tpu.vector_load %arg9[%swap3A_344, %swap3A_345] {strides = array<i32>} : memref<16x128xi32, #tpu.memory_space<vmem>>, vector<16xi32>,
        tpu.vector_store %arg9[%swap3A_344, %swap3A_345], %get3A_342 {strides = array<i32>} : memref<16x128xi32, #tpu.memory_space<vmem>>, vector<16xi32>,
        %mul3A_347 = arith.constant 128 : i32
        %mul3A_348 = arith.muli %add3A_79, %mul3A_347 : i32
        %add3A_349 = arith.constant 64 : i32
        %add3A_350 = arith.addi %mul3A_348, %add3A_349 : i32
        %get3A_351 = arith.index_cast %add3A_350 : i32 to index
        %get3A_352 = tpu.vector_load %arg8[%get3A_351] {strides = array<i32>} : memref<3392xi32, #tpu.memory_space<vmem>>, vector<16xi32>,
        %swap3A_353 = arith.constant 5 : i32
        %swap3A_354 = arith.index_cast %swap3A_353 : i32 to index
        %swap3A_355 = arith.constant 64 : index
        %swap3A_356 = tpu.vector_load %arg9[%swap3A_354, %swap3A_355] {strides = array<i32>} : memref<16x128xi32, #tpu.memory_space<vmem>>, vector<16xi32>,
        tpu.vector_store %arg9[%swap3A_354, %swap3A_355], %get3A_352 {strides = array<i32>} : memref<16x128xi32, #tpu.memory_space<vmem>>, vector<16xi32>,
        %mul3A_357 = arith.constant 128 : i32
        %mul3A_358 = arith.muli %add3A_79, %mul3A_357 : i32
        %add3A_359 = arith.constant 80 : i32
        %add3A_360 = arith.addi %mul3A_358, %add3A_359 : i32
        %get3A_361 = arith.index_cast %add3A_360 : i32 to index
        %get3A_362 = tpu.vector_load %arg7[%get3A_361] {strides = array<i32>} : memref<3392xi32, #tpu.memory_space<vmem>>, vector<16xi32>,
        %swap3A_363 = arith.constant 4 : i32
        %swap3A_364 = arith.index_cast %swap3A_363 : i32 to index
        %swap3A_365 = arith.constant 80 : index
        %swap3A_366 = tpu.vector_load %arg9[%swap3A_364, %swap3A_365] {strides = array<i32>} : memref<16x128xi32, #tpu.memory_space<vmem>>, vector<16xi32>,
        tpu.vector_store %arg9[%swap3A_364, %swap3A_365], %get3A_362 {strides = array<i32>} : memref<16x128xi32, #tpu.memory_space<vmem>>, vector<16xi32>,
        %mul3A_367 = arith.constant 128 : i32
        %mul3A_368 = arith.muli %add3A_79, %mul3A_367 : i32
        %add3A_369 = arith.constant 80 : i32
        %add3A_370 = arith.addi %mul3A_368, %add3A_369 : i32
        %get3A_371 = arith.index_cast %add3A_370 : i32 to index
        %get3A_372 = tpu.vector_load %arg8[%get3A_371] {strides = array<i32>} : memref<3392xi32, #tpu.memory_space<vmem>>, vector<16xi32>,
        %swap3A_373 = arith.constant 5 : i32
        %swap3A_374 = arith.index_cast %swap3A_373 : i32 to index
        %swap3A_375 = arith.constant 80 : index
        %swap3A_376 = tpu.vector_load %arg9[%swap3A_374, %swap3A_375] {strides = array<i32>} : memref<16x128xi32, #tpu.memory_space<vmem>>, vector<16xi32>,
        tpu.vector_store %arg9[%swap3A_374, %swap3A_375], %get3A_372 {strides = array<i32>} : memref<16x128xi32, #tpu.memory_space<vmem>>, vector<16xi32>,
        %mul3A_377 = arith.constant 128 : i32
        %mul3A_378 = arith.muli %add3A_79, %mul3A_377 : i32
        %add3A_379 = arith.constant 96 : i32
        %add3A_380 = arith.addi %mul3A_378, %add3A_379 : i32
        %get3A_381 = arith.index_cast %add3A_380 : i32 to index
        %get3A_382 = tpu.vector_load %arg7[%get3A_381] {strides = array<i32>} : memref<3392xi32, #tpu.memory_space<vmem>>, vector<16xi32>,
        %swap3A_383 = arith.constant 4 : i32
        %swap3A_384 = arith.index_cast %swap3A_383 : i32 to index
        %swap3A_385 = arith.constant 96 : index
        %swap3A_386 = tpu.vector_load %arg9[%swap3A_384, %swap3A_385] {strides = array<i32>} : memref<16x128xi32, #tpu.memory_space<vmem>>, vector<16xi32>,
        tpu.vector_store %arg9[%swap3A_384, %swap3A_385], %get3A_382 {strides = array<i32>} : memref<16x128xi32, #tpu.memory_space<vmem>>, vector<16xi32>,
        %mul3A_387 = arith.constant 128 : i32
        %mul3A_388 = arith.muli %add3A_79, %mul3A_387 : i32
        %add3A_389 = arith.constant 96 : i32
        %add3A_390 = arith.addi %mul3A_388, %add3A_389 : i32
        %get3A_391 = arith.index_cast %add3A_390 : i32 to index
        %get3A_392 = tpu.vector_load %arg8[%get3A_391] {strides = array<i32>} : memref<3392xi32, #tpu.memory_space<vmem>>, vector<16xi32>,
        %swap3A_393 = arith.constant 5 : i32
        %swap3A_394 = arith.index_cast %swap3A_393 : i32 to index
        %swap3A_395 = arith.constant 96 : index
        %swap3A_396 = tpu.vector_load %arg9[%swap3A_394, %swap3A_395] {strides = array<i32>} : memref<16x128xi32, #tpu.memory_space<vmem>>, vector<16xi32>,
        tpu.vector_store %arg9[%swap3A_394, %swap3A_395], %get3A_392 {strides = array<i32>} : memref<16x128xi32, #tpu.memory_space<vmem>>, vector<16xi32>,
        %mul3A_397 = arith.constant 128 : i32
        %mul3A_398 = arith.muli %add3A_79, %mul3A_397 : i32
        %add3A_399 = arith.constant 112 : i32
        %add3A_400 = arith.addi %mul3A_398, %add3A_399 : i32
        %get3A_401 = arith.index_cast %add3A_400 : i32 to index
        %get3A_402 = tpu.vector_load %arg7[%get3A_401] {strides = array<i32>} : memref<3392xi32, #tpu.memory_space<vmem>>, vector<16xi32>,
        %swap3A_403 = arith.constant 4 : i32
        %swap3A_404 = arith.index_cast %swap3A_403 : i32 to index
        %swap3A_405 = arith.constant 112 : index
        %swap3A_406 = tpu.vector_load %arg9[%swap3A_404, %swap3A_405] {strides = array<i32>} : memref<16x128xi32, #tpu.memory_space<vmem>>, vector<16xi32>,
        tpu.vector_store %arg9[%swap3A_404, %swap3A_405], %get3A_402 {strides = array<i32>} : memref<16x128xi32, #tpu.memory_space<vmem>>, vector<16xi32>,
        %mul3A_407 = arith.constant 128 : i32
        %mul3A_408 = arith.muli %add3A_79, %mul3A_407 : i32
        %add3A_409 = arith.constant 112 : i32
        %add3A_410 = arith.addi %mul3A_408, %add3A_409 : i32
        %get3A_411 = arith.index_cast %add3A_410 : i32 to index
        %get3A_412 = tpu.vector_load %arg8[%get3A_411] {strides = array<i32>} : memref<3392xi32, #tpu.memory_space<vmem>>, vector<16xi32>,
        %swap3A_413 = arith.constant 5 : i32
        %swap3A_414 = arith.index_cast %swap3A_413 : i32 to index
        %swap3A_415 = arith.constant 112 : index
        %swap3A_416 = tpu.vector_load %arg9[%swap3A_414, %swap3A_415] {strides = array<i32>} : memref<16x128xi32, #tpu.memory_space<vmem>>, vector<16xi32>,
        tpu.vector_store %arg9[%swap3A_414, %swap3A_415], %get3A_412 {strides = array<i32>} : memref<16x128xi32, #tpu.memory_space<vmem>>, vector<16xi32>,
        %dma_start3A = arith.constant 4 : i32
        %dma_start3A_417 = arith.constant 256 : i32
        %dma_start3A_418 = arith.constant 0 : i32
        %dma_start3A_419 = tpu.memref_slice %arg10[%dma_start3A_417, %dma_start3A_418] : memref<1024x64xf32, #tpu.memory_space<vmem>> -> memref<128x64xf32, #tpu.memory_space<vmem>>
        %dma_start3A_420 = arith.constant 0 : i32
        %dma_start3A_421 = tpu.memref_slice %arg9[%dma_start3A, %dma_start3A_420] : memref<16x128xi32, #tpu.memory_space<vmem>> -> memref<1x128xi32, #tpu.memory_space<vmem>>
        %dma_start3A_422 = tpu.memref_squeeze %dma_start3A_421 : memref<1x128xi32, #tpu.memory_space<vmem>> -> memref<128xi32, #tpu.memory_space<vmem>>
        %dma_start3A_423 = arith.constant 0 : i32
        %dma_start3A_424 = arith.constant 0 : i32
        %dma_start3A_425 = tpu.memref_slice %arg4[%dma_start3A_423, %dma_start3A_424] : memref<16384x64xf32, #tpu.memory_space<hbm>> -> memref<16384x64xf32, #tpu.memory_space<hbm>>
        tpu.enqueue_indirect_dma source(%dma_start3A_425 : memref<16384x64xf32, #tpu.memory_space<hbm>>) target(%dma_start3A_419 : memref<128x64xf32, #tpu.memory_space<vmem>>) offsets(%dma_start3A_422 : memref<128xi32, #tpu.memory_space<vmem>>) semaphore(%arg11 : memref<!tpu.dma_semaphore, #tpu.memory_space<semaphore_mem>>)
      } else {
      }
      %add3A_84 = arith.constant 3 : i32
      %add3A_85 = arith.addi %mul3A_68, %add3A_84 : i32
      %lt3A_86 = arith.cmpi slt, %add3A_85, %select_n3A : i32
      %convert_element_type3A_87 = arith.extui %lt3A_86 : i1 to i32
      %cond3A_88 = arith.constant 0 : i32
      %cond3A_89 = arith.cmpi ne, %convert_element_type3A_87, %cond3A_88 : i32
      scf.if %cond3A_89 {
        %mul3A_259 = arith.constant 128 : i32
        %mul3A_260 = arith.muli %add3A_85, %mul3A_259 : i32
        %add3A_261 = arith.constant 0 : i32
        %add3A_262 = arith.addi %mul3A_260, %add3A_261 : i32
        %get3A = arith.index_cast %add3A_262 : i32 to index
        %get3A_263 = tpu.vector_load %arg7[%get3A] {strides = array<i32>} : memref<3392xi32, #tpu.memory_space<vmem>>, vector<16xi32>,
        %swap3A = arith.constant 6 : i32
        %swap3A_264 = arith.index_cast %swap3A : i32 to index
        %swap3A_265 = arith.constant 0 : index
        %swap3A_266 = tpu.vector_load %arg9[%swap3A_264, %swap3A_265] {strides = array<i32>} : memref<16x128xi32, #tpu.memory_space<vmem>>, vector<16xi32>,
        tpu.vector_store %arg9[%swap3A_264, %swap3A_265], %get3A_263 {strides = array<i32>} : memref<16x128xi32, #tpu.memory_space<vmem>>, vector<16xi32>,
        %mul3A_267 = arith.constant 128 : i32
        %mul3A_268 = arith.muli %add3A_85, %mul3A_267 : i32
        %add3A_269 = arith.constant 0 : i32
        %add3A_270 = arith.addi %mul3A_268, %add3A_269 : i32
        %get3A_271 = arith.index_cast %add3A_270 : i32 to index
        %get3A_272 = tpu.vector_load %arg8[%get3A_271] {strides = array<i32>} : memref<3392xi32, #tpu.memory_space<vmem>>, vector<16xi32>,
        %swap3A_273 = arith.constant 7 : i32
        %swap3A_274 = arith.index_cast %swap3A_273 : i32 to index
        %swap3A_275 = arith.constant 0 : index
        %swap3A_276 = tpu.vector_load %arg9[%swap3A_274, %swap3A_275] {strides = array<i32>} : memref<16x128xi32, #tpu.memory_space<vmem>>, vector<16xi32>,
        tpu.vector_store %arg9[%swap3A_274, %swap3A_275], %get3A_272 {strides = array<i32>} : memref<16x128xi32, #tpu.memory_space<vmem>>, vector<16xi32>,
        %mul3A_277 = arith.constant 128 : i32
        %mul3A_278 = arith.muli %add3A_85, %mul3A_277 : i32
        %add3A_279 = arith.constant 16 : i32
        %add3A_280 = arith.addi %mul3A_278, %add3A_279 : i32
        %get3A_281 = arith.index_cast %add3A_280 : i32 to index
        %get3A_282 = tpu.vector_load %arg7[%get3A_281] {strides = array<i32>} : memref<3392xi32, #tpu.memory_space<vmem>>, vector<16xi32>,
        %swap3A_283 = arith.constant 6 : i32
        %swap3A_284 = arith.index_cast %swap3A_283 : i32 to index
        %swap3A_285 = arith.constant 16 : index
        %swap3A_286 = tpu.vector_load %arg9[%swap3A_284, %swap3A_285] {strides = array<i32>} : memref<16x128xi32, #tpu.memory_space<vmem>>, vector<16xi32>,
        tpu.vector_store %arg9[%swap3A_284, %swap3A_285], %get3A_282 {strides = array<i32>} : memref<16x128xi32, #tpu.memory_space<vmem>>, vector<16xi32>,
        %mul3A_287 = arith.constant 128 : i32
        %mul3A_288 = arith.muli %add3A_85, %mul3A_287 : i32
        %add3A_289 = arith.constant 16 : i32
        %add3A_290 = arith.addi %mul3A_288, %add3A_289 : i32
        %get3A_291 = arith.index_cast %add3A_290 : i32 to index
        %get3A_292 = tpu.vector_load %arg8[%get3A_291] {strides = array<i32>} : memref<3392xi32, #tpu.memory_space<vmem>>, vector<16xi32>,
        %swap3A_293 = arith.constant 7 : i32
        %swap3A_294 = arith.index_cast %swap3A_293 : i32 to index
        %swap3A_295 = arith.constant 16 : index
        %swap3A_296 = tpu.vector_load %arg9[%swap3A_294, %swap3A_295] {strides = array<i32>} : memref<16x128xi32, #tpu.memory_space<vmem>>, vector<16xi32>,
        tpu.vector_store %arg9[%swap3A_294, %swap3A_295], %get3A_292 {strides = array<i32>} : memref<16x128xi32, #tpu.memory_space<vmem>>, vector<16xi32>,
        %mul3A_297 = arith.constant 128 : i32
        %mul3A_298 = arith.muli %add3A_85, %mul3A_297 : i32
        %add3A_299 = arith.constant 32 : i32
        %add3A_300 = arith.addi %mul3A_298, %add3A_299 : i32
        %get3A_301 = arith.index_cast %add3A_300 : i32 to index
        %get3A_302 = tpu.vector_load %arg7[%get3A_301] {strides = array<i32>} : memref<3392xi32, #tpu.memory_space<vmem>>, vector<16xi32>,
        %swap3A_303 = arith.constant 6 : i32
        %swap3A_304 = arith.index_cast %swap3A_303 : i32 to index
        %swap3A_305 = arith.constant 32 : index
        %swap3A_306 = tpu.vector_load %arg9[%swap3A_304, %swap3A_305] {strides = array<i32>} : memref<16x128xi32, #tpu.memory_space<vmem>>, vector<16xi32>,
        tpu.vector_store %arg9[%swap3A_304, %swap3A_305], %get3A_302 {strides = array<i32>} : memref<16x128xi32, #tpu.memory_space<vmem>>, vector<16xi32>,
        %mul3A_307 = arith.constant 128 : i32
        %mul3A_308 = arith.muli %add3A_85, %mul3A_307 : i32
        %add3A_309 = arith.constant 32 : i32
        %add3A_310 = arith.addi %mul3A_308, %add3A_309 : i32
        %get3A_311 = arith.index_cast %add3A_310 : i32 to index
        %get3A_312 = tpu.vector_load %arg8[%get3A_311] {strides = array<i32>} : memref<3392xi32, #tpu.memory_space<vmem>>, vector<16xi32>,
        %swap3A_313 = arith.constant 7 : i32
        %swap3A_314 = arith.index_cast %swap3A_313 : i32 to index
        %swap3A_315 = arith.constant 32 : index
        %swap3A_316 = tpu.vector_load %arg9[%swap3A_314, %swap3A_315] {strides = array<i32>} : memref<16x128xi32, #tpu.memory_space<vmem>>, vector<16xi32>,
        tpu.vector_store %arg9[%swap3A_314, %swap3A_315], %get3A_312 {strides = array<i32>} : memref<16x128xi32, #tpu.memory_space<vmem>>, vector<16xi32>,
        %mul3A_317 = arith.constant 128 : i32
        %mul3A_318 = arith.muli %add3A_85, %mul3A_317 : i32
        %add3A_319 = arith.constant 48 : i32
        %add3A_320 = arith.addi %mul3A_318, %add3A_319 : i32
        %get3A_321 = arith.index_cast %add3A_320 : i32 to index
        %get3A_322 = tpu.vector_load %arg7[%get3A_321] {strides = array<i32>} : memref<3392xi32, #tpu.memory_space<vmem>>, vector<16xi32>,
        %swap3A_323 = arith.constant 6 : i32
        %swap3A_324 = arith.index_cast %swap3A_323 : i32 to index
        %swap3A_325 = arith.constant 48 : index
        %swap3A_326 = tpu.vector_load %arg9[%swap3A_324, %swap3A_325] {strides = array<i32>} : memref<16x128xi32, #tpu.memory_space<vmem>>, vector<16xi32>,
        tpu.vector_store %arg9[%swap3A_324, %swap3A_325], %get3A_322 {strides = array<i32>} : memref<16x128xi32, #tpu.memory_space<vmem>>, vector<16xi32>,
        %mul3A_327 = arith.constant 128 : i32
        %mul3A_328 = arith.muli %add3A_85, %mul3A_327 : i32
        %add3A_329 = arith.constant 48 : i32
        %add3A_330 = arith.addi %mul3A_328, %add3A_329 : i32
        %get3A_331 = arith.index_cast %add3A_330 : i32 to index
        %get3A_332 = tpu.vector_load %arg8[%get3A_331] {strides = array<i32>} : memref<3392xi32, #tpu.memory_space<vmem>>, vector<16xi32>,
        %swap3A_333 = arith.constant 7 : i32
        %swap3A_334 = arith.index_cast %swap3A_333 : i32 to index
        %swap3A_335 = arith.constant 48 : index
        %swap3A_336 = tpu.vector_load %arg9[%swap3A_334, %swap3A_335] {strides = array<i32>} : memref<16x128xi32, #tpu.memory_space<vmem>>, vector<16xi32>,
        tpu.vector_store %arg9[%swap3A_334, %swap3A_335], %get3A_332 {strides = array<i32>} : memref<16x128xi32, #tpu.memory_space<vmem>>, vector<16xi32>,
        %mul3A_337 = arith.constant 128 : i32
        %mul3A_338 = arith.muli %add3A_85, %mul3A_337 : i32
        %add3A_339 = arith.constant 64 : i32
        %add3A_340 = arith.addi %mul3A_338, %add3A_339 : i32
        %get3A_341 = arith.index_cast %add3A_340 : i32 to index
        %get3A_342 = tpu.vector_load %arg7[%get3A_341] {strides = array<i32>} : memref<3392xi32, #tpu.memory_space<vmem>>, vector<16xi32>,
        %swap3A_343 = arith.constant 6 : i32
        %swap3A_344 = arith.index_cast %swap3A_343 : i32 to index
        %swap3A_345 = arith.constant 64 : index
        %swap3A_346 = tpu.vector_load %arg9[%swap3A_344, %swap3A_345] {strides = array<i32>} : memref<16x128xi32, #tpu.memory_space<vmem>>, vector<16xi32>,
        tpu.vector_store %arg9[%swap3A_344, %swap3A_345], %get3A_342 {strides = array<i32>} : memref<16x128xi32, #tpu.memory_space<vmem>>, vector<16xi32>,
        %mul3A_347 = arith.constant 128 : i32
        %mul3A_348 = arith.muli %add3A_85, %mul3A_347 : i32
        %add3A_349 = arith.constant 64 : i32
        %add3A_350 = arith.addi %mul3A_348, %add3A_349 : i32
        %get3A_351 = arith.index_cast %add3A_350 : i32 to index
        %get3A_352 = tpu.vector_load %arg8[%get3A_351] {strides = array<i32>} : memref<3392xi32, #tpu.memory_space<vmem>>, vector<16xi32>,
        %swap3A_353 = arith.constant 7 : i32
        %swap3A_354 = arith.index_cast %swap3A_353 : i32 to index
        %swap3A_355 = arith.constant 64 : index
        %swap3A_356 = tpu.vector_load %arg9[%swap3A_354, %swap3A_355] {strides = array<i32>} : memref<16x128xi32, #tpu.memory_space<vmem>>, vector<16xi32>,
        tpu.vector_store %arg9[%swap3A_354, %swap3A_355], %get3A_352 {strides = array<i32>} : memref<16x128xi32, #tpu.memory_space<vmem>>, vector<16xi32>,
        %mul3A_357 = arith.constant 128 : i32
        %mul3A_358 = arith.muli %add3A_85, %mul3A_357 : i32
        %add3A_359 = arith.constant 80 : i32
        %add3A_360 = arith.addi %mul3A_358, %add3A_359 : i32
        %get3A_361 = arith.index_cast %add3A_360 : i32 to index
        %get3A_362 = tpu.vector_load %arg7[%get3A_361] {strides = array<i32>} : memref<3392xi32, #tpu.memory_space<vmem>>, vector<16xi32>,
        %swap3A_363 = arith.constant 6 : i32
        %swap3A_364 = arith.index_cast %swap3A_363 : i32 to index
        %swap3A_365 = arith.constant 80 : index
        %swap3A_366 = tpu.vector_load %arg9[%swap3A_364, %swap3A_365] {strides = array<i32>} : memref<16x128xi32, #tpu.memory_space<vmem>>, vector<16xi32>,
        tpu.vector_store %arg9[%swap3A_364, %swap3A_365], %get3A_362 {strides = array<i32>} : memref<16x128xi32, #tpu.memory_space<vmem>>, vector<16xi32>,
        %mul3A_367 = arith.constant 128 : i32
        %mul3A_368 = arith.muli %add3A_85, %mul3A_367 : i32
        %add3A_369 = arith.constant 80 : i32
        %add3A_370 = arith.addi %mul3A_368, %add3A_369 : i32
        %get3A_371 = arith.index_cast %add3A_370 : i32 to index
        %get3A_372 = tpu.vector_load %arg8[%get3A_371] {strides = array<i32>} : memref<3392xi32, #tpu.memory_space<vmem>>, vector<16xi32>,
        %swap3A_373 = arith.constant 7 : i32
        %swap3A_374 = arith.index_cast %swap3A_373 : i32 to index
        %swap3A_375 = arith.constant 80 : index
        %swap3A_376 = tpu.vector_load %arg9[%swap3A_374, %swap3A_375] {strides = array<i32>} : memref<16x128xi32, #tpu.memory_space<vmem>>, vector<16xi32>,
        tpu.vector_store %arg9[%swap3A_374, %swap3A_375], %get3A_372 {strides = array<i32>} : memref<16x128xi32, #tpu.memory_space<vmem>>, vector<16xi32>,
        %mul3A_377 = arith.constant 128 : i32
        %mul3A_378 = arith.muli %add3A_85, %mul3A_377 : i32
        %add3A_379 = arith.constant 96 : i32
        %add3A_380 = arith.addi %mul3A_378, %add3A_379 : i32
        %get3A_381 = arith.index_cast %add3A_380 : i32 to index
        %get3A_382 = tpu.vector_load %arg7[%get3A_381] {strides = array<i32>} : memref<3392xi32, #tpu.memory_space<vmem>>, vector<16xi32>,
        %swap3A_383 = arith.constant 6 : i32
        %swap3A_384 = arith.index_cast %swap3A_383 : i32 to index
        %swap3A_385 = arith.constant 96 : index
        %swap3A_386 = tpu.vector_load %arg9[%swap3A_384, %swap3A_385] {strides = array<i32>} : memref<16x128xi32, #tpu.memory_space<vmem>>, vector<16xi32>,
        tpu.vector_store %arg9[%swap3A_384, %swap3A_385], %get3A_382 {strides = array<i32>} : memref<16x128xi32, #tpu.memory_space<vmem>>, vector<16xi32>,
        %mul3A_387 = arith.constant 128 : i32
        %mul3A_388 = arith.muli %add3A_85, %mul3A_387 : i32
        %add3A_389 = arith.constant 96 : i32
        %add3A_390 = arith.addi %mul3A_388, %add3A_389 : i32
        %get3A_391 = arith.index_cast %add3A_390 : i32 to index
        %get3A_392 = tpu.vector_load %arg8[%get3A_391] {strides = array<i32>} : memref<3392xi32, #tpu.memory_space<vmem>>, vector<16xi32>,
        %swap3A_393 = arith.constant 7 : i32
        %swap3A_394 = arith.index_cast %swap3A_393 : i32 to index
        %swap3A_395 = arith.constant 96 : index
        %swap3A_396 = tpu.vector_load %arg9[%swap3A_394, %swap3A_395] {strides = array<i32>} : memref<16x128xi32, #tpu.memory_space<vmem>>, vector<16xi32>,
        tpu.vector_store %arg9[%swap3A_394, %swap3A_395], %get3A_392 {strides = array<i32>} : memref<16x128xi32, #tpu.memory_space<vmem>>, vector<16xi32>,
        %mul3A_397 = arith.constant 128 : i32
        %mul3A_398 = arith.muli %add3A_85, %mul3A_397 : i32
        %add3A_399 = arith.constant 112 : i32
        %add3A_400 = arith.addi %mul3A_398, %add3A_399 : i32
        %get3A_401 = arith.index_cast %add3A_400 : i32 to index
        %get3A_402 = tpu.vector_load %arg7[%get3A_401] {strides = array<i32>} : memref<3392xi32, #tpu.memory_space<vmem>>, vector<16xi32>,
        %swap3A_403 = arith.constant 6 : i32
        %swap3A_404 = arith.index_cast %swap3A_403 : i32 to index
        %swap3A_405 = arith.constant 112 : index
        %swap3A_406 = tpu.vector_load %arg9[%swap3A_404, %swap3A_405] {strides = array<i32>} : memref<16x128xi32, #tpu.memory_space<vmem>>, vector<16xi32>,
        tpu.vector_store %arg9[%swap3A_404, %swap3A_405], %get3A_402 {strides = array<i32>} : memref<16x128xi32, #tpu.memory_space<vmem>>, vector<16xi32>,
        %mul3A_407 = arith.constant 128 : i32
        %mul3A_408 = arith.muli %add3A_85, %mul3A_407 : i32
        %add3A_409 = arith.constant 112 : i32
        %add3A_410 = arith.addi %mul3A_408, %add3A_409 : i32
        %get3A_411 = arith.index_cast %add3A_410 : i32 to index
        %get3A_412 = tpu.vector_load %arg8[%get3A_411] {strides = array<i32>} : memref<3392xi32, #tpu.memory_space<vmem>>, vector<16xi32>,
        %swap3A_413 = arith.constant 7 : i32
        %swap3A_414 = arith.index_cast %swap3A_413 : i32 to index
        %swap3A_415 = arith.constant 112 : index
        %swap3A_416 = tpu.vector_load %arg9[%swap3A_414, %swap3A_415] {strides = array<i32>} : memref<16x128xi32, #tpu.memory_space<vmem>>, vector<16xi32>,
        tpu.vector_store %arg9[%swap3A_414, %swap3A_415], %get3A_412 {strides = array<i32>} : memref<16x128xi32, #tpu.memory_space<vmem>>, vector<16xi32>,
        %dma_start3A = arith.constant 6 : i32
        %dma_start3A_417 = arith.constant 384 : i32
        %dma_start3A_418 = arith.constant 0 : i32
        %dma_start3A_419 = tpu.memref_slice %arg10[%dma_start3A_417, %dma_start3A_418] : memref<1024x64xf32, #tpu.memory_space<vmem>> -> memref<128x64xf32, #tpu.memory_space<vmem>>
        %dma_start3A_420 = arith.constant 0 : i32
        %dma_start3A_421 = tpu.memref_slice %arg9[%dma_start3A, %dma_start3A_420] : memref<16x128xi32, #tpu.memory_space<vmem>> -> memref<1x128xi32, #tpu.memory_space<vmem>>
        %dma_start3A_422 = tpu.memref_squeeze %dma_start3A_421 : memref<1x128xi32, #tpu.memory_space<vmem>> -> memref<128xi32, #tpu.memory_space<vmem>>
        %dma_start3A_423 = arith.constant 0 : i32
        %dma_start3A_424 = arith.constant 0 : i32
        %dma_start3A_425 = tpu.memref_slice %arg4[%dma_start3A_423, %dma_start3A_424] : memref<16384x64xf32, #tpu.memory_space<hbm>> -> memref<16384x64xf32, #tpu.memory_space<hbm>>
        tpu.enqueue_indirect_dma source(%dma_start3A_425 : memref<16384x64xf32, #tpu.memory_space<hbm>>) target(%dma_start3A_419 : memref<128x64xf32, #tpu.memory_space<vmem>>) offsets(%dma_start3A_422 : memref<128xi32, #tpu.memory_space<vmem>>) semaphore(%arg11 : memref<!tpu.dma_semaphore, #tpu.memory_space<semaphore_mem>>)
      } else {
      }
      %add3A_90 = arith.constant 4 : i32
      %add3A_91 = arith.addi %mul3A_68, %add3A_90 : i32
      %lt3A_92 = arith.cmpi slt, %add3A_91, %select_n3A : i32
      %convert_element_type3A_93 = arith.extui %lt3A_92 : i1 to i32
      %cond3A_94 = arith.constant 0 : i32
      %cond3A_95 = arith.cmpi ne, %convert_element_type3A_93, %cond3A_94 : i32
      scf.if %cond3A_95 {
        %mul3A_259 = arith.constant 128 : i32
        %mul3A_260 = arith.muli %add3A_91, %mul3A_259 : i32
        %add3A_261 = arith.constant 0 : i32
        %add3A_262 = arith.addi %mul3A_260, %add3A_261 : i32
        %get3A = arith.index_cast %add3A_262 : i32 to index
        %get3A_263 = tpu.vector_load %arg7[%get3A] {strides = array<i32>} : memref<3392xi32, #tpu.memory_space<vmem>>, vector<16xi32>,
        %swap3A = arith.constant 8 : i32
        %swap3A_264 = arith.index_cast %swap3A : i32 to index
        %swap3A_265 = arith.constant 0 : index
        %swap3A_266 = tpu.vector_load %arg9[%swap3A_264, %swap3A_265] {strides = array<i32>} : memref<16x128xi32, #tpu.memory_space<vmem>>, vector<16xi32>,
        tpu.vector_store %arg9[%swap3A_264, %swap3A_265], %get3A_263 {strides = array<i32>} : memref<16x128xi32, #tpu.memory_space<vmem>>, vector<16xi32>,
        %mul3A_267 = arith.constant 128 : i32
        %mul3A_268 = arith.muli %add3A_91, %mul3A_267 : i32
        %add3A_269 = arith.constant 0 : i32
        %add3A_270 = arith.addi %mul3A_268, %add3A_269 : i32
        %get3A_271 = arith.index_cast %add3A_270 : i32 to index
        %get3A_272 = tpu.vector_load %arg8[%get3A_271] {strides = array<i32>} : memref<3392xi32, #tpu.memory_space<vmem>>, vector<16xi32>,
        %swap3A_273 = arith.constant 9 : i32
        %swap3A_274 = arith.index_cast %swap3A_273 : i32 to index
        %swap3A_275 = arith.constant 0 : index
        %swap3A_276 = tpu.vector_load %arg9[%swap3A_274, %swap3A_275] {strides = array<i32>} : memref<16x128xi32, #tpu.memory_space<vmem>>, vector<16xi32>,
        tpu.vector_store %arg9[%swap3A_274, %swap3A_275], %get3A_272 {strides = array<i32>} : memref<16x128xi32, #tpu.memory_space<vmem>>, vector<16xi32>,
        %mul3A_277 = arith.constant 128 : i32
        %mul3A_278 = arith.muli %add3A_91, %mul3A_277 : i32
        %add3A_279 = arith.constant 16 : i32
        %add3A_280 = arith.addi %mul3A_278, %add3A_279 : i32
        %get3A_281 = arith.index_cast %add3A_280 : i32 to index
        %get3A_282 = tpu.vector_load %arg7[%get3A_281] {strides = array<i32>} : memref<3392xi32, #tpu.memory_space<vmem>>, vector<16xi32>,
        %swap3A_283 = arith.constant 8 : i32
        %swap3A_284 = arith.index_cast %swap3A_283 : i32 to index
        %swap3A_285 = arith.constant 16 : index
        %swap3A_286 = tpu.vector_load %arg9[%swap3A_284, %swap3A_285] {strides = array<i32>} : memref<16x128xi32, #tpu.memory_space<vmem>>, vector<16xi32>,
        tpu.vector_store %arg9[%swap3A_284, %swap3A_285], %get3A_282 {strides = array<i32>} : memref<16x128xi32, #tpu.memory_space<vmem>>, vector<16xi32>,
        %mul3A_287 = arith.constant 128 : i32
        %mul3A_288 = arith.muli %add3A_91, %mul3A_287 : i32
        %add3A_289 = arith.constant 16 : i32
        %add3A_290 = arith.addi %mul3A_288, %add3A_289 : i32
        %get3A_291 = arith.index_cast %add3A_290 : i32 to index
        %get3A_292 = tpu.vector_load %arg8[%get3A_291] {strides = array<i32>} : memref<3392xi32, #tpu.memory_space<vmem>>, vector<16xi32>,
        %swap3A_293 = arith.constant 9 : i32
        %swap3A_294 = arith.index_cast %swap3A_293 : i32 to index
        %swap3A_295 = arith.constant 16 : index
        %swap3A_296 = tpu.vector_load %arg9[%swap3A_294, %swap3A_295] {strides = array<i32>} : memref<16x128xi32, #tpu.memory_space<vmem>>, vector<16xi32>,
        tpu.vector_store %arg9[%swap3A_294, %swap3A_295], %get3A_292 {strides = array<i32>} : memref<16x128xi32, #tpu.memory_space<vmem>>, vector<16xi32>,
        %mul3A_297 = arith.constant 128 : i32
        %mul3A_298 = arith.muli %add3A_91, %mul3A_297 : i32
        %add3A_299 = arith.constant 32 : i32
        %add3A_300 = arith.addi %mul3A_298, %add3A_299 : i32
        %get3A_301 = arith.index_cast %add3A_300 : i32 to index
        %get3A_302 = tpu.vector_load %arg7[%get3A_301] {strides = array<i32>} : memref<3392xi32, #tpu.memory_space<vmem>>, vector<16xi32>,
        %swap3A_303 = arith.constant 8 : i32
        %swap3A_304 = arith.index_cast %swap3A_303 : i32 to index
        %swap3A_305 = arith.constant 32 : index
        %swap3A_306 = tpu.vector_load %arg9[%swap3A_304, %swap3A_305] {strides = array<i32>} : memref<16x128xi32, #tpu.memory_space<vmem>>, vector<16xi32>,
        tpu.vector_store %arg9[%swap3A_304, %swap3A_305], %get3A_302 {strides = array<i32>} : memref<16x128xi32, #tpu.memory_space<vmem>>, vector<16xi32>,
        %mul3A_307 = arith.constant 128 : i32
        %mul3A_308 = arith.muli %add3A_91, %mul3A_307 : i32
        %add3A_309 = arith.constant 32 : i32
        %add3A_310 = arith.addi %mul3A_308, %add3A_309 : i32
        %get3A_311 = arith.index_cast %add3A_310 : i32 to index
        %get3A_312 = tpu.vector_load %arg8[%get3A_311] {strides = array<i32>} : memref<3392xi32, #tpu.memory_space<vmem>>, vector<16xi32>,
        %swap3A_313 = arith.constant 9 : i32
        %swap3A_314 = arith.index_cast %swap3A_313 : i32 to index
        %swap3A_315 = arith.constant 32 : index
        %swap3A_316 = tpu.vector_load %arg9[%swap3A_314, %swap3A_315] {strides = array<i32>} : memref<16x128xi32, #tpu.memory_space<vmem>>, vector<16xi32>,
        tpu.vector_store %arg9[%swap3A_314, %swap3A_315], %get3A_312 {strides = array<i32>} : memref<16x128xi32, #tpu.memory_space<vmem>>, vector<16xi32>,
        %mul3A_317 = arith.constant 128 : i32
        %mul3A_318 = arith.muli %add3A_91, %mul3A_317 : i32
        %add3A_319 = arith.constant 48 : i32
        %add3A_320 = arith.addi %mul3A_318, %add3A_319 : i32
        %get3A_321 = arith.index_cast %add3A_320 : i32 to index
        %get3A_322 = tpu.vector_load %arg7[%get3A_321] {strides = array<i32>} : memref<3392xi32, #tpu.memory_space<vmem>>, vector<16xi32>,
        %swap3A_323 = arith.constant 8 : i32
        %swap3A_324 = arith.index_cast %swap3A_323 : i32 to index
        %swap3A_325 = arith.constant 48 : index
        %swap3A_326 = tpu.vector_load %arg9[%swap3A_324, %swap3A_325] {strides = array<i32>} : memref<16x128xi32, #tpu.memory_space<vmem>>, vector<16xi32>,
        tpu.vector_store %arg9[%swap3A_324, %swap3A_325], %get3A_322 {strides = array<i32>} : memref<16x128xi32, #tpu.memory_space<vmem>>, vector<16xi32>,
        %mul3A_327 = arith.constant 128 : i32
        %mul3A_328 = arith.muli %add3A_91, %mul3A_327 : i32
        %add3A_329 = arith.constant 48 : i32
        %add3A_330 = arith.addi %mul3A_328, %add3A_329 : i32
        %get3A_331 = arith.index_cast %add3A_330 : i32 to index
        %get3A_332 = tpu.vector_load %arg8[%get3A_331] {strides = array<i32>} : memref<3392xi32, #tpu.memory_space<vmem>>, vector<16xi32>,
        %swap3A_333 = arith.constant 9 : i32
        %swap3A_334 = arith.index_cast %swap3A_333 : i32 to index
        %swap3A_335 = arith.constant 48 : index
        %swap3A_336 = tpu.vector_load %arg9[%swap3A_334, %swap3A_335] {strides = array<i32>} : memref<16x128xi32, #tpu.memory_space<vmem>>, vector<16xi32>,
        tpu.vector_store %arg9[%swap3A_334, %swap3A_335], %get3A_332 {strides = array<i32>} : memref<16x128xi32, #tpu.memory_space<vmem>>, vector<16xi32>,
        %mul3A_337 = arith.constant 128 : i32
        %mul3A_338 = arith.muli %add3A_91, %mul3A_337 : i32
        %add3A_339 = arith.constant 64 : i32
        %add3A_340 = arith.addi %mul3A_338, %add3A_339 : i32
        %get3A_341 = arith.index_cast %add3A_340 : i32 to index
        %get3A_342 = tpu.vector_load %arg7[%get3A_341] {strides = array<i32>} : memref<3392xi32, #tpu.memory_space<vmem>>, vector<16xi32>,
        %swap3A_343 = arith.constant 8 : i32
        %swap3A_344 = arith.index_cast %swap3A_343 : i32 to index
        %swap3A_345 = arith.constant 64 : index
        %swap3A_346 = tpu.vector_load %arg9[%swap3A_344, %swap3A_345] {strides = array<i32>} : memref<16x128xi32, #tpu.memory_space<vmem>>, vector<16xi32>,
        tpu.vector_store %arg9[%swap3A_344, %swap3A_345], %get3A_342 {strides = array<i32>} : memref<16x128xi32, #tpu.memory_space<vmem>>, vector<16xi32>,
        %mul3A_347 = arith.constant 128 : i32
        %mul3A_348 = arith.muli %add3A_91, %mul3A_347 : i32
        %add3A_349 = arith.constant 64 : i32
        %add3A_350 = arith.addi %mul3A_348, %add3A_349 : i32
        %get3A_351 = arith.index_cast %add3A_350 : i32 to index
        %get3A_352 = tpu.vector_load %arg8[%get3A_351] {strides = array<i32>} : memref<3392xi32, #tpu.memory_space<vmem>>, vector<16xi32>,
        %swap3A_353 = arith.constant 9 : i32
        %swap3A_354 = arith.index_cast %swap3A_353 : i32 to index
        %swap3A_355 = arith.constant 64 : index
        %swap3A_356 = tpu.vector_load %arg9[%swap3A_354, %swap3A_355] {strides = array<i32>} : memref<16x128xi32, #tpu.memory_space<vmem>>, vector<16xi32>,
        tpu.vector_store %arg9[%swap3A_354, %swap3A_355], %get3A_352 {strides = array<i32>} : memref<16x128xi32, #tpu.memory_space<vmem>>, vector<16xi32>,
        %mul3A_357 = arith.constant 128 : i32
        %mul3A_358 = arith.muli %add3A_91, %mul3A_357 : i32
        %add3A_359 = arith.constant 80 : i32
        %add3A_360 = arith.addi %mul3A_358, %add3A_359 : i32
        %get3A_361 = arith.index_cast %add3A_360 : i32 to index
        %get3A_362 = tpu.vector_load %arg7[%get3A_361] {strides = array<i32>} : memref<3392xi32, #tpu.memory_space<vmem>>, vector<16xi32>,
        %swap3A_363 = arith.constant 8 : i32
        %swap3A_364 = arith.index_cast %swap3A_363 : i32 to index
        %swap3A_365 = arith.constant 80 : index
        %swap3A_366 = tpu.vector_load %arg9[%swap3A_364, %swap3A_365] {strides = array<i32>} : memref<16x128xi32, #tpu.memory_space<vmem>>, vector<16xi32>,
        tpu.vector_store %arg9[%swap3A_364, %swap3A_365], %get3A_362 {strides = array<i32>} : memref<16x128xi32, #tpu.memory_space<vmem>>, vector<16xi32>,
        %mul3A_367 = arith.constant 128 : i32
        %mul3A_368 = arith.muli %add3A_91, %mul3A_367 : i32
        %add3A_369 = arith.constant 80 : i32
        %add3A_370 = arith.addi %mul3A_368, %add3A_369 : i32
        %get3A_371 = arith.index_cast %add3A_370 : i32 to index
        %get3A_372 = tpu.vector_load %arg8[%get3A_371] {strides = array<i32>} : memref<3392xi32, #tpu.memory_space<vmem>>, vector<16xi32>,
        %swap3A_373 = arith.constant 9 : i32
        %swap3A_374 = arith.index_cast %swap3A_373 : i32 to index
        %swap3A_375 = arith.constant 80 : index
        %swap3A_376 = tpu.vector_load %arg9[%swap3A_374, %swap3A_375] {strides = array<i32>} : memref<16x128xi32, #tpu.memory_space<vmem>>, vector<16xi32>,
        tpu.vector_store %arg9[%swap3A_374, %swap3A_375], %get3A_372 {strides = array<i32>} : memref<16x128xi32, #tpu.memory_space<vmem>>, vector<16xi32>,
        %mul3A_377 = arith.constant 128 : i32
        %mul3A_378 = arith.muli %add3A_91, %mul3A_377 : i32
        %add3A_379 = arith.constant 96 : i32
        %add3A_380 = arith.addi %mul3A_378, %add3A_379 : i32
        %get3A_381 = arith.index_cast %add3A_380 : i32 to index
        %get3A_382 = tpu.vector_load %arg7[%get3A_381] {strides = array<i32>} : memref<3392xi32, #tpu.memory_space<vmem>>, vector<16xi32>,
        %swap3A_383 = arith.constant 8 : i32
        %swap3A_384 = arith.index_cast %swap3A_383 : i32 to index
        %swap3A_385 = arith.constant 96 : index
        %swap3A_386 = tpu.vector_load %arg9[%swap3A_384, %swap3A_385] {strides = array<i32>} : memref<16x128xi32, #tpu.memory_space<vmem>>, vector<16xi32>,
        tpu.vector_store %arg9[%swap3A_384, %swap3A_385], %get3A_382 {strides = array<i32>} : memref<16x128xi32, #tpu.memory_space<vmem>>, vector<16xi32>,
        %mul3A_387 = arith.constant 128 : i32
        %mul3A_388 = arith.muli %add3A_91, %mul3A_387 : i32
        %add3A_389 = arith.constant 96 : i32
        %add3A_390 = arith.addi %mul3A_388, %add3A_389 : i32
        %get3A_391 = arith.index_cast %add3A_390 : i32 to index
        %get3A_392 = tpu.vector_load %arg8[%get3A_391] {strides = array<i32>} : memref<3392xi32, #tpu.memory_space<vmem>>, vector<16xi32>,
        %swap3A_393 = arith.constant 9 : i32
        %swap3A_394 = arith.index_cast %swap3A_393 : i32 to index
        %swap3A_395 = arith.constant 96 : index
        %swap3A_396 = tpu.vector_load %arg9[%swap3A_394, %swap3A_395] {strides = array<i32>} : memref<16x128xi32, #tpu.memory_space<vmem>>, vector<16xi32>,
        tpu.vector_store %arg9[%swap3A_394, %swap3A_395], %get3A_392 {strides = array<i32>} : memref<16x128xi32, #tpu.memory_space<vmem>>, vector<16xi32>,
        %mul3A_397 = arith.constant 128 : i32
        %mul3A_398 = arith.muli %add3A_91, %mul3A_397 : i32
        %add3A_399 = arith.constant 112 : i32
        %add3A_400 = arith.addi %mul3A_398, %add3A_399 : i32
        %get3A_401 = arith.index_cast %add3A_400 : i32 to index
        %get3A_402 = tpu.vector_load %arg7[%get3A_401] {strides = array<i32>} : memref<3392xi32, #tpu.memory_space<vmem>>, vector<16xi32>,
        %swap3A_403 = arith.constant 8 : i32
        %swap3A_404 = arith.index_cast %swap3A_403 : i32 to index
        %swap3A_405 = arith.constant 112 : index
        %swap3A_406 = tpu.vector_load %arg9[%swap3A_404, %swap3A_405] {strides = array<i32>} : memref<16x128xi32, #tpu.memory_space<vmem>>, vector<16xi32>,
        tpu.vector_store %arg9[%swap3A_404, %swap3A_405], %get3A_402 {strides = array<i32>} : memref<16x128xi32, #tpu.memory_space<vmem>>, vector<16xi32>,
        %mul3A_407 = arith.constant 128 : i32
        %mul3A_408 = arith.muli %add3A_91, %mul3A_407 : i32
        %add3A_409 = arith.constant 112 : i32
        %add3A_410 = arith.addi %mul3A_408, %add3A_409 : i32
        %get3A_411 = arith.index_cast %add3A_410 : i32 to index
        %get3A_412 = tpu.vector_load %arg8[%get3A_411] {strides = array<i32>} : memref<3392xi32, #tpu.memory_space<vmem>>, vector<16xi32>,
        %swap3A_413 = arith.constant 9 : i32
        %swap3A_414 = arith.index_cast %swap3A_413 : i32 to index
        %swap3A_415 = arith.constant 112 : index
        %swap3A_416 = tpu.vector_load %arg9[%swap3A_414, %swap3A_415] {strides = array<i32>} : memref<16x128xi32, #tpu.memory_space<vmem>>, vector<16xi32>,
        tpu.vector_store %arg9[%swap3A_414, %swap3A_415], %get3A_412 {strides = array<i32>} : memref<16x128xi32, #tpu.memory_space<vmem>>, vector<16xi32>,
        %dma_start3A = arith.constant 8 : i32
        %dma_start3A_417 = arith.constant 512 : i32
        %dma_start3A_418 = arith.constant 0 : i32
        %dma_start3A_419 = tpu.memref_slice %arg10[%dma_start3A_417, %dma_start3A_418] : memref<1024x64xf32, #tpu.memory_space<vmem>> -> memref<128x64xf32, #tpu.memory_space<vmem>>
        %dma_start3A_420 = arith.constant 0 : i32
        %dma_start3A_421 = tpu.memref_slice %arg9[%dma_start3A, %dma_start3A_420] : memref<16x128xi32, #tpu.memory_space<vmem>> -> memref<1x128xi32, #tpu.memory_space<vmem>>
        %dma_start3A_422 = tpu.memref_squeeze %dma_start3A_421 : memref<1x128xi32, #tpu.memory_space<vmem>> -> memref<128xi32, #tpu.memory_space<vmem>>
        %dma_start3A_423 = arith.constant 0 : i32
        %dma_start3A_424 = arith.constant 0 : i32
        %dma_start3A_425 = tpu.memref_slice %arg4[%dma_start3A_423, %dma_start3A_424] : memref<16384x64xf32, #tpu.memory_space<hbm>> -> memref<16384x64xf32, #tpu.memory_space<hbm>>
        tpu.enqueue_indirect_dma source(%dma_start3A_425 : memref<16384x64xf32, #tpu.memory_space<hbm>>) target(%dma_start3A_419 : memref<128x64xf32, #tpu.memory_space<vmem>>) offsets(%dma_start3A_422 : memref<128xi32, #tpu.memory_space<vmem>>) semaphore(%arg11 : memref<!tpu.dma_semaphore, #tpu.memory_space<semaphore_mem>>)
      } else {
      }
      %add3A_96 = arith.constant 5 : i32
      %add3A_97 = arith.addi %mul3A_68, %add3A_96 : i32
      %lt3A_98 = arith.cmpi slt, %add3A_97, %select_n3A : i32
      %convert_element_type3A_99 = arith.extui %lt3A_98 : i1 to i32
      %cond3A_100 = arith.constant 0 : i32
      %cond3A_101 = arith.cmpi ne, %convert_element_type3A_99, %cond3A_100 : i32
      scf.if %cond3A_101 {
        %mul3A_259 = arith.constant 128 : i32
        %mul3A_260 = arith.muli %add3A_97, %mul3A_259 : i32
        %add3A_261 = arith.constant 0 : i32
        %add3A_262 = arith.addi %mul3A_260, %add3A_261 : i32
        %get3A = arith.index_cast %add3A_262 : i32 to index
        %get3A_263 = tpu.vector_load %arg7[%get3A] {strides = array<i32>} : memref<3392xi32, #tpu.memory_space<vmem>>, vector<16xi32>,
        %swap3A = arith.constant 10 : i32
        %swap3A_264 = arith.index_cast %swap3A : i32 to index
        %swap3A_265 = arith.constant 0 : index
        %swap3A_266 = tpu.vector_load %arg9[%swap3A_264, %swap3A_265] {strides = array<i32>} : memref<16x128xi32, #tpu.memory_space<vmem>>, vector<16xi32>,
        tpu.vector_store %arg9[%swap3A_264, %swap3A_265], %get3A_263 {strides = array<i32>} : memref<16x128xi32, #tpu.memory_space<vmem>>, vector<16xi32>,
        %mul3A_267 = arith.constant 128 : i32
        %mul3A_268 = arith.muli %add3A_97, %mul3A_267 : i32
        %add3A_269 = arith.constant 0 : i32
        %add3A_270 = arith.addi %mul3A_268, %add3A_269 : i32
        %get3A_271 = arith.index_cast %add3A_270 : i32 to index
        %get3A_272 = tpu.vector_load %arg8[%get3A_271] {strides = array<i32>} : memref<3392xi32, #tpu.memory_space<vmem>>, vector<16xi32>,
        %swap3A_273 = arith.constant 11 : i32
        %swap3A_274 = arith.index_cast %swap3A_273 : i32 to index
        %swap3A_275 = arith.constant 0 : index
        %swap3A_276 = tpu.vector_load %arg9[%swap3A_274, %swap3A_275] {strides = array<i32>} : memref<16x128xi32, #tpu.memory_space<vmem>>, vector<16xi32>,
        tpu.vector_store %arg9[%swap3A_274, %swap3A_275], %get3A_272 {strides = array<i32>} : memref<16x128xi32, #tpu.memory_space<vmem>>, vector<16xi32>,
        %mul3A_277 = arith.constant 128 : i32
        %mul3A_278 = arith.muli %add3A_97, %mul3A_277 : i32
        %add3A_279 = arith.constant 16 : i32
        %add3A_280 = arith.addi %mul3A_278, %add3A_279 : i32
        %get3A_281 = arith.index_cast %add3A_280 : i32 to index
        %get3A_282 = tpu.vector_load %arg7[%get3A_281] {strides = array<i32>} : memref<3392xi32, #tpu.memory_space<vmem>>, vector<16xi32>,
        %swap3A_283 = arith.constant 10 : i32
        %swap3A_284 = arith.index_cast %swap3A_283 : i32 to index
        %swap3A_285 = arith.constant 16 : index
        %swap3A_286 = tpu.vector_load %arg9[%swap3A_284, %swap3A_285] {strides = array<i32>} : memref<16x128xi32, #tpu.memory_space<vmem>>, vector<16xi32>,
        tpu.vector_store %arg9[%swap3A_284, %swap3A_285], %get3A_282 {strides = array<i32>} : memref<16x128xi32, #tpu.memory_space<vmem>>, vector<16xi32>,
        %mul3A_287 = arith.constant 128 : i32
        %mul3A_288 = arith.muli %add3A_97, %mul3A_287 : i32
        %add3A_289 = arith.constant 16 : i32
        %add3A_290 = arith.addi %mul3A_288, %add3A_289 : i32
        %get3A_291 = arith.index_cast %add3A_290 : i32 to index
        %get3A_292 = tpu.vector_load %arg8[%get3A_291] {strides = array<i32>} : memref<3392xi32, #tpu.memory_space<vmem>>, vector<16xi32>,
        %swap3A_293 = arith.constant 11 : i32
        %swap3A_294 = arith.index_cast %swap3A_293 : i32 to index
        %swap3A_295 = arith.constant 16 : index
        %swap3A_296 = tpu.vector_load %arg9[%swap3A_294, %swap3A_295] {strides = array<i32>} : memref<16x128xi32, #tpu.memory_space<vmem>>, vector<16xi32>,
        tpu.vector_store %arg9[%swap3A_294, %swap3A_295], %get3A_292 {strides = array<i32>} : memref<16x128xi32, #tpu.memory_space<vmem>>, vector<16xi32>,
        %mul3A_297 = arith.constant 128 : i32
        %mul3A_298 = arith.muli %add3A_97, %mul3A_297 : i32
        %add3A_299 = arith.constant 32 : i32
        %add3A_300 = arith.addi %mul3A_298, %add3A_299 : i32
        %get3A_301 = arith.index_cast %add3A_300 : i32 to index
        %get3A_302 = tpu.vector_load %arg7[%get3A_301] {strides = array<i32>} : memref<3392xi32, #tpu.memory_space<vmem>>, vector<16xi32>,
        %swap3A_303 = arith.constant 10 : i32
        %swap3A_304 = arith.index_cast %swap3A_303 : i32 to index
        %swap3A_305 = arith.constant 32 : index
        %swap3A_306 = tpu.vector_load %arg9[%swap3A_304, %swap3A_305] {strides = array<i32>} : memref<16x128xi32, #tpu.memory_space<vmem>>, vector<16xi32>,
        tpu.vector_store %arg9[%swap3A_304, %swap3A_305], %get3A_302 {strides = array<i32>} : memref<16x128xi32, #tpu.memory_space<vmem>>, vector<16xi32>,
        %mul3A_307 = arith.constant 128 : i32
        %mul3A_308 = arith.muli %add3A_97, %mul3A_307 : i32
        %add3A_309 = arith.constant 32 : i32
        %add3A_310 = arith.addi %mul3A_308, %add3A_309 : i32
        %get3A_311 = arith.index_cast %add3A_310 : i32 to index
        %get3A_312 = tpu.vector_load %arg8[%get3A_311] {strides = array<i32>} : memref<3392xi32, #tpu.memory_space<vmem>>, vector<16xi32>,
        %swap3A_313 = arith.constant 11 : i32
        %swap3A_314 = arith.index_cast %swap3A_313 : i32 to index
        %swap3A_315 = arith.constant 32 : index
        %swap3A_316 = tpu.vector_load %arg9[%swap3A_314, %swap3A_315] {strides = array<i32>} : memref<16x128xi32, #tpu.memory_space<vmem>>, vector<16xi32>,
        tpu.vector_store %arg9[%swap3A_314, %swap3A_315], %get3A_312 {strides = array<i32>} : memref<16x128xi32, #tpu.memory_space<vmem>>, vector<16xi32>,
        %mul3A_317 = arith.constant 128 : i32
        %mul3A_318 = arith.muli %add3A_97, %mul3A_317 : i32
        %add3A_319 = arith.constant 48 : i32
        %add3A_320 = arith.addi %mul3A_318, %add3A_319 : i32
        %get3A_321 = arith.index_cast %add3A_320 : i32 to index
        %get3A_322 = tpu.vector_load %arg7[%get3A_321] {strides = array<i32>} : memref<3392xi32, #tpu.memory_space<vmem>>, vector<16xi32>,
        %swap3A_323 = arith.constant 10 : i32
        %swap3A_324 = arith.index_cast %swap3A_323 : i32 to index
        %swap3A_325 = arith.constant 48 : index
        %swap3A_326 = tpu.vector_load %arg9[%swap3A_324, %swap3A_325] {strides = array<i32>} : memref<16x128xi32, #tpu.memory_space<vmem>>, vector<16xi32>,
        tpu.vector_store %arg9[%swap3A_324, %swap3A_325], %get3A_322 {strides = array<i32>} : memref<16x128xi32, #tpu.memory_space<vmem>>, vector<16xi32>,
        %mul3A_327 = arith.constant 128 : i32
        %mul3A_328 = arith.muli %add3A_97, %mul3A_327 : i32
        %add3A_329 = arith.constant 48 : i32
        %add3A_330 = arith.addi %mul3A_328, %add3A_329 : i32
        %get3A_331 = arith.index_cast %add3A_330 : i32 to index
        %get3A_332 = tpu.vector_load %arg8[%get3A_331] {strides = array<i32>} : memref<3392xi32, #tpu.memory_space<vmem>>, vector<16xi32>,
        %swap3A_333 = arith.constant 11 : i32
        %swap3A_334 = arith.index_cast %swap3A_333 : i32 to index
        %swap3A_335 = arith.constant 48 : index
        %swap3A_336 = tpu.vector_load %arg9[%swap3A_334, %swap3A_335] {strides = array<i32>} : memref<16x128xi32, #tpu.memory_space<vmem>>, vector<16xi32>,
        tpu.vector_store %arg9[%swap3A_334, %swap3A_335], %get3A_332 {strides = array<i32>} : memref<16x128xi32, #tpu.memory_space<vmem>>, vector<16xi32>,
        %mul3A_337 = arith.constant 128 : i32
        %mul3A_338 = arith.muli %add3A_97, %mul3A_337 : i32
        %add3A_339 = arith.constant 64 : i32
        %add3A_340 = arith.addi %mul3A_338, %add3A_339 : i32
        %get3A_341 = arith.index_cast %add3A_340 : i32 to index
        %get3A_342 = tpu.vector_load %arg7[%get3A_341] {strides = array<i32>} : memref<3392xi32, #tpu.memory_space<vmem>>, vector<16xi32>,
        %swap3A_343 = arith.constant 10 : i32
        %swap3A_344 = arith.index_cast %swap3A_343 : i32 to index
        %swap3A_345 = arith.constant 64 : index
        %swap3A_346 = tpu.vector_load %arg9[%swap3A_344, %swap3A_345] {strides = array<i32>} : memref<16x128xi32, #tpu.memory_space<vmem>>, vector<16xi32>,
        tpu.vector_store %arg9[%swap3A_344, %swap3A_345], %get3A_342 {strides = array<i32>} : memref<16x128xi32, #tpu.memory_space<vmem>>, vector<16xi32>,
        %mul3A_347 = arith.constant 128 : i32
        %mul3A_348 = arith.muli %add3A_97, %mul3A_347 : i32
        %add3A_349 = arith.constant 64 : i32
        %add3A_350 = arith.addi %mul3A_348, %add3A_349 : i32
        %get3A_351 = arith.index_cast %add3A_350 : i32 to index
        %get3A_352 = tpu.vector_load %arg8[%get3A_351] {strides = array<i32>} : memref<3392xi32, #tpu.memory_space<vmem>>, vector<16xi32>,
        %swap3A_353 = arith.constant 11 : i32
        %swap3A_354 = arith.index_cast %swap3A_353 : i32 to index
        %swap3A_355 = arith.constant 64 : index
        %swap3A_356 = tpu.vector_load %arg9[%swap3A_354, %swap3A_355] {strides = array<i32>} : memref<16x128xi32, #tpu.memory_space<vmem>>, vector<16xi32>,
        tpu.vector_store %arg9[%swap3A_354, %swap3A_355], %get3A_352 {strides = array<i32>} : memref<16x128xi32, #tpu.memory_space<vmem>>, vector<16xi32>,
        %mul3A_357 = arith.constant 128 : i32
        %mul3A_358 = arith.muli %add3A_97, %mul3A_357 : i32
        %add3A_359 = arith.constant 80 : i32
        %add3A_360 = arith.addi %mul3A_358, %add3A_359 : i32
        %get3A_361 = arith.index_cast %add3A_360 : i32 to index
        %get3A_362 = tpu.vector_load %arg7[%get3A_361] {strides = array<i32>} : memref<3392xi32, #tpu.memory_space<vmem>>, vector<16xi32>,
        %swap3A_363 = arith.constant 10 : i32
        %swap3A_364 = arith.index_cast %swap3A_363 : i32 to index
        %swap3A_365 = arith.constant 80 : index
        %swap3A_366 = tpu.vector_load %arg9[%swap3A_364, %swap3A_365] {strides = array<i32>} : memref<16x128xi32, #tpu.memory_space<vmem>>, vector<16xi32>,
        tpu.vector_store %arg9[%swap3A_364, %swap3A_365], %get3A_362 {strides = array<i32>} : memref<16x128xi32, #tpu.memory_space<vmem>>, vector<16xi32>,
        %mul3A_367 = arith.constant 128 : i32
        %mul3A_368 = arith.muli %add3A_97, %mul3A_367 : i32
        %add3A_369 = arith.constant 80 : i32
        %add3A_370 = arith.addi %mul3A_368, %add3A_369 : i32
        %get3A_371 = arith.index_cast %add3A_370 : i32 to index
        %get3A_372 = tpu.vector_load %arg8[%get3A_371] {strides = array<i32>} : memref<3392xi32, #tpu.memory_space<vmem>>, vector<16xi32>,
        %swap3A_373 = arith.constant 11 : i32
        %swap3A_374 = arith.index_cast %swap3A_373 : i32 to index
        %swap3A_375 = arith.constant 80 : index
        %swap3A_376 = tpu.vector_load %arg9[%swap3A_374, %swap3A_375] {strides = array<i32>} : memref<16x128xi32, #tpu.memory_space<vmem>>, vector<16xi32>,
        tpu.vector_store %arg9[%swap3A_374, %swap3A_375], %get3A_372 {strides = array<i32>} : memref<16x128xi32, #tpu.memory_space<vmem>>, vector<16xi32>,
        %mul3A_377 = arith.constant 128 : i32
        %mul3A_378 = arith.muli %add3A_97, %mul3A_377 : i32
        %add3A_379 = arith.constant 96 : i32
        %add3A_380 = arith.addi %mul3A_378, %add3A_379 : i32
        %get3A_381 = arith.index_cast %add3A_380 : i32 to index
        %get3A_382 = tpu.vector_load %arg7[%get3A_381] {strides = array<i32>} : memref<3392xi32, #tpu.memory_space<vmem>>, vector<16xi32>,
        %swap3A_383 = arith.constant 10 : i32
        %swap3A_384 = arith.index_cast %swap3A_383 : i32 to index
        %swap3A_385 = arith.constant 96 : index
        %swap3A_386 = tpu.vector_load %arg9[%swap3A_384, %swap3A_385] {strides = array<i32>} : memref<16x128xi32, #tpu.memory_space<vmem>>, vector<16xi32>,
        tpu.vector_store %arg9[%swap3A_384, %swap3A_385], %get3A_382 {strides = array<i32>} : memref<16x128xi32, #tpu.memory_space<vmem>>, vector<16xi32>,
        %mul3A_387 = arith.constant 128 : i32
        %mul3A_388 = arith.muli %add3A_97, %mul3A_387 : i32
        %add3A_389 = arith.constant 96 : i32
        %add3A_390 = arith.addi %mul3A_388, %add3A_389 : i32
        %get3A_391 = arith.index_cast %add3A_390 : i32 to index
        %get3A_392 = tpu.vector_load %arg8[%get3A_391] {strides = array<i32>} : memref<3392xi32, #tpu.memory_space<vmem>>, vector<16xi32>,
        %swap3A_393 = arith.constant 11 : i32
        %swap3A_394 = arith.index_cast %swap3A_393 : i32 to index
        %swap3A_395 = arith.constant 96 : index
        %swap3A_396 = tpu.vector_load %arg9[%swap3A_394, %swap3A_395] {strides = array<i32>} : memref<16x128xi32, #tpu.memory_space<vmem>>, vector<16xi32>,
        tpu.vector_store %arg9[%swap3A_394, %swap3A_395], %get3A_392 {strides = array<i32>} : memref<16x128xi32, #tpu.memory_space<vmem>>, vector<16xi32>,
        %mul3A_397 = arith.constant 128 : i32
        %mul3A_398 = arith.muli %add3A_97, %mul3A_397 : i32
        %add3A_399 = arith.constant 112 : i32
        %add3A_400 = arith.addi %mul3A_398, %add3A_399 : i32
        %get3A_401 = arith.index_cast %add3A_400 : i32 to index
        %get3A_402 = tpu.vector_load %arg7[%get3A_401] {strides = array<i32>} : memref<3392xi32, #tpu.memory_space<vmem>>, vector<16xi32>,
        %swap3A_403 = arith.constant 10 : i32
        %swap3A_404 = arith.index_cast %swap3A_403 : i32 to index
        %swap3A_405 = arith.constant 112 : index
        %swap3A_406 = tpu.vector_load %arg9[%swap3A_404, %swap3A_405] {strides = array<i32>} : memref<16x128xi32, #tpu.memory_space<vmem>>, vector<16xi32>,
        tpu.vector_store %arg9[%swap3A_404, %swap3A_405], %get3A_402 {strides = array<i32>} : memref<16x128xi32, #tpu.memory_space<vmem>>, vector<16xi32>,
        %mul3A_407 = arith.constant 128 : i32
        %mul3A_408 = arith.muli %add3A_97, %mul3A_407 : i32
        %add3A_409 = arith.constant 112 : i32
        %add3A_410 = arith.addi %mul3A_408, %add3A_409 : i32
        %get3A_411 = arith.index_cast %add3A_410 : i32 to index
        %get3A_412 = tpu.vector_load %arg8[%get3A_411] {strides = array<i32>} : memref<3392xi32, #tpu.memory_space<vmem>>, vector<16xi32>,
        %swap3A_413 = arith.constant 11 : i32
        %swap3A_414 = arith.index_cast %swap3A_413 : i32 to index
        %swap3A_415 = arith.constant 112 : index
        %swap3A_416 = tpu.vector_load %arg9[%swap3A_414, %swap3A_415] {strides = array<i32>} : memref<16x128xi32, #tpu.memory_space<vmem>>, vector<16xi32>,
        tpu.vector_store %arg9[%swap3A_414, %swap3A_415], %get3A_412 {strides = array<i32>} : memref<16x128xi32, #tpu.memory_space<vmem>>, vector<16xi32>,
        %dma_start3A = arith.constant 10 : i32
        %dma_start3A_417 = arith.constant 640 : i32
        %dma_start3A_418 = arith.constant 0 : i32
        %dma_start3A_419 = tpu.memref_slice %arg10[%dma_start3A_417, %dma_start3A_418] : memref<1024x64xf32, #tpu.memory_space<vmem>> -> memref<128x64xf32, #tpu.memory_space<vmem>>
        %dma_start3A_420 = arith.constant 0 : i32
        %dma_start3A_421 = tpu.memref_slice %arg9[%dma_start3A, %dma_start3A_420] : memref<16x128xi32, #tpu.memory_space<vmem>> -> memref<1x128xi32, #tpu.memory_space<vmem>>
        %dma_start3A_422 = tpu.memref_squeeze %dma_start3A_421 : memref<1x128xi32, #tpu.memory_space<vmem>> -> memref<128xi32, #tpu.memory_space<vmem>>
        %dma_start3A_423 = arith.constant 0 : i32
        %dma_start3A_424 = arith.constant 0 : i32
        %dma_start3A_425 = tpu.memref_slice %arg4[%dma_start3A_423, %dma_start3A_424] : memref<16384x64xf32, #tpu.memory_space<hbm>> -> memref<16384x64xf32, #tpu.memory_space<hbm>>
        tpu.enqueue_indirect_dma source(%dma_start3A_425 : memref<16384x64xf32, #tpu.memory_space<hbm>>) target(%dma_start3A_419 : memref<128x64xf32, #tpu.memory_space<vmem>>) offsets(%dma_start3A_422 : memref<128xi32, #tpu.memory_space<vmem>>) semaphore(%arg11 : memref<!tpu.dma_semaphore, #tpu.memory_space<semaphore_mem>>)
      } else {
      }
      %add3A_102 = arith.constant 6 : i32
      %add3A_103 = arith.addi %mul3A_68, %add3A_102 : i32
      %lt3A_104 = arith.cmpi slt, %add3A_103, %select_n3A : i32
      %convert_element_type3A_105 = arith.extui %lt3A_104 : i1 to i32
      %cond3A_106 = arith.constant 0 : i32
      %cond3A_107 = arith.cmpi ne, %convert_element_type3A_105, %cond3A_106 : i32
      scf.if %cond3A_107 {
        %mul3A_259 = arith.constant 128 : i32
        %mul3A_260 = arith.muli %add3A_103, %mul3A_259 : i32
        %add3A_261 = arith.constant 0 : i32
        %add3A_262 = arith.addi %mul3A_260, %add3A_261 : i32
        %get3A = arith.index_cast %add3A_262 : i32 to index
        %get3A_263 = tpu.vector_load %arg7[%get3A] {strides = array<i32>} : memref<3392xi32, #tpu.memory_space<vmem>>, vector<16xi32>,
        %swap3A = arith.constant 12 : i32
        %swap3A_264 = arith.index_cast %swap3A : i32 to index
        %swap3A_265 = arith.constant 0 : index
        %swap3A_266 = tpu.vector_load %arg9[%swap3A_264, %swap3A_265] {strides = array<i32>} : memref<16x128xi32, #tpu.memory_space<vmem>>, vector<16xi32>,
        tpu.vector_store %arg9[%swap3A_264, %swap3A_265], %get3A_263 {strides = array<i32>} : memref<16x128xi32, #tpu.memory_space<vmem>>, vector<16xi32>,
        %mul3A_267 = arith.constant 128 : i32
        %mul3A_268 = arith.muli %add3A_103, %mul3A_267 : i32
        %add3A_269 = arith.constant 0 : i32
        %add3A_270 = arith.addi %mul3A_268, %add3A_269 : i32
        %get3A_271 = arith.index_cast %add3A_270 : i32 to index
        %get3A_272 = tpu.vector_load %arg8[%get3A_271] {strides = array<i32>} : memref<3392xi32, #tpu.memory_space<vmem>>, vector<16xi32>,
        %swap3A_273 = arith.constant 13 : i32
        %swap3A_274 = arith.index_cast %swap3A_273 : i32 to index
        %swap3A_275 = arith.constant 0 : index
        %swap3A_276 = tpu.vector_load %arg9[%swap3A_274, %swap3A_275] {strides = array<i32>} : memref<16x128xi32, #tpu.memory_space<vmem>>, vector<16xi32>,
        tpu.vector_store %arg9[%swap3A_274, %swap3A_275], %get3A_272 {strides = array<i32>} : memref<16x128xi32, #tpu.memory_space<vmem>>, vector<16xi32>,
        %mul3A_277 = arith.constant 128 : i32
        %mul3A_278 = arith.muli %add3A_103, %mul3A_277 : i32
        %add3A_279 = arith.constant 16 : i32
        %add3A_280 = arith.addi %mul3A_278, %add3A_279 : i32
        %get3A_281 = arith.index_cast %add3A_280 : i32 to index
        %get3A_282 = tpu.vector_load %arg7[%get3A_281] {strides = array<i32>} : memref<3392xi32, #tpu.memory_space<vmem>>, vector<16xi32>,
        %swap3A_283 = arith.constant 12 : i32
        %swap3A_284 = arith.index_cast %swap3A_283 : i32 to index
        %swap3A_285 = arith.constant 16 : index
        %swap3A_286 = tpu.vector_load %arg9[%swap3A_284, %swap3A_285] {strides = array<i32>} : memref<16x128xi32, #tpu.memory_space<vmem>>, vector<16xi32>,
        tpu.vector_store %arg9[%swap3A_284, %swap3A_285], %get3A_282 {strides = array<i32>} : memref<16x128xi32, #tpu.memory_space<vmem>>, vector<16xi32>,
        %mul3A_287 = arith.constant 128 : i32
        %mul3A_288 = arith.muli %add3A_103, %mul3A_287 : i32
        %add3A_289 = arith.constant 16 : i32
        %add3A_290 = arith.addi %mul3A_288, %add3A_289 : i32
        %get3A_291 = arith.index_cast %add3A_290 : i32 to index
        %get3A_292 = tpu.vector_load %arg8[%get3A_291] {strides = array<i32>} : memref<3392xi32, #tpu.memory_space<vmem>>, vector<16xi32>,
        %swap3A_293 = arith.constant 13 : i32
        %swap3A_294 = arith.index_cast %swap3A_293 : i32 to index
        %swap3A_295 = arith.constant 16 : index
        %swap3A_296 = tpu.vector_load %arg9[%swap3A_294, %swap3A_295] {strides = array<i32>} : memref<16x128xi32, #tpu.memory_space<vmem>>, vector<16xi32>,
        tpu.vector_store %arg9[%swap3A_294, %swap3A_295], %get3A_292 {strides = array<i32>} : memref<16x128xi32, #tpu.memory_space<vmem>>, vector<16xi32>,
        %mul3A_297 = arith.constant 128 : i32
        %mul3A_298 = arith.muli %add3A_103, %mul3A_297 : i32
        %add3A_299 = arith.constant 32 : i32
        %add3A_300 = arith.addi %mul3A_298, %add3A_299 : i32
        %get3A_301 = arith.index_cast %add3A_300 : i32 to index
        %get3A_302 = tpu.vector_load %arg7[%get3A_301] {strides = array<i32>} : memref<3392xi32, #tpu.memory_space<vmem>>, vector<16xi32>,
        %swap3A_303 = arith.constant 12 : i32
        %swap3A_304 = arith.index_cast %swap3A_303 : i32 to index
        %swap3A_305 = arith.constant 32 : index
        %swap3A_306 = tpu.vector_load %arg9[%swap3A_304, %swap3A_305] {strides = array<i32>} : memref<16x128xi32, #tpu.memory_space<vmem>>, vector<16xi32>,
        tpu.vector_store %arg9[%swap3A_304, %swap3A_305], %get3A_302 {strides = array<i32>} : memref<16x128xi32, #tpu.memory_space<vmem>>, vector<16xi32>,
        %mul3A_307 = arith.constant 128 : i32
        %mul3A_308 = arith.muli %add3A_103, %mul3A_307 : i32
        %add3A_309 = arith.constant 32 : i32
        %add3A_310 = arith.addi %mul3A_308, %add3A_309 : i32
        %get3A_311 = arith.index_cast %add3A_310 : i32 to index
        %get3A_312 = tpu.vector_load %arg8[%get3A_311] {strides = array<i32>} : memref<3392xi32, #tpu.memory_space<vmem>>, vector<16xi32>,
        %swap3A_313 = arith.constant 13 : i32
        %swap3A_314 = arith.index_cast %swap3A_313 : i32 to index
        %swap3A_315 = arith.constant 32 : index
        %swap3A_316 = tpu.vector_load %arg9[%swap3A_314, %swap3A_315] {strides = array<i32>} : memref<16x128xi32, #tpu.memory_space<vmem>>, vector<16xi32>,
        tpu.vector_store %arg9[%swap3A_314, %swap3A_315], %get3A_312 {strides = array<i32>} : memref<16x128xi32, #tpu.memory_space<vmem>>, vector<16xi32>,
        %mul3A_317 = arith.constant 128 : i32
        %mul3A_318 = arith.muli %add3A_103, %mul3A_317 : i32
        %add3A_319 = arith.constant 48 : i32
        %add3A_320 = arith.addi %mul3A_318, %add3A_319 : i32
        %get3A_321 = arith.index_cast %add3A_320 : i32 to index
        %get3A_322 = tpu.vector_load %arg7[%get3A_321] {strides = array<i32>} : memref<3392xi32, #tpu.memory_space<vmem>>, vector<16xi32>,
        %swap3A_323 = arith.constant 12 : i32
        %swap3A_324 = arith.index_cast %swap3A_323 : i32 to index
        %swap3A_325 = arith.constant 48 : index
        %swap3A_326 = tpu.vector_load %arg9[%swap3A_324, %swap3A_325] {strides = array<i32>} : memref<16x128xi32, #tpu.memory_space<vmem>>, vector<16xi32>,
        tpu.vector_store %arg9[%swap3A_324, %swap3A_325], %get3A_322 {strides = array<i32>} : memref<16x128xi32, #tpu.memory_space<vmem>>, vector<16xi32>,
        %mul3A_327 = arith.constant 128 : i32
        %mul3A_328 = arith.muli %add3A_103, %mul3A_327 : i32
        %add3A_329 = arith.constant 48 : i32
        %add3A_330 = arith.addi %mul3A_328, %add3A_329 : i32
        %get3A_331 = arith.index_cast %add3A_330 : i32 to index
        %get3A_332 = tpu.vector_load %arg8[%get3A_331] {strides = array<i32>} : memref<3392xi32, #tpu.memory_space<vmem>>, vector<16xi32>,
        %swap3A_333 = arith.constant 13 : i32
        %swap3A_334 = arith.index_cast %swap3A_333 : i32 to index
        %swap3A_335 = arith.constant 48 : index
        %swap3A_336 = tpu.vector_load %arg9[%swap3A_334, %swap3A_335] {strides = array<i32>} : memref<16x128xi32, #tpu.memory_space<vmem>>, vector<16xi32>,
        tpu.vector_store %arg9[%swap3A_334, %swap3A_335], %get3A_332 {strides = array<i32>} : memref<16x128xi32, #tpu.memory_space<vmem>>, vector<16xi32>,
        %mul3A_337 = arith.constant 128 : i32
        %mul3A_338 = arith.muli %add3A_103, %mul3A_337 : i32
        %add3A_339 = arith.constant 64 : i32
        %add3A_340 = arith.addi %mul3A_338, %add3A_339 : i32
        %get3A_341 = arith.index_cast %add3A_340 : i32 to index
        %get3A_342 = tpu.vector_load %arg7[%get3A_341] {strides = array<i32>} : memref<3392xi32, #tpu.memory_space<vmem>>, vector<16xi32>,
        %swap3A_343 = arith.constant 12 : i32
        %swap3A_344 = arith.index_cast %swap3A_343 : i32 to index
        %swap3A_345 = arith.constant 64 : index
        %swap3A_346 = tpu.vector_load %arg9[%swap3A_344, %swap3A_345] {strides = array<i32>} : memref<16x128xi32, #tpu.memory_space<vmem>>, vector<16xi32>,
        tpu.vector_store %arg9[%swap3A_344, %swap3A_345], %get3A_342 {strides = array<i32>} : memref<16x128xi32, #tpu.memory_space<vmem>>, vector<16xi32>,
        %mul3A_347 = arith.constant 128 : i32
        %mul3A_348 = arith.muli %add3A_103, %mul3A_347 : i32
        %add3A_349 = arith.constant 64 : i32
        %add3A_350 = arith.addi %mul3A_348, %add3A_349 : i32
        %get3A_351 = arith.index_cast %add3A_350 : i32 to index
        %get3A_352 = tpu.vector_load %arg8[%get3A_351] {strides = array<i32>} : memref<3392xi32, #tpu.memory_space<vmem>>, vector<16xi32>,
        %swap3A_353 = arith.constant 13 : i32
        %swap3A_354 = arith.index_cast %swap3A_353 : i32 to index
        %swap3A_355 = arith.constant 64 : index
        %swap3A_356 = tpu.vector_load %arg9[%swap3A_354, %swap3A_355] {strides = array<i32>} : memref<16x128xi32, #tpu.memory_space<vmem>>, vector<16xi32>,
        tpu.vector_store %arg9[%swap3A_354, %swap3A_355], %get3A_352 {strides = array<i32>} : memref<16x128xi32, #tpu.memory_space<vmem>>, vector<16xi32>,
        %mul3A_357 = arith.constant 128 : i32
        %mul3A_358 = arith.muli %add3A_103, %mul3A_357 : i32
        %add3A_359 = arith.constant 80 : i32
        %add3A_360 = arith.addi %mul3A_358, %add3A_359 : i32
        %get3A_361 = arith.index_cast %add3A_360 : i32 to index
        %get3A_362 = tpu.vector_load %arg7[%get3A_361] {strides = array<i32>} : memref<3392xi32, #tpu.memory_space<vmem>>, vector<16xi32>,
        %swap3A_363 = arith.constant 12 : i32
        %swap3A_364 = arith.index_cast %swap3A_363 : i32 to index
        %swap3A_365 = arith.constant 80 : index
        %swap3A_366 = tpu.vector_load %arg9[%swap3A_364, %swap3A_365] {strides = array<i32>} : memref<16x128xi32, #tpu.memory_space<vmem>>, vector<16xi32>,
        tpu.vector_store %arg9[%swap3A_364, %swap3A_365], %get3A_362 {strides = array<i32>} : memref<16x128xi32, #tpu.memory_space<vmem>>, vector<16xi32>,
        %mul3A_367 = arith.constant 128 : i32
        %mul3A_368 = arith.muli %add3A_103, %mul3A_367 : i32
        %add3A_369 = arith.constant 80 : i32
        %add3A_370 = arith.addi %mul3A_368, %add3A_369 : i32
        %get3A_371 = arith.index_cast %add3A_370 : i32 to index
        %get3A_372 = tpu.vector_load %arg8[%get3A_371] {strides = array<i32>} : memref<3392xi32, #tpu.memory_space<vmem>>, vector<16xi32>,
        %swap3A_373 = arith.constant 13 : i32
        %swap3A_374 = arith.index_cast %swap3A_373 : i32 to index
        %swap3A_375 = arith.constant 80 : index
        %swap3A_376 = tpu.vector_load %arg9[%swap3A_374, %swap3A_375] {strides = array<i32>} : memref<16x128xi32, #tpu.memory_space<vmem>>, vector<16xi32>,
        tpu.vector_store %arg9[%swap3A_374, %swap3A_375], %get3A_372 {strides = array<i32>} : memref<16x128xi32, #tpu.memory_space<vmem>>, vector<16xi32>,
        %mul3A_377 = arith.constant 128 : i32
        %mul3A_378 = arith.muli %add3A_103, %mul3A_377 : i32
        %add3A_379 = arith.constant 96 : i32
        %add3A_380 = arith.addi %mul3A_378, %add3A_379 : i32
        %get3A_381 = arith.index_cast %add3A_380 : i32 to index
        %get3A_382 = tpu.vector_load %arg7[%get3A_381] {strides = array<i32>} : memref<3392xi32, #tpu.memory_space<vmem>>, vector<16xi32>,
        %swap3A_383 = arith.constant 12 : i32
        %swap3A_384 = arith.index_cast %swap3A_383 : i32 to index
        %swap3A_385 = arith.constant 96 : index
        %swap3A_386 = tpu.vector_load %arg9[%swap3A_384, %swap3A_385] {strides = array<i32>} : memref<16x128xi32, #tpu.memory_space<vmem>>, vector<16xi32>,
        tpu.vector_store %arg9[%swap3A_384, %swap3A_385], %get3A_382 {strides = array<i32>} : memref<16x128xi32, #tpu.memory_space<vmem>>, vector<16xi32>,
        %mul3A_387 = arith.constant 128 : i32
        %mul3A_388 = arith.muli %add3A_103, %mul3A_387 : i32
        %add3A_389 = arith.constant 96 : i32
        %add3A_390 = arith.addi %mul3A_388, %add3A_389 : i32
        %get3A_391 = arith.index_cast %add3A_390 : i32 to index
        %get3A_392 = tpu.vector_load %arg8[%get3A_391] {strides = array<i32>} : memref<3392xi32, #tpu.memory_space<vmem>>, vector<16xi32>,
        %swap3A_393 = arith.constant 13 : i32
        %swap3A_394 = arith.index_cast %swap3A_393 : i32 to index
        %swap3A_395 = arith.constant 96 : index
        %swap3A_396 = tpu.vector_load %arg9[%swap3A_394, %swap3A_395] {strides = array<i32>} : memref<16x128xi32, #tpu.memory_space<vmem>>, vector<16xi32>,
        tpu.vector_store %arg9[%swap3A_394, %swap3A_395], %get3A_392 {strides = array<i32>} : memref<16x128xi32, #tpu.memory_space<vmem>>, vector<16xi32>,
        %mul3A_397 = arith.constant 128 : i32
        %mul3A_398 = arith.muli %add3A_103, %mul3A_397 : i32
        %add3A_399 = arith.constant 112 : i32
        %add3A_400 = arith.addi %mul3A_398, %add3A_399 : i32
        %get3A_401 = arith.index_cast %add3A_400 : i32 to index
        %get3A_402 = tpu.vector_load %arg7[%get3A_401] {strides = array<i32>} : memref<3392xi32, #tpu.memory_space<vmem>>, vector<16xi32>,
        %swap3A_403 = arith.constant 12 : i32
        %swap3A_404 = arith.index_cast %swap3A_403 : i32 to index
        %swap3A_405 = arith.constant 112 : index
        %swap3A_406 = tpu.vector_load %arg9[%swap3A_404, %swap3A_405] {strides = array<i32>} : memref<16x128xi32, #tpu.memory_space<vmem>>, vector<16xi32>,
        tpu.vector_store %arg9[%swap3A_404, %swap3A_405], %get3A_402 {strides = array<i32>} : memref<16x128xi32, #tpu.memory_space<vmem>>, vector<16xi32>,
        %mul3A_407 = arith.constant 128 : i32
        %mul3A_408 = arith.muli %add3A_103, %mul3A_407 : i32
        %add3A_409 = arith.constant 112 : i32
        %add3A_410 = arith.addi %mul3A_408, %add3A_409 : i32
        %get3A_411 = arith.index_cast %add3A_410 : i32 to index
        %get3A_412 = tpu.vector_load %arg8[%get3A_411] {strides = array<i32>} : memref<3392xi32, #tpu.memory_space<vmem>>, vector<16xi32>,
        %swap3A_413 = arith.constant 13 : i32
        %swap3A_414 = arith.index_cast %swap3A_413 : i32 to index
        %swap3A_415 = arith.constant 112 : index
        %swap3A_416 = tpu.vector_load %arg9[%swap3A_414, %swap3A_415] {strides = array<i32>} : memref<16x128xi32, #tpu.memory_space<vmem>>, vector<16xi32>,
        tpu.vector_store %arg9[%swap3A_414, %swap3A_415], %get3A_412 {strides = array<i32>} : memref<16x128xi32, #tpu.memory_space<vmem>>, vector<16xi32>,
        %dma_start3A = arith.constant 12 : i32
        %dma_start3A_417 = arith.constant 768 : i32
        %dma_start3A_418 = arith.constant 0 : i32
        %dma_start3A_419 = tpu.memref_slice %arg10[%dma_start3A_417, %dma_start3A_418] : memref<1024x64xf32, #tpu.memory_space<vmem>> -> memref<128x64xf32, #tpu.memory_space<vmem>>
        %dma_start3A_420 = arith.constant 0 : i32
        %dma_start3A_421 = tpu.memref_slice %arg9[%dma_start3A, %dma_start3A_420] : memref<16x128xi32, #tpu.memory_space<vmem>> -> memref<1x128xi32, #tpu.memory_space<vmem>>
        %dma_start3A_422 = tpu.memref_squeeze %dma_start3A_421 : memref<1x128xi32, #tpu.memory_space<vmem>> -> memref<128xi32, #tpu.memory_space<vmem>>
        %dma_start3A_423 = arith.constant 0 : i32
        %dma_start3A_424 = arith.constant 0 : i32
        %dma_start3A_425 = tpu.memref_slice %arg4[%dma_start3A_423, %dma_start3A_424] : memref<16384x64xf32, #tpu.memory_space<hbm>> -> memref<16384x64xf32, #tpu.memory_space<hbm>>
        tpu.enqueue_indirect_dma source(%dma_start3A_425 : memref<16384x64xf32, #tpu.memory_space<hbm>>) target(%dma_start3A_419 : memref<128x64xf32, #tpu.memory_space<vmem>>) offsets(%dma_start3A_422 : memref<128xi32, #tpu.memory_space<vmem>>) semaphore(%arg11 : memref<!tpu.dma_semaphore, #tpu.memory_space<semaphore_mem>>)
      } else {
      }
      %add3A_108 = arith.constant 7 : i32
      %add3A_109 = arith.addi %mul3A_68, %add3A_108 : i32
      %lt3A_110 = arith.cmpi slt, %add3A_109, %select_n3A : i32
      %convert_element_type3A_111 = arith.extui %lt3A_110 : i1 to i32
      %cond3A_112 = arith.constant 0 : i32
      %cond3A_113 = arith.cmpi ne, %convert_element_type3A_111, %cond3A_112 : i32
      scf.if %cond3A_113 {
        %mul3A_259 = arith.constant 128 : i32
        %mul3A_260 = arith.muli %add3A_109, %mul3A_259 : i32
        %add3A_261 = arith.constant 0 : i32
        %add3A_262 = arith.addi %mul3A_260, %add3A_261 : i32
        %get3A = arith.index_cast %add3A_262 : i32 to index
        %get3A_263 = tpu.vector_load %arg7[%get3A] {strides = array<i32>} : memref<3392xi32, #tpu.memory_space<vmem>>, vector<16xi32>,
        %swap3A = arith.constant 14 : i32
        %swap3A_264 = arith.index_cast %swap3A : i32 to index
        %swap3A_265 = arith.constant 0 : index
        %swap3A_266 = tpu.vector_load %arg9[%swap3A_264, %swap3A_265] {strides = array<i32>} : memref<16x128xi32, #tpu.memory_space<vmem>>, vector<16xi32>,
        tpu.vector_store %arg9[%swap3A_264, %swap3A_265], %get3A_263 {strides = array<i32>} : memref<16x128xi32, #tpu.memory_space<vmem>>, vector<16xi32>,
        %mul3A_267 = arith.constant 128 : i32
        %mul3A_268 = arith.muli %add3A_109, %mul3A_267 : i32
        %add3A_269 = arith.constant 0 : i32
        %add3A_270 = arith.addi %mul3A_268, %add3A_269 : i32
        %get3A_271 = arith.index_cast %add3A_270 : i32 to index
        %get3A_272 = tpu.vector_load %arg8[%get3A_271] {strides = array<i32>} : memref<3392xi32, #tpu.memory_space<vmem>>, vector<16xi32>,
        %swap3A_273 = arith.constant 15 : i32
        %swap3A_274 = arith.index_cast %swap3A_273 : i32 to index
        %swap3A_275 = arith.constant 0 : index
        %swap3A_276 = tpu.vector_load %arg9[%swap3A_274, %swap3A_275] {strides = array<i32>} : memref<16x128xi32, #tpu.memory_space<vmem>>, vector<16xi32>,
        tpu.vector_store %arg9[%swap3A_274, %swap3A_275], %get3A_272 {strides = array<i32>} : memref<16x128xi32, #tpu.memory_space<vmem>>, vector<16xi32>,
        %mul3A_277 = arith.constant 128 : i32
        %mul3A_278 = arith.muli %add3A_109, %mul3A_277 : i32
        %add3A_279 = arith.constant 16 : i32
        %add3A_280 = arith.addi %mul3A_278, %add3A_279 : i32
        %get3A_281 = arith.index_cast %add3A_280 : i32 to index
        %get3A_282 = tpu.vector_load %arg7[%get3A_281] {strides = array<i32>} : memref<3392xi32, #tpu.memory_space<vmem>>, vector<16xi32>,
        %swap3A_283 = arith.constant 14 : i32
        %swap3A_284 = arith.index_cast %swap3A_283 : i32 to index
        %swap3A_285 = arith.constant 16 : index
        %swap3A_286 = tpu.vector_load %arg9[%swap3A_284, %swap3A_285] {strides = array<i32>} : memref<16x128xi32, #tpu.memory_space<vmem>>, vector<16xi32>,
        tpu.vector_store %arg9[%swap3A_284, %swap3A_285], %get3A_282 {strides = array<i32>} : memref<16x128xi32, #tpu.memory_space<vmem>>, vector<16xi32>,
        %mul3A_287 = arith.constant 128 : i32
        %mul3A_288 = arith.muli %add3A_109, %mul3A_287 : i32
        %add3A_289 = arith.constant 16 : i32
        %add3A_290 = arith.addi %mul3A_288, %add3A_289 : i32
        %get3A_291 = arith.index_cast %add3A_290 : i32 to index
        %get3A_292 = tpu.vector_load %arg8[%get3A_291] {strides = array<i32>} : memref<3392xi32, #tpu.memory_space<vmem>>, vector<16xi32>,
        %swap3A_293 = arith.constant 15 : i32
        %swap3A_294 = arith.index_cast %swap3A_293 : i32 to index
        %swap3A_295 = arith.constant 16 : index
        %swap3A_296 = tpu.vector_load %arg9[%swap3A_294, %swap3A_295] {strides = array<i32>} : memref<16x128xi32, #tpu.memory_space<vmem>>, vector<16xi32>,
        tpu.vector_store %arg9[%swap3A_294, %swap3A_295], %get3A_292 {strides = array<i32>} : memref<16x128xi32, #tpu.memory_space<vmem>>, vector<16xi32>,
        %mul3A_297 = arith.constant 128 : i32
        %mul3A_298 = arith.muli %add3A_109, %mul3A_297 : i32
        %add3A_299 = arith.constant 32 : i32
        %add3A_300 = arith.addi %mul3A_298, %add3A_299 : i32
        %get3A_301 = arith.index_cast %add3A_300 : i32 to index
        %get3A_302 = tpu.vector_load %arg7[%get3A_301] {strides = array<i32>} : memref<3392xi32, #tpu.memory_space<vmem>>, vector<16xi32>,
        %swap3A_303 = arith.constant 14 : i32
        %swap3A_304 = arith.index_cast %swap3A_303 : i32 to index
        %swap3A_305 = arith.constant 32 : index
        %swap3A_306 = tpu.vector_load %arg9[%swap3A_304, %swap3A_305] {strides = array<i32>} : memref<16x128xi32, #tpu.memory_space<vmem>>, vector<16xi32>,
        tpu.vector_store %arg9[%swap3A_304, %swap3A_305], %get3A_302 {strides = array<i32>} : memref<16x128xi32, #tpu.memory_space<vmem>>, vector<16xi32>,
        %mul3A_307 = arith.constant 128 : i32
        %mul3A_308 = arith.muli %add3A_109, %mul3A_307 : i32
        %add3A_309 = arith.constant 32 : i32
        %add3A_310 = arith.addi %mul3A_308, %add3A_309 : i32
        %get3A_311 = arith.index_cast %add3A_310 : i32 to index
        %get3A_312 = tpu.vector_load %arg8[%get3A_311] {strides = array<i32>} : memref<3392xi32, #tpu.memory_space<vmem>>, vector<16xi32>,
        %swap3A_313 = arith.constant 15 : i32
        %swap3A_314 = arith.index_cast %swap3A_313 : i32 to index
        %swap3A_315 = arith.constant 32 : index
        %swap3A_316 = tpu.vector_load %arg9[%swap3A_314, %swap3A_315] {strides = array<i32>} : memref<16x128xi32, #tpu.memory_space<vmem>>, vector<16xi32>,
        tpu.vector_store %arg9[%swap3A_314, %swap3A_315], %get3A_312 {strides = array<i32>} : memref<16x128xi32, #tpu.memory_space<vmem>>, vector<16xi32>,
        %mul3A_317 = arith.constant 128 : i32
        %mul3A_318 = arith.muli %add3A_109, %mul3A_317 : i32
        %add3A_319 = arith.constant 48 : i32
        %add3A_320 = arith.addi %mul3A_318, %add3A_319 : i32
        %get3A_321 = arith.index_cast %add3A_320 : i32 to index
        %get3A_322 = tpu.vector_load %arg7[%get3A_321] {strides = array<i32>} : memref<3392xi32, #tpu.memory_space<vmem>>, vector<16xi32>,
        %swap3A_323 = arith.constant 14 : i32
        %swap3A_324 = arith.index_cast %swap3A_323 : i32 to index
        %swap3A_325 = arith.constant 48 : index
        %swap3A_326 = tpu.vector_load %arg9[%swap3A_324, %swap3A_325] {strides = array<i32>} : memref<16x128xi32, #tpu.memory_space<vmem>>, vector<16xi32>,
        tpu.vector_store %arg9[%swap3A_324, %swap3A_325], %get3A_322 {strides = array<i32>} : memref<16x128xi32, #tpu.memory_space<vmem>>, vector<16xi32>,
        %mul3A_327 = arith.constant 128 : i32
        %mul3A_328 = arith.muli %add3A_109, %mul3A_327 : i32
        %add3A_329 = arith.constant 48 : i32
        %add3A_330 = arith.addi %mul3A_328, %add3A_329 : i32
        %get3A_331 = arith.index_cast %add3A_330 : i32 to index
        %get3A_332 = tpu.vector_load %arg8[%get3A_331] {strides = array<i32>} : memref<3392xi32, #tpu.memory_space<vmem>>, vector<16xi32>,
        %swap3A_333 = arith.constant 15 : i32
        %swap3A_334 = arith.index_cast %swap3A_333 : i32 to index
        %swap3A_335 = arith.constant 48 : index
        %swap3A_336 = tpu.vector_load %arg9[%swap3A_334, %swap3A_335] {strides = array<i32>} : memref<16x128xi32, #tpu.memory_space<vmem>>, vector<16xi32>,
        tpu.vector_store %arg9[%swap3A_334, %swap3A_335], %get3A_332 {strides = array<i32>} : memref<16x128xi32, #tpu.memory_space<vmem>>, vector<16xi32>,
        %mul3A_337 = arith.constant 128 : i32
        %mul3A_338 = arith.muli %add3A_109, %mul3A_337 : i32
        %add3A_339 = arith.constant 64 : i32
        %add3A_340 = arith.addi %mul3A_338, %add3A_339 : i32
        %get3A_341 = arith.index_cast %add3A_340 : i32 to index
        %get3A_342 = tpu.vector_load %arg7[%get3A_341] {strides = array<i32>} : memref<3392xi32, #tpu.memory_space<vmem>>, vector<16xi32>,
        %swap3A_343 = arith.constant 14 : i32
        %swap3A_344 = arith.index_cast %swap3A_343 : i32 to index
        %swap3A_345 = arith.constant 64 : index
        %swap3A_346 = tpu.vector_load %arg9[%swap3A_344, %swap3A_345] {strides = array<i32>} : memref<16x128xi32, #tpu.memory_space<vmem>>, vector<16xi32>,
        tpu.vector_store %arg9[%swap3A_344, %swap3A_345], %get3A_342 {strides = array<i32>} : memref<16x128xi32, #tpu.memory_space<vmem>>, vector<16xi32>,
        %mul3A_347 = arith.constant 128 : i32
        %mul3A_348 = arith.muli %add3A_109, %mul3A_347 : i32
        %add3A_349 = arith.constant 64 : i32
        %add3A_350 = arith.addi %mul3A_348, %add3A_349 : i32
        %get3A_351 = arith.index_cast %add3A_350 : i32 to index
        %get3A_352 = tpu.vector_load %arg8[%get3A_351] {strides = array<i32>} : memref<3392xi32, #tpu.memory_space<vmem>>, vector<16xi32>,
        %swap3A_353 = arith.constant 15 : i32
        %swap3A_354 = arith.index_cast %swap3A_353 : i32 to index
        %swap3A_355 = arith.constant 64 : index
        %swap3A_356 = tpu.vector_load %arg9[%swap3A_354, %swap3A_355] {strides = array<i32>} : memref<16x128xi32, #tpu.memory_space<vmem>>, vector<16xi32>,
        tpu.vector_store %arg9[%swap3A_354, %swap3A_355], %get3A_352 {strides = array<i32>} : memref<16x128xi32, #tpu.memory_space<vmem>>, vector<16xi32>,
        %mul3A_357 = arith.constant 128 : i32
        %mul3A_358 = arith.muli %add3A_109, %mul3A_357 : i32
        %add3A_359 = arith.constant 80 : i32
        %add3A_360 = arith.addi %mul3A_358, %add3A_359 : i32
        %get3A_361 = arith.index_cast %add3A_360 : i32 to index
        %get3A_362 = tpu.vector_load %arg7[%get3A_361] {strides = array<i32>} : memref<3392xi32, #tpu.memory_space<vmem>>, vector<16xi32>,
        %swap3A_363 = arith.constant 14 : i32
        %swap3A_364 = arith.index_cast %swap3A_363 : i32 to index
        %swap3A_365 = arith.constant 80 : index
        %swap3A_366 = tpu.vector_load %arg9[%swap3A_364, %swap3A_365] {strides = array<i32>} : memref<16x128xi32, #tpu.memory_space<vmem>>, vector<16xi32>,
        tpu.vector_store %arg9[%swap3A_364, %swap3A_365], %get3A_362 {strides = array<i32>} : memref<16x128xi32, #tpu.memory_space<vmem>>, vector<16xi32>,
        %mul3A_367 = arith.constant 128 : i32
        %mul3A_368 = arith.muli %add3A_109, %mul3A_367 : i32
        %add3A_369 = arith.constant 80 : i32
        %add3A_370 = arith.addi %mul3A_368, %add3A_369 : i32
        %get3A_371 = arith.index_cast %add3A_370 : i32 to index
        %get3A_372 = tpu.vector_load %arg8[%get3A_371] {strides = array<i32>} : memref<3392xi32, #tpu.memory_space<vmem>>, vector<16xi32>,
        %swap3A_373 = arith.constant 15 : i32
        %swap3A_374 = arith.index_cast %swap3A_373 : i32 to index
        %swap3A_375 = arith.constant 80 : index
        %swap3A_376 = tpu.vector_load %arg9[%swap3A_374, %swap3A_375] {strides = array<i32>} : memref<16x128xi32, #tpu.memory_space<vmem>>, vector<16xi32>,
        tpu.vector_store %arg9[%swap3A_374, %swap3A_375], %get3A_372 {strides = array<i32>} : memref<16x128xi32, #tpu.memory_space<vmem>>, vector<16xi32>,
        %mul3A_377 = arith.constant 128 : i32
        %mul3A_378 = arith.muli %add3A_109, %mul3A_377 : i32
        %add3A_379 = arith.constant 96 : i32
        %add3A_380 = arith.addi %mul3A_378, %add3A_379 : i32
        %get3A_381 = arith.index_cast %add3A_380 : i32 to index
        %get3A_382 = tpu.vector_load %arg7[%get3A_381] {strides = array<i32>} : memref<3392xi32, #tpu.memory_space<vmem>>, vector<16xi32>,
        %swap3A_383 = arith.constant 14 : i32
        %swap3A_384 = arith.index_cast %swap3A_383 : i32 to index
        %swap3A_385 = arith.constant 96 : index
        %swap3A_386 = tpu.vector_load %arg9[%swap3A_384, %swap3A_385] {strides = array<i32>} : memref<16x128xi32, #tpu.memory_space<vmem>>, vector<16xi32>,
        tpu.vector_store %arg9[%swap3A_384, %swap3A_385], %get3A_382 {strides = array<i32>} : memref<16x128xi32, #tpu.memory_space<vmem>>, vector<16xi32>,
        %mul3A_387 = arith.constant 128 : i32
        %mul3A_388 = arith.muli %add3A_109, %mul3A_387 : i32
        %add3A_389 = arith.constant 96 : i32
        %add3A_390 = arith.addi %mul3A_388, %add3A_389 : i32
        %get3A_391 = arith.index_cast %add3A_390 : i32 to index
        %get3A_392 = tpu.vector_load %arg8[%get3A_391] {strides = array<i32>} : memref<3392xi32, #tpu.memory_space<vmem>>, vector<16xi32>,
        %swap3A_393 = arith.constant 15 : i32
        %swap3A_394 = arith.index_cast %swap3A_393 : i32 to index
        %swap3A_395 = arith.constant 96 : index
        %swap3A_396 = tpu.vector_load %arg9[%swap3A_394, %swap3A_395] {strides = array<i32>} : memref<16x128xi32, #tpu.memory_space<vmem>>, vector<16xi32>,
        tpu.vector_store %arg9[%swap3A_394, %swap3A_395], %get3A_392 {strides = array<i32>} : memref<16x128xi32, #tpu.memory_space<vmem>>, vector<16xi32>,
        %mul3A_397 = arith.constant 128 : i32
        %mul3A_398 = arith.muli %add3A_109, %mul3A_397 : i32
        %add3A_399 = arith.constant 112 : i32
        %add3A_400 = arith.addi %mul3A_398, %add3A_399 : i32
        %get3A_401 = arith.index_cast %add3A_400 : i32 to index
        %get3A_402 = tpu.vector_load %arg7[%get3A_401] {strides = array<i32>} : memref<3392xi32, #tpu.memory_space<vmem>>, vector<16xi32>,
        %swap3A_403 = arith.constant 14 : i32
        %swap3A_404 = arith.index_cast %swap3A_403 : i32 to index
        %swap3A_405 = arith.constant 112 : index
        %swap3A_406 = tpu.vector_load %arg9[%swap3A_404, %swap3A_405] {strides = array<i32>} : memref<16x128xi32, #tpu.memory_space<vmem>>, vector<16xi32>,
        tpu.vector_store %arg9[%swap3A_404, %swap3A_405], %get3A_402 {strides = array<i32>} : memref<16x128xi32, #tpu.memory_space<vmem>>, vector<16xi32>,
        %mul3A_407 = arith.constant 128 : i32
        %mul3A_408 = arith.muli %add3A_109, %mul3A_407 : i32
        %add3A_409 = arith.constant 112 : i32
        %add3A_410 = arith.addi %mul3A_408, %add3A_409 : i32
        %get3A_411 = arith.index_cast %add3A_410 : i32 to index
        %get3A_412 = tpu.vector_load %arg8[%get3A_411] {strides = array<i32>} : memref<3392xi32, #tpu.memory_space<vmem>>, vector<16xi32>,
        %swap3A_413 = arith.constant 15 : i32
        %swap3A_414 = arith.index_cast %swap3A_413 : i32 to index
        %swap3A_415 = arith.constant 112 : index
        %swap3A_416 = tpu.vector_load %arg9[%swap3A_414, %swap3A_415] {strides = array<i32>} : memref<16x128xi32, #tpu.memory_space<vmem>>, vector<16xi32>,
        tpu.vector_store %arg9[%swap3A_414, %swap3A_415], %get3A_412 {strides = array<i32>} : memref<16x128xi32, #tpu.memory_space<vmem>>, vector<16xi32>,
        %dma_start3A = arith.constant 14 : i32
        %dma_start3A_417 = arith.constant 896 : i32
        %dma_start3A_418 = arith.constant 0 : i32
        %dma_start3A_419 = tpu.memref_slice %arg10[%dma_start3A_417, %dma_start3A_418] : memref<1024x64xf32, #tpu.memory_space<vmem>> -> memref<128x64xf32, #tpu.memory_space<vmem>>
        %dma_start3A_420 = arith.constant 0 : i32
        %dma_start3A_421 = tpu.memref_slice %arg9[%dma_start3A, %dma_start3A_420] : memref<16x128xi32, #tpu.memory_space<vmem>> -> memref<1x128xi32, #tpu.memory_space<vmem>>
        %dma_start3A_422 = tpu.memref_squeeze %dma_start3A_421 : memref<1x128xi32, #tpu.memory_space<vmem>> -> memref<128xi32, #tpu.memory_space<vmem>>
        %dma_start3A_423 = arith.constant 0 : i32
        %dma_start3A_424 = arith.constant 0 : i32
        %dma_start3A_425 = tpu.memref_slice %arg4[%dma_start3A_423, %dma_start3A_424] : memref<16384x64xf32, #tpu.memory_space<hbm>> -> memref<16384x64xf32, #tpu.memory_space<hbm>>
        tpu.enqueue_indirect_dma source(%dma_start3A_425 : memref<16384x64xf32, #tpu.memory_space<hbm>>) target(%dma_start3A_419 : memref<128x64xf32, #tpu.memory_space<vmem>>) offsets(%dma_start3A_422 : memref<128xi32, #tpu.memory_space<vmem>>) semaphore(%arg11 : memref<!tpu.dma_semaphore, #tpu.memory_space<semaphore_mem>>)
      } else {
      }
      %add3A_114 = arith.constant 0 : i32
      %add3A_115 = arith.addi %mul3A_68, %add3A_114 : i32
      %lt3A_116 = arith.cmpi slt, %add3A_115, %select_n3A : i32
      %convert_element_type3A_117 = arith.extui %lt3A_116 : i1 to i32
      %cond3A_118 = arith.constant 0 : i32
      %cond3A_119 = arith.cmpi ne, %convert_element_type3A_117, %cond3A_118 : i32
      scf.if %cond3A_119 {
        %dma_wait3A = arith.constant 0 : i32
        %dma_wait3A_259 = arith.constant 0 : i32
        %dma_wait3A_260 = arith.constant 0 : i32
        %dma_wait3A_261 = tpu.memref_slice %arg10[%dma_wait3A_259, %dma_wait3A_260] : memref<1024x64xf32, #tpu.memory_space<vmem>> -> memref<128x64xf32, #tpu.memory_space<vmem>>
        %dma_wait3A_262 = arith.constant 0 : i32
        %dma_wait3A_263 = tpu.memref_slice %arg9[%dma_wait3A, %dma_wait3A_262] : memref<16x128xi32, #tpu.memory_space<vmem>> -> memref<1x128xi32, #tpu.memory_space<vmem>>
        %dma_wait3A_264 = tpu.memref_squeeze %dma_wait3A_263 : memref<1x128xi32, #tpu.memory_space<vmem>> -> memref<128xi32, #tpu.memory_space<vmem>>
        %dma_wait3A_265 = arith.constant 0 : i32
        %dma_wait3A_266 = arith.constant 0 : i32
        %dma_wait3A_267 = tpu.memref_slice %arg4[%dma_wait3A_265, %dma_wait3A_266] : memref<16384x64xf32, #tpu.memory_space<hbm>> -> memref<16384x64xf32, #tpu.memory_space<hbm>>
        tpu.wait_indirect_dma semaphore(%arg11 : memref<!tpu.dma_semaphore, #tpu.memory_space<semaphore_mem>>) src(%dma_wait3A_267 : memref<16384x64xf32, #tpu.memory_space<hbm>>) dst(%dma_wait3A_261 : memref<128x64xf32, #tpu.memory_space<vmem>>)
      } else {
      }
      %add3A_120 = arith.constant 1 : i32
      %add3A_121 = arith.addi %mul3A_68, %add3A_120 : i32
      %lt3A_122 = arith.cmpi slt, %add3A_121, %select_n3A : i32
      %convert_element_type3A_123 = arith.extui %lt3A_122 : i1 to i32
      %cond3A_124 = arith.constant 0 : i32
      %cond3A_125 = arith.cmpi ne, %convert_element_type3A_123, %cond3A_124 : i32
      scf.if %cond3A_125 {
        %dma_wait3A = arith.constant 2 : i32
        %dma_wait3A_259 = arith.constant 128 : i32
        %dma_wait3A_260 = arith.constant 0 : i32
        %dma_wait3A_261 = tpu.memref_slice %arg10[%dma_wait3A_259, %dma_wait3A_260] : memref<1024x64xf32, #tpu.memory_space<vmem>> -> memref<128x64xf32, #tpu.memory_space<vmem>>
        %dma_wait3A_262 = arith.constant 0 : i32
        %dma_wait3A_263 = tpu.memref_slice %arg9[%dma_wait3A, %dma_wait3A_262] : memref<16x128xi32, #tpu.memory_space<vmem>> -> memref<1x128xi32, #tpu.memory_space<vmem>>
        %dma_wait3A_264 = tpu.memref_squeeze %dma_wait3A_263 : memref<1x128xi32, #tpu.memory_space<vmem>> -> memref<128xi32, #tpu.memory_space<vmem>>
        %dma_wait3A_265 = arith.constant 0 : i32
        %dma_wait3A_266 = arith.constant 0 : i32
        %dma_wait3A_267 = tpu.memref_slice %arg4[%dma_wait3A_265, %dma_wait3A_266] : memref<16384x64xf32, #tpu.memory_space<hbm>> -> memref<16384x64xf32, #tpu.memory_space<hbm>>
        tpu.wait_indirect_dma semaphore(%arg11 : memref<!tpu.dma_semaphore, #tpu.memory_space<semaphore_mem>>) src(%dma_wait3A_267 : memref<16384x64xf32, #tpu.memory_space<hbm>>) dst(%dma_wait3A_261 : memref<128x64xf32, #tpu.memory_space<vmem>>)
      } else {
      }
      %add3A_126 = arith.constant 2 : i32
      %add3A_127 = arith.addi %mul3A_68, %add3A_126 : i32
      %lt3A_128 = arith.cmpi slt, %add3A_127, %select_n3A : i32
      %convert_element_type3A_129 = arith.extui %lt3A_128 : i1 to i32
      %cond3A_130 = arith.constant 0 : i32
      %cond3A_131 = arith.cmpi ne, %convert_element_type3A_129, %cond3A_130 : i32
      scf.if %cond3A_131 {
        %dma_wait3A = arith.constant 4 : i32
        %dma_wait3A_259 = arith.constant 256 : i32
        %dma_wait3A_260 = arith.constant 0 : i32
        %dma_wait3A_261 = tpu.memref_slice %arg10[%dma_wait3A_259, %dma_wait3A_260] : memref<1024x64xf32, #tpu.memory_space<vmem>> -> memref<128x64xf32, #tpu.memory_space<vmem>>
        %dma_wait3A_262 = arith.constant 0 : i32
        %dma_wait3A_263 = tpu.memref_slice %arg9[%dma_wait3A, %dma_wait3A_262] : memref<16x128xi32, #tpu.memory_space<vmem>> -> memref<1x128xi32, #tpu.memory_space<vmem>>
        %dma_wait3A_264 = tpu.memref_squeeze %dma_wait3A_263 : memref<1x128xi32, #tpu.memory_space<vmem>> -> memref<128xi32, #tpu.memory_space<vmem>>
        %dma_wait3A_265 = arith.constant 0 : i32
        %dma_wait3A_266 = arith.constant 0 : i32
        %dma_wait3A_267 = tpu.memref_slice %arg4[%dma_wait3A_265, %dma_wait3A_266] : memref<16384x64xf32, #tpu.memory_space<hbm>> -> memref<16384x64xf32, #tpu.memory_space<hbm>>
        tpu.wait_indirect_dma semaphore(%arg11 : memref<!tpu.dma_semaphore, #tpu.memory_space<semaphore_mem>>) src(%dma_wait3A_267 : memref<16384x64xf32, #tpu.memory_space<hbm>>) dst(%dma_wait3A_261 : memref<128x64xf32, #tpu.memory_space<vmem>>)
      } else {
      }
      %add3A_132 = arith.constant 3 : i32
      %add3A_133 = arith.addi %mul3A_68, %add3A_132 : i32
      %lt3A_134 = arith.cmpi slt, %add3A_133, %select_n3A : i32
      %convert_element_type3A_135 = arith.extui %lt3A_134 : i1 to i32
      %cond3A_136 = arith.constant 0 : i32
      %cond3A_137 = arith.cmpi ne, %convert_element_type3A_135, %cond3A_136 : i32
      scf.if %cond3A_137 {
        %dma_wait3A = arith.constant 6 : i32
        %dma_wait3A_259 = arith.constant 384 : i32
        %dma_wait3A_260 = arith.constant 0 : i32
        %dma_wait3A_261 = tpu.memref_slice %arg10[%dma_wait3A_259, %dma_wait3A_260] : memref<1024x64xf32, #tpu.memory_space<vmem>> -> memref<128x64xf32, #tpu.memory_space<vmem>>
        %dma_wait3A_262 = arith.constant 0 : i32
        %dma_wait3A_263 = tpu.memref_slice %arg9[%dma_wait3A, %dma_wait3A_262] : memref<16x128xi32, #tpu.memory_space<vmem>> -> memref<1x128xi32, #tpu.memory_space<vmem>>
        %dma_wait3A_264 = tpu.memref_squeeze %dma_wait3A_263 : memref<1x128xi32, #tpu.memory_space<vmem>> -> memref<128xi32, #tpu.memory_space<vmem>>
        %dma_wait3A_265 = arith.constant 0 : i32
        %dma_wait3A_266 = arith.constant 0 : i32
        %dma_wait3A_267 = tpu.memref_slice %arg4[%dma_wait3A_265, %dma_wait3A_266] : memref<16384x64xf32, #tpu.memory_space<hbm>> -> memref<16384x64xf32, #tpu.memory_space<hbm>>
        tpu.wait_indirect_dma semaphore(%arg11 : memref<!tpu.dma_semaphore, #tpu.memory_space<semaphore_mem>>) src(%dma_wait3A_267 : memref<16384x64xf32, #tpu.memory_space<hbm>>) dst(%dma_wait3A_261 : memref<128x64xf32, #tpu.memory_space<vmem>>)
      } else {
      }
      %add3A_138 = arith.constant 4 : i32
      %add3A_139 = arith.addi %mul3A_68, %add3A_138 : i32
      %lt3A_140 = arith.cmpi slt, %add3A_139, %select_n3A : i32
      %convert_element_type3A_141 = arith.extui %lt3A_140 : i1 to i32
      %cond3A_142 = arith.constant 0 : i32
      %cond3A_143 = arith.cmpi ne, %convert_element_type3A_141, %cond3A_142 : i32
      scf.if %cond3A_143 {
        %dma_wait3A = arith.constant 8 : i32
        %dma_wait3A_259 = arith.constant 512 : i32
        %dma_wait3A_260 = arith.constant 0 : i32
        %dma_wait3A_261 = tpu.memref_slice %arg10[%dma_wait3A_259, %dma_wait3A_260] : memref<1024x64xf32, #tpu.memory_space<vmem>> -> memref<128x64xf32, #tpu.memory_space<vmem>>
        %dma_wait3A_262 = arith.constant 0 : i32
        %dma_wait3A_263 = tpu.memref_slice %arg9[%dma_wait3A, %dma_wait3A_262] : memref<16x128xi32, #tpu.memory_space<vmem>> -> memref<1x128xi32, #tpu.memory_space<vmem>>
        %dma_wait3A_264 = tpu.memref_squeeze %dma_wait3A_263 : memref<1x128xi32, #tpu.memory_space<vmem>> -> memref<128xi32, #tpu.memory_space<vmem>>
        %dma_wait3A_265 = arith.constant 0 : i32
        %dma_wait3A_266 = arith.constant 0 : i32
        %dma_wait3A_267 = tpu.memref_slice %arg4[%dma_wait3A_265, %dma_wait3A_266] : memref<16384x64xf32, #tpu.memory_space<hbm>> -> memref<16384x64xf32, #tpu.memory_space<hbm>>
        tpu.wait_indirect_dma semaphore(%arg11 : memref<!tpu.dma_semaphore, #tpu.memory_space<semaphore_mem>>) src(%dma_wait3A_267 : memref<16384x64xf32, #tpu.memory_space<hbm>>) dst(%dma_wait3A_261 : memref<128x64xf32, #tpu.memory_space<vmem>>)
      } else {
      }
      %add3A_144 = arith.constant 5 : i32
      %add3A_145 = arith.addi %mul3A_68, %add3A_144 : i32
      %lt3A_146 = arith.cmpi slt, %add3A_145, %select_n3A : i32
      %convert_element_type3A_147 = arith.extui %lt3A_146 : i1 to i32
      %cond3A_148 = arith.constant 0 : i32
      %cond3A_149 = arith.cmpi ne, %convert_element_type3A_147, %cond3A_148 : i32
      scf.if %cond3A_149 {
        %dma_wait3A = arith.constant 10 : i32
        %dma_wait3A_259 = arith.constant 640 : i32
        %dma_wait3A_260 = arith.constant 0 : i32
        %dma_wait3A_261 = tpu.memref_slice %arg10[%dma_wait3A_259, %dma_wait3A_260] : memref<1024x64xf32, #tpu.memory_space<vmem>> -> memref<128x64xf32, #tpu.memory_space<vmem>>
        %dma_wait3A_262 = arith.constant 0 : i32
        %dma_wait3A_263 = tpu.memref_slice %arg9[%dma_wait3A, %dma_wait3A_262] : memref<16x128xi32, #tpu.memory_space<vmem>> -> memref<1x128xi32, #tpu.memory_space<vmem>>
        %dma_wait3A_264 = tpu.memref_squeeze %dma_wait3A_263 : memref<1x128xi32, #tpu.memory_space<vmem>> -> memref<128xi32, #tpu.memory_space<vmem>>
        %dma_wait3A_265 = arith.constant 0 : i32
        %dma_wait3A_266 = arith.constant 0 : i32
        %dma_wait3A_267 = tpu.memref_slice %arg4[%dma_wait3A_265, %dma_wait3A_266] : memref<16384x64xf32, #tpu.memory_space<hbm>> -> memref<16384x64xf32, #tpu.memory_space<hbm>>
        tpu.wait_indirect_dma semaphore(%arg11 : memref<!tpu.dma_semaphore, #tpu.memory_space<semaphore_mem>>) src(%dma_wait3A_267 : memref<16384x64xf32, #tpu.memory_space<hbm>>) dst(%dma_wait3A_261 : memref<128x64xf32, #tpu.memory_space<vmem>>)
      } else {
      }
      %add3A_150 = arith.constant 6 : i32
      %add3A_151 = arith.addi %mul3A_68, %add3A_150 : i32
      %lt3A_152 = arith.cmpi slt, %add3A_151, %select_n3A : i32
      %convert_element_type3A_153 = arith.extui %lt3A_152 : i1 to i32
      %cond3A_154 = arith.constant 0 : i32
      %cond3A_155 = arith.cmpi ne, %convert_element_type3A_153, %cond3A_154 : i32
      scf.if %cond3A_155 {
        %dma_wait3A = arith.constant 12 : i32
        %dma_wait3A_259 = arith.constant 768 : i32
        %dma_wait3A_260 = arith.constant 0 : i32
        %dma_wait3A_261 = tpu.memref_slice %arg10[%dma_wait3A_259, %dma_wait3A_260] : memref<1024x64xf32, #tpu.memory_space<vmem>> -> memref<128x64xf32, #tpu.memory_space<vmem>>
        %dma_wait3A_262 = arith.constant 0 : i32
        %dma_wait3A_263 = tpu.memref_slice %arg9[%dma_wait3A, %dma_wait3A_262] : memref<16x128xi32, #tpu.memory_space<vmem>> -> memref<1x128xi32, #tpu.memory_space<vmem>>
        %dma_wait3A_264 = tpu.memref_squeeze %dma_wait3A_263 : memref<1x128xi32, #tpu.memory_space<vmem>> -> memref<128xi32, #tpu.memory_space<vmem>>
        %dma_wait3A_265 = arith.constant 0 : i32
        %dma_wait3A_266 = arith.constant 0 : i32
        %dma_wait3A_267 = tpu.memref_slice %arg4[%dma_wait3A_265, %dma_wait3A_266] : memref<16384x64xf32, #tpu.memory_space<hbm>> -> memref<16384x64xf32, #tpu.memory_space<hbm>>
        tpu.wait_indirect_dma semaphore(%arg11 : memref<!tpu.dma_semaphore, #tpu.memory_space<semaphore_mem>>) src(%dma_wait3A_267 : memref<16384x64xf32, #tpu.memory_space<hbm>>) dst(%dma_wait3A_261 : memref<128x64xf32, #tpu.memory_space<vmem>>)
      } else {
      }
      %add3A_156 = arith.constant 7 : i32
      %add3A_157 = arith.addi %mul3A_68, %add3A_156 : i32
      %lt3A_158 = arith.cmpi slt, %add3A_157, %select_n3A : i32
      %convert_element_type3A_159 = arith.extui %lt3A_158 : i1 to i32
      %cond3A_160 = arith.constant 0 : i32
      %cond3A_161 = arith.cmpi ne, %convert_element_type3A_159, %cond3A_160 : i32
      scf.if %cond3A_161 {
        %dma_wait3A = arith.constant 14 : i32
        %dma_wait3A_259 = arith.constant 896 : i32
        %dma_wait3A_260 = arith.constant 0 : i32
        %dma_wait3A_261 = tpu.memref_slice %arg10[%dma_wait3A_259, %dma_wait3A_260] : memref<1024x64xf32, #tpu.memory_space<vmem>> -> memref<128x64xf32, #tpu.memory_space<vmem>>
        %dma_wait3A_262 = arith.constant 0 : i32
        %dma_wait3A_263 = tpu.memref_slice %arg9[%dma_wait3A, %dma_wait3A_262] : memref<16x128xi32, #tpu.memory_space<vmem>> -> memref<1x128xi32, #tpu.memory_space<vmem>>
        %dma_wait3A_264 = tpu.memref_squeeze %dma_wait3A_263 : memref<1x128xi32, #tpu.memory_space<vmem>> -> memref<128xi32, #tpu.memory_space<vmem>>
        %dma_wait3A_265 = arith.constant 0 : i32
        %dma_wait3A_266 = arith.constant 0 : i32
        %dma_wait3A_267 = tpu.memref_slice %arg4[%dma_wait3A_265, %dma_wait3A_266] : memref<16384x64xf32, #tpu.memory_space<hbm>> -> memref<16384x64xf32, #tpu.memory_space<hbm>>
        tpu.wait_indirect_dma semaphore(%arg11 : memref<!tpu.dma_semaphore, #tpu.memory_space<semaphore_mem>>) src(%dma_wait3A_267 : memref<16384x64xf32, #tpu.memory_space<hbm>>) dst(%dma_wait3A_261 : memref<128x64xf32, #tpu.memory_space<vmem>>)
      } else {
      }
      %add3A_162 = arith.constant 0 : i32
      %add3A_163 = arith.addi %mul3A_68, %add3A_162 : i32
      %lt3A_164 = arith.cmpi slt, %add3A_163, %select_n3A : i32
      %convert_element_type3A_165 = arith.extui %lt3A_164 : i1 to i32
      %cond3A_166 = arith.constant 0 : i32
      %cond3A_167 = arith.cmpi ne, %convert_element_type3A_165, %cond3A_166 : i32
      scf.if %cond3A_167 {
        %dma_start3A = arith.constant 1 : i32
        %dma_start3A_259 = arith.constant 0 : i32
        %dma_start3A_260 = arith.constant 0 : i32
        %dma_start3A_261 = tpu.memref_slice %arg10[%dma_start3A_259, %dma_start3A_260] : memref<1024x64xf32, #tpu.memory_space<vmem>> -> memref<128x64xf32, #tpu.memory_space<vmem>>
        %dma_start3A_262 = arith.constant 0 : i32
        %dma_start3A_263 = tpu.memref_slice %arg9[%dma_start3A, %dma_start3A_262] : memref<16x128xi32, #tpu.memory_space<vmem>> -> memref<1x128xi32, #tpu.memory_space<vmem>>
        %dma_start3A_264 = tpu.memref_squeeze %dma_start3A_263 : memref<1x128xi32, #tpu.memory_space<vmem>> -> memref<128xi32, #tpu.memory_space<vmem>>
        %dma_start3A_265 = arith.constant 0 : i32
        %dma_start3A_266 = arith.constant 0 : i32
        %dma_start3A_267 = tpu.memref_slice %arg5[%dma_start3A_265, %dma_start3A_266] : memref<100000x64xf32, #tpu.memory_space<hbm>> -> memref<100000x64xf32, #tpu.memory_space<hbm>>
        tpu.enqueue_indirect_dma source(%dma_start3A_261 : memref<128x64xf32, #tpu.memory_space<vmem>>) target(%dma_start3A_267 : memref<100000x64xf32, #tpu.memory_space<hbm>>) offsets(%dma_start3A_264 : memref<128xi32, #tpu.memory_space<vmem>>) semaphore(%arg12 : memref<!tpu.dma_semaphore, #tpu.memory_space<semaphore_mem>>)
      } else {
      }
      %add3A_168 = arith.constant 1 : i32
      %add3A_169 = arith.addi %mul3A_68, %add3A_168 : i32
      %lt3A_170 = arith.cmpi slt, %add3A_169, %select_n3A : i32
      %convert_element_type3A_171 = arith.extui %lt3A_170 : i1 to i32
      %cond3A_172 = arith.constant 0 : i32
      %cond3A_173 = arith.cmpi ne, %convert_element_type3A_171, %cond3A_172 : i32
      scf.if %cond3A_173 {
        %dma_start3A = arith.constant 3 : i32
        %dma_start3A_259 = arith.constant 128 : i32
        %dma_start3A_260 = arith.constant 0 : i32
        %dma_start3A_261 = tpu.memref_slice %arg10[%dma_start3A_259, %dma_start3A_260] : memref<1024x64xf32, #tpu.memory_space<vmem>> -> memref<128x64xf32, #tpu.memory_space<vmem>>
        %dma_start3A_262 = arith.constant 0 : i32
        %dma_start3A_263 = tpu.memref_slice %arg9[%dma_start3A, %dma_start3A_262] : memref<16x128xi32, #tpu.memory_space<vmem>> -> memref<1x128xi32, #tpu.memory_space<vmem>>
        %dma_start3A_264 = tpu.memref_squeeze %dma_start3A_263 : memref<1x128xi32, #tpu.memory_space<vmem>> -> memref<128xi32, #tpu.memory_space<vmem>>
        %dma_start3A_265 = arith.constant 0 : i32
        %dma_start3A_266 = arith.constant 0 : i32
        %dma_start3A_267 = tpu.memref_slice %arg5[%dma_start3A_265, %dma_start3A_266] : memref<100000x64xf32, #tpu.memory_space<hbm>> -> memref<100000x64xf32, #tpu.memory_space<hbm>>
        tpu.enqueue_indirect_dma source(%dma_start3A_261 : memref<128x64xf32, #tpu.memory_space<vmem>>) target(%dma_start3A_267 : memref<100000x64xf32, #tpu.memory_space<hbm>>) offsets(%dma_start3A_264 : memref<128xi32, #tpu.memory_space<vmem>>) semaphore(%arg12 : memref<!tpu.dma_semaphore, #tpu.memory_space<semaphore_mem>>)
      } else {
      }
      %add3A_174 = arith.constant 2 : i32
      %add3A_175 = arith.addi %mul3A_68, %add3A_174 : i32
      %lt3A_176 = arith.cmpi slt, %add3A_175, %select_n3A : i32
      %convert_element_type3A_177 = arith.extui %lt3A_176 : i1 to i32
      %cond3A_178 = arith.constant 0 : i32
      %cond3A_179 = arith.cmpi ne, %convert_element_type3A_177, %cond3A_178 : i32
      scf.if %cond3A_179 {
        %dma_start3A = arith.constant 5 : i32
        %dma_start3A_259 = arith.constant 256 : i32
        %dma_start3A_260 = arith.constant 0 : i32
        %dma_start3A_261 = tpu.memref_slice %arg10[%dma_start3A_259, %dma_start3A_260] : memref<1024x64xf32, #tpu.memory_space<vmem>> -> memref<128x64xf32, #tpu.memory_space<vmem>>
        %dma_start3A_262 = arith.constant 0 : i32
        %dma_start3A_263 = tpu.memref_slice %arg9[%dma_start3A, %dma_start3A_262] : memref<16x128xi32, #tpu.memory_space<vmem>> -> memref<1x128xi32, #tpu.memory_space<vmem>>
        %dma_start3A_264 = tpu.memref_squeeze %dma_start3A_263 : memref<1x128xi32, #tpu.memory_space<vmem>> -> memref<128xi32, #tpu.memory_space<vmem>>
        %dma_start3A_265 = arith.constant 0 : i32
        %dma_start3A_266 = arith.constant 0 : i32
        %dma_start3A_267 = tpu.memref_slice %arg5[%dma_start3A_265, %dma_start3A_266] : memref<100000x64xf32, #tpu.memory_space<hbm>> -> memref<100000x64xf32, #tpu.memory_space<hbm>>
        tpu.enqueue_indirect_dma source(%dma_start3A_261 : memref<128x64xf32, #tpu.memory_space<vmem>>) target(%dma_start3A_267 : memref<100000x64xf32, #tpu.memory_space<hbm>>) offsets(%dma_start3A_264 : memref<128xi32, #tpu.memory_space<vmem>>) semaphore(%arg12 : memref<!tpu.dma_semaphore, #tpu.memory_space<semaphore_mem>>)
      } else {
      }
      %add3A_180 = arith.constant 3 : i32
      %add3A_181 = arith.addi %mul3A_68, %add3A_180 : i32
      %lt3A_182 = arith.cmpi slt, %add3A_181, %select_n3A : i32
      %convert_element_type3A_183 = arith.extui %lt3A_182 : i1 to i32
      %cond3A_184 = arith.constant 0 : i32
      %cond3A_185 = arith.cmpi ne, %convert_element_type3A_183, %cond3A_184 : i32
      scf.if %cond3A_185 {
        %dma_start3A = arith.constant 7 : i32
        %dma_start3A_259 = arith.constant 384 : i32
        %dma_start3A_260 = arith.constant 0 : i32
        %dma_start3A_261 = tpu.memref_slice %arg10[%dma_start3A_259, %dma_start3A_260] : memref<1024x64xf32, #tpu.memory_space<vmem>> -> memref<128x64xf32, #tpu.memory_space<vmem>>
        %dma_start3A_262 = arith.constant 0 : i32
        %dma_start3A_263 = tpu.memref_slice %arg9[%dma_start3A, %dma_start3A_262] : memref<16x128xi32, #tpu.memory_space<vmem>> -> memref<1x128xi32, #tpu.memory_space<vmem>>
        %dma_start3A_264 = tpu.memref_squeeze %dma_start3A_263 : memref<1x128xi32, #tpu.memory_space<vmem>> -> memref<128xi32, #tpu.memory_space<vmem>>
        %dma_start3A_265 = arith.constant 0 : i32
        %dma_start3A_266 = arith.constant 0 : i32
        %dma_start3A_267 = tpu.memref_slice %arg5[%dma_start3A_265, %dma_start3A_266] : memref<100000x64xf32, #tpu.memory_space<hbm>> -> memref<100000x64xf32, #tpu.memory_space<hbm>>
        tpu.enqueue_indirect_dma source(%dma_start3A_261 : memref<128x64xf32, #tpu.memory_space<vmem>>) target(%dma_start3A_267 : memref<100000x64xf32, #tpu.memory_space<hbm>>) offsets(%dma_start3A_264 : memref<128xi32, #tpu.memory_space<vmem>>) semaphore(%arg12 : memref<!tpu.dma_semaphore, #tpu.memory_space<semaphore_mem>>)
      } else {
      }
      %add3A_186 = arith.constant 4 : i32
      %add3A_187 = arith.addi %mul3A_68, %add3A_186 : i32
      %lt3A_188 = arith.cmpi slt, %add3A_187, %select_n3A : i32
      %convert_element_type3A_189 = arith.extui %lt3A_188 : i1 to i32
      %cond3A_190 = arith.constant 0 : i32
      %cond3A_191 = arith.cmpi ne, %convert_element_type3A_189, %cond3A_190 : i32
      scf.if %cond3A_191 {
        %dma_start3A = arith.constant 9 : i32
        %dma_start3A_259 = arith.constant 512 : i32
        %dma_start3A_260 = arith.constant 0 : i32
        %dma_start3A_261 = tpu.memref_slice %arg10[%dma_start3A_259, %dma_start3A_260] : memref<1024x64xf32, #tpu.memory_space<vmem>> -> memref<128x64xf32, #tpu.memory_space<vmem>>
        %dma_start3A_262 = arith.constant 0 : i32
        %dma_start3A_263 = tpu.memref_slice %arg9[%dma_start3A, %dma_start3A_262] : memref<16x128xi32, #tpu.memory_space<vmem>> -> memref<1x128xi32, #tpu.memory_space<vmem>>
        %dma_start3A_264 = tpu.memref_squeeze %dma_start3A_263 : memref<1x128xi32, #tpu.memory_space<vmem>> -> memref<128xi32, #tpu.memory_space<vmem>>
        %dma_start3A_265 = arith.constant 0 : i32
        %dma_start3A_266 = arith.constant 0 : i32
        %dma_start3A_267 = tpu.memref_slice %arg5[%dma_start3A_265, %dma_start3A_266] : memref<100000x64xf32, #tpu.memory_space<hbm>> -> memref<100000x64xf32, #tpu.memory_space<hbm>>
        tpu.enqueue_indirect_dma source(%dma_start3A_261 : memref<128x64xf32, #tpu.memory_space<vmem>>) target(%dma_start3A_267 : memref<100000x64xf32, #tpu.memory_space<hbm>>) offsets(%dma_start3A_264 : memref<128xi32, #tpu.memory_space<vmem>>) semaphore(%arg12 : memref<!tpu.dma_semaphore, #tpu.memory_space<semaphore_mem>>)
      } else {
      }
      %add3A_192 = arith.constant 5 : i32
      %add3A_193 = arith.addi %mul3A_68, %add3A_192 : i32
      %lt3A_194 = arith.cmpi slt, %add3A_193, %select_n3A : i32
      %convert_element_type3A_195 = arith.extui %lt3A_194 : i1 to i32
      %cond3A_196 = arith.constant 0 : i32
      %cond3A_197 = arith.cmpi ne, %convert_element_type3A_195, %cond3A_196 : i32
      scf.if %cond3A_197 {
        %dma_start3A = arith.constant 11 : i32
        %dma_start3A_259 = arith.constant 640 : i32
        %dma_start3A_260 = arith.constant 0 : i32
        %dma_start3A_261 = tpu.memref_slice %arg10[%dma_start3A_259, %dma_start3A_260] : memref<1024x64xf32, #tpu.memory_space<vmem>> -> memref<128x64xf32, #tpu.memory_space<vmem>>
        %dma_start3A_262 = arith.constant 0 : i32
        %dma_start3A_263 = tpu.memref_slice %arg9[%dma_start3A, %dma_start3A_262] : memref<16x128xi32, #tpu.memory_space<vmem>> -> memref<1x128xi32, #tpu.memory_space<vmem>>
        %dma_start3A_264 = tpu.memref_squeeze %dma_start3A_263 : memref<1x128xi32, #tpu.memory_space<vmem>> -> memref<128xi32, #tpu.memory_space<vmem>>
        %dma_start3A_265 = arith.constant 0 : i32
        %dma_start3A_266 = arith.constant 0 : i32
        %dma_start3A_267 = tpu.memref_slice %arg5[%dma_start3A_265, %dma_start3A_266] : memref<100000x64xf32, #tpu.memory_space<hbm>> -> memref<100000x64xf32, #tpu.memory_space<hbm>>
        tpu.enqueue_indirect_dma source(%dma_start3A_261 : memref<128x64xf32, #tpu.memory_space<vmem>>) target(%dma_start3A_267 : memref<100000x64xf32, #tpu.memory_space<hbm>>) offsets(%dma_start3A_264 : memref<128xi32, #tpu.memory_space<vmem>>) semaphore(%arg12 : memref<!tpu.dma_semaphore, #tpu.memory_space<semaphore_mem>>)
      } else {
      }
      %add3A_198 = arith.constant 6 : i32
      %add3A_199 = arith.addi %mul3A_68, %add3A_198 : i32
      %lt3A_200 = arith.cmpi slt, %add3A_199, %select_n3A : i32
      %convert_element_type3A_201 = arith.extui %lt3A_200 : i1 to i32
      %cond3A_202 = arith.constant 0 : i32
      %cond3A_203 = arith.cmpi ne, %convert_element_type3A_201, %cond3A_202 : i32
      scf.if %cond3A_203 {
        %dma_start3A = arith.constant 13 : i32
        %dma_start3A_259 = arith.constant 768 : i32
        %dma_start3A_260 = arith.constant 0 : i32
        %dma_start3A_261 = tpu.memref_slice %arg10[%dma_start3A_259, %dma_start3A_260] : memref<1024x64xf32, #tpu.memory_space<vmem>> -> memref<128x64xf32, #tpu.memory_space<vmem>>
        %dma_start3A_262 = arith.constant 0 : i32
        %dma_start3A_263 = tpu.memref_slice %arg9[%dma_start3A, %dma_start3A_262] : memref<16x128xi32, #tpu.memory_space<vmem>> -> memref<1x128xi32, #tpu.memory_space<vmem>>
        %dma_start3A_264 = tpu.memref_squeeze %dma_start3A_263 : memref<1x128xi32, #tpu.memory_space<vmem>> -> memref<128xi32, #tpu.memory_space<vmem>>
        %dma_start3A_265 = arith.constant 0 : i32
        %dma_start3A_266 = arith.constant 0 : i32
        %dma_start3A_267 = tpu.memref_slice %arg5[%dma_start3A_265, %dma_start3A_266] : memref<100000x64xf32, #tpu.memory_space<hbm>> -> memref<100000x64xf32, #tpu.memory_space<hbm>>
        tpu.enqueue_indirect_dma source(%dma_start3A_261 : memref<128x64xf32, #tpu.memory_space<vmem>>) target(%dma_start3A_267 : memref<100000x64xf32, #tpu.memory_space<hbm>>) offsets(%dma_start3A_264 : memref<128xi32, #tpu.memory_space<vmem>>) semaphore(%arg12 : memref<!tpu.dma_semaphore, #tpu.memory_space<semaphore_mem>>)
      } else {
      }
      %add3A_204 = arith.constant 7 : i32
      %add3A_205 = arith.addi %mul3A_68, %add3A_204 : i32
      %lt3A_206 = arith.cmpi slt, %add3A_205, %select_n3A : i32
      %convert_element_type3A_207 = arith.extui %lt3A_206 : i1 to i32
      %cond3A_208 = arith.constant 0 : i32
      %cond3A_209 = arith.cmpi ne, %convert_element_type3A_207, %cond3A_208 : i32
      scf.if %cond3A_209 {
        %dma_start3A = arith.constant 15 : i32
        %dma_start3A_259 = arith.constant 896 : i32
        %dma_start3A_260 = arith.constant 0 : i32
        %dma_start3A_261 = tpu.memref_slice %arg10[%dma_start3A_259, %dma_start3A_260] : memref<1024x64xf32, #tpu.memory_space<vmem>> -> memref<128x64xf32, #tpu.memory_space<vmem>>
        %dma_start3A_262 = arith.constant 0 : i32
        %dma_start3A_263 = tpu.memref_slice %arg9[%dma_start3A, %dma_start3A_262] : memref<16x128xi32, #tpu.memory_space<vmem>> -> memref<1x128xi32, #tpu.memory_space<vmem>>
        %dma_start3A_264 = tpu.memref_squeeze %dma_start3A_263 : memref<1x128xi32, #tpu.memory_space<vmem>> -> memref<128xi32, #tpu.memory_space<vmem>>
        %dma_start3A_265 = arith.constant 0 : i32
        %dma_start3A_266 = arith.constant 0 : i32
        %dma_start3A_267 = tpu.memref_slice %arg5[%dma_start3A_265, %dma_start3A_266] : memref<100000x64xf32, #tpu.memory_space<hbm>> -> memref<100000x64xf32, #tpu.memory_space<hbm>>
        tpu.enqueue_indirect_dma source(%dma_start3A_261 : memref<128x64xf32, #tpu.memory_space<vmem>>) target(%dma_start3A_267 : memref<100000x64xf32, #tpu.memory_space<hbm>>) offsets(%dma_start3A_264 : memref<128xi32, #tpu.memory_space<vmem>>) semaphore(%arg12 : memref<!tpu.dma_semaphore, #tpu.memory_space<semaphore_mem>>)
      } else {
      }
      %add3A_210 = arith.constant 0 : i32
      %add3A_211 = arith.addi %mul3A_68, %add3A_210 : i32
      %lt3A_212 = arith.cmpi slt, %add3A_211, %select_n3A : i32
      %convert_element_type3A_213 = arith.extui %lt3A_212 : i1 to i32
      %cond3A_214 = arith.constant 0 : i32
      %cond3A_215 = arith.cmpi ne, %convert_element_type3A_213, %cond3A_214 : i32
      scf.if %cond3A_215 {
        %dma_wait3A = arith.constant 1 : i32
        %dma_wait3A_259 = arith.constant 0 : i32
        %dma_wait3A_260 = arith.constant 0 : i32
        %dma_wait3A_261 = tpu.memref_slice %arg10[%dma_wait3A_259, %dma_wait3A_260] : memref<1024x64xf32, #tpu.memory_space<vmem>> -> memref<128x64xf32, #tpu.memory_space<vmem>>
        %dma_wait3A_262 = arith.constant 0 : i32
        %dma_wait3A_263 = tpu.memref_slice %arg9[%dma_wait3A, %dma_wait3A_262] : memref<16x128xi32, #tpu.memory_space<vmem>> -> memref<1x128xi32, #tpu.memory_space<vmem>>
        %dma_wait3A_264 = tpu.memref_squeeze %dma_wait3A_263 : memref<1x128xi32, #tpu.memory_space<vmem>> -> memref<128xi32, #tpu.memory_space<vmem>>
        %dma_wait3A_265 = arith.constant 0 : i32
        %dma_wait3A_266 = arith.constant 0 : i32
        %dma_wait3A_267 = tpu.memref_slice %arg5[%dma_wait3A_265, %dma_wait3A_266] : memref<100000x64xf32, #tpu.memory_space<hbm>> -> memref<100000x64xf32, #tpu.memory_space<hbm>>
        tpu.wait_indirect_dma semaphore(%arg12 : memref<!tpu.dma_semaphore, #tpu.memory_space<semaphore_mem>>) src(%dma_wait3A_261 : memref<128x64xf32, #tpu.memory_space<vmem>>) dst(%dma_wait3A_267 : memref<100000x64xf32, #tpu.memory_space<hbm>>)
      } else {
      }
      %add3A_216 = arith.constant 1 : i32
      %add3A_217 = arith.addi %mul3A_68, %add3A_216 : i32
      %lt3A_218 = arith.cmpi slt, %add3A_217, %select_n3A : i32
      %convert_element_type3A_219 = arith.extui %lt3A_218 : i1 to i32
      %cond3A_220 = arith.constant 0 : i32
      %cond3A_221 = arith.cmpi ne, %convert_element_type3A_219, %cond3A_220 : i32
      scf.if %cond3A_221 {
        %dma_wait3A = arith.constant 3 : i32
        %dma_wait3A_259 = arith.constant 128 : i32
        %dma_wait3A_260 = arith.constant 0 : i32
        %dma_wait3A_261 = tpu.memref_slice %arg10[%dma_wait3A_259, %dma_wait3A_260] : memref<1024x64xf32, #tpu.memory_space<vmem>> -> memref<128x64xf32, #tpu.memory_space<vmem>>
        %dma_wait3A_262 = arith.constant 0 : i32
        %dma_wait3A_263 = tpu.memref_slice %arg9[%dma_wait3A, %dma_wait3A_262] : memref<16x128xi32, #tpu.memory_space<vmem>> -> memref<1x128xi32, #tpu.memory_space<vmem>>
        %dma_wait3A_264 = tpu.memref_squeeze %dma_wait3A_263 : memref<1x128xi32, #tpu.memory_space<vmem>> -> memref<128xi32, #tpu.memory_space<vmem>>
        %dma_wait3A_265 = arith.constant 0 : i32
        %dma_wait3A_266 = arith.constant 0 : i32
        %dma_wait3A_267 = tpu.memref_slice %arg5[%dma_wait3A_265, %dma_wait3A_266] : memref<100000x64xf32, #tpu.memory_space<hbm>> -> memref<100000x64xf32, #tpu.memory_space<hbm>>
        tpu.wait_indirect_dma semaphore(%arg12 : memref<!tpu.dma_semaphore, #tpu.memory_space<semaphore_mem>>) src(%dma_wait3A_261 : memref<128x64xf32, #tpu.memory_space<vmem>>) dst(%dma_wait3A_267 : memref<100000x64xf32, #tpu.memory_space<hbm>>)
      } else {
      }
      %add3A_222 = arith.constant 2 : i32
      %add3A_223 = arith.addi %mul3A_68, %add3A_222 : i32
      %lt3A_224 = arith.cmpi slt, %add3A_223, %select_n3A : i32
      %convert_element_type3A_225 = arith.extui %lt3A_224 : i1 to i32
      %cond3A_226 = arith.constant 0 : i32
      %cond3A_227 = arith.cmpi ne, %convert_element_type3A_225, %cond3A_226 : i32
      scf.if %cond3A_227 {
        %dma_wait3A = arith.constant 5 : i32
        %dma_wait3A_259 = arith.constant 256 : i32
        %dma_wait3A_260 = arith.constant 0 : i32
        %dma_wait3A_261 = tpu.memref_slice %arg10[%dma_wait3A_259, %dma_wait3A_260] : memref<1024x64xf32, #tpu.memory_space<vmem>> -> memref<128x64xf32, #tpu.memory_space<vmem>>
        %dma_wait3A_262 = arith.constant 0 : i32
        %dma_wait3A_263 = tpu.memref_slice %arg9[%dma_wait3A, %dma_wait3A_262] : memref<16x128xi32, #tpu.memory_space<vmem>> -> memref<1x128xi32, #tpu.memory_space<vmem>>
        %dma_wait3A_264 = tpu.memref_squeeze %dma_wait3A_263 : memref<1x128xi32, #tpu.memory_space<vmem>> -> memref<128xi32, #tpu.memory_space<vmem>>
        %dma_wait3A_265 = arith.constant 0 : i32
        %dma_wait3A_266 = arith.constant 0 : i32
        %dma_wait3A_267 = tpu.memref_slice %arg5[%dma_wait3A_265, %dma_wait3A_266] : memref<100000x64xf32, #tpu.memory_space<hbm>> -> memref<100000x64xf32, #tpu.memory_space<hbm>>
        tpu.wait_indirect_dma semaphore(%arg12 : memref<!tpu.dma_semaphore, #tpu.memory_space<semaphore_mem>>) src(%dma_wait3A_261 : memref<128x64xf32, #tpu.memory_space<vmem>>) dst(%dma_wait3A_267 : memref<100000x64xf32, #tpu.memory_space<hbm>>)
      } else {
      }
      %add3A_228 = arith.constant 3 : i32
      %add3A_229 = arith.addi %mul3A_68, %add3A_228 : i32
      %lt3A_230 = arith.cmpi slt, %add3A_229, %select_n3A : i32
      %convert_element_type3A_231 = arith.extui %lt3A_230 : i1 to i32
      %cond3A_232 = arith.constant 0 : i32
      %cond3A_233 = arith.cmpi ne, %convert_element_type3A_231, %cond3A_232 : i32
      scf.if %cond3A_233 {
        %dma_wait3A = arith.constant 7 : i32
        %dma_wait3A_259 = arith.constant 384 : i32
        %dma_wait3A_260 = arith.constant 0 : i32
        %dma_wait3A_261 = tpu.memref_slice %arg10[%dma_wait3A_259, %dma_wait3A_260] : memref<1024x64xf32, #tpu.memory_space<vmem>> -> memref<128x64xf32, #tpu.memory_space<vmem>>
        %dma_wait3A_262 = arith.constant 0 : i32
        %dma_wait3A_263 = tpu.memref_slice %arg9[%dma_wait3A, %dma_wait3A_262] : memref<16x128xi32, #tpu.memory_space<vmem>> -> memref<1x128xi32, #tpu.memory_space<vmem>>
        %dma_wait3A_264 = tpu.memref_squeeze %dma_wait3A_263 : memref<1x128xi32, #tpu.memory_space<vmem>> -> memref<128xi32, #tpu.memory_space<vmem>>
        %dma_wait3A_265 = arith.constant 0 : i32
        %dma_wait3A_266 = arith.constant 0 : i32
        %dma_wait3A_267 = tpu.memref_slice %arg5[%dma_wait3A_265, %dma_wait3A_266] : memref<100000x64xf32, #tpu.memory_space<hbm>> -> memref<100000x64xf32, #tpu.memory_space<hbm>>
        tpu.wait_indirect_dma semaphore(%arg12 : memref<!tpu.dma_semaphore, #tpu.memory_space<semaphore_mem>>) src(%dma_wait3A_261 : memref<128x64xf32, #tpu.memory_space<vmem>>) dst(%dma_wait3A_267 : memref<100000x64xf32, #tpu.memory_space<hbm>>)
      } else {
      }
      %add3A_234 = arith.constant 4 : i32
      %add3A_235 = arith.addi %mul3A_68, %add3A_234 : i32
      %lt3A_236 = arith.cmpi slt, %add3A_235, %select_n3A : i32
      %convert_element_type3A_237 = arith.extui %lt3A_236 : i1 to i32
      %cond3A_238 = arith.constant 0 : i32
      %cond3A_239 = arith.cmpi ne, %convert_element_type3A_237, %cond3A_238 : i32
      scf.if %cond3A_239 {
        %dma_wait3A = arith.constant 9 : i32
        %dma_wait3A_259 = arith.constant 512 : i32
        %dma_wait3A_260 = arith.constant 0 : i32
        %dma_wait3A_261 = tpu.memref_slice %arg10[%dma_wait3A_259, %dma_wait3A_260] : memref<1024x64xf32, #tpu.memory_space<vmem>> -> memref<128x64xf32, #tpu.memory_space<vmem>>
        %dma_wait3A_262 = arith.constant 0 : i32
        %dma_wait3A_263 = tpu.memref_slice %arg9[%dma_wait3A, %dma_wait3A_262] : memref<16x128xi32, #tpu.memory_space<vmem>> -> memref<1x128xi32, #tpu.memory_space<vmem>>
        %dma_wait3A_264 = tpu.memref_squeeze %dma_wait3A_263 : memref<1x128xi32, #tpu.memory_space<vmem>> -> memref<128xi32, #tpu.memory_space<vmem>>
        %dma_wait3A_265 = arith.constant 0 : i32
        %dma_wait3A_266 = arith.constant 0 : i32
        %dma_wait3A_267 = tpu.memref_slice %arg5[%dma_wait3A_265, %dma_wait3A_266] : memref<100000x64xf32, #tpu.memory_space<hbm>> -> memref<100000x64xf32, #tpu.memory_space<hbm>>
        tpu.wait_indirect_dma semaphore(%arg12 : memref<!tpu.dma_semaphore, #tpu.memory_space<semaphore_mem>>) src(%dma_wait3A_261 : memref<128x64xf32, #tpu.memory_space<vmem>>) dst(%dma_wait3A_267 : memref<100000x64xf32, #tpu.memory_space<hbm>>)
      } else {
      }
      %add3A_240 = arith.constant 5 : i32
      %add3A_241 = arith.addi %mul3A_68, %add3A_240 : i32
      %lt3A_242 = arith.cmpi slt, %add3A_241, %select_n3A : i32
      %convert_element_type3A_243 = arith.extui %lt3A_242 : i1 to i32
      %cond3A_244 = arith.constant 0 : i32
      %cond3A_245 = arith.cmpi ne, %convert_element_type3A_243, %cond3A_244 : i32
      scf.if %cond3A_245 {
        %dma_wait3A = arith.constant 11 : i32
        %dma_wait3A_259 = arith.constant 640 : i32
        %dma_wait3A_260 = arith.constant 0 : i32
        %dma_wait3A_261 = tpu.memref_slice %arg10[%dma_wait3A_259, %dma_wait3A_260] : memref<1024x64xf32, #tpu.memory_space<vmem>> -> memref<128x64xf32, #tpu.memory_space<vmem>>
        %dma_wait3A_262 = arith.constant 0 : i32
        %dma_wait3A_263 = tpu.memref_slice %arg9[%dma_wait3A, %dma_wait3A_262] : memref<16x128xi32, #tpu.memory_space<vmem>> -> memref<1x128xi32, #tpu.memory_space<vmem>>
        %dma_wait3A_264 = tpu.memref_squeeze %dma_wait3A_263 : memref<1x128xi32, #tpu.memory_space<vmem>> -> memref<128xi32, #tpu.memory_space<vmem>>
        %dma_wait3A_265 = arith.constant 0 : i32
        %dma_wait3A_266 = arith.constant 0 : i32
        %dma_wait3A_267 = tpu.memref_slice %arg5[%dma_wait3A_265, %dma_wait3A_266] : memref<100000x64xf32, #tpu.memory_space<hbm>> -> memref<100000x64xf32, #tpu.memory_space<hbm>>
        tpu.wait_indirect_dma semaphore(%arg12 : memref<!tpu.dma_semaphore, #tpu.memory_space<semaphore_mem>>) src(%dma_wait3A_261 : memref<128x64xf32, #tpu.memory_space<vmem>>) dst(%dma_wait3A_267 : memref<100000x64xf32, #tpu.memory_space<hbm>>)
      } else {
      }
      %add3A_246 = arith.constant 6 : i32
      %add3A_247 = arith.addi %mul3A_68, %add3A_246 : i32
      %lt3A_248 = arith.cmpi slt, %add3A_247, %select_n3A : i32
      %convert_element_type3A_249 = arith.extui %lt3A_248 : i1 to i32
      %cond3A_250 = arith.constant 0 : i32
      %cond3A_251 = arith.cmpi ne, %convert_element_type3A_249, %cond3A_250 : i32
      scf.if %cond3A_251 {
        %dma_wait3A = arith.constant 13 : i32
        %dma_wait3A_259 = arith.constant 768 : i32
        %dma_wait3A_260 = arith.constant 0 : i32
        %dma_wait3A_261 = tpu.memref_slice %arg10[%dma_wait3A_259, %dma_wait3A_260] : memref<1024x64xf32, #tpu.memory_space<vmem>> -> memref<128x64xf32, #tpu.memory_space<vmem>>
        %dma_wait3A_262 = arith.constant 0 : i32
        %dma_wait3A_263 = tpu.memref_slice %arg9[%dma_wait3A, %dma_wait3A_262] : memref<16x128xi32, #tpu.memory_space<vmem>> -> memref<1x128xi32, #tpu.memory_space<vmem>>
        %dma_wait3A_264 = tpu.memref_squeeze %dma_wait3A_263 : memref<1x128xi32, #tpu.memory_space<vmem>> -> memref<128xi32, #tpu.memory_space<vmem>>
        %dma_wait3A_265 = arith.constant 0 : i32
        %dma_wait3A_266 = arith.constant 0 : i32
        %dma_wait3A_267 = tpu.memref_slice %arg5[%dma_wait3A_265, %dma_wait3A_266] : memref<100000x64xf32, #tpu.memory_space<hbm>> -> memref<100000x64xf32, #tpu.memory_space<hbm>>
        tpu.wait_indirect_dma semaphore(%arg12 : memref<!tpu.dma_semaphore, #tpu.memory_space<semaphore_mem>>) src(%dma_wait3A_261 : memref<128x64xf32, #tpu.memory_space<vmem>>) dst(%dma_wait3A_267 : memref<100000x64xf32, #tpu.memory_space<hbm>>)
      } else {
      }
      %add3A_252 = arith.constant 7 : i32
      %add3A_253 = arith.addi %mul3A_68, %add3A_252 : i32
      %lt3A_254 = arith.cmpi slt, %add3A_253, %select_n3A : i32
      %convert_element_type3A_255 = arith.extui %lt3A_254 : i1 to i32
      %cond3A_256 = arith.constant 0 : i32
      %cond3A_257 = arith.cmpi ne, %convert_element_type3A_255, %cond3A_256 : i32
      scf.if %cond3A_257 {
        %dma_wait3A = arith.constant 15 : i32
        %dma_wait3A_259 = arith.constant 896 : i32
        %dma_wait3A_260 = arith.constant 0 : i32
        %dma_wait3A_261 = tpu.memref_slice %arg10[%dma_wait3A_259, %dma_wait3A_260] : memref<1024x64xf32, #tpu.memory_space<vmem>> -> memref<128x64xf32, #tpu.memory_space<vmem>>
        %dma_wait3A_262 = arith.constant 0 : i32
        %dma_wait3A_263 = tpu.memref_slice %arg9[%dma_wait3A, %dma_wait3A_262] : memref<16x128xi32, #tpu.memory_space<vmem>> -> memref<1x128xi32, #tpu.memory_space<vmem>>
        %dma_wait3A_264 = tpu.memref_squeeze %dma_wait3A_263 : memref<1x128xi32, #tpu.memory_space<vmem>> -> memref<128xi32, #tpu.memory_space<vmem>>
        %dma_wait3A_265 = arith.constant 0 : i32
        %dma_wait3A_266 = arith.constant 0 : i32
        %dma_wait3A_267 = tpu.memref_slice %arg5[%dma_wait3A_265, %dma_wait3A_266] : memref<100000x64xf32, #tpu.memory_space<hbm>> -> memref<100000x64xf32, #tpu.memory_space<hbm>>
        tpu.wait_indirect_dma semaphore(%arg12 : memref<!tpu.dma_semaphore, #tpu.memory_space<semaphore_mem>>) src(%dma_wait3A_261 : memref<128x64xf32, #tpu.memory_space<vmem>>) dst(%dma_wait3A_267 : memref<100000x64xf32, #tpu.memory_space<hbm>>)
      } else {
      }
      %while3A_258 = arith.constant 0 : i32
      scf.yield %while3A_258 : i32
    }
    return
  }
}

#map = affine_map<(d0, d1) -> (0, 0)>
#map1 = affine_map<(d0, d1) -> (0)>
module attributes {stable_mosaic.version = 14 : i64} {
  func.func @new_body(%arg0: i32, %arg1: i32, %arg2: memref<100000x64xf32, #tpu.memory_space<hbm>>, %arg3: memref<16384xi32, #tpu.memory_space<hbm>>, %arg4: memref<16384x64xf32, #tpu.memory_space<hbm>>, %arg5: memref<100000x64xf32, #tpu.memory_space<hbm>>, %arg6: memref<16384xi32, #tpu.memory_space<vmem>>, %arg7: memref<4x128xi32, #tpu.memory_space<vmem>>, %arg8: memref<512x64xf32, #tpu.memory_space<vmem>>, %arg9: memref<!tpu.dma_semaphore, #tpu.memory_space<semaphore_mem>>) attributes {dimension_semantics = [#tpu.dimension_semantics<core_parallel>, #tpu.dimension_semantics<subcore_parallel>], iteration_bounds = array<i64: 2, 16>, scalar_prefetch = 0 : i64, scratch_operands = 4 : i64, tpu.core_type = #tpu.core_type<sc_vector_subcore>, window_params = [{transform_indices = #map}, {transform_indices = #map1}, {transform_indices = #map}, {transform_indices = #map}]} {
    %mul3A = arith.constant 2 : i32
    %mul3A_0 = arith.muli %arg1, %mul3A : i32
    %add3A = arith.addi %mul3A_0, %arg0 : i32
    "tpu.region"() ({
      %run_scoped3A = tpu.sem_alloc : memref<!tpu.dma_semaphore, #tpu.memory_space<semaphore_mem>>
      tpu.enqueue_dma source(%arg3 : memref<16384xi32, #tpu.memory_space<hbm>>) target(%arg6 : memref<16384xi32, #tpu.memory_space<vmem>>) target_semaphore(%run_scoped3A : memref<!tpu.dma_semaphore, #tpu.memory_space<semaphore_mem>>)
      tpu.wait_dma2 semaphore(%run_scoped3A : memref<!tpu.dma_semaphore, #tpu.memory_space<semaphore_mem>>) src(%arg3 : memref<16384xi32, #tpu.memory_space<hbm>>) dst(%arg6 : memref<16384xi32, #tpu.memory_space<vmem>>)
      tpu.yield
    }) : () -> ()
    %mul3A_1 = arith.constant 4 : i32
    %mul3A_2 = arith.muli %add3A, %mul3A_1 : i32
    %add3A_3 = arith.constant 0 : i32
    %add3A_4 = arith.addi %mul3A_2, %add3A_3 : i32
    %mul3A_5 = arith.constant 128 : i32
    %mul3A_6 = arith.muli %add3A_4, %mul3A_5 : i32
    %add3A_7 = arith.constant 0 : i32
    %add3A_8 = arith.addi %mul3A_6, %add3A_7 : i32
    %get3A = arith.index_cast %add3A_8 : i32 to index
    %get3A_9 = tpu.vector_load %arg6[%get3A] {strides = array<i32>} : memref<16384xi32, #tpu.memory_space<vmem>>, vector<16xi32>,
    %swap3A = arith.constant 0 : i32
    %swap3A_10 = arith.index_cast %swap3A : i32 to index
    %swap3A_11 = arith.constant 0 : index
    %swap3A_12 = tpu.vector_load %arg7[%swap3A_10, %swap3A_11] {strides = array<i32>} : memref<4x128xi32, #tpu.memory_space<vmem>>, vector<16xi32>,
    tpu.vector_store %arg7[%swap3A_10, %swap3A_11], %get3A_9 {strides = array<i32>} : memref<4x128xi32, #tpu.memory_space<vmem>>, vector<16xi32>,
    %mul3A_13 = arith.constant 4 : i32
    %mul3A_14 = arith.muli %add3A, %mul3A_13 : i32
    %add3A_15 = arith.constant 0 : i32
    %add3A_16 = arith.addi %mul3A_14, %add3A_15 : i32
    %mul3A_17 = arith.constant 128 : i32
    %mul3A_18 = arith.muli %add3A_16, %mul3A_17 : i32
    %add3A_19 = arith.constant 16 : i32
    %add3A_20 = arith.addi %mul3A_18, %add3A_19 : i32
    %get3A_21 = arith.index_cast %add3A_20 : i32 to index
    %get3A_22 = tpu.vector_load %arg6[%get3A_21] {strides = array<i32>} : memref<16384xi32, #tpu.memory_space<vmem>>, vector<16xi32>,
    %swap3A_23 = arith.constant 0 : i32
    %swap3A_24 = arith.index_cast %swap3A_23 : i32 to index
    %swap3A_25 = arith.constant 16 : index
    %swap3A_26 = tpu.vector_load %arg7[%swap3A_24, %swap3A_25] {strides = array<i32>} : memref<4x128xi32, #tpu.memory_space<vmem>>, vector<16xi32>,
    tpu.vector_store %arg7[%swap3A_24, %swap3A_25], %get3A_22 {strides = array<i32>} : memref<4x128xi32, #tpu.memory_space<vmem>>, vector<16xi32>,
    %mul3A_27 = arith.constant 4 : i32
    %mul3A_28 = arith.muli %add3A, %mul3A_27 : i32
    %add3A_29 = arith.constant 0 : i32
    %add3A_30 = arith.addi %mul3A_28, %add3A_29 : i32
    %mul3A_31 = arith.constant 128 : i32
    %mul3A_32 = arith.muli %add3A_30, %mul3A_31 : i32
    %add3A_33 = arith.constant 32 : i32
    %add3A_34 = arith.addi %mul3A_32, %add3A_33 : i32
    %get3A_35 = arith.index_cast %add3A_34 : i32 to index
    %get3A_36 = tpu.vector_load %arg6[%get3A_35] {strides = array<i32>} : memref<16384xi32, #tpu.memory_space<vmem>>, vector<16xi32>,
    %swap3A_37 = arith.constant 0 : i32
    %swap3A_38 = arith.index_cast %swap3A_37 : i32 to index
    %swap3A_39 = arith.constant 32 : index
    %swap3A_40 = tpu.vector_load %arg7[%swap3A_38, %swap3A_39] {strides = array<i32>} : memref<4x128xi32, #tpu.memory_space<vmem>>, vector<16xi32>,
    tpu.vector_store %arg7[%swap3A_38, %swap3A_39], %get3A_36 {strides = array<i32>} : memref<4x128xi32, #tpu.memory_space<vmem>>, vector<16xi32>,
    %mul3A_41 = arith.constant 4 : i32
    %mul3A_42 = arith.muli %add3A, %mul3A_41 : i32
    %add3A_43 = arith.constant 0 : i32
    %add3A_44 = arith.addi %mul3A_42, %add3A_43 : i32
    %mul3A_45 = arith.constant 128 : i32
    %mul3A_46 = arith.muli %add3A_44, %mul3A_45 : i32
    %add3A_47 = arith.constant 48 : i32
    %add3A_48 = arith.addi %mul3A_46, %add3A_47 : i32
    %get3A_49 = arith.index_cast %add3A_48 : i32 to index
    %get3A_50 = tpu.vector_load %arg6[%get3A_49] {strides = array<i32>} : memref<16384xi32, #tpu.memory_space<vmem>>, vector<16xi32>,
    %swap3A_51 = arith.constant 0 : i32
    %swap3A_52 = arith.index_cast %swap3A_51 : i32 to index
    %swap3A_53 = arith.constant 48 : index
    %swap3A_54 = tpu.vector_load %arg7[%swap3A_52, %swap3A_53] {strides = array<i32>} : memref<4x128xi32, #tpu.memory_space<vmem>>, vector<16xi32>,
    tpu.vector_store %arg7[%swap3A_52, %swap3A_53], %get3A_50 {strides = array<i32>} : memref<4x128xi32, #tpu.memory_space<vmem>>, vector<16xi32>,
    %mul3A_55 = arith.constant 4 : i32
    %mul3A_56 = arith.muli %add3A, %mul3A_55 : i32
    %add3A_57 = arith.constant 0 : i32
    %add3A_58 = arith.addi %mul3A_56, %add3A_57 : i32
    %mul3A_59 = arith.constant 128 : i32
    %mul3A_60 = arith.muli %add3A_58, %mul3A_59 : i32
    %add3A_61 = arith.constant 64 : i32
    %add3A_62 = arith.addi %mul3A_60, %add3A_61 : i32
    %get3A_63 = arith.index_cast %add3A_62 : i32 to index
    %get3A_64 = tpu.vector_load %arg6[%get3A_63] {strides = array<i32>} : memref<16384xi32, #tpu.memory_space<vmem>>, vector<16xi32>,
    %swap3A_65 = arith.constant 0 : i32
    %swap3A_66 = arith.index_cast %swap3A_65 : i32 to index
    %swap3A_67 = arith.constant 64 : index
    %swap3A_68 = tpu.vector_load %arg7[%swap3A_66, %swap3A_67] {strides = array<i32>} : memref<4x128xi32, #tpu.memory_space<vmem>>, vector<16xi32>,
    tpu.vector_store %arg7[%swap3A_66, %swap3A_67], %get3A_64 {strides = array<i32>} : memref<4x128xi32, #tpu.memory_space<vmem>>, vector<16xi32>,
    %mul3A_69 = arith.constant 4 : i32
    %mul3A_70 = arith.muli %add3A, %mul3A_69 : i32
    %add3A_71 = arith.constant 0 : i32
    %add3A_72 = arith.addi %mul3A_70, %add3A_71 : i32
    %mul3A_73 = arith.constant 128 : i32
    %mul3A_74 = arith.muli %add3A_72, %mul3A_73 : i32
    %add3A_75 = arith.constant 80 : i32
    %add3A_76 = arith.addi %mul3A_74, %add3A_75 : i32
    %get3A_77 = arith.index_cast %add3A_76 : i32 to index
    %get3A_78 = tpu.vector_load %arg6[%get3A_77] {strides = array<i32>} : memref<16384xi32, #tpu.memory_space<vmem>>, vector<16xi32>,
    %swap3A_79 = arith.constant 0 : i32
    %swap3A_80 = arith.index_cast %swap3A_79 : i32 to index
    %swap3A_81 = arith.constant 80 : index
    %swap3A_82 = tpu.vector_load %arg7[%swap3A_80, %swap3A_81] {strides = array<i32>} : memref<4x128xi32, #tpu.memory_space<vmem>>, vector<16xi32>,
    tpu.vector_store %arg7[%swap3A_80, %swap3A_81], %get3A_78 {strides = array<i32>} : memref<4x128xi32, #tpu.memory_space<vmem>>, vector<16xi32>,
    %mul3A_83 = arith.constant 4 : i32
    %mul3A_84 = arith.muli %add3A, %mul3A_83 : i32
    %add3A_85 = arith.constant 0 : i32
    %add3A_86 = arith.addi %mul3A_84, %add3A_85 : i32
    %mul3A_87 = arith.constant 128 : i32
    %mul3A_88 = arith.muli %add3A_86, %mul3A_87 : i32
    %add3A_89 = arith.constant 96 : i32
    %add3A_90 = arith.addi %mul3A_88, %add3A_89 : i32
    %get3A_91 = arith.index_cast %add3A_90 : i32 to index
    %get3A_92 = tpu.vector_load %arg6[%get3A_91] {strides = array<i32>} : memref<16384xi32, #tpu.memory_space<vmem>>, vector<16xi32>,
    %swap3A_93 = arith.constant 0 : i32
    %swap3A_94 = arith.index_cast %swap3A_93 : i32 to index
    %swap3A_95 = arith.constant 96 : index
    %swap3A_96 = tpu.vector_load %arg7[%swap3A_94, %swap3A_95] {strides = array<i32>} : memref<4x128xi32, #tpu.memory_space<vmem>>, vector<16xi32>,
    tpu.vector_store %arg7[%swap3A_94, %swap3A_95], %get3A_92 {strides = array<i32>} : memref<4x128xi32, #tpu.memory_space<vmem>>, vector<16xi32>,
    %mul3A_97 = arith.constant 4 : i32
    %mul3A_98 = arith.muli %add3A, %mul3A_97 : i32
    %add3A_99 = arith.constant 0 : i32
    %add3A_100 = arith.addi %mul3A_98, %add3A_99 : i32
    %mul3A_101 = arith.constant 128 : i32
    %mul3A_102 = arith.muli %add3A_100, %mul3A_101 : i32
    %add3A_103 = arith.constant 112 : i32
    %add3A_104 = arith.addi %mul3A_102, %add3A_103 : i32
    %get3A_105 = arith.index_cast %add3A_104 : i32 to index
    %get3A_106 = tpu.vector_load %arg6[%get3A_105] {strides = array<i32>} : memref<16384xi32, #tpu.memory_space<vmem>>, vector<16xi32>,
    %swap3A_107 = arith.constant 0 : i32
    %swap3A_108 = arith.index_cast %swap3A_107 : i32 to index
    %swap3A_109 = arith.constant 112 : index
    %swap3A_110 = tpu.vector_load %arg7[%swap3A_108, %swap3A_109] {strides = array<i32>} : memref<4x128xi32, #tpu.memory_space<vmem>>, vector<16xi32>,
    tpu.vector_store %arg7[%swap3A_108, %swap3A_109], %get3A_106 {strides = array<i32>} : memref<4x128xi32, #tpu.memory_space<vmem>>, vector<16xi32>,
    %mul3A_111 = arith.constant 4 : i32
    %mul3A_112 = arith.muli %add3A, %mul3A_111 : i32
    %add3A_113 = arith.constant 1 : i32
    %add3A_114 = arith.addi %mul3A_112, %add3A_113 : i32
    %mul3A_115 = arith.constant 128 : i32
    %mul3A_116 = arith.muli %add3A_114, %mul3A_115 : i32
    %add3A_117 = arith.constant 0 : i32
    %add3A_118 = arith.addi %mul3A_116, %add3A_117 : i32
    %get3A_119 = arith.index_cast %add3A_118 : i32 to index
    %get3A_120 = tpu.vector_load %arg6[%get3A_119] {strides = array<i32>} : memref<16384xi32, #tpu.memory_space<vmem>>, vector<16xi32>,
    %swap3A_121 = arith.constant 1 : i32
    %swap3A_122 = arith.index_cast %swap3A_121 : i32 to index
    %swap3A_123 = arith.constant 0 : index
    %swap3A_124 = tpu.vector_load %arg7[%swap3A_122, %swap3A_123] {strides = array<i32>} : memref<4x128xi32, #tpu.memory_space<vmem>>, vector<16xi32>,
    tpu.vector_store %arg7[%swap3A_122, %swap3A_123], %get3A_120 {strides = array<i32>} : memref<4x128xi32, #tpu.memory_space<vmem>>, vector<16xi32>,
    %mul3A_125 = arith.constant 4 : i32
    %mul3A_126 = arith.muli %add3A, %mul3A_125 : i32
    %add3A_127 = arith.constant 1 : i32
    %add3A_128 = arith.addi %mul3A_126, %add3A_127 : i32
    %mul3A_129 = arith.constant 128 : i32
    %mul3A_130 = arith.muli %add3A_128, %mul3A_129 : i32
    %add3A_131 = arith.constant 16 : i32
    %add3A_132 = arith.addi %mul3A_130, %add3A_131 : i32
    %get3A_133 = arith.index_cast %add3A_132 : i32 to index
    %get3A_134 = tpu.vector_load %arg6[%get3A_133] {strides = array<i32>} : memref<16384xi32, #tpu.memory_space<vmem>>, vector<16xi32>,
    %swap3A_135 = arith.constant 1 : i32
    %swap3A_136 = arith.index_cast %swap3A_135 : i32 to index
    %swap3A_137 = arith.constant 16 : index
    %swap3A_138 = tpu.vector_load %arg7[%swap3A_136, %swap3A_137] {strides = array<i32>} : memref<4x128xi32, #tpu.memory_space<vmem>>, vector<16xi32>,
    tpu.vector_store %arg7[%swap3A_136, %swap3A_137], %get3A_134 {strides = array<i32>} : memref<4x128xi32, #tpu.memory_space<vmem>>, vector<16xi32>,
    %mul3A_139 = arith.constant 4 : i32
    %mul3A_140 = arith.muli %add3A, %mul3A_139 : i32
    %add3A_141 = arith.constant 1 : i32
    %add3A_142 = arith.addi %mul3A_140, %add3A_141 : i32
    %mul3A_143 = arith.constant 128 : i32
    %mul3A_144 = arith.muli %add3A_142, %mul3A_143 : i32
    %add3A_145 = arith.constant 32 : i32
    %add3A_146 = arith.addi %mul3A_144, %add3A_145 : i32
    %get3A_147 = arith.index_cast %add3A_146 : i32 to index
    %get3A_148 = tpu.vector_load %arg6[%get3A_147] {strides = array<i32>} : memref<16384xi32, #tpu.memory_space<vmem>>, vector<16xi32>,
    %swap3A_149 = arith.constant 1 : i32
    %swap3A_150 = arith.index_cast %swap3A_149 : i32 to index
    %swap3A_151 = arith.constant 32 : index
    %swap3A_152 = tpu.vector_load %arg7[%swap3A_150, %swap3A_151] {strides = array<i32>} : memref<4x128xi32, #tpu.memory_space<vmem>>, vector<16xi32>,
    tpu.vector_store %arg7[%swap3A_150, %swap3A_151], %get3A_148 {strides = array<i32>} : memref<4x128xi32, #tpu.memory_space<vmem>>, vector<16xi32>,
    %mul3A_153 = arith.constant 4 : i32
    %mul3A_154 = arith.muli %add3A, %mul3A_153 : i32
    %add3A_155 = arith.constant 1 : i32
    %add3A_156 = arith.addi %mul3A_154, %add3A_155 : i32
    %mul3A_157 = arith.constant 128 : i32
    %mul3A_158 = arith.muli %add3A_156, %mul3A_157 : i32
    %add3A_159 = arith.constant 48 : i32
    %add3A_160 = arith.addi %mul3A_158, %add3A_159 : i32
    %get3A_161 = arith.index_cast %add3A_160 : i32 to index
    %get3A_162 = tpu.vector_load %arg6[%get3A_161] {strides = array<i32>} : memref<16384xi32, #tpu.memory_space<vmem>>, vector<16xi32>,
    %swap3A_163 = arith.constant 1 : i32
    %swap3A_164 = arith.index_cast %swap3A_163 : i32 to index
    %swap3A_165 = arith.constant 48 : index
    %swap3A_166 = tpu.vector_load %arg7[%swap3A_164, %swap3A_165] {strides = array<i32>} : memref<4x128xi32, #tpu.memory_space<vmem>>, vector<16xi32>,
    tpu.vector_store %arg7[%swap3A_164, %swap3A_165], %get3A_162 {strides = array<i32>} : memref<4x128xi32, #tpu.memory_space<vmem>>, vector<16xi32>,
    %mul3A_167 = arith.constant 4 : i32
    %mul3A_168 = arith.muli %add3A, %mul3A_167 : i32
    %add3A_169 = arith.constant 1 : i32
    %add3A_170 = arith.addi %mul3A_168, %add3A_169 : i32
    %mul3A_171 = arith.constant 128 : i32
    %mul3A_172 = arith.muli %add3A_170, %mul3A_171 : i32
    %add3A_173 = arith.constant 64 : i32
    %add3A_174 = arith.addi %mul3A_172, %add3A_173 : i32
    %get3A_175 = arith.index_cast %add3A_174 : i32 to index
    %get3A_176 = tpu.vector_load %arg6[%get3A_175] {strides = array<i32>} : memref<16384xi32, #tpu.memory_space<vmem>>, vector<16xi32>,
    %swap3A_177 = arith.constant 1 : i32
    %swap3A_178 = arith.index_cast %swap3A_177 : i32 to index
    %swap3A_179 = arith.constant 64 : index
    %swap3A_180 = tpu.vector_load %arg7[%swap3A_178, %swap3A_179] {strides = array<i32>} : memref<4x128xi32, #tpu.memory_space<vmem>>, vector<16xi32>,
    tpu.vector_store %arg7[%swap3A_178, %swap3A_179], %get3A_176 {strides = array<i32>} : memref<4x128xi32, #tpu.memory_space<vmem>>, vector<16xi32>,
    %mul3A_181 = arith.constant 4 : i32
    %mul3A_182 = arith.muli %add3A, %mul3A_181 : i32
    %add3A_183 = arith.constant 1 : i32
    %add3A_184 = arith.addi %mul3A_182, %add3A_183 : i32
    %mul3A_185 = arith.constant 128 : i32
    %mul3A_186 = arith.muli %add3A_184, %mul3A_185 : i32
    %add3A_187 = arith.constant 80 : i32
    %add3A_188 = arith.addi %mul3A_186, %add3A_187 : i32
    %get3A_189 = arith.index_cast %add3A_188 : i32 to index
    %get3A_190 = tpu.vector_load %arg6[%get3A_189] {strides = array<i32>} : memref<16384xi32, #tpu.memory_space<vmem>>, vector<16xi32>,
    %swap3A_191 = arith.constant 1 : i32
    %swap3A_192 = arith.index_cast %swap3A_191 : i32 to index
    %swap3A_193 = arith.constant 80 : index
    %swap3A_194 = tpu.vector_load %arg7[%swap3A_192, %swap3A_193] {strides = array<i32>} : memref<4x128xi32, #tpu.memory_space<vmem>>, vector<16xi32>,
    tpu.vector_store %arg7[%swap3A_192, %swap3A_193], %get3A_190 {strides = array<i32>} : memref<4x128xi32, #tpu.memory_space<vmem>>, vector<16xi32>,
    %mul3A_195 = arith.constant 4 : i32
    %mul3A_196 = arith.muli %add3A, %mul3A_195 : i32
    %add3A_197 = arith.constant 1 : i32
    %add3A_198 = arith.addi %mul3A_196, %add3A_197 : i32
    %mul3A_199 = arith.constant 128 : i32
    %mul3A_200 = arith.muli %add3A_198, %mul3A_199 : i32
    %add3A_201 = arith.constant 96 : i32
    %add3A_202 = arith.addi %mul3A_200, %add3A_201 : i32
    %get3A_203 = arith.index_cast %add3A_202 : i32 to index
    %get3A_204 = tpu.vector_load %arg6[%get3A_203] {strides = array<i32>} : memref<16384xi32, #tpu.memory_space<vmem>>, vector<16xi32>,
    %swap3A_205 = arith.constant 1 : i32
    %swap3A_206 = arith.index_cast %swap3A_205 : i32 to index
    %swap3A_207 = arith.constant 96 : index
    %swap3A_208 = tpu.vector_load %arg7[%swap3A_206, %swap3A_207] {strides = array<i32>} : memref<4x128xi32, #tpu.memory_space<vmem>>, vector<16xi32>,
    tpu.vector_store %arg7[%swap3A_206, %swap3A_207], %get3A_204 {strides = array<i32>} : memref<4x128xi32, #tpu.memory_space<vmem>>, vector<16xi32>,
    %mul3A_209 = arith.constant 4 : i32
    %mul3A_210 = arith.muli %add3A, %mul3A_209 : i32
    %add3A_211 = arith.constant 1 : i32
    %add3A_212 = arith.addi %mul3A_210, %add3A_211 : i32
    %mul3A_213 = arith.constant 128 : i32
    %mul3A_214 = arith.muli %add3A_212, %mul3A_213 : i32
    %add3A_215 = arith.constant 112 : i32
    %add3A_216 = arith.addi %mul3A_214, %add3A_215 : i32
    %get3A_217 = arith.index_cast %add3A_216 : i32 to index
    %get3A_218 = tpu.vector_load %arg6[%get3A_217] {strides = array<i32>} : memref<16384xi32, #tpu.memory_space<vmem>>, vector<16xi32>,
    %swap3A_219 = arith.constant 1 : i32
    %swap3A_220 = arith.index_cast %swap3A_219 : i32 to index
    %swap3A_221 = arith.constant 112 : index
    %swap3A_222 = tpu.vector_load %arg7[%swap3A_220, %swap3A_221] {strides = array<i32>} : memref<4x128xi32, #tpu.memory_space<vmem>>, vector<16xi32>,
    tpu.vector_store %arg7[%swap3A_220, %swap3A_221], %get3A_218 {strides = array<i32>} : memref<4x128xi32, #tpu.memory_space<vmem>>, vector<16xi32>,
    %mul3A_223 = arith.constant 4 : i32
    %mul3A_224 = arith.muli %add3A, %mul3A_223 : i32
    %add3A_225 = arith.constant 2 : i32
    %add3A_226 = arith.addi %mul3A_224, %add3A_225 : i32
    %mul3A_227 = arith.constant 128 : i32
    %mul3A_228 = arith.muli %add3A_226, %mul3A_227 : i32
    %add3A_229 = arith.constant 0 : i32
    %add3A_230 = arith.addi %mul3A_228, %add3A_229 : i32
    %get3A_231 = arith.index_cast %add3A_230 : i32 to index
    %get3A_232 = tpu.vector_load %arg6[%get3A_231] {strides = array<i32>} : memref<16384xi32, #tpu.memory_space<vmem>>, vector<16xi32>,
    %swap3A_233 = arith.constant 2 : i32
    %swap3A_234 = arith.index_cast %swap3A_233 : i32 to index
    %swap3A_235 = arith.constant 0 : index
    %swap3A_236 = tpu.vector_load %arg7[%swap3A_234, %swap3A_235] {strides = array<i32>} : memref<4x128xi32, #tpu.memory_space<vmem>>, vector<16xi32>,
    tpu.vector_store %arg7[%swap3A_234, %swap3A_235], %get3A_232 {strides = array<i32>} : memref<4x128xi32, #tpu.memory_space<vmem>>, vector<16xi32>,
    %mul3A_237 = arith.constant 4 : i32
    %mul3A_238 = arith.muli %add3A, %mul3A_237 : i32
    %add3A_239 = arith.constant 2 : i32
    %add3A_240 = arith.addi %mul3A_238, %add3A_239 : i32
    %mul3A_241 = arith.constant 128 : i32
    %mul3A_242 = arith.muli %add3A_240, %mul3A_241 : i32
    %add3A_243 = arith.constant 16 : i32
    %add3A_244 = arith.addi %mul3A_242, %add3A_243 : i32
    %get3A_245 = arith.index_cast %add3A_244 : i32 to index
    %get3A_246 = tpu.vector_load %arg6[%get3A_245] {strides = array<i32>} : memref<16384xi32, #tpu.memory_space<vmem>>, vector<16xi32>,
    %swap3A_247 = arith.constant 2 : i32
    %swap3A_248 = arith.index_cast %swap3A_247 : i32 to index
    %swap3A_249 = arith.constant 16 : index
    %swap3A_250 = tpu.vector_load %arg7[%swap3A_248, %swap3A_249] {strides = array<i32>} : memref<4x128xi32, #tpu.memory_space<vmem>>, vector<16xi32>,
    tpu.vector_store %arg7[%swap3A_248, %swap3A_249], %get3A_246 {strides = array<i32>} : memref<4x128xi32, #tpu.memory_space<vmem>>, vector<16xi32>,
    %mul3A_251 = arith.constant 4 : i32
    %mul3A_252 = arith.muli %add3A, %mul3A_251 : i32
    %add3A_253 = arith.constant 2 : i32
    %add3A_254 = arith.addi %mul3A_252, %add3A_253 : i32
    %mul3A_255 = arith.constant 128 : i32
    %mul3A_256 = arith.muli %add3A_254, %mul3A_255 : i32
    %add3A_257 = arith.constant 32 : i32
    %add3A_258 = arith.addi %mul3A_256, %add3A_257 : i32
    %get3A_259 = arith.index_cast %add3A_258 : i32 to index
    %get3A_260 = tpu.vector_load %arg6[%get3A_259] {strides = array<i32>} : memref<16384xi32, #tpu.memory_space<vmem>>, vector<16xi32>,
    %swap3A_261 = arith.constant 2 : i32
    %swap3A_262 = arith.index_cast %swap3A_261 : i32 to index
    %swap3A_263 = arith.constant 32 : index
    %swap3A_264 = tpu.vector_load %arg7[%swap3A_262, %swap3A_263] {strides = array<i32>} : memref<4x128xi32, #tpu.memory_space<vmem>>, vector<16xi32>,
    tpu.vector_store %arg7[%swap3A_262, %swap3A_263], %get3A_260 {strides = array<i32>} : memref<4x128xi32, #tpu.memory_space<vmem>>, vector<16xi32>,
    %mul3A_265 = arith.constant 4 : i32
    %mul3A_266 = arith.muli %add3A, %mul3A_265 : i32
    %add3A_267 = arith.constant 2 : i32
    %add3A_268 = arith.addi %mul3A_266, %add3A_267 : i32
    %mul3A_269 = arith.constant 128 : i32
    %mul3A_270 = arith.muli %add3A_268, %mul3A_269 : i32
    %add3A_271 = arith.constant 48 : i32
    %add3A_272 = arith.addi %mul3A_270, %add3A_271 : i32
    %get3A_273 = arith.index_cast %add3A_272 : i32 to index
    %get3A_274 = tpu.vector_load %arg6[%get3A_273] {strides = array<i32>} : memref<16384xi32, #tpu.memory_space<vmem>>, vector<16xi32>,
    %swap3A_275 = arith.constant 2 : i32
    %swap3A_276 = arith.index_cast %swap3A_275 : i32 to index
    %swap3A_277 = arith.constant 48 : index
    %swap3A_278 = tpu.vector_load %arg7[%swap3A_276, %swap3A_277] {strides = array<i32>} : memref<4x128xi32, #tpu.memory_space<vmem>>, vector<16xi32>,
    tpu.vector_store %arg7[%swap3A_276, %swap3A_277], %get3A_274 {strides = array<i32>} : memref<4x128xi32, #tpu.memory_space<vmem>>, vector<16xi32>,
    %mul3A_279 = arith.constant 4 : i32
    %mul3A_280 = arith.muli %add3A, %mul3A_279 : i32
    %add3A_281 = arith.constant 2 : i32
    %add3A_282 = arith.addi %mul3A_280, %add3A_281 : i32
    %mul3A_283 = arith.constant 128 : i32
    %mul3A_284 = arith.muli %add3A_282, %mul3A_283 : i32
    %add3A_285 = arith.constant 64 : i32
    %add3A_286 = arith.addi %mul3A_284, %add3A_285 : i32
    %get3A_287 = arith.index_cast %add3A_286 : i32 to index
    %get3A_288 = tpu.vector_load %arg6[%get3A_287] {strides = array<i32>} : memref<16384xi32, #tpu.memory_space<vmem>>, vector<16xi32>,
    %swap3A_289 = arith.constant 2 : i32
    %swap3A_290 = arith.index_cast %swap3A_289 : i32 to index
    %swap3A_291 = arith.constant 64 : index
    %swap3A_292 = tpu.vector_load %arg7[%swap3A_290, %swap3A_291] {strides = array<i32>} : memref<4x128xi32, #tpu.memory_space<vmem>>, vector<16xi32>,
    tpu.vector_store %arg7[%swap3A_290, %swap3A_291], %get3A_288 {strides = array<i32>} : memref<4x128xi32, #tpu.memory_space<vmem>>, vector<16xi32>,
    %mul3A_293 = arith.constant 4 : i32
    %mul3A_294 = arith.muli %add3A, %mul3A_293 : i32
    %add3A_295 = arith.constant 2 : i32
    %add3A_296 = arith.addi %mul3A_294, %add3A_295 : i32
    %mul3A_297 = arith.constant 128 : i32
    %mul3A_298 = arith.muli %add3A_296, %mul3A_297 : i32
    %add3A_299 = arith.constant 80 : i32
    %add3A_300 = arith.addi %mul3A_298, %add3A_299 : i32
    %get3A_301 = arith.index_cast %add3A_300 : i32 to index
    %get3A_302 = tpu.vector_load %arg6[%get3A_301] {strides = array<i32>} : memref<16384xi32, #tpu.memory_space<vmem>>, vector<16xi32>,
    %swap3A_303 = arith.constant 2 : i32
    %swap3A_304 = arith.index_cast %swap3A_303 : i32 to index
    %swap3A_305 = arith.constant 80 : index
    %swap3A_306 = tpu.vector_load %arg7[%swap3A_304, %swap3A_305] {strides = array<i32>} : memref<4x128xi32, #tpu.memory_space<vmem>>, vector<16xi32>,
    tpu.vector_store %arg7[%swap3A_304, %swap3A_305], %get3A_302 {strides = array<i32>} : memref<4x128xi32, #tpu.memory_space<vmem>>, vector<16xi32>,
    %mul3A_307 = arith.constant 4 : i32
    %mul3A_308 = arith.muli %add3A, %mul3A_307 : i32
    %add3A_309 = arith.constant 2 : i32
    %add3A_310 = arith.addi %mul3A_308, %add3A_309 : i32
    %mul3A_311 = arith.constant 128 : i32
    %mul3A_312 = arith.muli %add3A_310, %mul3A_311 : i32
    %add3A_313 = arith.constant 96 : i32
    %add3A_314 = arith.addi %mul3A_312, %add3A_313 : i32
    %get3A_315 = arith.index_cast %add3A_314 : i32 to index
    %get3A_316 = tpu.vector_load %arg6[%get3A_315] {strides = array<i32>} : memref<16384xi32, #tpu.memory_space<vmem>>, vector<16xi32>,
    %swap3A_317 = arith.constant 2 : i32
    %swap3A_318 = arith.index_cast %swap3A_317 : i32 to index
    %swap3A_319 = arith.constant 96 : index
    %swap3A_320 = tpu.vector_load %arg7[%swap3A_318, %swap3A_319] {strides = array<i32>} : memref<4x128xi32, #tpu.memory_space<vmem>>, vector<16xi32>,
    tpu.vector_store %arg7[%swap3A_318, %swap3A_319], %get3A_316 {strides = array<i32>} : memref<4x128xi32, #tpu.memory_space<vmem>>, vector<16xi32>,
    %mul3A_321 = arith.constant 4 : i32
    %mul3A_322 = arith.muli %add3A, %mul3A_321 : i32
    %add3A_323 = arith.constant 2 : i32
    %add3A_324 = arith.addi %mul3A_322, %add3A_323 : i32
    %mul3A_325 = arith.constant 128 : i32
    %mul3A_326 = arith.muli %add3A_324, %mul3A_325 : i32
    %add3A_327 = arith.constant 112 : i32
    %add3A_328 = arith.addi %mul3A_326, %add3A_327 : i32
    %get3A_329 = arith.index_cast %add3A_328 : i32 to index
    %get3A_330 = tpu.vector_load %arg6[%get3A_329] {strides = array<i32>} : memref<16384xi32, #tpu.memory_space<vmem>>, vector<16xi32>,
    %swap3A_331 = arith.constant 2 : i32
    %swap3A_332 = arith.index_cast %swap3A_331 : i32 to index
    %swap3A_333 = arith.constant 112 : index
    %swap3A_334 = tpu.vector_load %arg7[%swap3A_332, %swap3A_333] {strides = array<i32>} : memref<4x128xi32, #tpu.memory_space<vmem>>, vector<16xi32>,
    tpu.vector_store %arg7[%swap3A_332, %swap3A_333], %get3A_330 {strides = array<i32>} : memref<4x128xi32, #tpu.memory_space<vmem>>, vector<16xi32>,
    %mul3A_335 = arith.constant 4 : i32
    %mul3A_336 = arith.muli %add3A, %mul3A_335 : i32
    %add3A_337 = arith.constant 3 : i32
    %add3A_338 = arith.addi %mul3A_336, %add3A_337 : i32
    %mul3A_339 = arith.constant 128 : i32
    %mul3A_340 = arith.muli %add3A_338, %mul3A_339 : i32
    %add3A_341 = arith.constant 0 : i32
    %add3A_342 = arith.addi %mul3A_340, %add3A_341 : i32
    %get3A_343 = arith.index_cast %add3A_342 : i32 to index
    %get3A_344 = tpu.vector_load %arg6[%get3A_343] {strides = array<i32>} : memref<16384xi32, #tpu.memory_space<vmem>>, vector<16xi32>,
    %swap3A_345 = arith.constant 3 : i32
    %swap3A_346 = arith.index_cast %swap3A_345 : i32 to index
    %swap3A_347 = arith.constant 0 : index
    %swap3A_348 = tpu.vector_load %arg7[%swap3A_346, %swap3A_347] {strides = array<i32>} : memref<4x128xi32, #tpu.memory_space<vmem>>, vector<16xi32>,
    tpu.vector_store %arg7[%swap3A_346, %swap3A_347], %get3A_344 {strides = array<i32>} : memref<4x128xi32, #tpu.memory_space<vmem>>, vector<16xi32>,
    %mul3A_349 = arith.constant 4 : i32
    %mul3A_350 = arith.muli %add3A, %mul3A_349 : i32
    %add3A_351 = arith.constant 3 : i32
    %add3A_352 = arith.addi %mul3A_350, %add3A_351 : i32
    %mul3A_353 = arith.constant 128 : i32
    %mul3A_354 = arith.muli %add3A_352, %mul3A_353 : i32
    %add3A_355 = arith.constant 16 : i32
    %add3A_356 = arith.addi %mul3A_354, %add3A_355 : i32
    %get3A_357 = arith.index_cast %add3A_356 : i32 to index
    %get3A_358 = tpu.vector_load %arg6[%get3A_357] {strides = array<i32>} : memref<16384xi32, #tpu.memory_space<vmem>>, vector<16xi32>,
    %swap3A_359 = arith.constant 3 : i32
    %swap3A_360 = arith.index_cast %swap3A_359 : i32 to index
    %swap3A_361 = arith.constant 16 : index
    %swap3A_362 = tpu.vector_load %arg7[%swap3A_360, %swap3A_361] {strides = array<i32>} : memref<4x128xi32, #tpu.memory_space<vmem>>, vector<16xi32>,
    tpu.vector_store %arg7[%swap3A_360, %swap3A_361], %get3A_358 {strides = array<i32>} : memref<4x128xi32, #tpu.memory_space<vmem>>, vector<16xi32>,
    %mul3A_363 = arith.constant 4 : i32
    %mul3A_364 = arith.muli %add3A, %mul3A_363 : i32
    %add3A_365 = arith.constant 3 : i32
    %add3A_366 = arith.addi %mul3A_364, %add3A_365 : i32
    %mul3A_367 = arith.constant 128 : i32
    %mul3A_368 = arith.muli %add3A_366, %mul3A_367 : i32
    %add3A_369 = arith.constant 32 : i32
    %add3A_370 = arith.addi %mul3A_368, %add3A_369 : i32
    %get3A_371 = arith.index_cast %add3A_370 : i32 to index
    %get3A_372 = tpu.vector_load %arg6[%get3A_371] {strides = array<i32>} : memref<16384xi32, #tpu.memory_space<vmem>>, vector<16xi32>,
    %swap3A_373 = arith.constant 3 : i32
    %swap3A_374 = arith.index_cast %swap3A_373 : i32 to index
    %swap3A_375 = arith.constant 32 : index
    %swap3A_376 = tpu.vector_load %arg7[%swap3A_374, %swap3A_375] {strides = array<i32>} : memref<4x128xi32, #tpu.memory_space<vmem>>, vector<16xi32>,
    tpu.vector_store %arg7[%swap3A_374, %swap3A_375], %get3A_372 {strides = array<i32>} : memref<4x128xi32, #tpu.memory_space<vmem>>, vector<16xi32>,
    %mul3A_377 = arith.constant 4 : i32
    %mul3A_378 = arith.muli %add3A, %mul3A_377 : i32
    %add3A_379 = arith.constant 3 : i32
    %add3A_380 = arith.addi %mul3A_378, %add3A_379 : i32
    %mul3A_381 = arith.constant 128 : i32
    %mul3A_382 = arith.muli %add3A_380, %mul3A_381 : i32
    %add3A_383 = arith.constant 48 : i32
    %add3A_384 = arith.addi %mul3A_382, %add3A_383 : i32
    %get3A_385 = arith.index_cast %add3A_384 : i32 to index
    %get3A_386 = tpu.vector_load %arg6[%get3A_385] {strides = array<i32>} : memref<16384xi32, #tpu.memory_space<vmem>>, vector<16xi32>,
    %swap3A_387 = arith.constant 3 : i32
    %swap3A_388 = arith.index_cast %swap3A_387 : i32 to index
    %swap3A_389 = arith.constant 48 : index
    %swap3A_390 = tpu.vector_load %arg7[%swap3A_388, %swap3A_389] {strides = array<i32>} : memref<4x128xi32, #tpu.memory_space<vmem>>, vector<16xi32>,
    tpu.vector_store %arg7[%swap3A_388, %swap3A_389], %get3A_386 {strides = array<i32>} : memref<4x128xi32, #tpu.memory_space<vmem>>, vector<16xi32>,
    %mul3A_391 = arith.constant 4 : i32
    %mul3A_392 = arith.muli %add3A, %mul3A_391 : i32
    %add3A_393 = arith.constant 3 : i32
    %add3A_394 = arith.addi %mul3A_392, %add3A_393 : i32
    %mul3A_395 = arith.constant 128 : i32
    %mul3A_396 = arith.muli %add3A_394, %mul3A_395 : i32
    %add3A_397 = arith.constant 64 : i32
    %add3A_398 = arith.addi %mul3A_396, %add3A_397 : i32
    %get3A_399 = arith.index_cast %add3A_398 : i32 to index
    %get3A_400 = tpu.vector_load %arg6[%get3A_399] {strides = array<i32>} : memref<16384xi32, #tpu.memory_space<vmem>>, vector<16xi32>,
    %swap3A_401 = arith.constant 3 : i32
    %swap3A_402 = arith.index_cast %swap3A_401 : i32 to index
    %swap3A_403 = arith.constant 64 : index
    %swap3A_404 = tpu.vector_load %arg7[%swap3A_402, %swap3A_403] {strides = array<i32>} : memref<4x128xi32, #tpu.memory_space<vmem>>, vector<16xi32>,
    tpu.vector_store %arg7[%swap3A_402, %swap3A_403], %get3A_400 {strides = array<i32>} : memref<4x128xi32, #tpu.memory_space<vmem>>, vector<16xi32>,
    %mul3A_405 = arith.constant 4 : i32
    %mul3A_406 = arith.muli %add3A, %mul3A_405 : i32
    %add3A_407 = arith.constant 3 : i32
    %add3A_408 = arith.addi %mul3A_406, %add3A_407 : i32
    %mul3A_409 = arith.constant 128 : i32
    %mul3A_410 = arith.muli %add3A_408, %mul3A_409 : i32
    %add3A_411 = arith.constant 80 : i32
    %add3A_412 = arith.addi %mul3A_410, %add3A_411 : i32
    %get3A_413 = arith.index_cast %add3A_412 : i32 to index
    %get3A_414 = tpu.vector_load %arg6[%get3A_413] {strides = array<i32>} : memref<16384xi32, #tpu.memory_space<vmem>>, vector<16xi32>,
    %swap3A_415 = arith.constant 3 : i32
    %swap3A_416 = arith.index_cast %swap3A_415 : i32 to index
    %swap3A_417 = arith.constant 80 : index
    %swap3A_418 = tpu.vector_load %arg7[%swap3A_416, %swap3A_417] {strides = array<i32>} : memref<4x128xi32, #tpu.memory_space<vmem>>, vector<16xi32>,
    tpu.vector_store %arg7[%swap3A_416, %swap3A_417], %get3A_414 {strides = array<i32>} : memref<4x128xi32, #tpu.memory_space<vmem>>, vector<16xi32>,
    %mul3A_419 = arith.constant 4 : i32
    %mul3A_420 = arith.muli %add3A, %mul3A_419 : i32
    %add3A_421 = arith.constant 3 : i32
    %add3A_422 = arith.addi %mul3A_420, %add3A_421 : i32
    %mul3A_423 = arith.constant 128 : i32
    %mul3A_424 = arith.muli %add3A_422, %mul3A_423 : i32
    %add3A_425 = arith.constant 96 : i32
    %add3A_426 = arith.addi %mul3A_424, %add3A_425 : i32
    %get3A_427 = arith.index_cast %add3A_426 : i32 to index
    %get3A_428 = tpu.vector_load %arg6[%get3A_427] {strides = array<i32>} : memref<16384xi32, #tpu.memory_space<vmem>>, vector<16xi32>,
    %swap3A_429 = arith.constant 3 : i32
    %swap3A_430 = arith.index_cast %swap3A_429 : i32 to index
    %swap3A_431 = arith.constant 96 : index
    %swap3A_432 = tpu.vector_load %arg7[%swap3A_430, %swap3A_431] {strides = array<i32>} : memref<4x128xi32, #tpu.memory_space<vmem>>, vector<16xi32>,
    tpu.vector_store %arg7[%swap3A_430, %swap3A_431], %get3A_428 {strides = array<i32>} : memref<4x128xi32, #tpu.memory_space<vmem>>, vector<16xi32>,
    %mul3A_433 = arith.constant 4 : i32
    %mul3A_434 = arith.muli %add3A, %mul3A_433 : i32
    %add3A_435 = arith.constant 3 : i32
    %add3A_436 = arith.addi %mul3A_434, %add3A_435 : i32
    %mul3A_437 = arith.constant 128 : i32
    %mul3A_438 = arith.muli %add3A_436, %mul3A_437 : i32
    %add3A_439 = arith.constant 112 : i32
    %add3A_440 = arith.addi %mul3A_438, %add3A_439 : i32
    %get3A_441 = arith.index_cast %add3A_440 : i32 to index
    %get3A_442 = tpu.vector_load %arg6[%get3A_441] {strides = array<i32>} : memref<16384xi32, #tpu.memory_space<vmem>>, vector<16xi32>,
    %swap3A_443 = arith.constant 3 : i32
    %swap3A_444 = arith.index_cast %swap3A_443 : i32 to index
    %swap3A_445 = arith.constant 112 : index
    %swap3A_446 = tpu.vector_load %arg7[%swap3A_444, %swap3A_445] {strides = array<i32>} : memref<4x128xi32, #tpu.memory_space<vmem>>, vector<16xi32>,
    tpu.vector_store %arg7[%swap3A_444, %swap3A_445], %get3A_442 {strides = array<i32>} : memref<4x128xi32, #tpu.memory_space<vmem>>, vector<16xi32>,
    %dma_start3A = arith.constant 0 : i32
    %dma_start3A_447 = arith.constant 0 : i32
    %dma_start3A_448 = arith.constant 0 : i32
    %dma_start3A_449 = tpu.memref_slice %arg8[%dma_start3A_447, %dma_start3A_448] : memref<512x64xf32, #tpu.memory_space<vmem>> -> memref<128x64xf32, #tpu.memory_space<vmem>>
    %dma_start3A_450 = arith.constant 0 : i32
    %dma_start3A_451 = tpu.memref_slice %arg7[%dma_start3A, %dma_start3A_450] : memref<4x128xi32, #tpu.memory_space<vmem>> -> memref<1x128xi32, #tpu.memory_space<vmem>>
    %dma_start3A_452 = tpu.memref_squeeze %dma_start3A_451 : memref<1x128xi32, #tpu.memory_space<vmem>> -> memref<128xi32, #tpu.memory_space<vmem>>
    %dma_start3A_453 = arith.constant 0 : i32
    %dma_start3A_454 = arith.constant 0 : i32
    %dma_start3A_455 = tpu.memref_slice %arg2[%dma_start3A_453, %dma_start3A_454] : memref<100000x64xf32, #tpu.memory_space<hbm>> -> memref<100000x64xf32, #tpu.memory_space<hbm>>
    tpu.enqueue_indirect_dma source(%dma_start3A_455 : memref<100000x64xf32, #tpu.memory_space<hbm>>) target(%dma_start3A_449 : memref<128x64xf32, #tpu.memory_space<vmem>>) offsets(%dma_start3A_452 : memref<128xi32, #tpu.memory_space<vmem>>) semaphore(%arg9 : memref<!tpu.dma_semaphore, #tpu.memory_space<semaphore_mem>>)
    %dma_start3A_456 = arith.constant 1 : i32
    %dma_start3A_457 = arith.constant 128 : i32
    %dma_start3A_458 = arith.constant 0 : i32
    %dma_start3A_459 = tpu.memref_slice %arg8[%dma_start3A_457, %dma_start3A_458] : memref<512x64xf32, #tpu.memory_space<vmem>> -> memref<128x64xf32, #tpu.memory_space<vmem>>
    %dma_start3A_460 = arith.constant 0 : i32
    %dma_start3A_461 = tpu.memref_slice %arg7[%dma_start3A_456, %dma_start3A_460] : memref<4x128xi32, #tpu.memory_space<vmem>> -> memref<1x128xi32, #tpu.memory_space<vmem>>
    %dma_start3A_462 = tpu.memref_squeeze %dma_start3A_461 : memref<1x128xi32, #tpu.memory_space<vmem>> -> memref<128xi32, #tpu.memory_space<vmem>>
    %dma_start3A_463 = arith.constant 0 : i32
    %dma_start3A_464 = arith.constant 0 : i32
    %dma_start3A_465 = tpu.memref_slice %arg2[%dma_start3A_463, %dma_start3A_464] : memref<100000x64xf32, #tpu.memory_space<hbm>> -> memref<100000x64xf32, #tpu.memory_space<hbm>>
    tpu.enqueue_indirect_dma source(%dma_start3A_465 : memref<100000x64xf32, #tpu.memory_space<hbm>>) target(%dma_start3A_459 : memref<128x64xf32, #tpu.memory_space<vmem>>) offsets(%dma_start3A_462 : memref<128xi32, #tpu.memory_space<vmem>>) semaphore(%arg9 : memref<!tpu.dma_semaphore, #tpu.memory_space<semaphore_mem>>)
    %dma_start3A_466 = arith.constant 2 : i32
    %dma_start3A_467 = arith.constant 256 : i32
    %dma_start3A_468 = arith.constant 0 : i32
    %dma_start3A_469 = tpu.memref_slice %arg8[%dma_start3A_467, %dma_start3A_468] : memref<512x64xf32, #tpu.memory_space<vmem>> -> memref<128x64xf32, #tpu.memory_space<vmem>>
    %dma_start3A_470 = arith.constant 0 : i32
    %dma_start3A_471 = tpu.memref_slice %arg7[%dma_start3A_466, %dma_start3A_470] : memref<4x128xi32, #tpu.memory_space<vmem>> -> memref<1x128xi32, #tpu.memory_space<vmem>>
    %dma_start3A_472 = tpu.memref_squeeze %dma_start3A_471 : memref<1x128xi32, #tpu.memory_space<vmem>> -> memref<128xi32, #tpu.memory_space<vmem>>
    %dma_start3A_473 = arith.constant 0 : i32
    %dma_start3A_474 = arith.constant 0 : i32
    %dma_start3A_475 = tpu.memref_slice %arg2[%dma_start3A_473, %dma_start3A_474] : memref<100000x64xf32, #tpu.memory_space<hbm>> -> memref<100000x64xf32, #tpu.memory_space<hbm>>
    tpu.enqueue_indirect_dma source(%dma_start3A_475 : memref<100000x64xf32, #tpu.memory_space<hbm>>) target(%dma_start3A_469 : memref<128x64xf32, #tpu.memory_space<vmem>>) offsets(%dma_start3A_472 : memref<128xi32, #tpu.memory_space<vmem>>) semaphore(%arg9 : memref<!tpu.dma_semaphore, #tpu.memory_space<semaphore_mem>>)
    %dma_start3A_476 = arith.constant 3 : i32
    %dma_start3A_477 = arith.constant 384 : i32
    %dma_start3A_478 = arith.constant 0 : i32
    %dma_start3A_479 = tpu.memref_slice %arg8[%dma_start3A_477, %dma_start3A_478] : memref<512x64xf32, #tpu.memory_space<vmem>> -> memref<128x64xf32, #tpu.memory_space<vmem>>
    %dma_start3A_480 = arith.constant 0 : i32
    %dma_start3A_481 = tpu.memref_slice %arg7[%dma_start3A_476, %dma_start3A_480] : memref<4x128xi32, #tpu.memory_space<vmem>> -> memref<1x128xi32, #tpu.memory_space<vmem>>
    %dma_start3A_482 = tpu.memref_squeeze %dma_start3A_481 : memref<1x128xi32, #tpu.memory_space<vmem>> -> memref<128xi32, #tpu.memory_space<vmem>>
    %dma_start3A_483 = arith.constant 0 : i32
    %dma_start3A_484 = arith.constant 0 : i32
    %dma_start3A_485 = tpu.memref_slice %arg2[%dma_start3A_483, %dma_start3A_484] : memref<100000x64xf32, #tpu.memory_space<hbm>> -> memref<100000x64xf32, #tpu.memory_space<hbm>>
    tpu.enqueue_indirect_dma source(%dma_start3A_485 : memref<100000x64xf32, #tpu.memory_space<hbm>>) target(%dma_start3A_479 : memref<128x64xf32, #tpu.memory_space<vmem>>) offsets(%dma_start3A_482 : memref<128xi32, #tpu.memory_space<vmem>>) semaphore(%arg9 : memref<!tpu.dma_semaphore, #tpu.memory_space<semaphore_mem>>)
    %dma_wait3A = arith.constant 0 : i32
    %dma_wait3A_486 = arith.constant 0 : i32
    %dma_wait3A_487 = arith.constant 0 : i32
    %dma_wait3A_488 = tpu.memref_slice %arg8[%dma_wait3A_486, %dma_wait3A_487] : memref<512x64xf32, #tpu.memory_space<vmem>> -> memref<128x64xf32, #tpu.memory_space<vmem>>
    %dma_wait3A_489 = arith.constant 0 : i32
    %dma_wait3A_490 = tpu.memref_slice %arg7[%dma_wait3A, %dma_wait3A_489] : memref<4x128xi32, #tpu.memory_space<vmem>> -> memref<1x128xi32, #tpu.memory_space<vmem>>
    %dma_wait3A_491 = tpu.memref_squeeze %dma_wait3A_490 : memref<1x128xi32, #tpu.memory_space<vmem>> -> memref<128xi32, #tpu.memory_space<vmem>>
    %dma_wait3A_492 = arith.constant 0 : i32
    %dma_wait3A_493 = arith.constant 0 : i32
    %dma_wait3A_494 = tpu.memref_slice %arg2[%dma_wait3A_492, %dma_wait3A_493] : memref<100000x64xf32, #tpu.memory_space<hbm>> -> memref<100000x64xf32, #tpu.memory_space<hbm>>
    tpu.wait_indirect_dma semaphore(%arg9 : memref<!tpu.dma_semaphore, #tpu.memory_space<semaphore_mem>>) src(%dma_wait3A_494 : memref<100000x64xf32, #tpu.memory_space<hbm>>) dst(%dma_wait3A_488 : memref<128x64xf32, #tpu.memory_space<vmem>>)
    %dma_wait3A_495 = arith.constant 1 : i32
    %dma_wait3A_496 = arith.constant 128 : i32
    %dma_wait3A_497 = arith.constant 0 : i32
    %dma_wait3A_498 = tpu.memref_slice %arg8[%dma_wait3A_496, %dma_wait3A_497] : memref<512x64xf32, #tpu.memory_space<vmem>> -> memref<128x64xf32, #tpu.memory_space<vmem>>
    %dma_wait3A_499 = arith.constant 0 : i32
    %dma_wait3A_500 = tpu.memref_slice %arg7[%dma_wait3A_495, %dma_wait3A_499] : memref<4x128xi32, #tpu.memory_space<vmem>> -> memref<1x128xi32, #tpu.memory_space<vmem>>
    %dma_wait3A_501 = tpu.memref_squeeze %dma_wait3A_500 : memref<1x128xi32, #tpu.memory_space<vmem>> -> memref<128xi32, #tpu.memory_space<vmem>>
    %dma_wait3A_502 = arith.constant 0 : i32
    %dma_wait3A_503 = arith.constant 0 : i32
    %dma_wait3A_504 = tpu.memref_slice %arg2[%dma_wait3A_502, %dma_wait3A_503] : memref<100000x64xf32, #tpu.memory_space<hbm>> -> memref<100000x64xf32, #tpu.memory_space<hbm>>
    tpu.wait_indirect_dma semaphore(%arg9 : memref<!tpu.dma_semaphore, #tpu.memory_space<semaphore_mem>>) src(%dma_wait3A_504 : memref<100000x64xf32, #tpu.memory_space<hbm>>) dst(%dma_wait3A_498 : memref<128x64xf32, #tpu.memory_space<vmem>>)
    %dma_wait3A_505 = arith.constant 2 : i32
    %dma_wait3A_506 = arith.constant 256 : i32
    %dma_wait3A_507 = arith.constant 0 : i32
    %dma_wait3A_508 = tpu.memref_slice %arg8[%dma_wait3A_506, %dma_wait3A_507] : memref<512x64xf32, #tpu.memory_space<vmem>> -> memref<128x64xf32, #tpu.memory_space<vmem>>
    %dma_wait3A_509 = arith.constant 0 : i32
    %dma_wait3A_510 = tpu.memref_slice %arg7[%dma_wait3A_505, %dma_wait3A_509] : memref<4x128xi32, #tpu.memory_space<vmem>> -> memref<1x128xi32, #tpu.memory_space<vmem>>
    %dma_wait3A_511 = tpu.memref_squeeze %dma_wait3A_510 : memref<1x128xi32, #tpu.memory_space<vmem>> -> memref<128xi32, #tpu.memory_space<vmem>>
    %dma_wait3A_512 = arith.constant 0 : i32
    %dma_wait3A_513 = arith.constant 0 : i32
    %dma_wait3A_514 = tpu.memref_slice %arg2[%dma_wait3A_512, %dma_wait3A_513] : memref<100000x64xf32, #tpu.memory_space<hbm>> -> memref<100000x64xf32, #tpu.memory_space<hbm>>
    tpu.wait_indirect_dma semaphore(%arg9 : memref<!tpu.dma_semaphore, #tpu.memory_space<semaphore_mem>>) src(%dma_wait3A_514 : memref<100000x64xf32, #tpu.memory_space<hbm>>) dst(%dma_wait3A_508 : memref<128x64xf32, #tpu.memory_space<vmem>>)
    %dma_wait3A_515 = arith.constant 3 : i32
    %dma_wait3A_516 = arith.constant 384 : i32
    %dma_wait3A_517 = arith.constant 0 : i32
    %dma_wait3A_518 = tpu.memref_slice %arg8[%dma_wait3A_516, %dma_wait3A_517] : memref<512x64xf32, #tpu.memory_space<vmem>> -> memref<128x64xf32, #tpu.memory_space<vmem>>
    %dma_wait3A_519 = arith.constant 0 : i32
    %dma_wait3A_520 = tpu.memref_slice %arg7[%dma_wait3A_515, %dma_wait3A_519] : memref<4x128xi32, #tpu.memory_space<vmem>> -> memref<1x128xi32, #tpu.memory_space<vmem>>
    %dma_wait3A_521 = tpu.memref_squeeze %dma_wait3A_520 : memref<1x128xi32, #tpu.memory_space<vmem>> -> memref<128xi32, #tpu.memory_space<vmem>>
    %dma_wait3A_522 = arith.constant 0 : i32
    %dma_wait3A_523 = arith.constant 0 : i32
    %dma_wait3A_524 = tpu.memref_slice %arg2[%dma_wait3A_522, %dma_wait3A_523] : memref<100000x64xf32, #tpu.memory_space<hbm>> -> memref<100000x64xf32, #tpu.memory_space<hbm>>
    tpu.wait_indirect_dma semaphore(%arg9 : memref<!tpu.dma_semaphore, #tpu.memory_space<semaphore_mem>>) src(%dma_wait3A_524 : memref<100000x64xf32, #tpu.memory_space<hbm>>) dst(%dma_wait3A_518 : memref<128x64xf32, #tpu.memory_space<vmem>>)
    %mul3A_525 = arith.constant 512 : i32
    %mul3A_526 = arith.muli %add3A, %mul3A_525 : i32
    "tpu.region"() ({
      %run_scoped3A = tpu.sem_alloc : memref<!tpu.dma_semaphore, #tpu.memory_space<semaphore_mem>>
      %dma_start3A_527 = arith.constant 0 : i32
      %dma_start3A_528 = tpu.memref_slice %arg4[%mul3A_526, %dma_start3A_527] : memref<16384x64xf32, #tpu.memory_space<hbm>> -> memref<512x64xf32, #tpu.memory_space<hbm>>
      %dma_start3A_529 = arith.constant 0 : i32
      %dma_start3A_530 = tpu.memref_slice %arg4[%mul3A_526, %dma_start3A_529] : memref<16384x64xf32, #tpu.memory_space<hbm>> -> memref<512x64xf32, #tpu.memory_space<hbm>>
      tpu.enqueue_dma source(%arg8 : memref<512x64xf32, #tpu.memory_space<vmem>>) target(%dma_start3A_530 : memref<512x64xf32, #tpu.memory_space<hbm>>) target_semaphore(%run_scoped3A : memref<!tpu.dma_semaphore, #tpu.memory_space<semaphore_mem>>)
      %dma_wait3A_531 = arith.constant 0 : i32
      %dma_wait3A_532 = tpu.memref_slice %arg4[%mul3A_526, %dma_wait3A_531] : memref<16384x64xf32, #tpu.memory_space<hbm>> -> memref<512x64xf32, #tpu.memory_space<hbm>>
      %dma_wait3A_533 = arith.constant 0 : i32
      %dma_wait3A_534 = tpu.memref_slice %arg4[%mul3A_526, %dma_wait3A_533] : memref<16384x64xf32, #tpu.memory_space<hbm>> -> memref<512x64xf32, #tpu.memory_space<hbm>>
      tpu.wait_dma2 semaphore(%run_scoped3A : memref<!tpu.dma_semaphore, #tpu.memory_space<semaphore_mem>>) src(%arg8 : memref<512x64xf32, #tpu.memory_space<vmem>>) dst(%dma_wait3A_534 : memref<512x64xf32, #tpu.memory_space<hbm>>)
      tpu.yield
    }) : () -> ()
    return
  }
}

module attributes {stable_mosaic.version = 14 : i64} {
  func.func @_gru_body(%arg0: i32, %arg1: memref<4096x64xf32, #tpu.memory_space<vmem>>, %arg2: memref<4096x64xf32, #tpu.memory_space<vmem>>, %arg3: memref<192x64xf32, #tpu.memory_space<vmem>>, %arg4: memref<192x64xf32, #tpu.memory_space<vmem>>, %arg5: memref<1x192xf32, #tpu.memory_space<vmem>>, %arg6: memref<1x192xf32, #tpu.memory_space<vmem>>, %arg7: memref<4096x64xf32, #tpu.memory_space<vmem>>) attributes {dimension_semantics = [#tpu.dimension_semantics<arbitrary>], iteration_bounds = array<i64: 4>, scalar_prefetch = 0 : i64, scratch_operands = 0 : i64, tpu.core_type = #tpu.core_type<tc>, window_params = [{transform_indices = @transform_0, window_bounds = array<i64: 4096, 64>}, {transform_indices = @transform_1, window_bounds = array<i64: 4096, 64>}, {pipeline_mode = #tpu.pipeline_mode<synchronous>, transform_indices = @transform_2, window_bounds = array<i64: 192, 64>}, {pipeline_mode = #tpu.pipeline_mode<synchronous>, transform_indices = @transform_3, window_bounds = array<i64: 192, 64>}, {pipeline_mode = #tpu.pipeline_mode<synchronous>, transform_indices = @transform_4, window_bounds = array<i64: 1, 192>}, {pipeline_mode = #tpu.pipeline_mode<synchronous>, transform_indices = @transform_5, window_bounds = array<i64: 1, 192>}, {transform_indices = @transform_6, window_bounds = array<i64: 4096, 64>}]} {
    %get3A = arith.constant 0 : index
    %get3A_0 = arith.constant 0 : index
    %get3A_1 = vector.load %arg1[%get3A, %get3A_0] : memref<4096x64xf32, #tpu.memory_space<vmem>>, vector<4096x64xf32>
    %get3A_2 = arith.constant 0 : index
    %get3A_3 = arith.constant 0 : index
    %get3A_4 = vector.load %arg2[%get3A_2, %get3A_3] : memref<4096x64xf32, #tpu.memory_space<vmem>>, vector<4096x64xf32>
    %get3A_5 = arith.constant 0 : index
    %get3A_6 = arith.constant 0 : index
    %get3A_7 = vector.load %arg3[%get3A_5, %get3A_6] : memref<192x64xf32, #tpu.memory_space<vmem>>, vector<192x64xf32>
    %dot_general3A = arith.constant dense<0.000000e+00> : vector<4096x192xf32>
    %dot_general3A_8 = tpu.matmul %get3A_1, %get3A_7, %dot_general3A {dimension_numbers = #tpu.dot_dimension_numbers<[1], [1], [0], [0], [0, 0, 1, 0], [], []>, transpose_lhs_hint = false} : vector<4096x64xf32>, vector<192x64xf32>, vector<4096x192xf32> -> vector<4096x192xf32>
    %get3A_9 = arith.constant 0 : index
    %get3A_10 = arith.constant 0 : index
    %get3A_11 = vector.load %arg5[%get3A_9, %get3A_10] : memref<1x192xf32, #tpu.memory_space<vmem>>, vector<1x192xf32>
    %add3A = vector.broadcast %get3A_11 : vector<1x192xf32> to vector<4096x192xf32>
    %add3A_12 = arith.addf %dot_general3A_8, %add3A : vector<4096x192xf32>
    %get3A_13 = arith.constant 0 : index
    %get3A_14 = arith.constant 0 : index
    %get3A_15 = vector.load %arg4[%get3A_13, %get3A_14] : memref<192x64xf32, #tpu.memory_space<vmem>>, vector<192x64xf32>
    %dot_general3A_16 = arith.constant dense<0.000000e+00> : vector<4096x192xf32>
    %dot_general3A_17 = tpu.matmul %get3A_4, %get3A_15, %dot_general3A_16 {dimension_numbers = #tpu.dot_dimension_numbers<[1], [1], [0], [0], [0, 0, 1, 0], [], []>, transpose_lhs_hint = false} : vector<4096x64xf32>, vector<192x64xf32>, vector<4096x192xf32> -> vector<4096x192xf32>
    %get3A_18 = arith.constant 0 : index
    %get3A_19 = arith.constant 0 : index
    %get3A_20 = vector.load %arg6[%get3A_18, %get3A_19] : memref<1x192xf32, #tpu.memory_space<vmem>>, vector<1x192xf32>
    %add3A_21 = vector.broadcast %get3A_20 : vector<1x192xf32> to vector<4096x192xf32>
    %add3A_22 = arith.addf %dot_general3A_17, %add3A_21 : vector<4096x192xf32>
    %slice3A = vector.extract_strided_slice %add3A_12 {offsets = [0, 0], sizes = [4096, 64], strides = [1, 1]} : vector<4096x192xf32> to vector<4096x64xf32>
    %slice3A_23 = vector.extract_strided_slice %add3A_12 {offsets = [0, 64], sizes = [4096, 64], strides = [1, 1]} : vector<4096x192xf32> to vector<4096x64xf32>
    %slice3A_24 = vector.extract_strided_slice %add3A_12 {offsets = [0, 128], sizes = [4096, 64], strides = [1, 1]} : vector<4096x192xf32> to vector<4096x64xf32>
    %slice3A_25 = vector.extract_strided_slice %add3A_22 {offsets = [0, 0], sizes = [4096, 64], strides = [1, 1]} : vector<4096x192xf32> to vector<4096x64xf32>
    %slice3A_26 = vector.extract_strided_slice %add3A_22 {offsets = [0, 64], sizes = [4096, 64], strides = [1, 1]} : vector<4096x192xf32> to vector<4096x64xf32>
    %slice3A_27 = vector.extract_strided_slice %add3A_22 {offsets = [0, 128], sizes = [4096, 64], strides = [1, 1]} : vector<4096x192xf32> to vector<4096x64xf32>
    %add3A_28 = arith.addf %slice3A, %slice3A_25 : vector<4096x64xf32>
    %logistic3A = arith.negf %add3A_28 : vector<4096x64xf32>
    %logistic3A_29 = math.exp %logistic3A : vector<4096x64xf32>
    %logistic3A_30 = arith.constant 1.000000e+00 : f32
    %logistic3A_31 = vector.broadcast %logistic3A_30 : f32 to vector<4096x64xf32>
    %logistic3A_32 = arith.addf %logistic3A_31, %logistic3A_29 : vector<4096x64xf32>
    %logistic3A_33 = arith.divf %logistic3A_31, %logistic3A_32 : vector<4096x64xf32>
    %add3A_34 = arith.addf %slice3A_23, %slice3A_26 : vector<4096x64xf32>
    %logistic3A_35 = arith.negf %add3A_34 : vector<4096x64xf32>
    %logistic3A_36 = math.exp %logistic3A_35 : vector<4096x64xf32>
    %logistic3A_37 = arith.constant 1.000000e+00 : f32
    %logistic3A_38 = vector.broadcast %logistic3A_37 : f32 to vector<4096x64xf32>
    %logistic3A_39 = arith.addf %logistic3A_38, %logistic3A_36 : vector<4096x64xf32>
    %logistic3A_40 = arith.divf %logistic3A_38, %logistic3A_39 : vector<4096x64xf32>
    %mul3A = arith.mulf %logistic3A_33, %slice3A_27 : vector<4096x64xf32>
    %add3A_41 = arith.addf %slice3A_24, %mul3A : vector<4096x64xf32>
    %tanh3A = math.tanh %add3A_41 : vector<4096x64xf32>
    %sub3A = arith.constant 1.000000e+00 : f32
    %sub3A_42 = vector.broadcast %sub3A : f32 to vector<4096x64xf32>
    %sub3A_43 = arith.subf %sub3A_42, %logistic3A_40 : vector<4096x64xf32>
    %mul3A_44 = arith.mulf %sub3A_43, %tanh3A : vector<4096x64xf32>
    %mul3A_45 = arith.mulf %logistic3A_40, %get3A_4 : vector<4096x64xf32>
    %add3A_46 = arith.addf %mul3A_44, %mul3A_45 : vector<4096x64xf32>
    %swap3A = arith.constant 0 : index
    %swap3A_47 = arith.constant 0 : index
    %swap3A_48 = vector.load %arg7[%swap3A, %swap3A_47] : memref<4096x64xf32, #tpu.memory_space<vmem>>, vector<4096x64xf32>
    tpu.vector_store %arg7[%swap3A, %swap3A_47], %add3A_46 {strides = array<i32>} : memref<4096x64xf32, #tpu.memory_space<vmem>>, vector<4096x64xf32>,
    return
  }
  func.func @transform_0(%arg0: i32) -> (i32, i32) {
    %c0_i32 = arith.constant 0 : i32
    %c0_i32_0 = arith.constant 0 : i32
    return %arg0, %c0_i32 : i32, i32
  }
  func.func @transform_1(%arg0: i32) -> (i32, i32) {
    %c0_i32 = arith.constant 0 : i32
    %c0_i32_0 = arith.constant 0 : i32
    return %arg0, %c0_i32 : i32, i32
  }
  func.func @transform_2(%arg0: i32) -> (i32, i32) {
    %c0_i32 = arith.constant 0 : i32
    %c0_i32_0 = arith.constant 0 : i32
    %c0_i32_1 = arith.constant 0 : i32
    return %c0_i32, %c0_i32_0 : i32, i32
  }
  func.func @transform_3(%arg0: i32) -> (i32, i32) {
    %c0_i32 = arith.constant 0 : i32
    %c0_i32_0 = arith.constant 0 : i32
    %c0_i32_1 = arith.constant 0 : i32
    return %c0_i32, %c0_i32_0 : i32, i32
  }
  func.func @transform_4(%arg0: i32) -> (i32, i32) {
    %c0_i32 = arith.constant 0 : i32
    %c0_i32_0 = arith.constant 0 : i32
    %c0_i32_1 = arith.constant 0 : i32
    return %c0_i32, %c0_i32_0 : i32, i32
  }
  func.func @transform_5(%arg0: i32) -> (i32, i32) {
    %c0_i32 = arith.constant 0 : i32
    %c0_i32_0 = arith.constant 0 : i32
    %c0_i32_1 = arith.constant 0 : i32
    return %c0_i32, %c0_i32_0 : i32, i32
  }
  func.func @transform_6(%arg0: i32) -> (i32, i32) {
    %c0_i32 = arith.constant 0 : i32
    %c0_i32_0 = arith.constant 0 : i32
    return %arg0, %c0_i32 : i32, i32
  }
}

</mosaic_0001>

<sc_bundles>
// kernel: kernel.12.cloned.1.call-start
scs
__scs_entry_jumppad:
0x0: {  	(pc) =	sbr.rel $0x88, $3  }
0x1: {  	(tag) =	ssettag $0x0;
	lr =	simm.s32 $0x1  }
0x2: {  	[smem:$0x3F9A] =	sst lr;
	_ =	strace $0xD0000000  }
0x3: {  	_ = 	snop  }
0x4: {  	_ = 	snop  }
0x5: {  	_ = 	snop  }
0x6: {  	_ = 	snop  }
0x7: {  	_ = 	snop  }
__scs_overlays_trampoline_lowered:
0x8: {  	[smem:$0x3FA9] =	sst s0  }
0x9: {  	[smem:$0x3FAA] =	sst s1  }
0xa: {  	[smem:$0x3FAB] =	sst s2  }
0xb: {  	[smem:$0x3FAC] =	sst s3  }
0xc: {  	[smem:$0x3FAD] =	sst s4  }
0xd: {  	[smem:$0x3FAE] =	sst s5  }
0xe: {  	[smem:$0x3FAF] =	sst s6  }
0xf: {  	[smem:$0x3FB0] =	sst s7  }
0x10: {  	[smem:$0x3FB1] =	sst s8  }
0x11: {  	[smem:$0x3FB2] =	sst s9;
	s0 =	simm.s32 @!p0 $0x0  }
0x12: {  	s1 =	sld [smem:$0x3F98];
	s0 =	simm.s32 @p0 $0x1  }
0x13: {  	[smem:$0x3FB3] =	sst s0;
	s0 =	simm.s32 @!p1 $0x0  }
0x14: {  	s2 =	sld [smem:$0x3F97];
	s0 =	simm.s32 @p1 $0x1  }
0x15: {  	[smem:$0x3FB4] =	sst s0;
	s0 =	simm.s32 @!p2 $0x0  }
0x16: {  	s3 =	sld [smem:$0x3FDB];
	s0 =	simm.s32 @p2 $0x1  }
0x17: {  	s4 =	simm.s32 $0x1BF5;
	[smem:$0x3FB6] =	sst s0  }
0x18: {  	s0 =	sld [smem:$0x3F99];
	_ =	swait.ge [sflag:s4], $0x0  }
0x19: {  	s7 =	sld [smem:$0x3F9A]  }
0x1a: {  	s8 =	sadd.s32 $0xFFFFE003, lr  }
0x1b: {  	s9 =	sadd.s32 $0xFFFFFEF7, lr;
	s5 =	simm.s32 $0xFFFFFFFF;
	p2 =	slt.u32 s8, $0xFFFFF086  }
0x1c: {  	p1 =	slt.u32 s9, $0xF7A;
	s5 =	simm.s32 @!p2 $0x0  }
0x1d: {  	s5 =	simm.s32 @p1 $0x1;
	p0 =	seq.s32 s7, s2  }
0x1e: {  	s7 =	smul.u32 @!p0 $0xF7A, s2;
	p2 =	seq.s32 @!p0 s5, $0x0  }
0x1f: {  	s9 =	smul.u32 $0xF7A, s1;
	s8 =	simm.s32 @!p0 $0x1BF5;
	p2 =	por !p2, p0  }
0x20: {  	[sflag:s8] =	ssyncset.s32 @!p0 $0xFFFFF086;
	s6 =	sadd.s32 @!p0 s3, s7;
	s7 =	simm.s32 @!p0 $0x108  }
0x21: {  	s3 =	sadd.s32 s3, s9;
	s6 =	sadd.s32 @!p0 $0x88, s6;
	s7 =	simm.s32 @p2 $0x1082  }
0x22: {  	[simem:s7], [sflag:s8] =	dma.local @!p0 [hbm:s6], $0xF7A  }
0x23: {  	s9 =	sor.u32 $0xD0000000, s2;
	s6 =	simm.s32 $0x108;
	_ =	swait.ge @!p0 [sflag:s8], $0x0  }
0x24: {  	s3 =	sadd.s32 $0x88, s3;
	s6 =	simm.s32 @!p1 $0x1082;
	[sflag:s4] =	ssyncset.s32 $0xFFFFF086  }
0x25: {  	[simem:s6], [sflag:s4] =	dma.local [hbm:s3], $0xF7A  }
0x26: {  	[smem:$0x3F9A] =	sst s1;
	(tag) =	ssettag s2;
	_ =	strace s9  }
0x27: {  	s1 =	sld [smem:$0x3FAA]  }
0x28: {  	s2 =	sld [smem:$0x3FAB]  }
0x29: {  	s4 =	sld [smem:$0x3FAD]  }
0x2a: {  	p0 =	seq.s32 s5, $0x0;
	s5 =	sld [smem:$0x3FAE]  }
0x2b: {  	s6 =	sld [smem:$0x3FAF]  }
0x2c: {  	s7 =	sld [smem:$0x3FB0]  }
0x2d: {  	s3 =	simm.s32 $0x108;
	s8 =	sld [smem:$0x3FB1]  }
0x2e: {  	s3 =	simm.s32 @!p0 $0x1082;
	s9 =	sld [smem:$0x3FB2]  }
0x2f: {  	lr =	sadd.s32 s0, s3;
	s0 =	sld [smem:$0x3FA9]  }
0x30: {  	s3 =	sld [smem:$0x3FAC]  }
0x31: {  	[smem:$0x3FB5] =	sst s10  }
0x32: {  	s10 =	sld [smem:$0x3FB3];
	_ =	sdelay $0x3  }
0x33: {  	p0 =	seq.s32 s10, $0x1;
	s10 =	sld [smem:$0x3FB5];
	_ =	sdelay $0x3  }
0x34: {  	[smem:$0x3FB5] =	sst s10  }
0x35: {  	s10 =	sld [smem:$0x3FB4];
	_ =	sdelay $0x3  }
0x36: {  	p1 =	seq.s32 s10, $0x1;
	s10 =	sld [smem:$0x3FB5];
	_ =	sdelay $0x3  }
0x37: {  	[smem:$0x3FB5] =	sst s10  }
0x38: {  	s10 =	sld [smem:$0x3FB6]  }
0x39: {  	_ = 	snop;
	(pc) =	sbr.ind lr, $3  }
0x3a: {  	_ = 	snop  }
0x3b: {  	_ = 	snop  }
0x3c: {  	p2 =	seq.s32 s10, $0x1;
	s10 =	sld [smem:$0x3FB5]  }
0x3d: {  	_ =	shalt  }
0x3e: {  	_ =	shalt  }
0x3f: {  	_ =	shalt  }
0x40: {  	_ =	shalt  }
0x41: {  	_ =	shalt  }
0x42: {  	_ =	shalt  }
0x43: {  	_ =	shalt  }
0x44: {  	_ =	shalt  }
0x45: {  	_ =	shalt  }
0x46: {  	_ =	shalt  }
0x47: {  	_ =	shalt  }
0x48: {  	_ =	shalt  }
0x49: {  	_ =	shalt  }
0x4a: {  	_ =	shalt  }
0x4b: {  	_ =	shalt  }
0x4c: {  	_ =	shalt  }
0x4d: {  	_ =	shalt  }
0x4e: {  	_ =	shalt  }
0x4f: {  	_ =	shalt  }
0x50: {  	_ =	shalt  }
0x51: {  	_ =	shalt  }
0x52: {  	_ =	shalt  }
0x53: {  	_ =	shalt  }
0x54: {  	_ =	shalt  }
0x55: {  	_ =	shalt  }
0x56: {  	_ =	shalt  }
0x57: {  	_ =	shalt  }
0x58: {  	_ =	shalt  }
0x59: {  	_ =	shalt  }
0x5a: {  	_ =	shalt  }
0x5b: {  	_ =	shalt  }
0x5c: {  	_ =	shalt  }
0x5d: {  	_ =	shalt  }
0x5e: {  	_ =	shalt  }
0x5f: {  	_ =	shalt  }
0x60: {  	_ =	shalt  }
0x61: {  	_ =	shalt  }
0x62: {  	_ =	shalt  }
0x63: {  	_ =	shalt  }
0x64: {  	_ =	shalt  }
0x65: {  	_ =	shalt  }
0x66: {  	_ =	shalt  }
0x67: {  	_ =	shalt  }
0x68: {  	_ =	shalt  }
0x69: {  	_ =	shalt  }
0x6a: {  	_ =	shalt  }
0x6b: {  	_ =	shalt  }
0x6c: {  	_ =	shalt  }
0x6d: {  	_ =	shalt  }
0x6e: {  	_ =	shalt  }
0x6f: {  	_ =	shalt  }
0x70: {  	_ =	shalt  }
0x71: {  	_ =	shalt  }
0x72: {  	_ =	shalt  }
0x73: {  	_ =	shalt  }
0x74: {  	_ =	shalt  }
0x75: {  	_ =	shalt  }
0x76: {  	_ =	shalt  }
0x77: {  	_ =	shalt  }
0x78: {  	_ =	shalt  }
0x79: {  	_ =	shalt  }
0x7a: {  	_ =	shalt  }
0x7b: {  	_ =	shalt  }
0x7c: {  	_ =	shalt  }
0x7d: {  	_ =	shalt  }
0x7e: {  	_ =	shalt  }
0x7f: {  	_ =	shalt  }
0x80: {  	_ =	shalt  }
0x81: {  	_ =	shalt  }
0x82: {  	_ =	shalt  }
0x83: {  	_ =	shalt  }
0x84: {  	_ =	shalt  }
0x85: {  	_ =	shalt  }
0x86: {  	_ =	shalt  }
0x87: {  	_ =	shalt  }
.Lfunc_end0:
.L_simem_size_0:
called_computation.2_lowered:
.L_overlay_start_0:
0x88: {  	s2 =	sld [smem:$0x3FD9]  }
0x89: {  	s3 =	sld [smem:$0x3FFE];
	_ =	sdelay $0x1  }
0x8a: {  	s1 =	srdreg.scid  }
0x8b: {  	s0 =	sand.u32 $0x1, s1  }
0x8c: {  	s17 =	sshll.u32 s0, $0xA;
	s2 =	sadd.s32 s3, s2  }
0x8d: {  	s2 =	sadd.s32 s2, s17  }
0x8e: {  	[smem:$0x3FC1] =	sst s2  }
0x8f: {  	_ = 	snop  }
0x90: {  	s2 =	sld [smem:$0x3FD0];
	(tm) =	ssettm $0x1  }
0x91: {  	s18 =	sld [smem:$0x3FFB];
	_ =	sdelay $0x3  }
0x92: {  	_ =	strace s18  }
0x93: {  	s3 =	sld [smem:$0x3FFC];
	_ =	sdelay $0x3  }
0x94: {  	_ =	strace s3  }
0x95: {  	s3 =	sld [smem:$0x3FFD];
	_ =	sdelay $0x3  }
0x96: {  	_ =	strace s3  }
0x97: {  	_ =	strace $0x8FFFFFFF  }
0x98: {  	s19 =	sld [smem:$0x3FDB];
	_ =	sdelay $0x1  }
0x99: {  	s4 =	simm.s32 $_scs_section_size  }
0x9a: {  	s5 =	simm.s32 $_size__tile_overlayer_lowered;
	s6 =	simm.s32 $_tile_overlayer_lowered  }
0x9b: {  	s22 =	simm.s32 $0x1BFF;
	s21 =	sshll.u32 s6, $0x1;
	s3 =	sadd.s32 s4, s19  }
0x9c: {  	s7 =	simm.s32 $0x0;
	s20 =	sshll.u32 s5, $0x1;
	s5 =	sadd.s32 s21, s3  }
0x9d: {  	[timem:s7], [sflag:s22] =	dma.local [hbm:s5], s20  }
0x9e: {  	_ =	swait.ge [sflag:s22], s20  }
0x9f: {  	s4 =	ssub.s32 $0x0, s20;
	[sflag:s22] =	ssyncset.done $0x0  }
0xa0: {  	[sflag:s22] =	ssyncadd.s32 s4;
	_ =	sdelay $0x1  }
0xa1: {  	s23 =	simm.s32 $0x1B8B  }
0xa2: {  	_ =	swait.ge [sflag:s23], $0x1  }
0xa3: {  	[sflag:s23] =	ssyncset.done $0x0  }
0xa4: {  	s25 =	simm.s32 $0x1B8E;
	s24 =	sld [smem:$0x3FFE];
	[sflag:s23] =	ssyncadd.s32 $0xFFFFFFFF  }
0xa5: {  	s26 =	simm.s32 $execute0_lowered;
	[smem:$0x3FD2] =	sst s25  }
0xa6: {  	s5 =	sshll.u32 s26, $0x1;
	_ =	strace $0x8000004C;
	[dreg:$0x1] =	wrdreg $0xFFFFFFFF  }
0xa7: {  	s28 =	simm.s32 $_size_execute0_lowered;
	s3 =	sadd.s32 s3, s5;
	[dreg:$0x0] =	wrdreg $0x0  }
0xa8: {  	s5 =	sshll.u32 s28, $0x1;
	[dreg:$0x2] =	wrdreg s3  }
0xa9: {  	[dreg:$0x3] =	wrdreg s5  }
0xaa: {  	[dreg:$0x4] =	wrdreg $0xC0  }
0xab: {  	_ =	task [dreg:s7], $0x5FFFF  }
0xac: {  	[dreg:$0x1] =	wrdreg $0xFFFFFFFF  }
0xad: {  	[dreg:$0x0] =	wrdreg $0x60  }
0xae: {  	[dreg:$0x2] =	wrdreg s24  }
0xaf: {  	[dreg:$0x3] =	wrdreg s2  }
0xb0: {  	[dreg:$0x4] =	wrdreg $0x9  }
0xb1: {  	_ =	task.clear_ibuf [dreg:s7], $0x5FFFF;
	_ =	strace $0x9000004C  }
0xb2: {  	s29 =	simm.s32 $0x9;
	_ =	strace $0x8000004E  }
0xb3: {  	_ =	swait.ge [sflag:s29], $0x1  }
0xb4: {  	[sflag:s29] =	ssyncadd.s32 $0xFFFFFFFF  }
0xb5: {  	_ =	strace $0x9000004E  }
0xb6: {  	_ =	sfence  }
0xb7: {  	s30 =	sld [smem:$0x0];
	_ =	sdelay $0x2  }
0xb8: {  	s31 =	sshll.u32 s1, $0xD;
	s1 =	sshrl.u32 s1, $0x2  }
0xb9: {  	s3 =	sand.u32 $0x4000, s31;
	s1 =	sadd.s32 s1, s30  }
0xba: {  	s0 =	sor.u32 s3, s0;
	s1 =	sshll.u32 s1, $0x11  }
0xbb: {  	s0 =	sor.u32 s1, s0  }
0xbc: {  	s0 =	sadd.s32 $0x8F2B, s0  }
0xbd: {  	[sflag:s0] =	ssyncadd.remote.s32 $0x1  }
0xbe: {  	_ =	sfence.sel $0xFFFF  }
0xbf: {  	[dreg:$0x0] =	wrdreg $0xFFFFFFFF;
	(pc) =	sbr.abs _section_cstart, $3  }
0xc0: {  	[dreg:$0x1] =	wrdreg $0xFFFFFFFF  }
0xc1: {  	_ =	task.clear_ibuf [dreg:s7], $0x2FFFF;
	_ =	strace $0x9FFFFFFF  }
0xc2: {  	(tm) =	ssettm $0x7FFFFFFF  }
0xc3: {  	_ =	shalt  }
tec
execute0_lowered:
.L_overlay_start_1:
0x0: {  	(tag) =	ssettag $0x1  }
0x1: {  	s4 =	rddreg [dreg:$0x0];
	s1 =	srdreg.scid  }
0x2: {  	s0 =	stileid.u32;
	s2 =	rddreg [dreg:$0x1];
	s3 =	simm.s32 $0x0  }
0x3: {  	s8 =	simm.s32 $0x3;
	s5 =	sand.u32 $0x1, s1;
	s6 =	sshll.u32 s0, $0x1  }
.Ltmp0:
0x4: {  	s9 =	simm.s32 $0xD40;
	s6 =	sor.u32 s5, s6;
	(pc) =	sbr.rel .LBB2_1-.Ltmp0, $4  }
0x5: {  	[smem:$0x7FF] =	sst s3;
	s5 =	ssub.s32 $0x2, s5;
	s6 =	smul.u32 $0x1A8, s6  }
0x6: {  	s10 =	simm.s32 $0x0;
	_ =	strace $0x8000004D;
	s7 =	sshrl.u32 s5, $0x1  }
0x7: {  	s7 =	ssub.s32 s5, s7;
	s6 =	sadd.s32 s6, s4;
	s4 =	sadd.s32 $0x1E00, s4  }
0x8: {  	v0 =	vimm.s32 $0x0;
	s7 =	smax.u32 s7, $0x1;
	s5 =	sadd.s32 $0x21E00, s6;
	s6 =	sadd.s32 $0x25400, s6  }
.LBB2_6:
0x9: {  	s10 =	sadd.s32 $0x1, s10  }
0xa: {  	p0 =	sne.s32 s10, s7  }
.Ltmp1:
0xb: {  	_ = 	snop;
	(pc) =	sbr.rel @!p0 .LBB2_7-.Ltmp1, $1  }
0xc: {  	_ =	sdelay $0x3  }
.LBB2_1:
0xd: {  	[tilespmem:s3], [sflag:$0x3] =	stream.linear.gather [hbm4b:s5+s3], $0xD40, $0x38;
	[tilespmem:$0x12280] =	vst v63  }
0xe: {  	_ =	swait.ge [sflag:s8], $0xD40  }
0xf: {  	[sflag:s8] =	ssyncset.done $0x0  }
0x10: {  	[sflag:s8] =	ssyncadd.s32 $0xFFFFF2C0  }
0x11: {  	[tilespmem:s9], [sflag:$0x3] =	stream.linear.gather [hbm4b:s6+s3], $0xD40, $0x38;
	[tilespmem:$0x12280] =	vst v63  }
0x12: {  	_ =	swait.ge [sflag:s8], $0xD40  }
0x13: {  	[sflag:s8] =	ssyncset.done $0x0  }
0x14: {  	s12 =	simm.s32 $0x0;
	[sflag:s8] =	ssyncadd.s32 $0xFFFFF2C0  }
0x15: {  	v2 =	vld [tilespmem:s12+$0x0]  }
0x16: {  	s11 =	simm.s32 $0x40;
	v1 =	vimm.s32 $0x0  }
.LBB2_2:
0x17: {  	p0 =	sne.s32 s11, $0x34C0  }
.Ltmp2:
0x18: {  	_ = 	snop;
	(pc) =	sbr.rel @p0 .LBB2_2-.Ltmp2, $4  }
0x19: {  	_ = 	snop  }
0x1a: {  	s12 =	sshra.s32 s11, $0x2;
	s11 =	sadd.s32 $0x40, s11;
	vm0 =	vgt.s32 v2, $0xFFFFFFFF  }
0x1b: {  	v2 =	vld [tilespmem:s12+$0x0];
	v3 =	vsel vm0, $0x1, v0  }
0x1c: {  	v1 =	vadd.s32 v3, v1  }
0x1d: {  	_ =	sdelay $0x2  }
0x1e: {  	vm0 =	vgt.s32 v2, $0xFFFFFFFF  }
0x1f: {  	v2 =	vsel vm0, $0x1, v0  }
0x20: {  	v1 =	vadd.s32 v2, v1  }
0x21: {  	(xrf0) =	vadd.scan.msk.s32 $0xffff, v1;
	_ =	sdelay $0x5  }
0x22: {  	v1, _, _ =	vpop (xrf0)  }
0x23: {  	(v2sf) =	vpush v1, $0xF;
	_ =	sdelay $0xe  }
0x24: {  	s11 =	spop (v2sf)  }
0x25: {  	s12 =	sand.u32 $0x7F, s11  }
0x26: {  	s13 =	sshra.s32 s11, $0x1F;
	p0 =	slt.s32 s11, $0x1;
	p1 =	sne.s32 s12, $0x0  }
0x27: {  	s29 =	sshrl.u32 s13, $0x19;
	p0 =	por !p0, !p1  }
0x28: {  	s12 =	simm.s32 $0x1;
	s11 =	sadd.s32 s29, s11;
	p0 =	por !p0, !p0  }
0x29: {  	s11 =	sshra.s32 s11, $0x7;
	s12 =	simm.s32 @!p0 $0x0  }
0x2a: {  	s11 =	ssub.s32 s11, s12  }
0x2b: {  	s12 =	sadd.s32 $0x7, s11  }
0x2c: {  	s30 =	sand.u32 $0x7, s12  }
0x2d: {  	p5 =	slt.s32 s11, $0xFFFFFFFA;
	p6 =	sne.s32 s30, $0x0  }
0x2e: {  	s31 =	sshrl.u32 s12, $0x1D;
	p0 =	por !p5, !p6  }
0x2f: {  	s13 =	simm.s32 $0x1;
	s12 =	sadd.s32 s31, s12;
	p0 =	por !p0, !p0  }
0x30: {  	s12 =	sshra.s32 s12, $0x3;
	s13 =	simm.s32 @!p0 $0x0  }
0x31: {  	s12 =	ssub.s32 s12, s13  }
0x32: {  	p0 =	slt.s32 s12, $0x1  }
.Ltmp3:
0x33: {  	_ = 	snop;
	(pc) =	sbr.rel @p0 .LBB2_6-.Ltmp3, $1  }
0x34: {  	_ =	sdelay $0x3  }
0x35: {  	s13 =	simm.s32 $0x7;
	s14 =	simm.s32 $0xF40;
	s15 =	simm.s32 $0x200  }
.LBB2_5:
0x36: {  	s16 =	sadd.s32 $0xFFFFFFF9, s13  }
0x37: {  	p1 =	sge.s32 s16, s11  }
0x38: {  	v1 =	vld @!p1 [tilespmem:s15+$0xFFFFFE00];
	_ =	sdelay $0x4  }
0x39: {  	[tilespmem:$0x1A80] =	vst @!p1 v1  }
0x3a: {  	v1 =	vld @!p1 [tilespmem:s14+$0xFFFFFE00];
	_ =	sdelay $0x4  }
0x3b: {  	[tilespmem:$0x1B00] =	vst @!p1 v1  }
0x3c: {  	v1 =	vld @!p1 [tilespmem:s15+$0xFFFFFE10];
	_ =	sdelay $0x4  }
0x3d: {  	[tilespmem:$0x1A90] =	vst @!p1 v1  }
0x3e: {  	v1 =	vld @!p1 [tilespmem:s14+$0xFFFFFE10];
	_ =	sdelay $0x4  }
0x3f: {  	[tilespmem:$0x1B10] =	vst @!p1 v1  }
0x40: {  	v1 =	vld @!p1 [tilespmem:s15+$0xFFFFFE20];
	_ =	sdelay $0x4  }
0x41: {  	[tilespmem:$0x1AA0] =	vst @!p1 v1  }
0x42: {  	v1 =	vld @!p1 [tilespmem:s14+$0xFFFFFE20];
	_ =	sdelay $0x4  }
0x43: {  	[tilespmem:$0x1B20] =	vst @!p1 v1  }
0x44: {  	v1 =	vld @!p1 [tilespmem:s15+$0xFFFFFE30];
	_ =	sdelay $0x4  }
0x45: {  	[tilespmem:$0x1AB0] =	vst @!p1 v1  }
0x46: {  	v1 =	vld @!p1 [tilespmem:s14+$0xFFFFFE30];
	_ =	sdelay $0x4  }
0x47: {  	[tilespmem:$0x1B30] =	vst @!p1 v1  }
0x48: {  	v1 =	vld @!p1 [tilespmem:s15+$0xFFFFFE40];
	_ =	sdelay $0x4  }
0x49: {  	[tilespmem:$0x1AC0] =	vst @!p1 v1  }
0x4a: {  	v1 =	vld @!p1 [tilespmem:s14+$0xFFFFFE40];
	_ =	sdelay $0x4  }
0x4b: {  	[tilespmem:$0x1B40] =	vst @!p1 v1  }
0x4c: {  	v1 =	vld @!p1 [tilespmem:s15+$0xFFFFFE50];
	_ =	sdelay $0x4  }
0x4d: {  	[tilespmem:$0x1AD0] =	vst @!p1 v1  }
0x4e: {  	v1 =	vld @!p1 [tilespmem:s14+$0xFFFFFE50];
	_ =	sdelay $0x4  }
0x4f: {  	[tilespmem:$0x1B50] =	vst @!p1 v1  }
0x50: {  	v1 =	vld @!p1 [tilespmem:s15+$0xFFFFFE60];
	_ =	sdelay $0x4  }
0x51: {  	[tilespmem:$0x1AE0] =	vst @!p1 v1  }
0x52: {  	v1 =	vld @!p1 [tilespmem:s14+$0xFFFFFE60];
	_ =	sdelay $0x4  }
0x53: {  	[tilespmem:$0x1B60] =	vst @!p1 v1  }
0x54: {  	v1 =	vld @!p1 [tilespmem:s15+$0xFFFFFE70];
	_ =	sdelay $0x4  }
0x55: {  	[tilespmem:$0x1AF0] =	vst @!p1 v1  }
0x56: {  	v1 =	vld @!p1 [tilespmem:s14+$0xFFFFFE70];
	_ =	sdelay $0x2  }
0x57: {  	s28 =	sadd.s32 $0xFFFFFFFA, s13  }
0x58: {  	p0 =	sge.s32 s28, s11  }
0x59: {  	s16 =	simm.s32 @!p1 $0x80;
	s18 =	simm.s32 @!p1 $0x1A80;
	s17 =	simm.s32 @!p1 $0x2280;
	[tilespmem:$0x1B70] =	vst @!p1 v1  }
0x5a: {  	[tilespmem:s17], [sflag:$0x1] =	stream.indirect.gather @!p1 [hbm4b:s4+s16], $0x40, s18, s16, $0xb8;
	[tilespmem:$0x12280] =	vst v63  }
0x5b: {  	v1 =	vld @!p0 [tilespmem:s15+$0xFFFFFE80];
	_ =	sdelay $0x4  }
0x5c: {  	[tilespmem:$0x1B80] =	vst @!p0 v1  }
0x5d: {  	v1 =	vld @!p0 [tilespmem:s14+$0xFFFFFE80];
	_ =	sdelay $0x4  }
0x5e: {  	[tilespmem:$0x1C00] =	vst @!p0 v1  }
0x5f: {  	v1 =	vld @!p0 [tilespmem:s15+$0xFFFFFE90];
	_ =	sdelay $0x4  }
0x60: {  	[tilespmem:$0x1B90] =	vst @!p0 v1  }
0x61: {  	v1 =	vld @!p0 [tilespmem:s14+$0xFFFFFE90];
	_ =	sdelay $0x4  }
0x62: {  	[tilespmem:$0x1C10] =	vst @!p0 v1  }
0x63: {  	v1 =	vld @!p0 [tilespmem:s15+$0xFFFFFEA0];
	_ =	sdelay $0x4  }
0x64: {  	[tilespmem:$0x1BA0] =	vst @!p0 v1  }
0x65: {  	v1 =	vld @!p0 [tilespmem:s14+$0xFFFFFEA0];
	_ =	sdelay $0x4  }
0x66: {  	[tilespmem:$0x1C20] =	vst @!p0 v1  }
0x67: {  	v1 =	vld @!p0 [tilespmem:s15+$0xFFFFFEB0];
	_ =	sdelay $0x4  }
0x68: {  	[tilespmem:$0x1BB0] =	vst @!p0 v1  }
0x69: {  	v1 =	vld @!p0 [tilespmem:s14+$0xFFFFFEB0];
	_ =	sdelay $0x4  }
0x6a: {  	[tilespmem:$0x1C30] =	vst @!p0 v1  }
0x6b: {  	v1 =	vld @!p0 [tilespmem:s15+$0xFFFFFEC0];
	_ =	sdelay $0x4  }
0x6c: {  	[tilespmem:$0x1BC0] =	vst @!p0 v1  }
0x6d: {  	v1 =	vld @!p0 [tilespmem:s14+$0xFFFFFEC0];
	_ =	sdelay $0x4  }
0x6e: {  	[tilespmem:$0x1C40] =	vst @!p0 v1  }
0x6f: {  	v1 =	vld @!p0 [tilespmem:s15+$0xFFFFFED0];
	_ =	sdelay $0x4  }
0x70: {  	[tilespmem:$0x1BD0] =	vst @!p0 v1  }
0x71: {  	v1 =	vld @!p0 [tilespmem:s14+$0xFFFFFED0];
	_ =	sdelay $0x4  }
0x72: {  	[tilespmem:$0x1C50] =	vst @!p0 v1  }
0x73: {  	v1 =	vld @!p0 [tilespmem:s15+$0xFFFFFEE0];
	_ =	sdelay $0x4  }
0x74: {  	[tilespmem:$0x1BE0] =	vst @!p0 v1  }
0x75: {  	v1 =	vld @!p0 [tilespmem:s14+$0xFFFFFEE0];
	_ =	sdelay $0x4  }
0x76: {  	[tilespmem:$0x1C60] =	vst @!p0 v1  }
0x77: {  	v1 =	vld @!p0 [tilespmem:s15+$0xFFFFFEF0];
	_ =	sdelay $0x4  }
0x78: {  	[tilespmem:$0x1BF0] =	vst @!p0 v1  }
0x79: {  	v1 =	vld @!p0 [tilespmem:s14+$0xFFFFFEF0];
	_ =	sdelay $0x2  }
0x7a: {  	s29 =	sadd.s32 $0xFFFFFFFB, s13  }
0x7b: {  	p2 =	sge.s32 s29, s11  }
0x7c: {  	s20 =	simm.s32 @!p0 $0x1B80;
	s19 =	simm.s32 @!p0 $0x4280;
	s18 =	simm.s32 @!p0 $0x80;
	[tilespmem:$0x1C70] =	vst @!p0 v1  }
0x7d: {  	[tilespmem:s19], [sflag:$0x1] =	stream.indirect.gather @!p0 [hbm4b:s4+s18], $0x40, s20, s18, $0xb8;
	[tilespmem:$0x12280] =	vst v63  }
0x7e: {  	v1 =	vld @!p2 [tilespmem:s15+$0xFFFFFF00];
	_ =	sdelay $0x4  }
0x7f: {  	[tilespmem:$0x1C80] =	vst @!p2 v1  }
0x80: {  	v1 =	vld @!p2 [tilespmem:s14+$0xFFFFFF00];
	_ =	sdelay $0x4  }
0x81: {  	[tilespmem:$0x1D00] =	vst @!p2 v1  }
0x82: {  	v1 =	vld @!p2 [tilespmem:s15+$0xFFFFFF10];
	_ =	sdelay $0x4  }
0x83: {  	[tilespmem:$0x1C90] =	vst @!p2 v1  }
0x84: {  	v1 =	vld @!p2 [tilespmem:s14+$0xFFFFFF10];
	_ =	sdelay $0x4  }
0x85: {  	[tilespmem:$0x1D10] =	vst @!p2 v1  }
0x86: {  	v1 =	vld @!p2 [tilespmem:s15+$0xFFFFFF20];
	_ =	sdelay $0x4  }
0x87: {  	[tilespmem:$0x1CA0] =	vst @!p2 v1  }
0x88: {  	v1 =	vld @!p2 [tilespmem:s14+$0xFFFFFF20];
	_ =	sdelay $0x4  }
0x89: {  	[tilespmem:$0x1D20] =	vst @!p2 v1  }
0x8a: {  	v1 =	vld @!p2 [tilespmem:s15+$0xFFFFFF30];
	_ =	sdelay $0x4  }
0x8b: {  	[tilespmem:$0x1CB0] =	vst @!p2 v1  }
0x8c: {  	v1 =	vld @!p2 [tilespmem:s14+$0xFFFFFF30];
	_ =	sdelay $0x4  }
0x8d: {  	[tilespmem:$0x1D30] =	vst @!p2 v1  }
0x8e: {  	v1 =	vld @!p2 [tilespmem:s15+$0xFFFFFF40];
	_ =	sdelay $0x4  }
0x8f: {  	[tilespmem:$0x1CC0] =	vst @!p2 v1  }
0x90: {  	v1 =	vld @!p2 [tilespmem:s14+$0xFFFFFF40];
	_ =	sdelay $0x4  }
0x91: {  	[tilespmem:$0x1D40] =	vst @!p2 v1  }
0x92: {  	v1 =	vld @!p2 [tilespmem:s15+$0xFFFFFF50];
	_ =	sdelay $0x4  }
0x93: {  	[tilespmem:$0x1CD0] =	vst @!p2 v1  }
0x94: {  	v1 =	vld @!p2 [tilespmem:s14+$0xFFFFFF50];
	_ =	sdelay $0x4  }
0x95: {  	[tilespmem:$0x1D50] =	vst @!p2 v1  }
0x96: {  	v1 =	vld @!p2 [tilespmem:s15+$0xFFFFFF60];
	_ =	sdelay $0x4  }
0x97: {  	[tilespmem:$0x1CE0] =	vst @!p2 v1  }
0x98: {  	v1 =	vld @!p2 [tilespmem:s14+$0xFFFFFF60];
	_ =	sdelay $0x4  }
0x99: {  	[tilespmem:$0x1D60] =	vst @!p2 v1  }
0x9a: {  	v1 =	vld @!p2 [tilespmem:s15+$0xFFFFFF70];
	_ =	sdelay $0x4  }
0x9b: {  	[tilespmem:$0x1CF0] =	vst @!p2 v1  }
0x9c: {  	v1 =	vld @!p2 [tilespmem:s14+$0xFFFFFF70];
	_ =	sdelay $0x2  }
0x9d: {  	s30 =	sadd.s32 $0xFFFFFFFC, s13  }
0x9e: {  	p3 =	sge.s32 s30, s11  }
0x9f: {  	s22 =	simm.s32 @!p2 $0x1C80;
	s21 =	simm.s32 @!p2 $0x6280;
	s20 =	simm.s32 @!p2 $0x80;
	[tilespmem:$0x1D70] =	vst @!p2 v1  }
0xa0: {  	[tilespmem:s21], [sflag:$0x1] =	stream.indirect.gather @!p2 [hbm4b:s4+s20], $0x40, s22, s20, $0xb8;
	[tilespmem:$0x12280] =	vst v63  }
0xa1: {  	v1 =	vld @!p3 [tilespmem:s15+$0xFFFFFF80];
	_ =	sdelay $0x4  }
0xa2: {  	[tilespmem:$0x1D80] =	vst @!p3 v1  }
0xa3: {  	v1 =	vld @!p3 [tilespmem:s14+$0xFFFFFF80];
	_ =	sdelay $0x4  }
0xa4: {  	[tilespmem:$0x1E00] =	vst @!p3 v1  }
0xa5: {  	v1 =	vld @!p3 [tilespmem:s15+$0xFFFFFF90];
	_ =	sdelay $0x4  }
0xa6: {  	[tilespmem:$0x1D90] =	vst @!p3 v1  }
0xa7: {  	v1 =	vld @!p3 [tilespmem:s14+$0xFFFFFF90];
	_ =	sdelay $0x4  }
0xa8: {  	[tilespmem:$0x1E10] =	vst @!p3 v1  }
0xa9: {  	v1 =	vld @!p3 [tilespmem:s15+$0xFFFFFFA0];
	_ =	sdelay $0x4  }
0xaa: {  	[tilespmem:$0x1DA0] =	vst @!p3 v1  }
0xab: {  	v1 =	vld @!p3 [tilespmem:s14+$0xFFFFFFA0];
	_ =	sdelay $0x4  }
0xac: {  	[tilespmem:$0x1E20] =	vst @!p3 v1  }
0xad: {  	v1 =	vld @!p3 [tilespmem:s15+$0xFFFFFFB0];
	_ =	sdelay $0x4  }
0xae: {  	[tilespmem:$0x1DB0] =	vst @!p3 v1  }
0xaf: {  	v1 =	vld @!p3 [tilespmem:s14+$0xFFFFFFB0];
	_ =	sdelay $0x4  }
0xb0: {  	[tilespmem:$0x1E30] =	vst @!p3 v1  }
0xb1: {  	v1 =	vld @!p3 [tilespmem:s15+$0xFFFFFFC0];
	_ =	sdelay $0x4  }
0xb2: {  	[tilespmem:$0x1DC0] =	vst @!p3 v1  }
0xb3: {  	v1 =	vld @!p3 [tilespmem:s14+$0xFFFFFFC0];
	_ =	sdelay $0x4  }
0xb4: {  	[tilespmem:$0x1E40] =	vst @!p3 v1  }
0xb5: {  	v1 =	vld @!p3 [tilespmem:s15+$0xFFFFFFD0];
	_ =	sdelay $0x4  }
0xb6: {  	[tilespmem:$0x1DD0] =	vst @!p3 v1  }
0xb7: {  	v1 =	vld @!p3 [tilespmem:s14+$0xFFFFFFD0];
	_ =	sdelay $0x4  }
0xb8: {  	[tilespmem:$0x1E50] =	vst @!p3 v1  }
0xb9: {  	v1 =	vld @!p3 [tilespmem:s15+$0xFFFFFFE0];
	_ =	sdelay $0x4  }
0xba: {  	[tilespmem:$0x1DE0] =	vst @!p3 v1  }
0xbb: {  	v1 =	vld @!p3 [tilespmem:s14+$0xFFFFFFE0];
	_ =	sdelay $0x4  }
0xbc: {  	[tilespmem:$0x1E60] =	vst @!p3 v1  }
0xbd: {  	v1 =	vld @!p3 [tilespmem:s15+$0xFFFFFFF0];
	_ =	sdelay $0x4  }
0xbe: {  	[tilespmem:$0x1DF0] =	vst @!p3 v1  }
0xbf: {  	v1 =	vld @!p3 [tilespmem:s14+$0xFFFFFFF0];
	_ =	sdelay $0x2  }
0xc0: {  	s31 =	sadd.s32 $0xFFFFFFFD, s13  }
0xc1: {  	p4 =	sge.s32 s31, s11  }
0xc2: {  	s24 =	simm.s32 @!p3 $0x1D80;
	s23 =	simm.s32 @!p3 $0x8280;
	s22 =	simm.s32 @!p3 $0x80;
	[tilespmem:$0x1E70] =	vst @!p3 v1  }
0xc3: {  	[tilespmem:s23], [sflag:$0x1] =	stream.indirect.gather @!p3 [hbm4b:s4+s22], $0x40, s24, s22, $0xb8;
	[tilespmem:$0x12280] =	vst v63  }
0xc4: {  	v1 =	vld @!p4 [tilespmem:s15+$0x0];
	_ =	sdelay $0x4  }
0xc5: {  	[tilespmem:$0x1E80] =	vst @!p4 v1  }
0xc6: {  	v1 =	vld @!p4 [tilespmem:s14+$0x0];
	_ =	sdelay $0x4  }
0xc7: {  	[tilespmem:$0x1F00] =	vst @!p4 v1  }
0xc8: {  	v1 =	vld @!p4 [tilespmem:s15+$0x10];
	_ =	sdelay $0x4  }
0xc9: {  	[tilespmem:$0x1E90] =	vst @!p4 v1  }
0xca: {  	v1 =	vld @!p4 [tilespmem:s14+$0x10];
	_ =	sdelay $0x4  }
0xcb: {  	[tilespmem:$0x1F10] =	vst @!p4 v1  }
0xcc: {  	v1 =	vld @!p4 [tilespmem:s15+$0x20];
	_ =	sdelay $0x4  }
0xcd: {  	[tilespmem:$0x1EA0] =	vst @!p4 v1  }
0xce: {  	v1 =	vld @!p4 [tilespmem:s14+$0x20];
	_ =	sdelay $0x4  }
0xcf: {  	[tilespmem:$0x1F20] =	vst @!p4 v1  }
0xd0: {  	v1 =	vld @!p4 [tilespmem:s15+$0x30];
	_ =	sdelay $0x4  }
0xd1: {  	[tilespmem:$0x1EB0] =	vst @!p4 v1  }
0xd2: {  	v1 =	vld @!p4 [tilespmem:s14+$0x30];
	_ =	sdelay $0x4  }
0xd3: {  	[tilespmem:$0x1F30] =	vst @!p4 v1  }
0xd4: {  	v1 =	vld @!p4 [tilespmem:s15+$0x40];
	_ =	sdelay $0x4  }
0xd5: {  	[tilespmem:$0x1EC0] =	vst @!p4 v1  }
0xd6: {  	v1 =	vld @!p4 [tilespmem:s14+$0x40];
	_ =	sdelay $0x4  }
0xd7: {  	[tilespmem:$0x1F40] =	vst @!p4 v1  }
0xd8: {  	v1 =	vld @!p4 [tilespmem:s15+$0x50];
	_ =	sdelay $0x4  }
0xd9: {  	[tilespmem:$0x1ED0] =	vst @!p4 v1  }
0xda: {  	v1 =	vld @!p4 [tilespmem:s14+$0x50];
	_ =	sdelay $0x4  }
0xdb: {  	[tilespmem:$0x1F50] =	vst @!p4 v1  }
0xdc: {  	v1 =	vld @!p4 [tilespmem:s15+$0x60];
	_ =	sdelay $0x4  }
0xdd: {  	[tilespmem:$0x1EE0] =	vst @!p4 v1  }
0xde: {  	v1 =	vld @!p4 [tilespmem:s14+$0x60];
	_ =	sdelay $0x4  }
0xdf: {  	[tilespmem:$0x1F60] =	vst @!p4 v1  }
0xe0: {  	v1 =	vld @!p4 [tilespmem:s15+$0x70];
	_ =	sdelay $0x4  }
0xe1: {  	[tilespmem:$0x1EF0] =	vst @!p4 v1  }
0xe2: {  	v1 =	vld @!p4 [tilespmem:s14+$0x70];
	_ =	sdelay $0x1  }
0xe3: {  	s0 =	simm.s32 @!p0 $0x0  }
0xe4: {  	s0 =	simm.s32 @p0 $0x1  }
0xe5: {  	s26 =	simm.s32 @!p4 $0x1E80;
	[smem:$0x7FD] =	sst s0;
	s0 =	sadd.s32 $0xFFFFFFFE, s13  }
0xe6: {  	s25 =	simm.s32 @!p4 $0xA280;
	p5 =	sge.s32 s0, s11;
	s24 =	simm.s32 @!p4 $0x80;
	[tilespmem:$0x1F70] =	vst @!p4 v1  }
0xe7: {  	[tilespmem:s25], [sflag:$0x1] =	stream.indirect.gather @!p4 [hbm4b:s4+s24], $0x40, s26, s24, $0xb8;
	[tilespmem:$0x12280] =	vst v63  }
0xe8: {  	v1 =	vld @!p5 [tilespmem:s15+$0x80];
	_ =	sdelay $0x4  }
0xe9: {  	[tilespmem:$0x1F80] =	vst @!p5 v1  }
0xea: {  	v1 =	vld @!p5 [tilespmem:s14+$0x80];
	_ =	sdelay $0x4  }
0xeb: {  	[tilespmem:$0x2000] =	vst @!p5 v1  }
0xec: {  	v1 =	vld @!p5 [tilespmem:s15+$0x90];
	_ =	sdelay $0x4  }
0xed: {  	[tilespmem:$0x1F90] =	vst @!p5 v1  }
0xee: {  	v1 =	vld @!p5 [tilespmem:s14+$0x90];
	_ =	sdelay $0x4  }
0xef: {  	[tilespmem:$0x2010] =	vst @!p5 v1  }
0xf0: {  	v1 =	vld @!p5 [tilespmem:s15+$0xA0];
	_ =	sdelay $0x4  }
0xf1: {  	[tilespmem:$0x1FA0] =	vst @!p5 v1  }
0xf2: {  	v1 =	vld @!p5 [tilespmem:s14+$0xA0];
	_ =	sdelay $0x4  }
0xf3: {  	[tilespmem:$0x2020] =	vst @!p5 v1  }
0xf4: {  	v1 =	vld @!p5 [tilespmem:s15+$0xB0];
	_ =	sdelay $0x4  }
0xf5: {  	[tilespmem:$0x1FB0] =	vst @!p5 v1  }
0xf6: {  	v1 =	vld @!p5 [tilespmem:s14+$0xB0];
	_ =	sdelay $0x4  }
0xf7: {  	[tilespmem:$0x2030] =	vst @!p5 v1  }
0xf8: {  	v1 =	vld @!p5 [tilespmem:s15+$0xC0];
	_ =	sdelay $0x4  }
0xf9: {  	[tilespmem:$0x1FC0] =	vst @!p5 v1  }
0xfa: {  	v1 =	vld @!p5 [tilespmem:s14+$0xC0];
	_ =	sdelay $0x4  }
0xfb: {  	[tilespmem:$0x2040] =	vst @!p5 v1  }
0xfc: {  	v1 =	vld @!p5 [tilespmem:s15+$0xD0];
	_ =	sdelay $0x4  }
0xfd: {  	[tilespmem:$0x1FD0] =	vst @!p5 v1  }
0xfe: {  	v1 =	vld @!p5 [tilespmem:s14+$0xD0];
	_ =	sdelay $0x4  }
0xff: {  	[tilespmem:$0x2050] =	vst @!p5 v1  }
0x100: {  	v1 =	vld @!p5 [tilespmem:s15+$0xE0];
	_ =	sdelay $0x4  }
0x101: {  	[tilespmem:$0x1FE0] =	vst @!p5 v1  }
0x102: {  	v1 =	vld @!p5 [tilespmem:s14+$0xE0];
	_ =	sdelay $0x4  }
0x103: {  	[tilespmem:$0x2060] =	vst @!p5 v1  }
0x104: {  	v1 =	vld @!p5 [tilespmem:s15+$0xF0];
	_ =	sdelay $0x4  }
0x105: {  	[tilespmem:$0x1FF0] =	vst @!p5 v1  }
0x106: {  	v1 =	vld @!p5 [tilespmem:s14+$0xF0];
	_ =	sdelay $0x2  }
0x107: {  	s1 =	sadd.s32 $0xFFFFFFFF, s13  }
0x108: {  	p6 =	sge.s32 s1, s11  }
0x109: {  	s29 =	simm.s32 @!p5 $0x1F80;
	s28 =	simm.s32 @!p5 $0xC280;
	s26 =	simm.s32 @!p5 $0x80;
	[tilespmem:$0x2070] =	vst @!p5 v1  }
0x10a: {  	[tilespmem:s28], [sflag:$0x1] =	stream.indirect.gather @!p5 [hbm4b:s4+s26], $0x40, s29, s26, $0xb8;
	[tilespmem:$0x12280] =	vst v63  }
0x10b: {  	v1 =	vld @!p6 [tilespmem:s15+$0x100];
	_ =	sdelay $0x4  }
0x10c: {  	[tilespmem:$0x2080] =	vst @!p6 v1  }
0x10d: {  	v1 =	vld @!p6 [tilespmem:s14+$0x100];
	_ =	sdelay $0x4  }
0x10e: {  	[tilespmem:$0x2100] =	vst @!p6 v1  }
0x10f: {  	v1 =	vld @!p6 [tilespmem:s15+$0x110];
	_ =	sdelay $0x4  }
0x110: {  	[tilespmem:$0x2090] =	vst @!p6 v1  }
0x111: {  	v1 =	vld @!p6 [tilespmem:s14+$0x110];
	_ =	sdelay $0x4  }
0x112: {  	[tilespmem:$0x2110] =	vst @!p6 v1  }
0x113: {  	v1 =	vld @!p6 [tilespmem:s15+$0x120];
	_ =	sdelay $0x4  }
0x114: {  	[tilespmem:$0x20A0] =	vst @!p6 v1  }
0x115: {  	v1 =	vld @!p6 [tilespmem:s14+$0x120];
	_ =	sdelay $0x4  }
0x116: {  	[tilespmem:$0x2120] =	vst @!p6 v1  }
0x117: {  	v1 =	vld @!p6 [tilespmem:s15+$0x130];
	_ =	sdelay $0x4  }
0x118: {  	[tilespmem:$0x20B0] =	vst @!p6 v1  }
0x119: {  	v1 =	vld @!p6 [tilespmem:s14+$0x130];
	_ =	sdelay $0x4  }
0x11a: {  	[tilespmem:$0x2130] =	vst @!p6 v1  }
0x11b: {  	v1 =	vld @!p6 [tilespmem:s15+$0x140];
	_ =	sdelay $0x4  }
0x11c: {  	[tilespmem:$0x20C0] =	vst @!p6 v1  }
0x11d: {  	v1 =	vld @!p6 [tilespmem:s14+$0x140];
	_ =	sdelay $0x4  }
0x11e: {  	[tilespmem:$0x2140] =	vst @!p6 v1  }
0x11f: {  	v1 =	vld @!p6 [tilespmem:s15+$0x150];
	_ =	sdelay $0x4  }
0x120: {  	[tilespmem:$0x20D0] =	vst @!p6 v1  }
0x121: {  	v1 =	vld @!p6 [tilespmem:s14+$0x150];
	_ =	sdelay $0x4  }
0x122: {  	[tilespmem:$0x2150] =	vst @!p6 v1  }
0x123: {  	v1 =	vld @!p6 [tilespmem:s15+$0x160];
	_ =	sdelay $0x4  }
0x124: {  	[tilespmem:$0x20E0] =	vst @!p6 v1  }
0x125: {  	v1 =	vld @!p6 [tilespmem:s14+$0x160];
	_ =	sdelay $0x4  }
0x126: {  	[tilespmem:$0x2160] =	vst @!p6 v1  }
0x127: {  	v1 =	vld @!p6 [tilespmem:s15+$0x170];
	_ =	sdelay $0x4  }
0x128: {  	[tilespmem:$0x20F0] =	vst @!p6 v1  }
0x129: {  	v1 =	vld @!p6 [tilespmem:s14+$0x170];
	_ =	sdelay $0x3  }
0x12a: {  	s31 =	simm.s32 @!p6 $0x2080  }
0x12b: {  	s30 =	simm.s32 @!p6 $0xE280;
	p0 =	sge.s32 s13, s11;
	s29 =	simm.s32 @!p6 $0x80;
	[tilespmem:$0x2170] =	vst @!p6 v1  }
0x12c: {  	[tilespmem:s30], [sflag:$0x1] =	stream.indirect.gather @!p6 [hbm4b:s4+s29], $0x40, s31, s29, $0xb8;
	[tilespmem:$0x12280] =	vst v63  }
0x12d: {  	v1 =	vld @!p0 [tilespmem:s15+$0x180];
	_ =	sdelay $0x4  }
0x12e: {  	[tilespmem:$0x2180] =	vst @!p0 v1  }
0x12f: {  	v1 =	vld @!p0 [tilespmem:s14+$0x180];
	_ =	sdelay $0x4  }
0x130: {  	[tilespmem:$0x2200] =	vst @!p0 v1  }
0x131: {  	v1 =	vld @!p0 [tilespmem:s15+$0x190];
	_ =	sdelay $0x4  }
0x132: {  	[tilespmem:$0x2190] =	vst @!p0 v1  }
0x133: {  	v1 =	vld @!p0 [tilespmem:s14+$0x190];
	_ =	sdelay $0x4  }
0x134: {  	[tilespmem:$0x2210] =	vst @!p0 v1  }
0x135: {  	v1 =	vld @!p0 [tilespmem:s15+$0x1A0];
	_ =	sdelay $0x4  }
0x136: {  	[tilespmem:$0x21A0] =	vst @!p0 v1  }
0x137: {  	v1 =	vld @!p0 [tilespmem:s14+$0x1A0];
	_ =	sdelay $0x4  }
0x138: {  	[tilespmem:$0x2220] =	vst @!p0 v1  }
0x139: {  	v1 =	vld @!p0 [tilespmem:s15+$0x1B0];
	_ =	sdelay $0x4  }
0x13a: {  	[tilespmem:$0x21B0] =	vst @!p0 v1  }
0x13b: {  	v1 =	vld @!p0 [tilespmem:s14+$0x1B0];
	_ =	sdelay $0x4  }
0x13c: {  	[tilespmem:$0x2230] =	vst @!p0 v1  }
0x13d: {  	v1 =	vld @!p0 [tilespmem:s15+$0x1C0];
	_ =	sdelay $0x4  }
0x13e: {  	[tilespmem:$0x21C0] =	vst @!p0 v1  }
0x13f: {  	v1 =	vld @!p0 [tilespmem:s14+$0x1C0];
	_ =	sdelay $0x4  }
0x140: {  	[tilespmem:$0x2240] =	vst @!p0 v1  }
0x141: {  	v1 =	vld @!p0 [tilespmem:s15+$0x1D0];
	_ =	sdelay $0x4  }
0x142: {  	[tilespmem:$0x21D0] =	vst @!p0 v1  }
0x143: {  	v1 =	vld @!p0 [tilespmem:s14+$0x1D0];
	_ =	sdelay $0x4  }
0x144: {  	[tilespmem:$0x2250] =	vst @!p0 v1  }
0x145: {  	v1 =	vld @!p0 [tilespmem:s15+$0x1E0];
	_ =	sdelay $0x4  }
0x146: {  	[tilespmem:$0x21E0] =	vst @!p0 v1  }
0x147: {  	v1 =	vld @!p0 [tilespmem:s14+$0x1E0];
	_ =	sdelay $0x4  }
0x148: {  	[tilespmem:$0x2260] =	vst @!p0 v1  }
0x149: {  	v1 =	vld @!p0 [tilespmem:s15+$0x1F0];
	_ =	sdelay $0x4  }
0x14a: {  	[tilespmem:$0x21F0] =	vst @!p0 v1  }
0x14b: {  	v1 =	vld @!p0 [tilespmem:s14+$0x1F0];
	_ =	sdelay $0x4  }
0x14c: {  	s1 =	simm.s32 @!p0 $0x2180;
	s0 =	simm.s32 @!p0 $0x10280;
	s31 =	simm.s32 @!p0 $0x80;
	[tilespmem:$0x2270] =	vst @!p0 v1  }
0x14d: {  	[tilespmem:s0], [sflag:$0x1] =	stream.indirect.gather @!p0 [hbm4b:s4+s31], $0x40, s1, s31, $0xb8;
	[tilespmem:$0x12280] =	vst v63  }
0x14e: {  	s1 =	simm.s32 @!p1 $0x0  }
0x14f: {  	s1 =	simm.s32 @p1 $0x1  }
0x150: {  	[smem:$0x7FB] =	sst s1;
	s1 =	simm.s32 @!p1 $0x1  }
0x151: {  	_ =	swait.ge @!p1 [sflag:s1], $0x2000  }
0x152: {  	[sflag:s1] =	ssyncset.done @!p1 $0x0  }
0x153: {  	[sflag:s1] =	ssyncadd.s32 @!p1 $0xFFFFE000;
	s1 =	sld [smem:$0x7FD];
	_ =	sdelay $0x2  }
0x154: {  	p1 =	seq.s32 s1, $0x1  }
0x155: {  	s1 =	simm.s32 @!p1 $0x1  }
0x156: {  	_ =	swait.ge @!p1 [sflag:s1], $0x2000  }
0x157: {  	[sflag:s1] =	ssyncset.done @!p1 $0x0  }
0x158: {  	[sflag:s1] =	ssyncadd.s32 @!p1 $0xFFFFE000;
	s1 =	simm.s32 @!p2 $0x0  }
0x159: {  	s1 =	simm.s32 @p2 $0x1  }
0x15a: {  	[smem:$0x7FC] =	sst s1;
	s1 =	simm.s32 @!p2 $0x1  }
0x15b: {  	_ =	swait.ge @!p2 [sflag:s1], $0x2000  }
0x15c: {  	[sflag:s1] =	ssyncset.done @!p2 $0x0  }
0x15d: {  	[sflag:s1] =	ssyncadd.s32 @!p2 $0xFFFFE000;
	s1 =	simm.s32 @!p3 $0x1  }
0x15e: {  	_ =	swait.ge @!p3 [sflag:s1], $0x2000  }
0x15f: {  	[sflag:s1] =	ssyncset.done @!p3 $0x0  }
0x160: {  	[sflag:s1] =	ssyncadd.s32 @!p3 $0xFFFFE000;
	s1 =	simm.s32 @!p4 $0x1  }
0x161: {  	_ =	swait.ge @!p4 [sflag:s1], $0x2000  }
0x162: {  	[sflag:s1] =	ssyncset.done @!p4 $0x0  }
0x163: {  	[sflag:s1] =	ssyncadd.s32 @!p4 $0xFFFFE000;
	s1 =	simm.s32 @!p5 $0x1  }
0x164: {  	_ =	swait.ge @!p5 [sflag:s1], $0x2000  }
0x165: {  	[sflag:s1] =	ssyncset.done @!p5 $0x0  }
0x166: {  	[sflag:s1] =	ssyncadd.s32 @!p5 $0xFFFFE000;
	s1 =	simm.s32 @!p6 $0x1  }
0x167: {  	_ =	swait.ge @!p6 [sflag:s1], $0x2000  }
0x168: {  	[sflag:s1] =	ssyncset.done @!p6 $0x0  }
0x169: {  	[sflag:s1] =	ssyncadd.s32 @!p6 $0xFFFFE000;
	s1 =	simm.s32 @!p0 $0x1  }
0x16a: {  	_ =	swait.ge @!p0 [sflag:s1], $0x2000  }
0x16b: {  	[sflag:s1] =	ssyncset.done @!p0 $0x0  }
0x16c: {  	[sflag:s1] =	ssyncadd.s32 @!p0 $0xFFFFE000;
	s1 =	sld [smem:$0x7FB];
	_ =	sdelay $0x2  }
0x16d: {  	p1 =	seq.s32 s1, $0x1  }
0x16e: {  	s1 =	simm.s32 @!p1 $0x1B00  }
0x16f: {  	[hbm4b:s2+s16] =	stream.indirect.scatter @!p1 [tilespmem:s17], [sflag:$0x2], $0x40, s1, s16, $0xb8;
	[tilespmem:$0x12280] =	vst v63  }
0x170: {  	s16 =	sld [smem:$0x7FD]  }
0x171: {  	s17 =	sld [smem:$0x7FD];
	_ =	sdelay $0x1  }
0x172: {  	p2 =	seq.s32 s16, $0x1  }
0x173: {  	s1 =	simm.s32 @!p2 $0x1C00;
	p2 =	seq.s32 s17, $0x1  }
0x174: {  	[hbm4b:s2+s18] =	stream.indirect.scatter @!p2 [tilespmem:s19], [sflag:$0x2], $0x40, s1, s18, $0xb8;
	[tilespmem:$0x12280] =	vst v63  }
0x175: {  	s19 =	sld [smem:$0x7FC];
	_ =	sdelay $0x2  }
0x176: {  	p2 =	seq.s32 s19, $0x1  }
0x177: {  	s1 =	simm.s32 @!p2 $0x1D00  }
0x178: {  	[hbm4b:s2+s20] =	stream.indirect.scatter @!p2 [tilespmem:s21], [sflag:$0x2], $0x40, s1, s20, $0xb8;
	[tilespmem:$0x12280] =	vst v63  }
0x179: {  	s1 =	simm.s32 @!p3 $0x1E00  }
0x17a: {  	[hbm4b:s2+s22] =	stream.indirect.scatter @!p3 [tilespmem:s23], [sflag:$0x2], $0x40, s1, s22, $0xb8;
	[tilespmem:$0x12280] =	vst v63  }
0x17b: {  	s1 =	simm.s32 @!p4 $0x1F00  }
0x17c: {  	[hbm4b:s2+s24] =	stream.indirect.scatter @!p4 [tilespmem:s25], [sflag:$0x2], $0x40, s1, s24, $0xb8;
	[tilespmem:$0x12280] =	vst v63  }
0x17d: {  	s1 =	simm.s32 @!p5 $0x2000  }
0x17e: {  	[hbm4b:s2+s26] =	stream.indirect.scatter @!p5 [tilespmem:s28], [sflag:$0x2], $0x40, s1, s26, $0xb8;
	[tilespmem:$0x12280] =	vst v63  }
0x17f: {  	s1 =	simm.s32 @!p6 $0x2100  }
0x180: {  	[hbm4b:s2+s29] =	stream.indirect.scatter @!p6 [tilespmem:s30], [sflag:$0x2], $0x40, s1, s29, $0xb8;
	[tilespmem:$0x12280] =	vst v63  }
0x181: {  	s1 =	simm.s32 @!p0 $0x2200  }
0x182: {  	[hbm4b:s2+s31] =	stream.indirect.scatter @!p0 [tilespmem:s0], [sflag:$0x2], $0x40, s1, s31, $0xb8;
	[tilespmem:$0x12280] =	vst v63  }
0x183: {  	s0 =	simm.s32 @!p1 $0x2  }
0x184: {  	_ =	swait.ge @!p1 [sflag:s0], $0x2000  }
0x185: {  	s31 =	sld [smem:$0x7FD];
	_ =	sdelay $0x1  }
0x186: {  	[sflag:s0] =	ssyncset.done @!p1 $0x0  }
0x187: {  	[sflag:s0] =	ssyncadd.s32 @!p1 $0xFFFFE000;
	p1 =	seq.s32 s31, $0x1  }
0x188: {  	s0 =	simm.s32 @!p1 $0x2  }
0x189: {  	_ =	swait.ge @!p1 [sflag:s0], $0x2000  }
0x18a: {  	[sflag:s0] =	ssyncset.done @!p1 $0x0  }
0x18b: {  	[sflag:s0] =	ssyncadd.s32 @!p1 $0xFFFFE000;
	s0 =	simm.s32 @!p2 $0x2  }
0x18c: {  	_ =	swait.ge @!p2 [sflag:s0], $0x2000  }
0x18d: {  	[sflag:s0] =	ssyncset.done @!p2 $0x0  }
0x18e: {  	[sflag:s0] =	ssyncadd.s32 @!p2 $0xFFFFE000;
	s0 =	simm.s32 @!p3 $0x2  }
0x18f: {  	_ =	swait.ge @!p3 [sflag:s0], $0x2000  }
0x190: {  	[sflag:s0] =	ssyncset.done @!p3 $0x0  }
0x191: {  	[sflag:s0] =	ssyncadd.s32 @!p3 $0xFFFFE000;
	s0 =	simm.s32 @!p4 $0x2  }
0x192: {  	_ =	swait.ge @!p4 [sflag:s0], $0x2000  }
0x193: {  	[sflag:s0] =	ssyncset.done @!p4 $0x0  }
0x194: {  	[sflag:s0] =	ssyncadd.s32 @!p4 $0xFFFFE000;
	s0 =	simm.s32 @!p5 $0x2  }
0x195: {  	_ =	swait.ge @!p5 [sflag:s0], $0x2000  }
0x196: {  	[sflag:s0] =	ssyncset.done @!p5 $0x0  }
0x197: {  	[sflag:s0] =	ssyncadd.s32 @!p5 $0xFFFFE000;
	s0 =	simm.s32 @!p6 $0x2  }
0x198: {  	_ =	swait.ge @!p6 [sflag:s0], $0x2000  }
0x199: {  	[sflag:s0] =	ssyncset.done @!p6 $0x0  }
0x19a: {  	[sflag:s0] =	ssyncadd.s32 @!p6 $0xFFFFE000;
	s0 =	simm.s32 @!p0 $0x2  }
0x19b: {  	_ =	swait.ge @!p0 [sflag:s0], $0x2000  }
0x19c: {  	s12 =	sadd.s32 $0xFFFFFFFF, s12;
	[sflag:s0] =	ssyncset.done @!p0 $0x0  }
0x19d: {  	[sflag:s0] =	ssyncadd.s32 @!p0 $0xFFFFE000;
	p0 =	sne.s32 s12, $0x0  }
.Ltmp4:
0x19e: {  	_ = 	snop;
	(pc) =	sbr.rel @p0 .LBB2_5-.Ltmp4, $2  }
0x19f: {  	_ =	sdelay $0x2  }
0x1a0: {  	s13 =	sadd.s32 $0x8, s13;
	s15 =	sadd.s32 $0x400, s15;
	s14 =	sadd.s32 $0x400, s14  }
.Ltmp5:
0x1a1: {  	_ = 	snop;
	(pc) =	sbr.rel .LBB2_6-.Ltmp5, $1  }
0x1a2: {  	_ =	sdelay $0x3  }
.LBB2_7:
0x1a3: {  	_ =	sfence.sel $0x180000  }
0x1a4: {  	[bflag:$0x0] =	sbarrier.arrive $0xFFFF  }
0x1a5: {  	_ =	strace $0x9000004D  }
0x1a6: {  	s0 =	stileid.u32;
	[bflag:$0x2] =	sbarrier.arrive $0xFFFF  }
0x1a7: {  	p0 =	sne.s32 s0, $0x0;
	s0 =	rddreg [dreg:$0x2]  }
0x1a8: {  	s0 =	sadd.s32 @!p0 $0x100000, s0  }
0x1a9: {  	[sflag:s0] =	ssyncadd.tile.s32 @!p0 $0x1;
	_ =	shalt  }
.Lfunc_end2:
_tile_overlayer_lowered:
.L_overlay_start_2:
0x1aa: {  	(tag) =	ssettag $0x2  }
0x1ab: {  	s0 =	rddreg [dreg:$0x0];
	s2 =	stileid.u32  }
0x1ac: {  	s1 =	rddreg [dreg:$0x1];
	p0 =	sne.s32 s2, $0x0  }
0x1ad: {  	s3 =	rddreg [dreg:$0x2];
	[bflag:$0x3] =	sbarrier.arrive $0xFFFF;
	s2 =	simm.s32 @!p0 $0x1C03  }
0x1ae: {  	[timem:s3], [sflag:s2] =	dma.local @!p0 [hbm:s0], s1  }
0x1af: {  	s0 =	simm.s32 @!p0 $0x3  }
0x1b0: {  	_ =	swait.ge @!p0 [sflag:s0], s1  }
0x1b1: {  	s1 =	ssub.s32 @!p0 $0x0, s1;
	[sflag:s0] =	ssyncset.done @!p0 $0x0  }
0x1b2: {  	[sflag:s0] =	ssyncadd.s32 @!p0 s1  }
0x1b3: {  	[bflag:$0x3] =	sbarrier.arrive $0xFFFF  }
0x1b4: {  	_ =	shalt  }

// kernel: kernel.6.cloned.1.call-start
scs
__scs_entry_jumppad:
0x0: {  	(pc) =	sbr.rel $0x88, $3  }
0x1: {  	(tag) =	ssettag $0x0;
	lr =	simm.s32 $0x1  }
0x2: {  	[smem:$0x3F9A] =	sst lr;
	_ =	strace $0xD0000000  }
0x3: {  	_ = 	snop  }
0x4: {  	_ = 	snop  }
0x5: {  	_ = 	snop  }
0x6: {  	_ = 	snop  }
0x7: {  	_ = 	snop  }
__scs_overlays_trampoline_lowered:
0x8: {  	[smem:$0x3FA9] =	sst s0  }
0x9: {  	[smem:$0x3FAA] =	sst s1  }
0xa: {  	[smem:$0x3FAB] =	sst s2  }
0xb: {  	[smem:$0x3FAC] =	sst s3  }
0xc: {  	[smem:$0x3FAD] =	sst s4  }
0xd: {  	[smem:$0x3FAE] =	sst s5  }
0xe: {  	[smem:$0x3FAF] =	sst s6  }
0xf: {  	[smem:$0x3FB0] =	sst s7  }
0x10: {  	[smem:$0x3FB1] =	sst s8  }
0x11: {  	[smem:$0x3FB2] =	sst s9;
	s0 =	simm.s32 @!p0 $0x0  }
0x12: {  	s1 =	sld [smem:$0x3F98];
	s0 =	simm.s32 @p0 $0x1  }
0x13: {  	[smem:$0x3FB3] =	sst s0;
	s0 =	simm.s32 @!p1 $0x0  }
0x14: {  	s2 =	sld [smem:$0x3F97];
	s0 =	simm.s32 @p1 $0x1  }
0x15: {  	[smem:$0x3FB4] =	sst s0;
	s0 =	simm.s32 @!p2 $0x0  }
0x16: {  	s3 =	sld [smem:$0x3FDB];
	s0 =	simm.s32 @p2 $0x1  }
0x17: {  	s4 =	simm.s32 $0x1BF5;
	[smem:$0x3FB6] =	sst s0  }
0x18: {  	s0 =	sld [smem:$0x3F99];
	_ =	swait.ge [sflag:s4], $0x0  }
0x19: {  	s7 =	sld [smem:$0x3F9A]  }
0x1a: {  	s8 =	sadd.s32 $0xFFFFE003, lr  }
0x1b: {  	s9 =	sadd.s32 $0xFFFFFEF7, lr;
	s5 =	simm.s32 $0xFFFFFFFF;
	p2 =	slt.u32 s8, $0xFFFFF086  }
0x1c: {  	p1 =	slt.u32 s9, $0xF7A;
	s5 =	simm.s32 @!p2 $0x0  }
0x1d: {  	s5 =	simm.s32 @p1 $0x1;
	p0 =	seq.s32 s7, s2  }
0x1e: {  	s7 =	smul.u32 @!p0 $0xF7A, s2;
	p2 =	seq.s32 @!p0 s5, $0x0  }
0x1f: {  	s9 =	smul.u32 $0xF7A, s1;
	s8 =	simm.s32 @!p0 $0x1BF5;
	p2 =	por !p2, p0  }
0x20: {  	[sflag:s8] =	ssyncset.s32 @!p0 $0xFFFFF086;
	s6 =	sadd.s32 @!p0 s3, s7;
	s7 =	simm.s32 @!p0 $0x108  }
0x21: {  	s3 =	sadd.s32 s3, s9;
	s6 =	sadd.s32 @!p0 $0x88, s6;
	s7 =	simm.s32 @p2 $0x1082  }
0x22: {  	[simem:s7], [sflag:s8] =	dma.local @!p0 [hbm:s6], $0xF7A  }
0x23: {  	s9 =	sor.u32 $0xD0000000, s2;
	s6 =	simm.s32 $0x108;
	_ =	swait.ge @!p0 [sflag:s8], $0x0  }
0x24: {  	s3 =	sadd.s32 $0x88, s3;
	s6 =	simm.s32 @!p1 $0x1082;
	[sflag:s4] =	ssyncset.s32 $0xFFFFF086  }
0x25: {  	[simem:s6], [sflag:s4] =	dma.local [hbm:s3], $0xF7A  }
0x26: {  	[smem:$0x3F9A] =	sst s1;
	(tag) =	ssettag s2;
	_ =	strace s9  }
0x27: {  	s1 =	sld [smem:$0x3FAA]  }
0x28: {  	s2 =	sld [smem:$0x3FAB]  }
0x29: {  	s4 =	sld [smem:$0x3FAD]  }
0x2a: {  	p0 =	seq.s32 s5, $0x0;
	s5 =	sld [smem:$0x3FAE]  }
0x2b: {  	s6 =	sld [smem:$0x3FAF]  }
0x2c: {  	s7 =	sld [smem:$0x3FB0]  }
0x2d: {  	s3 =	simm.s32 $0x108;
	s8 =	sld [smem:$0x3FB1]  }
0x2e: {  	s3 =	simm.s32 @!p0 $0x1082;
	s9 =	sld [smem:$0x3FB2]  }
0x2f: {  	lr =	sadd.s32 s0, s3;
	s0 =	sld [smem:$0x3FA9]  }
0x30: {  	s3 =	sld [smem:$0x3FAC]  }
0x31: {  	[smem:$0x3FB5] =	sst s10  }
0x32: {  	s10 =	sld [smem:$0x3FB3];
	_ =	sdelay $0x3  }
0x33: {  	p0 =	seq.s32 s10, $0x1;
	s10 =	sld [smem:$0x3FB5];
	_ =	sdelay $0x3  }
0x34: {  	[smem:$0x3FB5] =	sst s10  }
0x35: {  	s10 =	sld [smem:$0x3FB4];
	_ =	sdelay $0x3  }
0x36: {  	p1 =	seq.s32 s10, $0x1;
	s10 =	sld [smem:$0x3FB5];
	_ =	sdelay $0x3  }
0x37: {  	[smem:$0x3FB5] =	sst s10  }
0x38: {  	s10 =	sld [smem:$0x3FB6]  }
0x39: {  	_ = 	snop;
	(pc) =	sbr.ind lr, $3  }
0x3a: {  	_ = 	snop  }
0x3b: {  	_ = 	snop  }
0x3c: {  	p2 =	seq.s32 s10, $0x1;
	s10 =	sld [smem:$0x3FB5]  }
0x3d: {  	_ =	shalt  }
0x3e: {  	_ =	shalt  }
0x3f: {  	_ =	shalt  }
0x40: {  	_ =	shalt  }
0x41: {  	_ =	shalt  }
0x42: {  	_ =	shalt  }
0x43: {  	_ =	shalt  }
0x44: {  	_ =	shalt  }
0x45: {  	_ =	shalt  }
0x46: {  	_ =	shalt  }
0x47: {  	_ =	shalt  }
0x48: {  	_ =	shalt  }
0x49: {  	_ =	shalt  }
0x4a: {  	_ =	shalt  }
0x4b: {  	_ =	shalt  }
0x4c: {  	_ =	shalt  }
0x4d: {  	_ =	shalt  }
0x4e: {  	_ =	shalt  }
0x4f: {  	_ =	shalt  }
0x50: {  	_ =	shalt  }
0x51: {  	_ =	shalt  }
0x52: {  	_ =	shalt  }
0x53: {  	_ =	shalt  }
0x54: {  	_ =	shalt  }
0x55: {  	_ =	shalt  }
0x56: {  	_ =	shalt  }
0x57: {  	_ =	shalt  }
0x58: {  	_ =	shalt  }
0x59: {  	_ =	shalt  }
0x5a: {  	_ =	shalt  }
0x5b: {  	_ =	shalt  }
0x5c: {  	_ =	shalt  }
0x5d: {  	_ =	shalt  }
0x5e: {  	_ =	shalt  }
0x5f: {  	_ =	shalt  }
0x60: {  	_ =	shalt  }
0x61: {  	_ =	shalt  }
0x62: {  	_ =	shalt  }
0x63: {  	_ =	shalt  }
0x64: {  	_ =	shalt  }
0x65: {  	_ =	shalt  }
0x66: {  	_ =	shalt  }
0x67: {  	_ =	shalt  }
0x68: {  	_ =	shalt  }
0x69: {  	_ =	shalt  }
0x6a: {  	_ =	shalt  }
0x6b: {  	_ =	shalt  }
0x6c: {  	_ =	shalt  }
0x6d: {  	_ =	shalt  }
0x6e: {  	_ =	shalt  }
0x6f: {  	_ =	shalt  }
0x70: {  	_ =	shalt  }
0x71: {  	_ =	shalt  }
0x72: {  	_ =	shalt  }
0x73: {  	_ =	shalt  }
0x74: {  	_ =	shalt  }
0x75: {  	_ =	shalt  }
0x76: {  	_ =	shalt  }
0x77: {  	_ =	shalt  }
0x78: {  	_ =	shalt  }
0x79: {  	_ =	shalt  }
0x7a: {  	_ =	shalt  }
0x7b: {  	_ =	shalt  }
0x7c: {  	_ =	shalt  }
0x7d: {  	_ =	shalt  }
0x7e: {  	_ =	shalt  }
0x7f: {  	_ =	shalt  }
0x80: {  	_ =	shalt  }
0x81: {  	_ =	shalt  }
0x82: {  	_ =	shalt  }
0x83: {  	_ =	shalt  }
0x84: {  	_ =	shalt  }
0x85: {  	_ =	shalt  }
0x86: {  	_ =	shalt  }
0x87: {  	_ =	shalt  }
.Lfunc_end0:
.L_simem_size_0:
called_computation_lowered:
.L_overlay_start_0:
0x88: {  	s2 =	sld [smem:$0x3FD9]  }
0x89: {  	s3 =	sld [smem:$0x3FFE];
	_ =	sdelay $0x1  }
0x8a: {  	s1 =	srdreg.scid  }
0x8b: {  	s0 =	sand.u32 $0x1, s1  }
0x8c: {  	s17 =	sshll.u32 s0, $0xA;
	s2 =	sadd.s32 s3, s2  }
0x8d: {  	s2 =	sadd.s32 s2, s17  }
0x8e: {  	[smem:$0x3FC1] =	sst s2  }
0x8f: {  	_ = 	snop  }
0x90: {  	s18 =	sld [smem:$0x3FC8];
	(tm) =	ssettm $0x1  }
0x91: {  	s19 =	sld [smem:$0x3FFB];
	_ =	sdelay $0x3  }
0x92: {  	_ =	strace s19  }
0x93: {  	s2 =	sld [smem:$0x3FFC];
	_ =	sdelay $0x3  }
0x94: {  	_ =	strace s2  }
0x95: {  	s2 =	sld [smem:$0x3FFD];
	_ =	sdelay $0x3  }
0x96: {  	_ =	strace s2  }
0x97: {  	_ =	strace $0x8FFFFFFF  }
0x98: {  	s20 =	sld [smem:$0x3FDB];
	_ =	sdelay $0x1  }
0x99: {  	s4 =	simm.s32 $_scs_section_size  }
0x9a: {  	s5 =	simm.s32 $_size__tile_overlayer_lowered;
	s6 =	simm.s32 $_tile_overlayer_lowered  }
0x9b: {  	s7 =	simm.s32 $0x1BFF;
	s21 =	sshll.u32 s6, $0x1;
	s4 =	sadd.s32 s4, s20  }
0x9c: {  	s22 =	simm.s32 $0x0;
	s5 =	sshll.u32 s5, $0x1;
	s6 =	sadd.s32 s21, s4  }
0x9d: {  	[timem:s22], [sflag:s7] =	dma.local [hbm:s6], s5  }
0x9e: {  	_ =	swait.ge [sflag:s7], s5  }
0x9f: {  	s5 =	ssub.s32 $0x0, s5;
	[sflag:s7] =	ssyncset.done $0x0  }
0xa0: {  	[sflag:s7] =	ssyncadd.s32 s5;
	_ =	sdelay $0x1  }
0xa1: {  	s23 =	simm.s32 $0x1B8B  }
0xa2: {  	_ =	swait.ge [sflag:s23], $0x1  }
0xa3: {  	[sflag:s23] =	ssyncset.done $0x0  }
0xa4: {  	[sflag:s23] =	ssyncadd.s32 $0xFFFFFFFF  }
0xa5: {  	s5 =	sld [smem:$0x0]  }
0xa6: {  	s6 =	sand.u32 $0xFFFFFFFE, s1  }
0xa7: {  	p0 =	sne.s32 s1, s6  }
0xa8: {  	s6 =	sshll.u32 @p0 s6, $0xE  }
0xa9: {  	s6 =	sadd.s32 @p0 $0x11B8D, s6;
	s7 =	sshll.u32 @p0 s5, $0x11  }
0xaa: {  	s6 =	sor.u32 @p0 s7, s6  }
0xab: {  	[sflag:s6] =	ssyncadd.remote.s32 @p0 $0x1;
	_ =	sdelay $0x1  }
0xac: {  	s6 =	simm.s32 @p0 $0x1B8D  }
0xad: {  	_ =	swait.eq @p0 [sflag:s6], $0x1  }
0xae: {  	[sflag:s6] =	ssyncadd.s32 @p0 $0xFFFFFFFF  }
0xaf: {  	s7 =	sshll.u32 @!p0 s1, $0xE  }
0xb0: {  	s7 =	sor.u32 @!p0 $0x4000, s7;
	s6 =	simm.s32 @!p0 $0x1B8D  }
0xb1: {  	s5 =	sshll.u32 @!p0 s5, $0x11;
	s7 =	sadd.s32 @!p0 $0x11B8D, s7;
	_ =	swait.eq @!p0 [sflag:s6], $0x1  }
0xb2: {  	s5 =	sor.u32 @!p0 s5, s7;
	[sflag:s6] =	ssyncadd.s32 @!p0 $0xFFFFFFFF  }
0xb3: {  	s25 =	simm.s32 $0x1B8E;
	s24 =	sld [smem:$0x3FFE];
	[sflag:s5] =	ssyncadd.remote.s32 @!p0 $0x1  }
0xb4: {  	s26 =	simm.s32 $execute0_lowered;
	[smem:$0x3FD2] =	sst s25  }
0xb5: {  	s6 =	sshll.u32 s26, $0x1;
	_ =	strace $0x80000049;
	[dreg:$0x1] =	wrdreg $0xFFFFFFFF  }
0xb6: {  	s28 =	simm.s32 $_size_execute0_lowered;
	s4 =	sadd.s32 s4, s6;
	[dreg:$0x0] =	wrdreg $0x0  }
0xb7: {  	s6 =	sshll.u32 s28, $0x1;
	[dreg:$0x2] =	wrdreg s4  }
0xb8: {  	[dreg:$0x3] =	wrdreg s6  }
0xb9: {  	[dreg:$0x4] =	wrdreg $0xC0  }
0xba: {  	_ =	task [dreg:s22], $0x5FFFF  }
0xbb: {  	[dreg:$0x1] =	wrdreg $0xFFFFFFFF  }
0xbc: {  	[dreg:$0x0] =	wrdreg $0x60  }
0xbd: {  	[dreg:$0x2] =	wrdreg s18  }
0xbe: {  	[dreg:$0x3] =	wrdreg s24  }
0xbf: {  	[dreg:$0x4] =	wrdreg $0x9  }
0xc0: {  	_ =	task.clear_ibuf [dreg:s22], $0x5FFFF;
	_ =	strace $0x90000049  }
0xc1: {  	s29 =	simm.s32 $0x9;
	_ =	strace $0x8000004B  }
0xc2: {  	_ =	swait.ge [sflag:s29], $0x1  }
0xc3: {  	[sflag:s29] =	ssyncadd.s32 $0xFFFFFFFF  }
0xc4: {  	_ =	strace $0x9000004B  }
0xc5: {  	_ =	sfence  }
0xc6: {  	s30 =	sld [smem:$0x0];
	_ =	sdelay $0x2  }
0xc7: {  	s31 =	sshll.u32 s1, $0xD;
	s1 =	sshrl.u32 s1, $0x2  }
0xc8: {  	s4 =	sand.u32 $0x4000, s31;
	s1 =	sadd.s32 s1, s30  }
0xc9: {  	s0 =	sor.u32 s4, s0;
	s1 =	sshll.u32 s1, $0x11  }
0xca: {  	s0 =	sor.u32 s1, s0  }
0xcb: {  	s0 =	sadd.s32 $0x8F2B, s0  }
0xcc: {  	[sflag:s0] =	ssyncadd.remote.s32 $0x1  }
0xcd: {  	_ =	sfence.sel $0xFFFF  }
0xce: {  	[dreg:$0x0] =	wrdreg $0xFFFFFFFF;
	(pc) =	sbr.abs _section_cstart, $3  }
0xcf: {  	[dreg:$0x1] =	wrdreg $0xFFFFFFFF  }
0xd0: {  	_ =	task.clear_ibuf [dreg:s22], $0x2FFFF;
	_ =	strace $0x9FFFFFFF  }
0xd1: {  	(tm) =	ssettm $0x7FFFFFFF  }
tec
execute0_lowered:
.L_overlay_start_1:
0x0: {  	(tag) =	ssettag $0x1  }
0x1: {  	s1 =	srdreg.scid;
	s2 =	rddreg [dreg:$0x0]  }
0x2: {  	s0 =	stileid.u32;
	s5 =	rddreg [dreg:$0x1]  }
0x3: {  	s3 =	simm.s32 $0x0;
	s11 =	simm.s32 $0x5980;
	s12 =	simm.s32 $0x0  }
0x4: {  	s4 =	sand.u32 $0x1, s1;
	s29 =	sshll.u32 s0, $0x1;
	s10 =	smul.u32 $0x186A, s0  }
0x5: {  	s1 =	rddreg [dreg:$0x2];
	s6 =	sor.u32 s4, s29;
	s31 =	smul.u32 $0xC35, s4  }
0x6: {  	[smem:$0x7FF] =	sst s3;
	s8 =	ssub.s32 $0x2, s4;
	s7 =	smul.u32 $0x1A8, s6  }
0x7: {  	_ =	strace $0x8000004A;
	s9 =	smul.u32 $0xC35, s6;
	s30 =	sshrl.u32 s8, $0x1  }
0x8: {  	s6 =	ssub.s32 s8, s30;
	s8 =	simm.s32 $0x1;
	s5 =	sadd.s32 s7, s5  }
0x9: {  	s6 =	smax.u32 s6, $0x1;
	v0 =	vmov s9;
	s7 =	sadd.s32 s31, s10;
	s9 =	simm.s32 $0x4000  }
0xa: {  	v1 =	vimm.s32 $0xFFFFFFFF;
	v2 =	vlaneseq.u32;
	v3 =	vimm.s32 $0x0;
	s10 =	simm.s32 $0x4C40;
	s4 =	sadd.s32 $0x21E00, s5;
	s5 =	sadd.s32 $0x25400, s5  }
.LBB2_1:
0xb: {  	[tilespmem:s3], [sflag:$0x1] =	stream.linear.gather [hbm4b:s2+s3], $0x4000, $0x38;
	[tilespmem:$0x66C0] =	vst v63  }
0xc: {  	_ =	swait.ge [sflag:s8], $0x4000  }
0xd: {  	[sflag:s8] =	ssyncset.done $0x0  }
0xe: {  	s13 =	simm.s32 $0x0;
	[sflag:s8] =	ssyncadd.s32 $0xFFFFC000  }
.LBB2_2:
0xf: {  	p0 =	sne.s32 s13, $0x30C0  }
.Ltmp0:
0x10: {  	_ = 	snop;
	(pc) =	sbr.rel @p0 .LBB2_2-.Ltmp0, $3  }
0x11: {  	_ =	sdelay $0x1  }
0x12: {  	s14 =	sshra.s32 s13, $0x2  }
0x13: {  	s13 =	sadd.s32 $0x40, s13;
	[tilespmem:s14+$0x4000] =	vst v1  }
0x14: {  	s13 =	simm.s32 $0x0  }
.LBB2_4:
0x15: {  	p0 =	sne.s32 s13, $0x34C0  }
.Ltmp1:
0x16: {  	_ = 	snop;
	(pc) =	sbr.rel @p0 .LBB2_4-.Ltmp1, $3  }
0x17: {  	_ =	sdelay $0x1  }
0x18: {  	s14 =	sshra.s32 s13, $0x2  }
0x19: {  	s13 =	sadd.s32 $0x40, s13;
	[tilespmem:s14+$0x4C40] =	vst v1  }
0x1a: {  	s13 =	simm.s32 $0x70;
	s14 =	simm.s32 $0x40  }
.LBB2_6:
0x1b: {  	v4 =	vld [tilespmem:s14+$0xFFFFFFC0]  }
0x1c: {  	v5 =	vld [tilespmem:s14+$0xFFFFFFD0]  }
0x1d: {  	v6 =	vld [tilespmem:s14+$0xFFFFFFE0]  }
0x1e: {  	v7 =	vld [tilespmem:s14+$0xFFFFFFF0]  }
0x1f: {  	v8 =	vld [tilespmem:s14+$0x0]  }
0x20: {  	v9 =	vld [tilespmem:s14+$0x10]  }
0x21: {  	v10 =	vld [tilespmem:s14+$0x20]  }
0x22: {  	v11 =	vld [tilespmem:s14+$0x30]  }
0x23: {  	s15 =	sadd.s32 $0xFFFFFF90, s13;
	s16 =	sadd.s32 $0xFFFFFFA0, s13;
	s26 =	sadd.s32 $0xFFFFFFB0, s13  }
0x24: {  	v12 =	vor.u32 s15, v2;
	v13 =	vor.u32 s16, v2;
	v14 =	vor.u32 s26, v2  }
0x25: {  	v4 =	vsub.s32 v4, v0;
	v5 =	vsub.s32 v5, v0;
	v6 =	vsub.s32 v6, v0  }
0x26: {  	v7 =	vsub.s32 v7, v0;
	v8 =	vsub.s32 v8, v0;
	v9 =	vsub.s32 v9, v0  }
0x27: {  	v10 =	vsub.s32 v10, v0;
	v11 =	vsub.s32 v11, v0;
	vm7 =	vlt.u32 v4, $0xC35  }
0x28: {  	vm6 =	vlt.u32 v5, $0xC35;
	vm5 =	vlt.u32 v6, $0xC35;
	vm4 =	vlt.u32 v7, $0xC35  }
0x29: {  	vm3 =	vlt.u32 v8, $0xC35;
	vm2 =	vlt.u32 v9, $0xC35;
	vm8 =	vgt.s32 v4, $0x0  }
0x2a: {  	vm1 =	vlt.u32 v10, $0xC35;
	vm9 =	vgt.s32 v5, $0x0;
	v4 =	vnsel vm8, $0x0, v4  }
0x2b: {  	vm15 =	vgt.s32 v6, $0x0;
	v5 =	vnsel vm9, $0x0, v5;
	v4 =	vmin.u32 v4, $0xC34  }
0x2c: {  	vm12 =	vgt.s32 v7, $0x0;
	v6 =	vnsel vm15, $0x0, v6;
	v5 =	vmin.u32 v5, $0xC34  }
0x2d: {  	vm13 =	vgt.s32 v8, $0x0;
	v7 =	vnsel vm12, $0x0, v7;
	v6 =	vmin.u32 v6, $0xC34  }
0x2e: {  	vm14 =	vgt.s32 v9, $0x0;
	v8 =	vnsel vm13, $0x0, v8;
	v7 =	vmin.u32 v7, $0xC34  }
0x2f: {  	v9 =	vnsel vm14, $0x0, v9;
	vm15 =	vgt.s32 v10, $0x0;
	v8 =	vmin.u32 v8, $0xC34  }
0x30: {  	vm12 =	vgt.s32 v11, $0x0;
	v9 =	vmin.u32 v9, $0xC34;
	v10 =	vnsel vm15, $0x0, v10;
	[tilespmem:v4+s9+$0x0] =	vst.idx.msk vm7, v12  }
0x31: {  	s28 =	sadd.s32 $0xFFFFFFC0, s13;
	vm0 =	vlt.u32 v11, $0xC35;
	v11 =	vnsel vm12, $0x0, v11;
	v10 =	vmin.u32 v10, $0xC34;
	[tilespmem:v5+s9+$0x0] =	vst.idx.msk vm6, v13  }
0x32: {  	s29 =	sadd.s32 $0xFFFFFFD0, s13;
	v15 =	vor.u32 s28, v2;
	v11 =	vmin.u32 v11, $0xC34;
	[tilespmem:v6+s9+$0x0] =	vst.idx.msk vm5, v14  }
0x33: {  	s30 =	sadd.s32 $0xFFFFFFE0, s13;
	v16 =	vor.u32 s29, v2;
	[tilespmem:v7+s9+$0x0] =	vst.idx.msk vm4, v15  }
0x34: {  	s31 =	sadd.s32 $0xFFFFFFF0, s13;
	v17 =	vor.u32 s30, v2;
	[tilespmem:v8+s9+$0x0] =	vst.idx.msk vm3, v16  }
0x35: {  	v18 =	vor.u32 s31, v2;
	[tilespmem:v9+s9+$0x0] =	vst.idx.msk vm2, v17  }
0x36: {  	v19 =	vor.u32 s13, v2;
	[tilespmem:v10+s9+$0x0] =	vst.idx.msk vm1, v18  }
0x37: {  	[tilespmem:v11+s9+$0x0] =	vst.idx.msk vm0, v19  }
0x38: {  	v20 =	vld.idx.msk [tilespmem:v4+s9+$0x0], vm7  }
0x39: {  	v21 =	vld.idx.msk [tilespmem:v5+s9+$0x0], vm6  }
0x3a: {  	v22 =	vld.idx.msk [tilespmem:v6+s9+$0x0], vm5  }
0x3b: {  	v23 =	vld.idx.msk [tilespmem:v7+s9+$0x0], vm4  }
0x3c: {  	v24 =	vld.idx.msk [tilespmem:v8+s9+$0x0], vm3  }
0x3d: {  	v25 =	vld.idx.msk [tilespmem:v9+s9+$0x0], vm2;
	vm13 =	vgt.s32 v12, v20  }
0x3e: {  	v54 =	vld.idx.msk [tilespmem:v10+s9+$0x0], vm1;
	vm14 =	vgt.s32 v13, v21;
	vm8 =	vmand vm7, vm13  }
0x3f: {  	v55 =	vld.idx.msk [tilespmem:v11+s9+$0x0], vm0;
	vm10 =	vgt.s32 v14, v22;
	vm9 =	vmand vm6, vm14  }
0x40: {  	vm11 =	vgt.s32 v15, v23;
	vm10 =	vmand vm5, vm10  }
0x41: {  	vm12 =	vgt.s32 v16, v24;
	vm11 =	vmand vm4, vm11  }
0x42: {  	vm12 =	vmand vm3, vm12;
	vm13 =	vgt.s32 v17, v25  }
0x43: {  	vm14 =	vgt.s32 v18, v54;
	vm13 =	vmand vm2, vm13  }
0x44: {  	[tilespmem:v4+s9+$0x0] =	vst.idx.msk vm8, v12;
	vm8 =	vmand vm1, vm14;
	vm14 =	vgt.s32 v19, v55  }
0x45: {  	[tilespmem:v5+s9+$0x0] =	vst.idx.msk vm9, v13;
	vm15 =	vmand vm0, vm14  }
0x46: {  	[tilespmem:v6+s9+$0x0] =	vst.idx.msk vm10, v14  }
0x47: {  	[tilespmem:v7+s9+$0x0] =	vst.idx.msk vm11, v15  }
0x48: {  	[tilespmem:v8+s9+$0x0] =	vst.idx.msk vm12, v16  }
0x49: {  	[tilespmem:v9+s9+$0x0] =	vst.idx.msk vm13, v17  }
0x4a: {  	[tilespmem:v10+s9+$0x0] =	vst.idx.msk vm8, v18  }
0x4b: {  	[tilespmem:v11+s9+$0x0] =	vst.idx.msk vm15, v19  }
0x4c: {  	v56 =	vld.idx.msk [tilespmem:v4+s9+$0x0], vm7  }
0x4d: {  	v57 =	vld.idx.msk [tilespmem:v5+s9+$0x0], vm6  }
0x4e: {  	v58 =	vld.idx.msk [tilespmem:v6+s9+$0x0], vm5  }
0x4f: {  	v59 =	vld.idx.msk [tilespmem:v7+s9+$0x0], vm4  }
0x50: {  	v60 =	vld.idx.msk [tilespmem:v8+s9+$0x0], vm3  }
0x51: {  	v61 =	vld.idx.msk [tilespmem:v9+s9+$0x0], vm2;
	vm12 =	vgt.s32 v12, v56  }
0x52: {  	v62 =	vld.idx.msk [tilespmem:v10+s9+$0x0], vm1;
	vm13 =	vgt.s32 v13, v57;
	vm7 =	vmand vm7, vm12  }
0x53: {  	v63 =	vld.idx.msk [tilespmem:v11+s9+$0x0], vm0;
	vm14 =	vgt.s32 v14, v58;
	vm6 =	vmand vm6, vm13  }
0x54: {  	vm15 =	vgt.s32 v15, v59;
	vm5 =	vmand vm5, vm14  }
0x55: {  	vm4 =	vmand vm4, vm15;
	vm12 =	vgt.s32 v16, v60  }
0x56: {  	vm13 =	vgt.s32 v17, v61;
	vm3 =	vmand vm3, vm12  }
0x57: {  	vm14 =	vgt.s32 v18, v62;
	vm2 =	vmand vm2, vm13  }
0x58: {  	vm15 =	vgt.s32 v19, v63;
	vm1 =	vmand vm1, vm14;
	[tilespmem:v4+s9+$0x0] =	vst.idx.msk vm7, v12  }
0x59: {  	vm0 =	vmand vm0, vm15;
	[tilespmem:v5+s9+$0x0] =	vst.idx.msk vm6, v13  }
0x5a: {  	p0 =	sne.s32 s13, $0x3FF0;
	[tilespmem:v6+s9+$0x0] =	vst.idx.msk vm5, v14  }
.Ltmp2:
0x5b: {  	[tilespmem:v7+s9+$0x0] =	vst.idx.msk vm4, v15;
	(pc) =	sbr.rel @p0 .LBB2_6-.Ltmp2, $4  }
0x5c: {  	[tilespmem:v8+s9+$0x0] =	vst.idx.msk vm3, v16  }
0x5d: {  	[tilespmem:v9+s9+$0x0] =	vst.idx.msk vm2, v17  }
0x5e: {  	[tilespmem:v10+s9+$0x0] =	vst.idx.msk vm1, v18  }
0x5f: {  	s14 =	sadd.s32 $0x80, s14;
	s13 =	sadd.s32 $0x80, s13;
	[tilespmem:v11+s9+$0x0] =	vst.idx.msk vm0, v19  }
0x60: {  	s13 =	simm.s32 $0x0  }
0x61: {  	v4 =	vld [tilespmem:s13+$0x4000];
	_ =	sdelay $0x4  }
0x62: {  	vm0 =	vgt.s32 v4, $0xFFFFFFFF  }
0x63: {  	v5 =	vsel vm0, $0x1, v3  }
0x64: {  	(xrf0) =	vadd.scan.msk.s32 $0xffff, v5;
	_ =	sdelay $0x5  }
0x65: {  	v5, _, _ =	vpop (xrf0)  }
0x66: {  	s13 =	simm.s32 $0x0;
	(v2sf) =	vpush v5, $0xF  }
0x67: {  	v6 =	vadd.s32 s7, v2;
	[tilespmem:s13+$0x4C40] =	vst.msk vm0, v4  }
0x68: {  	s16 =	simm.s32 $0x10;
	s15 =	simm.s32 $0x80;
	s14 =	smov.u32 s7;
	[tilespmem:s13+$0x5980] =	vst.msk vm0, v6  }
.LBB2_8:
0x69: {  	p0 =	sne.s32 s15, $0x30C0;
	v4 =	vld [tilespmem:s16+$0x4000];
	_ =	sdelay $0x4  }
0x6a: {  	vm0 =	vgt.s32 v4, $0xFFFFFFFF  }
0x6b: {  	v5 =	vsel vm0, $0x1, v3  }
0x6c: {  	(xrf0) =	vadd.scan.msk.s32 $0xffff, v5;
	_ =	sdelay $0x4  }
.Ltmp3:
0x6d: {  	s16 =	spop (v2sf);
	(pc) =	sbr.rel @p0 .LBB2_8-.Ltmp3, $4  }
0x6e: {  	s14 =	sadd.s32 $0x10, s14;
	v5, _, _ =	vpop (xrf0);
	s13 =	sadd.s32 s13, s16  }
0x6f: {  	v6 =	vadd.s32 s14, v2;
	[tilespmem:s13+$0x4C40] =	vst.msk vm0, v4;
	(v2sf) =	vpush v5, $0xF  }
0x70: {  	[tilespmem:s13+$0x5980] =	vst.msk vm0, v6  }
0x71: {  	s16 =	sshra.s32 s15, $0x2;
	s15 =	sadd.s32 $0x40, s15  }
0x72: {  	v4 =	vld [tilespmem:s16+$0x4000];
	_ =	sdelay $0x4  }
0x73: {  	vm0 =	vgt.s32 v4, $0xFFFFFFFF  }
0x74: {  	v5 =	vsel vm0, $0x1, v3  }
0x75: {  	(xrf0) =	vadd.scan.msk.s32 $0xffff, v5;
	_ =	sdelay $0x5  }
0x76: {  	v5, _, _ =	vpop (xrf0)  }
0x77: {  	(v2sf) =	vpush v5, $0xF;
	_ =	sdelay $0x7  }
0x78: {  	s15 =	spop (v2sf)  }
0x79: {  	s14 =	sadd.s32 $0x10, s14;
	s13 =	sadd.s32 s13, s15  }
0x7a: {  	v5 =	vadd.s32 s14, v2;
	[tilespmem:s13+$0x4C40] =	vst.msk vm0, v4  }
0x7b: {  	[tilespmem:s13+$0x5980] =	vst.msk vm0, v5  }
0x7c: {  	v4 =	vld.msk [tilespmem:s10+$0x0], $0xffff  }
0x7d: {  	v5 =	vld.msk [tilespmem:s11+$0x0], $0xffff;
	_ =	sdelay $0x1  }
0x7e: {  	s28 =	spop (v2sf)  }
0x7f: {  	s13 =	sadd.s32 s13, s28  }
0x80: {  	[tilespmem:s13+$0x4C40] =	vst v4  }
0x81: {  	[tilespmem:s13+$0x5980] =	vst v5  }
0x82: {  	[tilespmem:s13+$0x4C50] =	vst v4  }
0x83: {  	[tilespmem:s13+$0x5990] =	vst v5  }
0x84: {  	[tilespmem:s13+$0x4C60] =	vst v4  }
0x85: {  	[tilespmem:s13+$0x59A0] =	vst v5  }
0x86: {  	[tilespmem:s13+$0x4C70] =	vst v4  }
0x87: {  	[tilespmem:s13+$0x59B0] =	vst v5;
	s14 =	sadd.s32 $0x7F, s13  }
0x88: {  	[tilespmem:s13+$0x4C80] =	vst v4;
	s29 =	sand.u32 $0x7F, s14  }
0x89: {  	[tilespmem:s13+$0x59C0] =	vst v5;
	s30 =	sshra.s32 s14, $0x1F;
	p1 =	slt.s32 s14, $0x1;
	p0 =	sne.s32 s29, $0x0  }
0x8a: {  	[tilespmem:s13+$0x4C90] =	vst v4;
	s15 =	sshrl.u32 s30, $0x19;
	p0 =	por !p1, !p0  }
0x8b: {  	[tilespmem:s13+$0x59D0] =	vst v5;
	s14 =	sadd.s32 s15, s14;
	s15 =	simm.s32 $0x1;
	p0 =	por !p0, !p0  }
0x8c: {  	[tilespmem:s13+$0x4CA0] =	vst v4;
	s14 =	sshrl.u32 s14, $0x7;
	s15 =	simm.s32 @!p0 $0x0  }
0x8d: {  	[tilespmem:s13+$0x59E0] =	vst v5;
	s14 =	ssub.s32 s14, s15  }
0x8e: {  	[tilespmem:s13+$0x4CB0] =	vst v4;
	s14 =	sshll.u32 s14, $0x9  }
0x8f: {  	[tilespmem:s13+$0x59F0] =	vst v5;
	s31 =	sshra.s32 s14, $0x2  }
0x90: {  	[tilespmem:s31+$0x4C40] =	vst v1  }
0x91: {  	[tilespmem:s31+$0x4C50] =	vst v1  }
0x92: {  	[tilespmem:s31+$0x4C60] =	vst v1  }
0x93: {  	[tilespmem:s31+$0x4C70] =	vst v1  }
0x94: {  	[tilespmem:s31+$0x4C80] =	vst v1  }
0x95: {  	[tilespmem:s31+$0x4C90] =	vst v1  }
0x96: {  	[tilespmem:s31+$0x4CA0] =	vst v1  }
0x97: {  	[tilespmem:s31+$0x4CB0] =	vst v1  }
0x98: {  	[hbm4b:s4+s3] =	stream.linear.scatter [tilespmem:s10], [sflag:$0x1], $0xD40, $0x38;
	[tilespmem:$0x66C0] =	vst v63  }
0x99: {  	s12 =	sadd.s32 $0x1, s12;
	_ =	swait.ge [sflag:s8], $0xD40  }
0x9a: {  	p0 =	sne.s32 s12, s6;
	[sflag:s8] =	ssyncset.done $0x0  }
.Ltmp4:
0x9b: {  	[sflag:s8] =	ssyncadd.s32 $0xFFFFF2C0;
	(pc) =	sbr.rel @p0 .LBB2_1-.Ltmp4, $4  }
0x9c: {  	[hbm4b:s5+s3] =	stream.linear.scatter [tilespmem:s11], [sflag:$0x1], $0xD40, $0x38;
	[tilespmem:$0x66C0] =	vst v63  }
0x9d: {  	_ =	swait.ge [sflag:s8], $0xD40  }
0x9e: {  	[sflag:s8] =	ssyncset.done $0x0  }
0x9f: {  	[sflag:s8] =	ssyncadd.s32 $0xFFFFF2C0  }
0xa0: {  	_ =	sfence.sel $0x180000  }
0xa1: {  	[bflag:$0x0] =	sbarrier.arrive $0xFFFF  }
0xa2: {  	p0 =	sne.s32 s0, $0x0;
	_ =	strace $0x9000004A  }
0xa3: {  	s0 =	sadd.s32 @!p0 $0x100000, s1;
	[bflag:$0x2] =	sbarrier.arrive $0xFFFF  }
0xa4: {  	[sflag:s0] =	ssyncadd.tile.s32 @!p0 $0x1;
	_ =	shalt  }
.Lfunc_end2:
_tile_overlayer_lowered:
.L_overlay_start_2:
0xa5: {  	(tag) =	ssettag $0x2  }
0xa6: {  	s0 =	rddreg [dreg:$0x0];
	s2 =	stileid.u32  }
0xa7: {  	s1 =	rddreg [dreg:$0x1];
	p0 =	sne.s32 s2, $0x0  }
0xa8: {  	s3 =	rddreg [dreg:$0x2];
	[bflag:$0x3] =	sbarrier.arrive $0xFFFF;
	s2 =	simm.s32 @!p0 $0x1C01  }
0xa9: {  	[timem:s3], [sflag:s2] =	dma.local @!p0 [hbm:s0], s1  }
0xaa: {  	s0 =	simm.s32 @!p0 $0x1  }
0xab: {  	_ =	swait.ge @!p0 [sflag:s0], s1  }
0xac: {  	s1 =	ssub.s32 @!p0 $0x0, s1;
	[sflag:s0] =	ssyncset.done @!p0 $0x0  }
0xad: {  	[sflag:s0] =	ssyncadd.s32 @!p0 s1  }
0xae: {  	[bflag:$0x3] =	sbarrier.arrive $0xFFFF  }
0xaf: {  	_ =	shalt  }

// kernel: kernel.9.cloned.1.call-start
scs
__scs_entry_jumppad:
0x0: {  	(pc) =	sbr.rel $0x88, $3  }
0x1: {  	(tag) =	ssettag $0x0;
	lr =	simm.s32 $0x1  }
0x2: {  	[smem:$0x3F9A] =	sst lr;
	_ =	strace $0xD0000000  }
0x3: {  	_ = 	snop  }
0x4: {  	_ = 	snop  }
0x5: {  	_ = 	snop  }
0x6: {  	_ = 	snop  }
0x7: {  	_ = 	snop  }
__scs_overlays_trampoline_lowered:
0x8: {  	[smem:$0x3FA9] =	sst s0  }
0x9: {  	[smem:$0x3FAA] =	sst s1  }
0xa: {  	[smem:$0x3FAB] =	sst s2  }
0xb: {  	[smem:$0x3FAC] =	sst s3  }
0xc: {  	[smem:$0x3FAD] =	sst s4  }
0xd: {  	[smem:$0x3FAE] =	sst s5  }
0xe: {  	[smem:$0x3FAF] =	sst s6  }
0xf: {  	[smem:$0x3FB0] =	sst s7  }
0x10: {  	[smem:$0x3FB1] =	sst s8  }
0x11: {  	[smem:$0x3FB2] =	sst s9;
	s0 =	simm.s32 @!p0 $0x0  }
0x12: {  	s1 =	sld [smem:$0x3F98];
	s0 =	simm.s32 @p0 $0x1  }
0x13: {  	[smem:$0x3FB3] =	sst s0;
	s0 =	simm.s32 @!p1 $0x0  }
0x14: {  	s2 =	sld [smem:$0x3F97];
	s0 =	simm.s32 @p1 $0x1  }
0x15: {  	[smem:$0x3FB4] =	sst s0;
	s0 =	simm.s32 @!p2 $0x0  }
0x16: {  	s3 =	sld [smem:$0x3FDB];
	s0 =	simm.s32 @p2 $0x1  }
0x17: {  	s4 =	simm.s32 $0x1BF5;
	[smem:$0x3FB6] =	sst s0  }
0x18: {  	s0 =	sld [smem:$0x3F99];
	_ =	swait.ge [sflag:s4], $0x0  }
0x19: {  	s7 =	sld [smem:$0x3F9A]  }
0x1a: {  	s8 =	sadd.s32 $0xFFFFE003, lr  }
0x1b: {  	s9 =	sadd.s32 $0xFFFFFEF7, lr;
	s5 =	simm.s32 $0xFFFFFFFF;
	p2 =	slt.u32 s8, $0xFFFFF086  }
0x1c: {  	p1 =	slt.u32 s9, $0xF7A;
	s5 =	simm.s32 @!p2 $0x0  }
0x1d: {  	s5 =	simm.s32 @p1 $0x1;
	p0 =	seq.s32 s7, s2  }
0x1e: {  	s7 =	smul.u32 @!p0 $0xF7A, s2;
	p2 =	seq.s32 @!p0 s5, $0x0  }
0x1f: {  	s9 =	smul.u32 $0xF7A, s1;
	s8 =	simm.s32 @!p0 $0x1BF5;
	p2 =	por !p2, p0  }
0x20: {  	[sflag:s8] =	ssyncset.s32 @!p0 $0xFFFFF086;
	s6 =	sadd.s32 @!p0 s3, s7;
	s7 =	simm.s32 @!p0 $0x108  }
0x21: {  	s3 =	sadd.s32 s3, s9;
	s6 =	sadd.s32 @!p0 $0x88, s6;
	s7 =	simm.s32 @p2 $0x1082  }
0x22: {  	[simem:s7], [sflag:s8] =	dma.local @!p0 [hbm:s6], $0xF7A  }
0x23: {  	s9 =	sor.u32 $0xD0000000, s2;
	s6 =	simm.s32 $0x108;
	_ =	swait.ge @!p0 [sflag:s8], $0x0  }
0x24: {  	s3 =	sadd.s32 $0x88, s3;
	s6 =	simm.s32 @!p1 $0x1082;
	[sflag:s4] =	ssyncset.s32 $0xFFFFF086  }
0x25: {  	[simem:s6], [sflag:s4] =	dma.local [hbm:s3], $0xF7A  }
0x26: {  	[smem:$0x3F9A] =	sst s1;
	(tag) =	ssettag s2;
	_ =	strace s9  }
0x27: {  	s1 =	sld [smem:$0x3FAA]  }
0x28: {  	s2 =	sld [smem:$0x3FAB]  }
0x29: {  	s4 =	sld [smem:$0x3FAD]  }
0x2a: {  	p0 =	seq.s32 s5, $0x0;
	s5 =	sld [smem:$0x3FAE]  }
0x2b: {  	s6 =	sld [smem:$0x3FAF]  }
0x2c: {  	s7 =	sld [smem:$0x3FB0]  }
0x2d: {  	s3 =	simm.s32 $0x108;
	s8 =	sld [smem:$0x3FB1]  }
0x2e: {  	s3 =	simm.s32 @!p0 $0x1082;
	s9 =	sld [smem:$0x3FB2]  }
0x2f: {  	lr =	sadd.s32 s0, s3;
	s0 =	sld [smem:$0x3FA9]  }
0x30: {  	s3 =	sld [smem:$0x3FAC]  }
0x31: {  	[smem:$0x3FB5] =	sst s10  }
0x32: {  	s10 =	sld [smem:$0x3FB3];
	_ =	sdelay $0x3  }
0x33: {  	p0 =	seq.s32 s10, $0x1;
	s10 =	sld [smem:$0x3FB5];
	_ =	sdelay $0x3  }
0x34: {  	[smem:$0x3FB5] =	sst s10  }
0x35: {  	s10 =	sld [smem:$0x3FB4];
	_ =	sdelay $0x3  }
0x36: {  	p1 =	seq.s32 s10, $0x1;
	s10 =	sld [smem:$0x3FB5];
	_ =	sdelay $0x3  }
0x37: {  	[smem:$0x3FB5] =	sst s10  }
0x38: {  	s10 =	sld [smem:$0x3FB6]  }
0x39: {  	_ = 	snop;
	(pc) =	sbr.ind lr, $3  }
0x3a: {  	_ = 	snop  }
0x3b: {  	_ = 	snop  }
0x3c: {  	p2 =	seq.s32 s10, $0x1;
	s10 =	sld [smem:$0x3FB5]  }
0x3d: {  	_ =	shalt  }
0x3e: {  	_ =	shalt  }
0x3f: {  	_ =	shalt  }
0x40: {  	_ =	shalt  }
0x41: {  	_ =	shalt  }
0x42: {  	_ =	shalt  }
0x43: {  	_ =	shalt  }
0x44: {  	_ =	shalt  }
0x45: {  	_ =	shalt  }
0x46: {  	_ =	shalt  }
0x47: {  	_ =	shalt  }
0x48: {  	_ =	shalt  }
0x49: {  	_ =	shalt  }
0x4a: {  	_ =	shalt  }
0x4b: {  	_ =	shalt  }
0x4c: {  	_ =	shalt  }
0x4d: {  	_ =	shalt  }
0x4e: {  	_ =	shalt  }
0x4f: {  	_ =	shalt  }
0x50: {  	_ =	shalt  }
0x51: {  	_ =	shalt  }
0x52: {  	_ =	shalt  }
0x53: {  	_ =	shalt  }
0x54: {  	_ =	shalt  }
0x55: {  	_ =	shalt  }
0x56: {  	_ =	shalt  }
0x57: {  	_ =	shalt  }
0x58: {  	_ =	shalt  }
0x59: {  	_ =	shalt  }
0x5a: {  	_ =	shalt  }
0x5b: {  	_ =	shalt  }
0x5c: {  	_ =	shalt  }
0x5d: {  	_ =	shalt  }
0x5e: {  	_ =	shalt  }
0x5f: {  	_ =	shalt  }
0x60: {  	_ =	shalt  }
0x61: {  	_ =	shalt  }
0x62: {  	_ =	shalt  }
0x63: {  	_ =	shalt  }
0x64: {  	_ =	shalt  }
0x65: {  	_ =	shalt  }
0x66: {  	_ =	shalt  }
0x67: {  	_ =	shalt  }
0x68: {  	_ =	shalt  }
0x69: {  	_ =	shalt  }
0x6a: {  	_ =	shalt  }
0x6b: {  	_ =	shalt  }
0x6c: {  	_ =	shalt  }
0x6d: {  	_ =	shalt  }
0x6e: {  	_ =	shalt  }
0x6f: {  	_ =	shalt  }
0x70: {  	_ =	shalt  }
0x71: {  	_ =	shalt  }
0x72: {  	_ =	shalt  }
0x73: {  	_ =	shalt  }
0x74: {  	_ =	shalt  }
0x75: {  	_ =	shalt  }
0x76: {  	_ =	shalt  }
0x77: {  	_ =	shalt  }
0x78: {  	_ =	shalt  }
0x79: {  	_ =	shalt  }
0x7a: {  	_ =	shalt  }
0x7b: {  	_ =	shalt  }
0x7c: {  	_ =	shalt  }
0x7d: {  	_ =	shalt  }
0x7e: {  	_ =	shalt  }
0x7f: {  	_ =	shalt  }
0x80: {  	_ =	shalt  }
0x81: {  	_ =	shalt  }
0x82: {  	_ =	shalt  }
0x83: {  	_ =	shalt  }
0x84: {  	_ =	shalt  }
0x85: {  	_ =	shalt  }
0x86: {  	_ =	shalt  }
0x87: {  	_ =	shalt  }
.Lfunc_end0:
.L_simem_size_0:
called_computation.1_lowered:
.L_overlay_start_0:
0x88: {  	s2 =	sld [smem:$0x3FD9]  }
0x89: {  	s3 =	sld [smem:$0x3FFE];
	_ =	sdelay $0x1  }
0x8a: {  	s1 =	srdreg.scid  }
0x8b: {  	s0 =	sand.u32 $0x1, s1  }
0x8c: {  	s17 =	sshll.u32 s0, $0xA;
	s2 =	sadd.s32 s3, s2  }
0x8d: {  	s2 =	sadd.s32 s2, s17  }
0x8e: {  	[smem:$0x3FC1] =	sst s2  }
0x8f: {  	_ = 	snop  }
0x90: {  	s2 =	sld [smem:$0x3FC8]  }
0x91: {  	s18 =	sld [smem:$0x3FD0];
	(tm) =	ssettm $0x1  }
0x92: {  	s4 =	sld [smem:$0x3FFB];
	_ =	sdelay $0x3  }
0x93: {  	_ =	strace s4  }
0x94: {  	s4 =	sld [smem:$0x3FFC];
	_ =	sdelay $0x3  }
0x95: {  	_ =	strace s4  }
0x96: {  	s4 =	sld [smem:$0x3FFD];
	_ =	sdelay $0x3  }
0x97: {  	_ =	strace s4  }
0x98: {  	_ =	strace $0x8FFFFFFF  }
0x99: {  	s19 =	sld [smem:$0x3FDB];
	_ =	sdelay $0x1  }
0x9a: {  	s5 =	simm.s32 $_scs_section_size  }
0x9b: {  	s6 =	simm.s32 $_size__tile_overlayer_lowered;
	s7 =	simm.s32 $_tile_overlayer_lowered  }
0x9c: {  	s22 =	simm.s32 $0x1BFF;
	s21 =	sshll.u32 s7, $0x1;
	s4 =	sadd.s32 s5, s19  }
0x9d: {  	s8 =	simm.s32 $0x0;
	s20 =	sshll.u32 s6, $0x1;
	s6 =	sadd.s32 s21, s4  }
0x9e: {  	[timem:s8], [sflag:s22] =	dma.local [hbm:s6], s20  }
0x9f: {  	_ =	swait.ge [sflag:s22], s20  }
0xa0: {  	s5 =	ssub.s32 $0x0, s20;
	[sflag:s22] =	ssyncset.done $0x0  }
0xa1: {  	[sflag:s22] =	ssyncadd.s32 s5;
	_ =	sdelay $0x1  }
0xa2: {  	s23 =	simm.s32 $0x1B8B  }
0xa3: {  	_ =	swait.ge [sflag:s23], $0x1  }
0xa4: {  	[sflag:s23] =	ssyncset.done $0x0  }
0xa5: {  	s25 =	simm.s32 $0x1B8E;
	s24 =	sld [smem:$0x3FFE];
	[sflag:s23] =	ssyncadd.s32 $0xFFFFFFFF  }
0xa6: {  	s26 =	simm.s32 $execute0_lowered;
	[smem:$0x3FD2] =	sst s25  }
0xa7: {  	s6 =	sshll.u32 s26, $0x1;
	_ =	strace $0x80000046;
	[dreg:$0x1] =	wrdreg $0xFFFFFFFF  }
0xa8: {  	s28 =	simm.s32 $_size_execute0_lowered;
	s4 =	sadd.s32 s4, s6;
	[dreg:$0x0] =	wrdreg $0x0  }
0xa9: {  	s6 =	sshll.u32 s28, $0x1;
	[dreg:$0x2] =	wrdreg s4  }
0xaa: {  	[dreg:$0x3] =	wrdreg s6  }
0xab: {  	[dreg:$0x4] =	wrdreg $0xC0  }
0xac: {  	_ =	task [dreg:s8], $0x5FFFF  }
0xad: {  	[dreg:$0x1] =	wrdreg $0xFFFFFFFF  }
0xae: {  	[dreg:$0x0] =	wrdreg $0x60  }
0xaf: {  	[dreg:$0x2] =	wrdreg s18  }
0xb0: {  	[dreg:$0x3] =	wrdreg s2  }
0xb1: {  	[dreg:$0x4] =	wrdreg s24  }
0xb2: {  	[dreg:$0x5] =	wrdreg $0xA  }
0xb3: {  	_ =	task.clear_ibuf [dreg:s8], $0x6FFFF;
	_ =	strace $0x90000046  }
0xb4: {  	s29 =	simm.s32 $0xA;
	_ =	strace $0x80000048  }
0xb5: {  	_ =	swait.ge [sflag:s29], $0x1  }
0xb6: {  	[sflag:s29] =	ssyncadd.s32 $0xFFFFFFFF  }
0xb7: {  	_ =	strace $0x90000048  }
0xb8: {  	_ =	sfence  }
0xb9: {  	s30 =	sld [smem:$0x0];
	_ =	sdelay $0x2  }
0xba: {  	s31 =	sshll.u32 s1, $0xD;
	s1 =	sshrl.u32 s1, $0x2  }
0xbb: {  	s3 =	sand.u32 $0x4000, s31;
	s1 =	sadd.s32 s1, s30  }
0xbc: {  	s0 =	sor.u32 s3, s0;
	s1 =	sshll.u32 s1, $0x11  }
0xbd: {  	s0 =	sor.u32 s1, s0  }
0xbe: {  	s0 =	sadd.s32 $0x8F2B, s0  }
0xbf: {  	[sflag:s0] =	ssyncadd.remote.s32 $0x1  }
0xc0: {  	_ =	sfence.sel $0xFFFF  }
0xc1: {  	[dreg:$0x0] =	wrdreg $0xFFFFFFFF;
	(pc) =	sbr.abs _section_cstart, $3  }
0xc2: {  	[dreg:$0x1] =	wrdreg $0xFFFFFFFF  }
0xc3: {  	_ =	task.clear_ibuf [dreg:s8], $0x2FFFF;
	_ =	strace $0x9FFFFFFF  }
0xc4: {  	(tm) =	ssettm $0x7FFFFFFF  }
0xc5: {  	_ =	shalt  }
tec
execute0_lowered:
.L_overlay_start_1:
0x0: {  	(tag) =	ssettag $0x1  }
0x1: {  	s1 =	rddreg [dreg:$0x0]  }
0x2: {  	s2 =	rddreg [dreg:$0x1]  }
0x3: {  	s17 =	rddreg [dreg:$0x2]  }
0x4: {  	s0 =	rddreg [dreg:$0x3];
	s4 =	simm.s32 $0x0  }
0x5: {  	s6 =	srdreg.scid;
	[smem:$0x7FF] =	sst s4  }
0x6: {  	s3 =	stileid.u32;
	s5 =	simm.s32 $0x2;
	_ =	strace $0x80000047  }
0x7: {  	[tilespmem:s4], [sflag:$0x2] =	stream.linear.gather [hbm4b:s2+s4], $0x4000, $0x38;
	[tilespmem:$0xC200] =	vst v63  }
0x8: {  	s18 =	sand.u32 $0x1, s6;
	s31 =	sshll.u32 s3, $0x1;
	_ =	swait.ge [sflag:s5], $0x4000  }
0x9: {  	s19 =	sor.u32 s18, s31;
	[sflag:s5] =	ssyncset.done $0x0  }
0xa: {  	s6 =	sshll.u32 s19, $0x9;
	[sflag:s5] =	ssyncadd.s32 $0xFFFFC000  }
0xb: {  	v0 =	vld [tilespmem:s6+$0x0];
	_ =	sdelay $0x4  }
0xc: {  	[tilespmem:$0x4000] =	vst v0  }
0xd: {  	v0 =	vld [tilespmem:s6+$0x10];
	_ =	sdelay $0x4  }
0xe: {  	[tilespmem:$0x4010] =	vst v0  }
0xf: {  	v0 =	vld [tilespmem:s6+$0x20];
	_ =	sdelay $0x4  }
0x10: {  	[tilespmem:$0x4020] =	vst v0  }
0x11: {  	v0 =	vld [tilespmem:s6+$0x30];
	_ =	sdelay $0x4  }
0x12: {  	[tilespmem:$0x4030] =	vst v0  }
0x13: {  	v0 =	vld [tilespmem:s6+$0x40];
	_ =	sdelay $0x4  }
0x14: {  	[tilespmem:$0x4040] =	vst v0  }
0x15: {  	v0 =	vld [tilespmem:s6+$0x50];
	_ =	sdelay $0x4  }
0x16: {  	[tilespmem:$0x4050] =	vst v0  }
0x17: {  	v0 =	vld [tilespmem:s6+$0x60];
	_ =	sdelay $0x4  }
0x18: {  	[tilespmem:$0x4060] =	vst v0  }
0x19: {  	v0 =	vld [tilespmem:s6+$0x70];
	_ =	sdelay $0x4  }
0x1a: {  	[tilespmem:$0x4070] =	vst v0  }
0x1b: {  	v0 =	vld [tilespmem:s6+$0x80];
	_ =	sdelay $0x4  }
0x1c: {  	[tilespmem:$0x4080] =	vst v0  }
0x1d: {  	v0 =	vld [tilespmem:s6+$0x90];
	_ =	sdelay $0x4  }
0x1e: {  	[tilespmem:$0x4090] =	vst v0  }
0x1f: {  	v0 =	vld [tilespmem:s6+$0xA0];
	_ =	sdelay $0x4  }
0x20: {  	[tilespmem:$0x40A0] =	vst v0  }
0x21: {  	v0 =	vld [tilespmem:s6+$0xB0];
	_ =	sdelay $0x4  }
0x22: {  	[tilespmem:$0x40B0] =	vst v0  }
0x23: {  	v0 =	vld [tilespmem:s6+$0xC0];
	_ =	sdelay $0x4  }
0x24: {  	[tilespmem:$0x40C0] =	vst v0  }
0x25: {  	v0 =	vld [tilespmem:s6+$0xD0];
	_ =	sdelay $0x4  }
0x26: {  	[tilespmem:$0x40D0] =	vst v0  }
0x27: {  	v0 =	vld [tilespmem:s6+$0xE0];
	_ =	sdelay $0x4  }
0x28: {  	[tilespmem:$0x40E0] =	vst v0  }
0x29: {  	v0 =	vld [tilespmem:s6+$0xF0];
	_ =	sdelay $0x4  }
0x2a: {  	[tilespmem:$0x40F0] =	vst v0  }
0x2b: {  	v0 =	vld [tilespmem:s6+$0x100];
	_ =	sdelay $0x4  }
0x2c: {  	[tilespmem:$0x4100] =	vst v0  }
0x2d: {  	v0 =	vld [tilespmem:s6+$0x110];
	_ =	sdelay $0x4  }
0x2e: {  	[tilespmem:$0x4110] =	vst v0  }
0x2f: {  	v0 =	vld [tilespmem:s6+$0x120];
	_ =	sdelay $0x4  }
0x30: {  	[tilespmem:$0x4120] =	vst v0  }
0x31: {  	v0 =	vld [tilespmem:s6+$0x130];
	_ =	sdelay $0x4  }
0x32: {  	[tilespmem:$0x4130] =	vst v0  }
0x33: {  	v0 =	vld [tilespmem:s6+$0x140];
	_ =	sdelay $0x4  }
0x34: {  	[tilespmem:$0x4140] =	vst v0  }
0x35: {  	v0 =	vld [tilespmem:s6+$0x150];
	_ =	sdelay $0x4  }
0x36: {  	[tilespmem:$0x4150] =	vst v0  }
0x37: {  	v0 =	vld [tilespmem:s6+$0x160];
	_ =	sdelay $0x4  }
0x38: {  	[tilespmem:$0x4160] =	vst v0  }
0x39: {  	v0 =	vld [tilespmem:s6+$0x170];
	_ =	sdelay $0x4  }
0x3a: {  	[tilespmem:$0x4170] =	vst v0  }
0x3b: {  	v0 =	vld [tilespmem:s6+$0x180];
	_ =	sdelay $0x4  }
0x3c: {  	[tilespmem:$0x4180] =	vst v0  }
0x3d: {  	v0 =	vld [tilespmem:s6+$0x190];
	_ =	sdelay $0x4  }
0x3e: {  	[tilespmem:$0x4190] =	vst v0  }
0x3f: {  	v0 =	vld [tilespmem:s6+$0x1A0];
	_ =	sdelay $0x4  }
0x40: {  	[tilespmem:$0x41A0] =	vst v0  }
0x41: {  	v0 =	vld [tilespmem:s6+$0x1B0];
	_ =	sdelay $0x4  }
0x42: {  	[tilespmem:$0x41B0] =	vst v0  }
0x43: {  	v0 =	vld [tilespmem:s6+$0x1C0];
	_ =	sdelay $0x4  }
0x44: {  	[tilespmem:$0x41C0] =	vst v0  }
0x45: {  	v0 =	vld [tilespmem:s6+$0x1D0];
	_ =	sdelay $0x4  }
0x46: {  	[tilespmem:$0x41D0] =	vst v0  }
0x47: {  	v0 =	vld [tilespmem:s6+$0x1E0];
	_ =	sdelay $0x4  }
0x48: {  	[tilespmem:$0x41E0] =	vst v0  }
0x49: {  	v0 =	vld [tilespmem:s6+$0x1F0];
	_ =	sdelay $0x4  }
0x4a: {  	s7 =	simm.s32 $0x80;
	s8 =	simm.s32 $0x4000;
	s9 =	simm.s32 $0x4200;
	[tilespmem:$0x41F0] =	vst v0  }
0x4b: {  	[tilespmem:s9], [sflag:$0x1] =	stream.indirect.gather [hbm4b:s1+s7], $0x40, s8, s7, $0xb8;
	[tilespmem:$0xC200] =	vst v63  }
0x4c: {  	s10 =	simm.s32 $0x4080;
	s11 =	simm.s32 $0x6200  }
0x4d: {  	[tilespmem:s11], [sflag:$0x1] =	stream.indirect.gather [hbm4b:s1+s7], $0x40, s10, s7, $0xb8;
	[tilespmem:$0xC200] =	vst v63  }
0x4e: {  	s12 =	simm.s32 $0x4100;
	s13 =	simm.s32 $0x8200  }
0x4f: {  	[tilespmem:s13], [sflag:$0x1] =	stream.indirect.gather [hbm4b:s1+s7], $0x40, s12, s7, $0xb8;
	[tilespmem:$0xC200] =	vst v63  }
0x50: {  	s14 =	simm.s32 $0x4180;
	s15 =	simm.s32 $0xA200;
	s16 =	simm.s32 $0x1  }
0x51: {  	[tilespmem:s15], [sflag:$0x1] =	stream.indirect.gather [hbm4b:s1+s7], $0x40, s14, s7, $0xb8;
	[tilespmem:$0xC200] =	vst v63  }
0x52: {  	_ =	swait.ge [sflag:s16], $0x2000  }
0x53: {  	[sflag:s16] =	ssyncset.done $0x0  }
0x54: {  	[sflag:s16] =	ssyncadd.s32 $0xFFFFE000  }
0x55: {  	_ =	swait.ge [sflag:s16], $0x2000  }
0x56: {  	[sflag:s16] =	ssyncset.done $0x0  }
0x57: {  	s18 =	ssub.s32 $0x2, s18;
	[sflag:s16] =	ssyncadd.s32 $0xFFFFE000  }
0x58: {  	s20 =	sshrl.u32 s18, $0x1;
	_ =	swait.ge [sflag:s16], $0x2000  }
0x59: {  	s18 =	ssub.s32 s18, s20;
	[sflag:s16] =	ssyncset.done $0x0  }
0x5a: {  	s18 =	smax.u32 s18, $0x1;
	[sflag:s16] =	ssyncadd.s32 $0xFFFFE000  }
0x5b: {  	s19 =	sshll.u32 s19, $0xC;
	p0 =	sne.s32 s18, $0x1;
	_ =	swait.ge [sflag:s16], $0x2000  }
.Ltmp0:
0x5c: {  	s17 =	sadd.s32 s19, s17;
	[sflag:s16] =	ssyncset.done $0x0;
	(pc) =	sbr.rel @!p0 .LBB2_2-.Ltmp0, $4  }
0x5d: {  	s17 =	sadd.s32 $0x1E00, s17;
	[sflag:s16] =	ssyncadd.s32 $0xFFFFE000  }
0x5e: {  	[hbm4b:s17+s4] =	stream.linear.scatter [tilespmem:s9], [sflag:$0x2], $0x8000, $0x38;
	[tilespmem:$0xC200] =	vst v63  }
0x5f: {  	_ =	swait.ge [sflag:s5], $0x8000  }
0x60: {  	s18 =	sadd.s32 $0xFFFFFFFF, s18;
	[sflag:s5] =	ssyncset.done $0x0  }
.LBB2_1:
0x61: {  	p0 =	sne.s32 s18, $0x1;
	s18 =	sadd.s32 $0xFFFFFFFF, s18;
	[sflag:s5] =	ssyncadd.s32 $0xFFFF8000  }
0x62: {  	[tilespmem:s4], [sflag:$0x2] =	stream.linear.gather [hbm4b:s2+s4], $0x4000, $0x38;
	[tilespmem:$0xC200] =	vst v63  }
0x63: {  	_ =	swait.ge [sflag:s5], $0x4000  }
0x64: {  	[sflag:s5] =	ssyncset.done $0x0  }
0x65: {  	[sflag:s5] =	ssyncadd.s32 $0xFFFFC000  }
0x66: {  	v0 =	vld [tilespmem:s6+$0x0];
	_ =	sdelay $0x4  }
0x67: {  	[tilespmem:$0x4000] =	vst v0  }
0x68: {  	v0 =	vld [tilespmem:s6+$0x10];
	_ =	sdelay $0x4  }
0x69: {  	[tilespmem:$0x4010] =	vst v0  }
0x6a: {  	v0 =	vld [tilespmem:s6+$0x20];
	_ =	sdelay $0x4  }
0x6b: {  	[tilespmem:$0x4020] =	vst v0  }
0x6c: {  	v0 =	vld [tilespmem:s6+$0x30];
	_ =	sdelay $0x4  }
0x6d: {  	[tilespmem:$0x4030] =	vst v0  }
0x6e: {  	v0 =	vld [tilespmem:s6+$0x40];
	_ =	sdelay $0x4  }
0x6f: {  	[tilespmem:$0x4040] =	vst v0  }
0x70: {  	v0 =	vld [tilespmem:s6+$0x50];
	_ =	sdelay $0x4  }
0x71: {  	[tilespmem:$0x4050] =	vst v0  }
0x72: {  	v0 =	vld [tilespmem:s6+$0x60];
	_ =	sdelay $0x4  }
0x73: {  	[tilespmem:$0x4060] =	vst v0  }
0x74: {  	v0 =	vld [tilespmem:s6+$0x70];
	_ =	sdelay $0x4  }
0x75: {  	[tilespmem:$0x4070] =	vst v0  }
0x76: {  	v0 =	vld [tilespmem:s6+$0x80];
	_ =	sdelay $0x4  }
0x77: {  	[tilespmem:$0x4080] =	vst v0  }
0x78: {  	v0 =	vld [tilespmem:s6+$0x90];
	_ =	sdelay $0x4  }
0x79: {  	[tilespmem:$0x4090] =	vst v0  }
0x7a: {  	v0 =	vld [tilespmem:s6+$0xA0];
	_ =	sdelay $0x4  }
0x7b: {  	[tilespmem:$0x40A0] =	vst v0  }
0x7c: {  	v0 =	vld [tilespmem:s6+$0xB0];
	_ =	sdelay $0x4  }
0x7d: {  	[tilespmem:$0x40B0] =	vst v0  }
0x7e: {  	v0 =	vld [tilespmem:s6+$0xC0];
	_ =	sdelay $0x4  }
0x7f: {  	[tilespmem:$0x40C0] =	vst v0  }
0x80: {  	v0 =	vld [tilespmem:s6+$0xD0];
	_ =	sdelay $0x4  }
0x81: {  	[tilespmem:$0x40D0] =	vst v0  }
0x82: {  	v0 =	vld [tilespmem:s6+$0xE0];
	_ =	sdelay $0x4  }
0x83: {  	[tilespmem:$0x40E0] =	vst v0  }
0x84: {  	v0 =	vld [tilespmem:s6+$0xF0];
	_ =	sdelay $0x4  }
0x85: {  	[tilespmem:$0x40F0] =	vst v0  }
0x86: {  	v0 =	vld [tilespmem:s6+$0x100];
	_ =	sdelay $0x4  }
0x87: {  	[tilespmem:$0x4100] =	vst v0  }
0x88: {  	v0 =	vld [tilespmem:s6+$0x110];
	_ =	sdelay $0x4  }
0x89: {  	[tilespmem:$0x4110] =	vst v0  }
0x8a: {  	v0 =	vld [tilespmem:s6+$0x120];
	_ =	sdelay $0x4  }
0x8b: {  	[tilespmem:$0x4120] =	vst v0  }
0x8c: {  	v0 =	vld [tilespmem:s6+$0x130];
	_ =	sdelay $0x4  }
0x8d: {  	[tilespmem:$0x4130] =	vst v0  }
0x8e: {  	v0 =	vld [tilespmem:s6+$0x140];
	_ =	sdelay $0x4  }
0x8f: {  	[tilespmem:$0x4140] =	vst v0  }
0x90: {  	v0 =	vld [tilespmem:s6+$0x150];
	_ =	sdelay $0x4  }
0x91: {  	[tilespmem:$0x4150] =	vst v0  }
0x92: {  	v0 =	vld [tilespmem:s6+$0x160];
	_ =	sdelay $0x4  }
0x93: {  	[tilespmem:$0x4160] =	vst v0  }
0x94: {  	v0 =	vld [tilespmem:s6+$0x170];
	_ =	sdelay $0x4  }
0x95: {  	[tilespmem:$0x4170] =	vst v0  }
0x96: {  	v0 =	vld [tilespmem:s6+$0x180];
	_ =	sdelay $0x4  }
0x97: {  	[tilespmem:$0x4180] =	vst v0  }
0x98: {  	v0 =	vld [tilespmem:s6+$0x190];
	_ =	sdelay $0x4  }
0x99: {  	[tilespmem:$0x4190] =	vst v0  }
0x9a: {  	v0 =	vld [tilespmem:s6+$0x1A0];
	_ =	sdelay $0x4  }
0x9b: {  	[tilespmem:$0x41A0] =	vst v0  }
0x9c: {  	v0 =	vld [tilespmem:s6+$0x1B0];
	_ =	sdelay $0x4  }
0x9d: {  	[tilespmem:$0x41B0] =	vst v0  }
0x9e: {  	v0 =	vld [tilespmem:s6+$0x1C0];
	_ =	sdelay $0x4  }
0x9f: {  	[tilespmem:$0x41C0] =	vst v0  }
0xa0: {  	v0 =	vld [tilespmem:s6+$0x1D0];
	_ =	sdelay $0x4  }
0xa1: {  	[tilespmem:$0x41D0] =	vst v0  }
0xa2: {  	v0 =	vld [tilespmem:s6+$0x1E0];
	_ =	sdelay $0x4  }
0xa3: {  	[tilespmem:$0x41E0] =	vst v0  }
0xa4: {  	v0 =	vld [tilespmem:s6+$0x1F0];
	_ =	sdelay $0x4  }
0xa5: {  	[tilespmem:$0x41F0] =	vst v0  }
0xa6: {  	[tilespmem:s9], [sflag:$0x1] =	stream.indirect.gather [hbm4b:s1+s7], $0x40, s8, s7, $0xb8;
	[tilespmem:$0xC200] =	vst v63  }
0xa7: {  	_ = 	snop  }
0xa8: {  	[tilespmem:s11], [sflag:$0x1] =	stream.indirect.gather [hbm4b:s1+s7], $0x40, s10, s7, $0xb8;
	[tilespmem:$0xC200] =	vst v63  }
0xa9: {  	_ = 	snop  }
0xaa: {  	[tilespmem:s13], [sflag:$0x1] =	stream.indirect.gather [hbm4b:s1+s7], $0x40, s12, s7, $0xb8;
	[tilespmem:$0xC200] =	vst v63  }
0xab: {  	_ = 	snop  }
0xac: {  	[tilespmem:s15], [sflag:$0x1] =	stream.indirect.gather [hbm4b:s1+s7], $0x40, s14, s7, $0xb8;
	[tilespmem:$0xC200] =	vst v63  }
0xad: {  	_ =	swait.ge [sflag:s16], $0x2000  }
0xae: {  	[sflag:s16] =	ssyncset.done $0x0  }
0xaf: {  	[sflag:s16] =	ssyncadd.s32 $0xFFFFE000  }
0xb0: {  	_ =	swait.ge [sflag:s16], $0x2000  }
0xb1: {  	[sflag:s16] =	ssyncset.done $0x0  }
0xb2: {  	[sflag:s16] =	ssyncadd.s32 $0xFFFFE000  }
0xb3: {  	_ =	swait.ge [sflag:s16], $0x2000  }
0xb4: {  	[sflag:s16] =	ssyncset.done $0x0  }
0xb5: {  	[sflag:s16] =	ssyncadd.s32 $0xFFFFE000  }
0xb6: {  	_ =	swait.ge [sflag:s16], $0x2000  }
.Ltmp1:
0xb7: {  	[sflag:s16] =	ssyncset.done $0x0;
	(pc) =	sbr.rel @p0 .LBB2_1-.Ltmp1, $4  }
0xb8: {  	[sflag:s16] =	ssyncadd.s32 $0xFFFFE000  }
0xb9: {  	[hbm4b:s17+s4] =	stream.linear.scatter [tilespmem:s9], [sflag:$0x2], $0x8000, $0x38;
	[tilespmem:$0xC200] =	vst v63  }
0xba: {  	_ =	swait.ge [sflag:s5], $0x8000  }
0xbb: {  	[sflag:s5] =	ssyncset.done $0x0  }
.LBB2_2:
0xbc: {  	[sflag:s5] =	ssyncadd.s32 $0xFFFF8000  }
0xbd: {  	_ =	sfence.sel $0x180000  }
0xbe: {  	[bflag:$0x0] =	sbarrier.arrive $0xFFFF  }
0xbf: {  	p0 =	sne.s32 s3, $0x0;
	_ =	strace $0x90000047  }
0xc0: {  	s0 =	sadd.s32 @!p0 $0x100000, s0;
	[bflag:$0x2] =	sbarrier.arrive $0xFFFF  }
0xc1: {  	[sflag:s0] =	ssyncadd.tile.s32 @!p0 $0x1;
	_ =	shalt  }
.Lfunc_end2:
_tile_overlayer_lowered:
.L_overlay_start_2:
0xc2: {  	(tag) =	ssettag $0x2  }
0xc3: {  	s0 =	rddreg [dreg:$0x0];
	s2 =	stileid.u32  }
0xc4: {  	s1 =	rddreg [dreg:$0x1];
	p0 =	sne.s32 s2, $0x0  }
0xc5: {  	s3 =	rddreg [dreg:$0x2];
	[bflag:$0x3] =	sbarrier.arrive $0xFFFF;
	s2 =	simm.s32 @!p0 $0x1C02  }
0xc6: {  	[timem:s3], [sflag:s2] =	dma.local @!p0 [hbm:s0], s1  }
0xc7: {  	s0 =	simm.s32 @!p0 $0x2  }
0xc8: {  	_ =	swait.ge @!p0 [sflag:s0], s1  }
0xc9: {  	s1 =	ssub.s32 @!p0 $0x0, s1;
	[sflag:s0] =	ssyncset.done @!p0 $0x0  }
0xca: {  	[sflag:s0] =	ssyncadd.s32 @!p0 s1  }
0xcb: {  	[bflag:$0x3] =	sbarrier.arrive $0xFFFF  }
0xcc: {  	_ =	shalt  }

</sc_bundles>
